<compile_context>
chip_gen: v7x
topology: tpu7x:2x2x1
jax: 0.10.2.dev20260603
libtpu: 0.0.44.dev20260713+nightly
codegen_flags: <defaults>
</compile_context>

<pallas_src>
import functools

import jax
import jax.numpy as jnp
from jax import lax
from jax.experimental import pallas as pl
from jax.experimental.pallas import tpu as pltpu
from jax.experimental.pallas import tpu_sc as plsc

N = 10000
F_IN = 128
H = 128
C = 40
E = 320000
EPS = 1e-5

NC = 2
NS = 16
NW = NC * NS
CH = 128
NCH = 80
PE = NW * NCH * CH
NP = 10240
STRIPE = NP // NS
KS = STRIPE // CH
G = 4

_mesh = plsc.VectorSubcoreMesh(
    core_axis_name="c", subcore_axis_name="s", num_cores=NC, num_subcores=NS)


def _make_deg_kernel():
    @functools.partial(
        pl.kernel,
        out_type=jax.ShapeDtypeStruct((NC * NP,), jnp.float32),
        mesh=_mesh,
        compiler_params=pltpu.CompilerParams(use_tc_tiling_on_sc=False),
        scratch_types=[
            pltpu.VMEM((NCH, CH), jnp.int32),
            pltpu.VMEM((CH,), jnp.float32),
            pltpu.VMEM((STRIPE,), jnp.float32),
            pltpu.VMEM_SHARED((NP,), jnp.float32),
            pltpu.SemaphoreType.DMA,
            pltpu.SemaphoreType.DMA,
            pltpu.SemaphoreType.DMA,
            pltpu.SemaphoreType.DMA,
        ],
    )
    def deg_kernel(dst3, out, dst_idx, ones, zbuf, acc, s0, s1, s2, s3):
        c = lax.axis_index("c")
        s = lax.axis_index("s")
        wid = c * NS + s
        pltpu.sync_copy(dst3.at[wid], dst_idx)
        for i in range(CH // 16):
            ones[pl.ds(i * 16, 16)] = jnp.ones((16,), jnp.float32)
        for i in range(STRIPE // 16):
            zbuf[pl.ds(i * 16, 16)] = jnp.zeros((16,), jnp.float32)
        rs = s * STRIPE
        pltpu.sync_copy(zbuf, acc.at[pl.ds(rs, STRIPE)])
        plsc.subcore_barrier()

        sems = [s0, s1, s2, s3]

        def group(g, _):
            descs = [
                pltpu.async_copy(ones, acc.at[dst_idx.at[g * G + b]], sems[b],
                                 add=True)
                for b in range(G)
            ]
            for d in descs:
                d.wait()
            return 0

        lax.fori_loop(0, NCH // G, group, 0)
        plsc.subcore_barrier()
        pltpu.sync_copy(acc.at[pl.ds(rs, STRIPE)], zbuf)
        pltpu.sync_copy(zbuf, out.at[pl.ds(c * NP + rs, STRIPE)])

    return deg_kernel


def _make_agg_kernel(d_feat, n_parts):

    @functools.partial(
        pl.kernel,
        out_type=[jax.ShapeDtypeStruct((NC, NP, d_feat), jnp.float32)
                  for _ in range(n_parts)],
        mesh=_mesh,
        compiler_params=pltpu.CompilerParams(use_tc_tiling_on_sc=False),
        scratch_types=[
            pltpu.VMEM((NCH, CH), jnp.int32),
            pltpu.VMEM((NCH, CH), jnp.int32),
            pltpu.VMEM((CH, d_feat), jnp.float32),
            pltpu.VMEM((CH, d_feat), jnp.float32),
            pltpu.VMEM((CH, d_feat), jnp.float32),
            pltpu.VMEM((CH, d_feat), jnp.float32),
            pltpu.VMEM_SHARED((NP, d_feat), jnp.float32),
            pltpu.SemaphoreType.DMA,
            pltpu.SemaphoreType.DMA,
            pltpu.SemaphoreType.DMA,
            pltpu.SemaphoreType.DMA,
        ],
    )
    def agg_kernel(*refs):
        ys = refs[:n_parts]
        zeros2 = refs[n_parts]
        src3 = refs[n_parts + 1]
        dst3 = refs[n_parts + 2]
        outs = refs[n_parts + 3:2 * n_parts + 3]
        (src_idx, dst_idx, r0, r1, r2, r3, acc,
         s0, s1, s2, s3) = refs[2 * n_parts + 3:]
        c = lax.axis_index("c")
        s = lax.axis_index("s")
        wid = c * NS + s
        pltpu.sync_copy(src3.at[wid], src_idx)
        pltpu.sync_copy(dst3.at[wid], dst_idx)
        rs = s * STRIPE

        bufs = [r0, r1, r2, r3]
        sems = [s0, s1, s2, s3]

        for y, out in zip(ys, outs):
            for k in range(KS):
                off = rs + k * CH

                @pl.when(c == 0)
                def _():
                    pltpu.sync_copy(y.at[pl.ds(off, CH)], r0)
                    pltpu.sync_copy(r0, acc.at[pl.ds(off, CH)])

                @pl.when(c != 0)
                def _():
                    pltpu.sync_copy(zeros2.at[pl.ds(off, CH)], r0)
                    pltpu.sync_copy(r0, acc.at[pl.ds(off, CH)])

            plsc.subcore_barrier()

            def group(g, _):
                descs = [
                    pltpu.async_copy(y.at[src_idx.at[g * G + b]], bufs[b],
                                     sems[b])
                    for b in range(G)
                ]
                for b in range(G):
                    descs[b].wait()
                    pltpu.sync_copy(bufs[b], acc.at[dst_idx.at[g * G + b]],
                                    add=True)
                return 0

            lax.fori_loop(0, NCH // G, group, 0)
            plsc.subcore_barrier()
            for k in range(KS):
                off = rs + k * CH
                pltpu.sync_copy(acc.at[pl.ds(off, CH)], r0)
                pltpu.sync_copy(r0, out.at[c, pl.ds(off, CH)])
            plsc.subcore_barrier()

    return agg_kernel


HH = H // 2
_deg_kernel = _make_deg_kernel()
_agg_h = _make_agg_kernel(HH, 2)
_agg_c = _make_agg_kernel(C, 1)

BR = 1280


def _y1_body(x_ref, w_ref, d0_ref, d1_ref, y_ref, dinv_ref):
    deg = d0_ref[...] + d1_ref[...] + 1.0
    dinv = lax.rsqrt(deg)
    xw = jnp.dot(x_ref[...], w_ref[...], preferred_element_type=jnp.float32)
    y_ref[...] = xw * dinv
    dinv_ref[...] = dinv


def _tc_y1(xp, w1, d0, d1):
    grid = (NP // BR,)
    return pl.pallas_call(
        _y1_body,
        grid=grid,
        in_specs=[
            pl.BlockSpec((BR, F_IN), lambda i: (i, 0)),
            pl.BlockSpec((F_IN, H), lambda i: (0, 0)),
            pl.BlockSpec((BR, 1), lambda i: (i, 0)),
            pl.BlockSpec((BR, 1), lambda i: (i, 0)),
        ],
        out_specs=[
            pl.BlockSpec((BR, H), lambda i: (i, 0)),
            pl.BlockSpec((BR, 1), lambda i: (i, 0)),
        ],
        out_shape=[
            jax.ShapeDtypeStruct((NP, H), jnp.float32),
            jax.ShapeDtypeStruct((NP, 1), jnp.float32),
        ],
    )(xp, w1, d0, d1)


def _mid_body(pa_ref, pb_ref, dinv_ref, g_ref, bt_ref, mn_ref, vr_ref,
              b1_ref, w2_ref, y2_ref):
    sc = g_ref[...] * lax.rsqrt(vr_ref[...] + EPS)
    t = (b1_ref[...] - mn_ref[...]) * sc + bt_ref[...]
    z = jnp.concatenate(
        [pa_ref[0] + pa_ref[1], pb_ref[0] + pb_ref[1]], axis=1)
    z = z * dinv_ref[...]
    h = jnp.maximum(z * sc + t, 0.0)
    y2_ref[...] = jnp.dot(h, w2_ref[...],
                          preferred_element_type=jnp.float32) * dinv_ref[...]


def _tc_mid(pa, pb, dinv, g, bt, mn, vr, b1, w2):
    grid = (NP // BR,)
    vspec = pl.BlockSpec((1, H), lambda i: (0, 0))
    return pl.pallas_call(
        _mid_body,
        grid=grid,
        in_specs=[
            pl.BlockSpec((NC, BR, HH), lambda i: (0, i, 0)),
            pl.BlockSpec((NC, BR, HH), lambda i: (0, i, 0)),
            pl.BlockSpec((BR, 1), lambda i: (i, 0)),
            vspec, vspec, vspec, vspec, vspec,
            pl.BlockSpec((H, C), lambda i: (0, 0)),
        ],
        out_specs=pl.BlockSpec((BR, C), lambda i: (i, 0)),
        out_shape=jax.ShapeDtypeStruct((NP, C), jnp.float32),
    )(pa, pb, dinv, g, bt, mn, vr, b1, w2)


def _out_body(q_ref, dinv_ref, b2_ref, o_ref):
    o_ref[...] = (q_ref[0] + q_ref[1]) * dinv_ref[...] + b2_ref[...]


def _tc_out(q, dinv, b2):
    grid = (NP // BR,)
    return pl.pallas_call(
        _out_body,
        grid=grid,
        in_specs=[
            pl.BlockSpec((NC, BR, C), lambda i: (0, i, 0)),
            pl.BlockSpec((BR, 1), lambda i: (i, 0)),
            pl.BlockSpec((1, C), lambda i: (0, 0)),
        ],
        out_specs=pl.BlockSpec((BR, C), lambda i: (i, 0)),
        out_shape=jax.ShapeDtypeStruct((NP, C), jnp.float32),
    )(q, dinv, b2)


def kernel(x, edge_index, W1, b1, bn_gamma, bn_beta, bn_mean, bn_var, W2, b2):
    xp = jnp.pad(x, ((0, NP - N), (0, 0)))
    pad = PE - E
    src = jnp.concatenate([edge_index[0], jnp.zeros((pad,), jnp.int32)])
    dst = jnp.concatenate([edge_index[1],
                           jnp.full((pad,), N, dtype=jnp.int32)])
    src3 = src.reshape(NW, NCH, CH)
    dst3 = dst.reshape(NW, NCH, CH)
    zeros_hh = jnp.zeros((NP, HH), jnp.float32)
    zeros_c = jnp.zeros((NP, C), jnp.float32)

    degs = _deg_kernel(dst3).reshape(NC, NP)
    y1, dinv = _tc_y1(xp, W1, degs[0][:, None], degs[1][:, None])
    ya = y1[:, :HH]
    yb = y1[:, HH:]
    pa, pb = _agg_h(ya, yb, zeros_hh, src3, dst3)
    y2 = _tc_mid(pa, pb, dinv,
                 bn_gamma.reshape(1, H), bn_beta.reshape(1, H),
                 bn_mean.reshape(1, H), bn_var.reshape(1, H),
                 b1.reshape(1, H), W2)
    (q,) = _agg_c(y2, zeros_c, src3, dst3)
    res = _tc_out(q, dinv, b2.reshape(1, C))
    return res[:N]

# --- scband reference (transcript-rebuilt; emitter-appended) ---
"""Pipeline reference for scband-gcn-53352083751031 (READ-ONLY COPY).

The authoritative reference and input builder live on the scoring server;
editing this copy changes nothing except your own understanding.
"""

import jax, jax.numpy as jnp
import numpy as np

N = 10000
F_IN = 128
H = 128
C = 40
E = 320000
EPS = 1e-5


def setup_inputs(seed: int = 0) -> dict:
    key = jax.random.key(seed)
    ks = jax.random.split(key, 8)
    x = jax.random.normal(ks[0], (N, F_IN), dtype=jnp.float32)
    edge_index = jax.random.randint(ks[1], (2, E), 0, N, dtype=jnp.int32)
    W1 = jax.random.normal(ks[2], (F_IN, H), dtype=jnp.float32) * (1.0 / np.sqrt(F_IN))
    b1 = jnp.zeros((H,), dtype=jnp.float32)
    bn_gamma = jnp.ones((H,), dtype=jnp.float32)
    bn_beta = jnp.zeros((H,), dtype=jnp.float32)
    bn_mean = jnp.zeros((H,), dtype=jnp.float32)
    bn_var = jnp.ones((H,), dtype=jnp.float32)
    W2 = jax.random.normal(ks[3], (H, C), dtype=jnp.float32) * (1.0 / np.sqrt(H))
    b2 = jnp.zeros((C,), dtype=jnp.float32)
    return {"x": x, "edge_index": edge_index, "W1": W1, "b1": b1,
            "bn_gamma": bn_gamma, "bn_beta": bn_beta, "bn_mean": bn_mean,
            "bn_var": bn_var, "W2": W2, "b2": b2}


def _gcn_conv(x, src, dst, W, b):
    # x' = D^{-1/2} (A + I) D^{-1/2} (x W) + b, self-loops already appended to src/dst
    xw = x @ W
    deg = jnp.zeros((N,), dtype=xw.dtype).at[dst].add(1.0)
    dinv = jnp.where(deg > 0, deg ** -0.5, 0.0)
    norm = dinv[src] * dinv[dst]
    msg = xw[src] * norm[:, None]
    out = jnp.zeros((N, W.shape[1]), dtype=xw.dtype).at[dst].add(msg)
    return out + b


def reference(x, edge_index, W1, b1, bn_gamma, bn_beta, bn_mean, bn_var, W2, b2):
    # eval mode: dropout(p=0.8) is identity; BatchNorm1d uses running stats
    loop = jnp.arange(N, dtype=edge_index.dtype)
    src = jnp.concatenate([edge_index[0], loop])
    dst = jnp.concatenate([edge_index[1], loop])
    h = _gcn_conv(x, src, dst, W1, b1)
    h = (h - bn_mean) / jnp.sqrt(bn_var + EPS) * bn_gamma + bn_beta
    h = jax.nn.relu(h)
    out = _gcn_conv(h, src, dst, W2, b2)
    return out

if __name__ == "__main__":
    import jax
    _d = setup_inputs()
    print(jax.jit(kernel)(*tuple(_d.values())))

</pallas_src>

<mosaic_0001>
#map = affine_map<(d0, d1) -> (0, 0, 0)>
#map1 = affine_map<(d0, d1) -> (0)>
module attributes {stable_mosaic.version = 14 : i64} {
  func.func @deg_kernel(%arg0: i32, %arg1: i32, %arg2: memref<32x80x128xi32, #tpu.memory_space<hbm>>, %arg3: memref<20480xf32, #tpu.memory_space<hbm>>, %arg4: memref<80x128xi32, #tpu.memory_space<vmem>>, %arg5: memref<128xf32, #tpu.memory_space<vmem>>, %arg6: memref<640xf32, #tpu.memory_space<vmem>>, %arg7: memref<10240xf32, #tpu.memory_space<vmem_shared>>, %arg8: memref<!tpu.dma_semaphore, #tpu.memory_space<semaphore_mem>>, %arg9: memref<!tpu.dma_semaphore, #tpu.memory_space<semaphore_mem>>, %arg10: memref<!tpu.dma_semaphore, #tpu.memory_space<semaphore_mem>>, %arg11: memref<!tpu.dma_semaphore, #tpu.memory_space<semaphore_mem>>) attributes {dimension_semantics = [#tpu.dimension_semantics<core_parallel>, #tpu.dimension_semantics<subcore_parallel>], iteration_bounds = array<i64: 2, 16>, scalar_prefetch = 0 : i64, scratch_operands = 8 : i64, tpu.core_type = #tpu.core_type<sc_vector_subcore>, window_params = [{transform_indices = #map}, {transform_indices = #map1}]} {
    %mul3A = arith.constant 16 : i32
    %mul3A_0 = arith.muli %arg0, %mul3A : i32
    %add3A = arith.addi %mul3A_0, %arg1 : i32
    "tpu.region"() ({
      %run_scoped3A = tpu.sem_alloc : memref<!tpu.dma_semaphore, #tpu.memory_space<semaphore_mem>>
      %dma_start3A = arith.constant 0 : i32
      %dma_start3A_299 = arith.constant 0 : i32
      %dma_start3A_300 = tpu.memref_slice %arg2[%add3A, %dma_start3A, %dma_start3A_299] : memref<32x80x128xi32, #tpu.memory_space<hbm>> -> memref<1x80x128xi32, #tpu.memory_space<hbm>>
      %dma_start3A_301 = tpu.memref_squeeze %dma_start3A_300 : memref<1x80x128xi32, #tpu.memory_space<hbm>> -> memref<80x128xi32, #tpu.memory_space<hbm>>
      %dma_start3A_302 = arith.constant 0 : i32
      %dma_start3A_303 = arith.constant 0 : i32
      %dma_start3A_304 = tpu.memref_slice %arg2[%add3A, %dma_start3A_302, %dma_start3A_303] : memref<32x80x128xi32, #tpu.memory_space<hbm>> -> memref<1x80x128xi32, #tpu.memory_space<hbm>>
      %dma_start3A_305 = tpu.memref_squeeze %dma_start3A_304 : memref<1x80x128xi32, #tpu.memory_space<hbm>> -> memref<80x128xi32, #tpu.memory_space<hbm>>
      tpu.enqueue_dma source(%dma_start3A_305 : memref<80x128xi32, #tpu.memory_space<hbm>>) target(%arg4 : memref<80x128xi32, #tpu.memory_space<vmem>>) target_semaphore(%run_scoped3A : memref<!tpu.dma_semaphore, #tpu.memory_space<semaphore_mem>>)
      %dma_wait3A = arith.constant 0 : i32
      %dma_wait3A_306 = arith.constant 0 : i32
      %dma_wait3A_307 = tpu.memref_slice %arg2[%add3A, %dma_wait3A, %dma_wait3A_306] : memref<32x80x128xi32, #tpu.memory_space<hbm>> -> memref<1x80x128xi32, #tpu.memory_space<hbm>>
      %dma_wait3A_308 = tpu.memref_squeeze %dma_wait3A_307 : memref<1x80x128xi32, #tpu.memory_space<hbm>> -> memref<80x128xi32, #tpu.memory_space<hbm>>
      %dma_wait3A_309 = arith.constant 0 : i32
      %dma_wait3A_310 = arith.constant 0 : i32
      %dma_wait3A_311 = tpu.memref_slice %arg2[%add3A, %dma_wait3A_309, %dma_wait3A_310] : memref<32x80x128xi32, #tpu.memory_space<hbm>> -> memref<1x80x128xi32, #tpu.memory_space<hbm>>
      %dma_wait3A_312 = tpu.memref_squeeze %dma_wait3A_311 : memref<1x80x128xi32, #tpu.memory_space<hbm>> -> memref<80x128xi32, #tpu.memory_space<hbm>>
      tpu.wait_dma2 semaphore(%run_scoped3A : memref<!tpu.dma_semaphore, #tpu.memory_space<semaphore_mem>>) src(%dma_wait3A_312 : memref<80x128xi32, #tpu.memory_space<hbm>>) dst(%arg4 : memref<80x128xi32, #tpu.memory_space<vmem>>)
      tpu.yield
    }) : () -> ()
    %broadcast_in_dim3A = arith.constant 1.000000e+00 : f32
    %broadcast_in_dim3A_1 = vector.broadcast %broadcast_in_dim3A : f32 to vector<16xf32>
    %swap3A = arith.constant 0 : index
    %swap3A_2 = tpu.vector_load %arg5[%swap3A] {strides = array<i32>} : memref<128xf32, #tpu.memory_space<vmem>>, vector<16xf32>,
    %swap3A_3 = vector.shape_cast %swap3A_2 : vector<16xf32> to vector<16xf32>
    %swap3A_4 = vector.shape_cast %broadcast_in_dim3A_1 : vector<16xf32> to vector<16xf32>
    tpu.vector_store %arg5[%swap3A], %swap3A_4 {strides = array<i32>} : memref<128xf32, #tpu.memory_space<vmem>>, vector<16xf32>,
    %broadcast_in_dim3A_5 = arith.constant 1.000000e+00 : f32
    %broadcast_in_dim3A_6 = vector.broadcast %broadcast_in_dim3A_5 : f32 to vector<16xf32>
    %swap3A_7 = arith.constant 16 : index
    %swap3A_8 = tpu.vector_load %arg5[%swap3A_7] {strides = array<i32>} : memref<128xf32, #tpu.memory_space<vmem>>, vector<16xf32>,
    %swap3A_9 = vector.shape_cast %swap3A_8 : vector<16xf32> to vector<16xf32>
    %swap3A_10 = vector.shape_cast %broadcast_in_dim3A_6 : vector<16xf32> to vector<16xf32>
    tpu.vector_store %arg5[%swap3A_7], %swap3A_10 {strides = array<i32>} : memref<128xf32, #tpu.memory_space<vmem>>, vector<16xf32>,
    %broadcast_in_dim3A_11 = arith.constant 1.000000e+00 : f32
    %broadcast_in_dim3A_12 = vector.broadcast %broadcast_in_dim3A_11 : f32 to vector<16xf32>
    %swap3A_13 = arith.constant 32 : index
    %swap3A_14 = tpu.vector_load %arg5[%swap3A_13] {strides = array<i32>} : memref<128xf32, #tpu.memory_space<vmem>>, vector<16xf32>,
    %swap3A_15 = vector.shape_cast %swap3A_14 : vector<16xf32> to vector<16xf32>
    %swap3A_16 = vector.shape_cast %broadcast_in_dim3A_12 : vector<16xf32> to vector<16xf32>
    tpu.vector_store %arg5[%swap3A_13], %swap3A_16 {strides = array<i32>} : memref<128xf32, #tpu.memory_space<vmem>>, vector<16xf32>,
    %broadcast_in_dim3A_17 = arith.constant 1.000000e+00 : f32
    %broadcast_in_dim3A_18 = vector.broadcast %broadcast_in_dim3A_17 : f32 to vector<16xf32>
    %swap3A_19 = arith.constant 48 : index
    %swap3A_20 = tpu.vector_load %arg5[%swap3A_19] {strides = array<i32>} : memref<128xf32, #tpu.memory_space<vmem>>, vector<16xf32>,
    %swap3A_21 = vector.shape_cast %swap3A_20 : vector<16xf32> to vector<16xf32>
    %swap3A_22 = vector.shape_cast %broadcast_in_dim3A_18 : vector<16xf32> to vector<16xf32>
    tpu.vector_store %arg5[%swap3A_19], %swap3A_22 {strides = array<i32>} : memref<128xf32, #tpu.memory_space<vmem>>, vector<16xf32>,
    %broadcast_in_dim3A_23 = arith.constant 1.000000e+00 : f32
    %broadcast_in_dim3A_24 = vector.broadcast %broadcast_in_dim3A_23 : f32 to vector<16xf32>
    %swap3A_25 = arith.constant 64 : index
    %swap3A_26 = tpu.vector_load %arg5[%swap3A_25] {strides = array<i32>} : memref<128xf32, #tpu.memory_space<vmem>>, vector<16xf32>,
    %swap3A_27 = vector.shape_cast %swap3A_26 : vector<16xf32> to vector<16xf32>
    %swap3A_28 = vector.shape_cast %broadcast_in_dim3A_24 : vector<16xf32> to vector<16xf32>
    tpu.vector_store %arg5[%swap3A_25], %swap3A_28 {strides = array<i32>} : memref<128xf32, #tpu.memory_space<vmem>>, vector<16xf32>,
    %broadcast_in_dim3A_29 = arith.constant 1.000000e+00 : f32
    %broadcast_in_dim3A_30 = vector.broadcast %broadcast_in_dim3A_29 : f32 to vector<16xf32>
    %swap3A_31 = arith.constant 80 : index
    %swap3A_32 = tpu.vector_load %arg5[%swap3A_31] {strides = array<i32>} : memref<128xf32, #tpu.memory_space<vmem>>, vector<16xf32>,
    %swap3A_33 = vector.shape_cast %swap3A_32 : vector<16xf32> to vector<16xf32>
    %swap3A_34 = vector.shape_cast %broadcast_in_dim3A_30 : vector<16xf32> to vector<16xf32>
    tpu.vector_store %arg5[%swap3A_31], %swap3A_34 {strides = array<i32>} : memref<128xf32, #tpu.memory_space<vmem>>, vector<16xf32>,
    %broadcast_in_dim3A_35 = arith.constant 1.000000e+00 : f32
    %broadcast_in_dim3A_36 = vector.broadcast %broadcast_in_dim3A_35 : f32 to vector<16xf32>
    %swap3A_37 = arith.constant 96 : index
    %swap3A_38 = tpu.vector_load %arg5[%swap3A_37] {strides = array<i32>} : memref<128xf32, #tpu.memory_space<vmem>>, vector<16xf32>,
    %swap3A_39 = vector.shape_cast %swap3A_38 : vector<16xf32> to vector<16xf32>
    %swap3A_40 = vector.shape_cast %broadcast_in_dim3A_36 : vector<16xf32> to vector<16xf32>
    tpu.vector_store %arg5[%swap3A_37], %swap3A_40 {strides = array<i32>} : memref<128xf32, #tpu.memory_space<vmem>>, vector<16xf32>,
    %broadcast_in_dim3A_41 = arith.constant 1.000000e+00 : f32
    %broadcast_in_dim3A_42 = vector.broadcast %broadcast_in_dim3A_41 : f32 to vector<16xf32>
    %swap3A_43 = arith.constant 112 : index
    %swap3A_44 = tpu.vector_load %arg5[%swap3A_43] {strides = array<i32>} : memref<128xf32, #tpu.memory_space<vmem>>, vector<16xf32>,
    %swap3A_45 = vector.shape_cast %swap3A_44 : vector<16xf32> to vector<16xf32>
    %swap3A_46 = vector.shape_cast %broadcast_in_dim3A_42 : vector<16xf32> to vector<16xf32>
    tpu.vector_store %arg5[%swap3A_43], %swap3A_46 {strides = array<i32>} : memref<128xf32, #tpu.memory_space<vmem>>, vector<16xf32>,
    %broadcast_in_dim3A_47 = arith.constant 0.000000e+00 : f32
    %broadcast_in_dim3A_48 = vector.broadcast %broadcast_in_dim3A_47 : f32 to vector<16xf32>
    %swap3A_49 = arith.constant 0 : index
    %swap3A_50 = tpu.vector_load %arg6[%swap3A_49] {strides = array<i32>} : memref<640xf32, #tpu.memory_space<vmem>>, vector<16xf32>,
    %swap3A_51 = vector.shape_cast %swap3A_50 : vector<16xf32> to vector<16xf32>
    %swap3A_52 = vector.shape_cast %broadcast_in_dim3A_48 : vector<16xf32> to vector<16xf32>
    tpu.vector_store %arg6[%swap3A_49], %swap3A_52 {strides = array<i32>} : memref<640xf32, #tpu.memory_space<vmem>>, vector<16xf32>,
    %broadcast_in_dim3A_53 = arith.constant 0.000000e+00 : f32
    %broadcast_in_dim3A_54 = vector.broadcast %broadcast_in_dim3A_53 : f32 to vector<16xf32>
    %swap3A_55 = arith.constant 16 : index
    %swap3A_56 = tpu.vector_load %arg6[%swap3A_55] {strides = array<i32>} : memref<640xf32, #tpu.memory_space<vmem>>, vector<16xf32>,
    %swap3A_57 = vector.shape_cast %swap3A_56 : vector<16xf32> to vector<16xf32>
    %swap3A_58 = vector.shape_cast %broadcast_in_dim3A_54 : vector<16xf32> to vector<16xf32>
    tpu.vector_store %arg6[%swap3A_55], %swap3A_58 {strides = array<i32>} : memref<640xf32, #tpu.memory_space<vmem>>, vector<16xf32>,
    %broadcast_in_dim3A_59 = arith.constant 0.000000e+00 : f32
    %broadcast_in_dim3A_60 = vector.broadcast %broadcast_in_dim3A_59 : f32 to vector<16xf32>
    %swap3A_61 = arith.constant 32 : index
    %swap3A_62 = tpu.vector_load %arg6[%swap3A_61] {strides = array<i32>} : memref<640xf32, #tpu.memory_space<vmem>>, vector<16xf32>,
    %swap3A_63 = vector.shape_cast %swap3A_62 : vector<16xf32> to vector<16xf32>
    %swap3A_64 = vector.shape_cast %broadcast_in_dim3A_60 : vector<16xf32> to vector<16xf32>
    tpu.vector_store %arg6[%swap3A_61], %swap3A_64 {strides = array<i32>} : memref<640xf32, #tpu.memory_space<vmem>>, vector<16xf32>,
    %broadcast_in_dim3A_65 = arith.constant 0.000000e+00 : f32
    %broadcast_in_dim3A_66 = vector.broadcast %broadcast_in_dim3A_65 : f32 to vector<16xf32>
    %swap3A_67 = arith.constant 48 : index
    %swap3A_68 = tpu.vector_load %arg6[%swap3A_67] {strides = array<i32>} : memref<640xf32, #tpu.memory_space<vmem>>, vector<16xf32>,
    %swap3A_69 = vector.shape_cast %swap3A_68 : vector<16xf32> to vector<16xf32>
    %swap3A_70 = vector.shape_cast %broadcast_in_dim3A_66 : vector<16xf32> to vector<16xf32>
    tpu.vector_store %arg6[%swap3A_67], %swap3A_70 {strides = array<i32>} : memref<640xf32, #tpu.memory_space<vmem>>, vector<16xf32>,
    %broadcast_in_dim3A_71 = arith.constant 0.000000e+00 : f32
    %broadcast_in_dim3A_72 = vector.broadcast %broadcast_in_dim3A_71 : f32 to vector<16xf32>
    %swap3A_73 = arith.constant 64 : index
    %swap3A_74 = tpu.vector_load %arg6[%swap3A_73] {strides = array<i32>} : memref<640xf32, #tpu.memory_space<vmem>>, vector<16xf32>,
    %swap3A_75 = vector.shape_cast %swap3A_74 : vector<16xf32> to vector<16xf32>
    %swap3A_76 = vector.shape_cast %broadcast_in_dim3A_72 : vector<16xf32> to vector<16xf32>
    tpu.vector_store %arg6[%swap3A_73], %swap3A_76 {strides = array<i32>} : memref<640xf32, #tpu.memory_space<vmem>>, vector<16xf32>,
    %broadcast_in_dim3A_77 = arith.constant 0.000000e+00 : f32
    %broadcast_in_dim3A_78 = vector.broadcast %broadcast_in_dim3A_77 : f32 to vector<16xf32>
    %swap3A_79 = arith.constant 80 : index
    %swap3A_80 = tpu.vector_load %arg6[%swap3A_79] {strides = array<i32>} : memref<640xf32, #tpu.memory_space<vmem>>, vector<16xf32>,
    %swap3A_81 = vector.shape_cast %swap3A_80 : vector<16xf32> to vector<16xf32>
    %swap3A_82 = vector.shape_cast %broadcast_in_dim3A_78 : vector<16xf32> to vector<16xf32>
    tpu.vector_store %arg6[%swap3A_79], %swap3A_82 {strides = array<i32>} : memref<640xf32, #tpu.memory_space<vmem>>, vector<16xf32>,
    %broadcast_in_dim3A_83 = arith.constant 0.000000e+00 : f32
    %broadcast_in_dim3A_84 = vector.broadcast %broadcast_in_dim3A_83 : f32 to vector<16xf32>
    %swap3A_85 = arith.constant 96 : index
    %swap3A_86 = tpu.vector_load %arg6[%swap3A_85] {strides = array<i32>} : memref<640xf32, #tpu.memory_space<vmem>>, vector<16xf32>,
    %swap3A_87 = vector.shape_cast %swap3A_86 : vector<16xf32> to vector<16xf32>
    %swap3A_88 = vector.shape_cast %broadcast_in_dim3A_84 : vector<16xf32> to vector<16xf32>
    tpu.vector_store %arg6[%swap3A_85], %swap3A_88 {strides = array<i32>} : memref<640xf32, #tpu.memory_space<vmem>>, vector<16xf32>,
    %broadcast_in_dim3A_89 = arith.constant 0.000000e+00 : f32
    %broadcast_in_dim3A_90 = vector.broadcast %broadcast_in_dim3A_89 : f32 to vector<16xf32>
    %swap3A_91 = arith.constant 112 : index
    %swap3A_92 = tpu.vector_load %arg6[%swap3A_91] {strides = array<i32>} : memref<640xf32, #tpu.memory_space<vmem>>, vector<16xf32>,
    %swap3A_93 = vector.shape_cast %swap3A_92 : vector<16xf32> to vector<16xf32>
    %swap3A_94 = vector.shape_cast %broadcast_in_dim3A_90 : vector<16xf32> to vector<16xf32>
    tpu.vector_store %arg6[%swap3A_91], %swap3A_94 {strides = array<i32>} : memref<640xf32, #tpu.memory_space<vmem>>, vector<16xf32>,
    %broadcast_in_dim3A_95 = arith.constant 0.000000e+00 : f32
    %broadcast_in_dim3A_96 = vector.broadcast %broadcast_in_dim3A_95 : f32 to vector<16xf32>
    %swap3A_97 = arith.constant 128 : index
    %swap3A_98 = tpu.vector_load %arg6[%swap3A_97] {strides = array<i32>} : memref<640xf32, #tpu.memory_space<vmem>>, vector<16xf32>,
    %swap3A_99 = vector.shape_cast %swap3A_98 : vector<16xf32> to vector<16xf32>
    %swap3A_100 = vector.shape_cast %broadcast_in_dim3A_96 : vector<16xf32> to vector<16xf32>
    tpu.vector_store %arg6[%swap3A_97], %swap3A_100 {strides = array<i32>} : memref<640xf32, #tpu.memory_space<vmem>>, vector<16xf32>,
    %broadcast_in_dim3A_101 = arith.constant 0.000000e+00 : f32
    %broadcast_in_dim3A_102 = vector.broadcast %broadcast_in_dim3A_101 : f32 to vector<16xf32>
    %swap3A_103 = arith.constant 144 : index
    %swap3A_104 = tpu.vector_load %arg6[%swap3A_103] {strides = array<i32>} : memref<640xf32, #tpu.memory_space<vmem>>, vector<16xf32>,
    %swap3A_105 = vector.shape_cast %swap3A_104 : vector<16xf32> to vector<16xf32>
    %swap3A_106 = vector.shape_cast %broadcast_in_dim3A_102 : vector<16xf32> to vector<16xf32>
    tpu.vector_store %arg6[%swap3A_103], %swap3A_106 {strides = array<i32>} : memref<640xf32, #tpu.memory_space<vmem>>, vector<16xf32>,
    %broadcast_in_dim3A_107 = arith.constant 0.000000e+00 : f32
    %broadcast_in_dim3A_108 = vector.broadcast %broadcast_in_dim3A_107 : f32 to vector<16xf32>
    %swap3A_109 = arith.constant 160 : index
    %swap3A_110 = tpu.vector_load %arg6[%swap3A_109] {strides = array<i32>} : memref<640xf32, #tpu.memory_space<vmem>>, vector<16xf32>,
    %swap3A_111 = vector.shape_cast %swap3A_110 : vector<16xf32> to vector<16xf32>
    %swap3A_112 = vector.shape_cast %broadcast_in_dim3A_108 : vector<16xf32> to vector<16xf32>
    tpu.vector_store %arg6[%swap3A_109], %swap3A_112 {strides = array<i32>} : memref<640xf32, #tpu.memory_space<vmem>>, vector<16xf32>,
    %broadcast_in_dim3A_113 = arith.constant 0.000000e+00 : f32
    %broadcast_in_dim3A_114 = vector.broadcast %broadcast_in_dim3A_113 : f32 to vector<16xf32>
    %swap3A_115 = arith.constant 176 : index
    %swap3A_116 = tpu.vector_load %arg6[%swap3A_115] {strides = array<i32>} : memref<640xf32, #tpu.memory_space<vmem>>, vector<16xf32>,
    %swap3A_117 = vector.shape_cast %swap3A_116 : vector<16xf32> to vector<16xf32>
    %swap3A_118 = vector.shape_cast %broadcast_in_dim3A_114 : vector<16xf32> to vector<16xf32>
    tpu.vector_store %arg6[%swap3A_115], %swap3A_118 {strides = array<i32>} : memref<640xf32, #tpu.memory_space<vmem>>, vector<16xf32>,
    %broadcast_in_dim3A_119 = arith.constant 0.000000e+00 : f32
    %broadcast_in_dim3A_120 = vector.broadcast %broadcast_in_dim3A_119 : f32 to vector<16xf32>
    %swap3A_121 = arith.constant 192 : index
    %swap3A_122 = tpu.vector_load %arg6[%swap3A_121] {strides = array<i32>} : memref<640xf32, #tpu.memory_space<vmem>>, vector<16xf32>,
    %swap3A_123 = vector.shape_cast %swap3A_122 : vector<16xf32> to vector<16xf32>
    %swap3A_124 = vector.shape_cast %broadcast_in_dim3A_120 : vector<16xf32> to vector<16xf32>
    tpu.vector_store %arg6[%swap3A_121], %swap3A_124 {strides = array<i32>} : memref<640xf32, #tpu.memory_space<vmem>>, vector<16xf32>,
    %broadcast_in_dim3A_125 = arith.constant 0.000000e+00 : f32
    %broadcast_in_dim3A_126 = vector.broadcast %broadcast_in_dim3A_125 : f32 to vector<16xf32>
    %swap3A_127 = arith.constant 208 : index
    %swap3A_128 = tpu.vector_load %arg6[%swap3A_127] {strides = array<i32>} : memref<640xf32, #tpu.memory_space<vmem>>, vector<16xf32>,
    %swap3A_129 = vector.shape_cast %swap3A_128 : vector<16xf32> to vector<16xf32>
    %swap3A_130 = vector.shape_cast %broadcast_in_dim3A_126 : vector<16xf32> to vector<16xf32>
    tpu.vector_store %arg6[%swap3A_127], %swap3A_130 {strides = array<i32>} : memref<640xf32, #tpu.memory_space<vmem>>, vector<16xf32>,
    %broadcast_in_dim3A_131 = arith.constant 0.000000e+00 : f32
    %broadcast_in_dim3A_132 = vector.broadcast %broadcast_in_dim3A_131 : f32 to vector<16xf32>
    %swap3A_133 = arith.constant 224 : index
    %swap3A_134 = tpu.vector_load %arg6[%swap3A_133] {strides = array<i32>} : memref<640xf32, #tpu.memory_space<vmem>>, vector<16xf32>,
    %swap3A_135 = vector.shape_cast %swap3A_134 : vector<16xf32> to vector<16xf32>
    %swap3A_136 = vector.shape_cast %broadcast_in_dim3A_132 : vector<16xf32> to vector<16xf32>
    tpu.vector_store %arg6[%swap3A_133], %swap3A_136 {strides = array<i32>} : memref<640xf32, #tpu.memory_space<vmem>>, vector<16xf32>,
    %broadcast_in_dim3A_137 = arith.constant 0.000000e+00 : f32
    %broadcast_in_dim3A_138 = vector.broadcast %broadcast_in_dim3A_137 : f32 to vector<16xf32>
    %swap3A_139 = arith.constant 240 : index
    %swap3A_140 = tpu.vector_load %arg6[%swap3A_139] {strides = array<i32>} : memref<640xf32, #tpu.memory_space<vmem>>, vector<16xf32>,
    %swap3A_141 = vector.shape_cast %swap3A_140 : vector<16xf32> to vector<16xf32>
    %swap3A_142 = vector.shape_cast %broadcast_in_dim3A_138 : vector<16xf32> to vector<16xf32>
    tpu.vector_store %arg6[%swap3A_139], %swap3A_142 {strides = array<i32>} : memref<640xf32, #tpu.memory_space<vmem>>, vector<16xf32>,
    %broadcast_in_dim3A_143 = arith.constant 0.000000e+00 : f32
    %broadcast_in_dim3A_144 = vector.broadcast %broadcast_in_dim3A_143 : f32 to vector<16xf32>
    %swap3A_145 = arith.constant 256 : index
    %swap3A_146 = tpu.vector_load %arg6[%swap3A_145] {strides = array<i32>} : memref<640xf32, #tpu.memory_space<vmem>>, vector<16xf32>,
    %swap3A_147 = vector.shape_cast %swap3A_146 : vector<16xf32> to vector<16xf32>
    %swap3A_148 = vector.shape_cast %broadcast_in_dim3A_144 : vector<16xf32> to vector<16xf32>
    tpu.vector_store %arg6[%swap3A_145], %swap3A_148 {strides = array<i32>} : memref<640xf32, #tpu.memory_space<vmem>>, vector<16xf32>,
    %broadcast_in_dim3A_149 = arith.constant 0.000000e+00 : f32
    %broadcast_in_dim3A_150 = vector.broadcast %broadcast_in_dim3A_149 : f32 to vector<16xf32>
    %swap3A_151 = arith.constant 272 : index
    %swap3A_152 = tpu.vector_load %arg6[%swap3A_151] {strides = array<i32>} : memref<640xf32, #tpu.memory_space<vmem>>, vector<16xf32>,
    %swap3A_153 = vector.shape_cast %swap3A_152 : vector<16xf32> to vector<16xf32>
    %swap3A_154 = vector.shape_cast %broadcast_in_dim3A_150 : vector<16xf32> to vector<16xf32>
    tpu.vector_store %arg6[%swap3A_151], %swap3A_154 {strides = array<i32>} : memref<640xf32, #tpu.memory_space<vmem>>, vector<16xf32>,
    %broadcast_in_dim3A_155 = arith.constant 0.000000e+00 : f32
    %broadcast_in_dim3A_156 = vector.broadcast %broadcast_in_dim3A_155 : f32 to vector<16xf32>
    %swap3A_157 = arith.constant 288 : index
    %swap3A_158 = tpu.vector_load %arg6[%swap3A_157] {strides = array<i32>} : memref<640xf32, #tpu.memory_space<vmem>>, vector<16xf32>,
    %swap3A_159 = vector.shape_cast %swap3A_158 : vector<16xf32> to vector<16xf32>
    %swap3A_160 = vector.shape_cast %broadcast_in_dim3A_156 : vector<16xf32> to vector<16xf32>
    tpu.vector_store %arg6[%swap3A_157], %swap3A_160 {strides = array<i32>} : memref<640xf32, #tpu.memory_space<vmem>>, vector<16xf32>,
    %broadcast_in_dim3A_161 = arith.constant 0.000000e+00 : f32
    %broadcast_in_dim3A_162 = vector.broadcast %broadcast_in_dim3A_161 : f32 to vector<16xf32>
    %swap3A_163 = arith.constant 304 : index
    %swap3A_164 = tpu.vector_load %arg6[%swap3A_163] {strides = array<i32>} : memref<640xf32, #tpu.memory_space<vmem>>, vector<16xf32>,
    %swap3A_165 = vector.shape_cast %swap3A_164 : vector<16xf32> to vector<16xf32>
    %swap3A_166 = vector.shape_cast %broadcast_in_dim3A_162 : vector<16xf32> to vector<16xf32>
    tpu.vector_store %arg6[%swap3A_163], %swap3A_166 {strides = array<i32>} : memref<640xf32, #tpu.memory_space<vmem>>, vector<16xf32>,
    %broadcast_in_dim3A_167 = arith.constant 0.000000e+00 : f32
    %broadcast_in_dim3A_168 = vector.broadcast %broadcast_in_dim3A_167 : f32 to vector<16xf32>
    %swap3A_169 = arith.constant 320 : index
    %swap3A_170 = tpu.vector_load %arg6[%swap3A_169] {strides = array<i32>} : memref<640xf32, #tpu.memory_space<vmem>>, vector<16xf32>,
    %swap3A_171 = vector.shape_cast %swap3A_170 : vector<16xf32> to vector<16xf32>
    %swap3A_172 = vector.shape_cast %broadcast_in_dim3A_168 : vector<16xf32> to vector<16xf32>
    tpu.vector_store %arg6[%swap3A_169], %swap3A_172 {strides = array<i32>} : memref<640xf32, #tpu.memory_space<vmem>>, vector<16xf32>,
    %broadcast_in_dim3A_173 = arith.constant 0.000000e+00 : f32
    %broadcast_in_dim3A_174 = vector.broadcast %broadcast_in_dim3A_173 : f32 to vector<16xf32>
    %swap3A_175 = arith.constant 336 : index
    %swap3A_176 = tpu.vector_load %arg6[%swap3A_175] {strides = array<i32>} : memref<640xf32, #tpu.memory_space<vmem>>, vector<16xf32>,
    %swap3A_177 = vector.shape_cast %swap3A_176 : vector<16xf32> to vector<16xf32>
    %swap3A_178 = vector.shape_cast %broadcast_in_dim3A_174 : vector<16xf32> to vector<16xf32>
    tpu.vector_store %arg6[%swap3A_175], %swap3A_178 {strides = array<i32>} : memref<640xf32, #tpu.memory_space<vmem>>, vector<16xf32>,
    %broadcast_in_dim3A_179 = arith.constant 0.000000e+00 : f32
    %broadcast_in_dim3A_180 = vector.broadcast %broadcast_in_dim3A_179 : f32 to vector<16xf32>
    %swap3A_181 = arith.constant 352 : index
    %swap3A_182 = tpu.vector_load %arg6[%swap3A_181] {strides = array<i32>} : memref<640xf32, #tpu.memory_space<vmem>>, vector<16xf32>,
    %swap3A_183 = vector.shape_cast %swap3A_182 : vector<16xf32> to vector<16xf32>
    %swap3A_184 = vector.shape_cast %broadcast_in_dim3A_180 : vector<16xf32> to vector<16xf32>
    tpu.vector_store %arg6[%swap3A_181], %swap3A_184 {strides = array<i32>} : memref<640xf32, #tpu.memory_space<vmem>>, vector<16xf32>,
    %broadcast_in_dim3A_185 = arith.constant 0.000000e+00 : f32
    %broadcast_in_dim3A_186 = vector.broadcast %broadcast_in_dim3A_185 : f32 to vector<16xf32>
    %swap3A_187 = arith.constant 368 : index
    %swap3A_188 = tpu.vector_load %arg6[%swap3A_187] {strides = array<i32>} : memref<640xf32, #tpu.memory_space<vmem>>, vector<16xf32>,
    %swap3A_189 = vector.shape_cast %swap3A_188 : vector<16xf32> to vector<16xf32>
    %swap3A_190 = vector.shape_cast %broadcast_in_dim3A_186 : vector<16xf32> to vector<16xf32>
    tpu.vector_store %arg6[%swap3A_187], %swap3A_190 {strides = array<i32>} : memref<640xf32, #tpu.memory_space<vmem>>, vector<16xf32>,
    %broadcast_in_dim3A_191 = arith.constant 0.000000e+00 : f32
    %broadcast_in_dim3A_192 = vector.broadcast %broadcast_in_dim3A_191 : f32 to vector<16xf32>
    %swap3A_193 = arith.constant 384 : index
    %swap3A_194 = tpu.vector_load %arg6[%swap3A_193] {strides = array<i32>} : memref<640xf32, #tpu.memory_space<vmem>>, vector<16xf32>,
    %swap3A_195 = vector.shape_cast %swap3A_194 : vector<16xf32> to vector<16xf32>
    %swap3A_196 = vector.shape_cast %broadcast_in_dim3A_192 : vector<16xf32> to vector<16xf32>
    tpu.vector_store %arg6[%swap3A_193], %swap3A_196 {strides = array<i32>} : memref<640xf32, #tpu.memory_space<vmem>>, vector<16xf32>,
    %broadcast_in_dim3A_197 = arith.constant 0.000000e+00 : f32
    %broadcast_in_dim3A_198 = vector.broadcast %broadcast_in_dim3A_197 : f32 to vector<16xf32>
    %swap3A_199 = arith.constant 400 : index
    %swap3A_200 = tpu.vector_load %arg6[%swap3A_199] {strides = array<i32>} : memref<640xf32, #tpu.memory_space<vmem>>, vector<16xf32>,
    %swap3A_201 = vector.shape_cast %swap3A_200 : vector<16xf32> to vector<16xf32>
    %swap3A_202 = vector.shape_cast %broadcast_in_dim3A_198 : vector<16xf32> to vector<16xf32>
    tpu.vector_store %arg6[%swap3A_199], %swap3A_202 {strides = array<i32>} : memref<640xf32, #tpu.memory_space<vmem>>, vector<16xf32>,
    %broadcast_in_dim3A_203 = arith.constant 0.000000e+00 : f32
    %broadcast_in_dim3A_204 = vector.broadcast %broadcast_in_dim3A_203 : f32 to vector<16xf32>
    %swap3A_205 = arith.constant 416 : index
    %swap3A_206 = tpu.vector_load %arg6[%swap3A_205] {strides = array<i32>} : memref<640xf32, #tpu.memory_space<vmem>>, vector<16xf32>,
    %swap3A_207 = vector.shape_cast %swap3A_206 : vector<16xf32> to vector<16xf32>
    %swap3A_208 = vector.shape_cast %broadcast_in_dim3A_204 : vector<16xf32> to vector<16xf32>
    tpu.vector_store %arg6[%swap3A_205], %swap3A_208 {strides = array<i32>} : memref<640xf32, #tpu.memory_space<vmem>>, vector<16xf32>,
    %broadcast_in_dim3A_209 = arith.constant 0.000000e+00 : f32
    %broadcast_in_dim3A_210 = vector.broadcast %broadcast_in_dim3A_209 : f32 to vector<16xf32>
    %swap3A_211 = arith.constant 432 : index
    %swap3A_212 = tpu.vector_load %arg6[%swap3A_211] {strides = array<i32>} : memref<640xf32, #tpu.memory_space<vmem>>, vector<16xf32>,
    %swap3A_213 = vector.shape_cast %swap3A_212 : vector<16xf32> to vector<16xf32>
    %swap3A_214 = vector.shape_cast %broadcast_in_dim3A_210 : vector<16xf32> to vector<16xf32>
    tpu.vector_store %arg6[%swap3A_211], %swap3A_214 {strides = array<i32>} : memref<640xf32, #tpu.memory_space<vmem>>, vector<16xf32>,
    %broadcast_in_dim3A_215 = arith.constant 0.000000e+00 : f32
    %broadcast_in_dim3A_216 = vector.broadcast %broadcast_in_dim3A_215 : f32 to vector<16xf32>
    %swap3A_217 = arith.constant 448 : index
    %swap3A_218 = tpu.vector_load %arg6[%swap3A_217] {strides = array<i32>} : memref<640xf32, #tpu.memory_space<vmem>>, vector<16xf32>,
    %swap3A_219 = vector.shape_cast %swap3A_218 : vector<16xf32> to vector<16xf32>
    %swap3A_220 = vector.shape_cast %broadcast_in_dim3A_216 : vector<16xf32> to vector<16xf32>
    tpu.vector_store %arg6[%swap3A_217], %swap3A_220 {strides = array<i32>} : memref<640xf32, #tpu.memory_space<vmem>>, vector<16xf32>,
    %broadcast_in_dim3A_221 = arith.constant 0.000000e+00 : f32
    %broadcast_in_dim3A_222 = vector.broadcast %broadcast_in_dim3A_221 : f32 to vector<16xf32>
    %swap3A_223 = arith.constant 464 : index
    %swap3A_224 = tpu.vector_load %arg6[%swap3A_223] {strides = array<i32>} : memref<640xf32, #tpu.memory_space<vmem>>, vector<16xf32>,
    %swap3A_225 = vector.shape_cast %swap3A_224 : vector<16xf32> to vector<16xf32>
    %swap3A_226 = vector.shape_cast %broadcast_in_dim3A_222 : vector<16xf32> to vector<16xf32>
    tpu.vector_store %arg6[%swap3A_223], %swap3A_226 {strides = array<i32>} : memref<640xf32, #tpu.memory_space<vmem>>, vector<16xf32>,
    %broadcast_in_dim3A_227 = arith.constant 0.000000e+00 : f32
    %broadcast_in_dim3A_228 = vector.broadcast %broadcast_in_dim3A_227 : f32 to vector<16xf32>
    %swap3A_229 = arith.constant 480 : index
    %swap3A_230 = tpu.vector_load %arg6[%swap3A_229] {strides = array<i32>} : memref<640xf32, #tpu.memory_space<vmem>>, vector<16xf32>,
    %swap3A_231 = vector.shape_cast %swap3A_230 : vector<16xf32> to vector<16xf32>
    %swap3A_232 = vector.shape_cast %broadcast_in_dim3A_228 : vector<16xf32> to vector<16xf32>
    tpu.vector_store %arg6[%swap3A_229], %swap3A_232 {strides = array<i32>} : memref<640xf32, #tpu.memory_space<vmem>>, vector<16xf32>,
    %broadcast_in_dim3A_233 = arith.constant 0.000000e+00 : f32
    %broadcast_in_dim3A_234 = vector.broadcast %broadcast_in_dim3A_233 : f32 to vector<16xf32>
    %swap3A_235 = arith.constant 496 : index
    %swap3A_236 = tpu.vector_load %arg6[%swap3A_235] {strides = array<i32>} : memref<640xf32, #tpu.memory_space<vmem>>, vector<16xf32>,
    %swap3A_237 = vector.shape_cast %swap3A_236 : vector<16xf32> to vector<16xf32>
    %swap3A_238 = vector.shape_cast %broadcast_in_dim3A_234 : vector<16xf32> to vector<16xf32>
    tpu.vector_store %arg6[%swap3A_235], %swap3A_238 {strides = array<i32>} : memref<640xf32, #tpu.memory_space<vmem>>, vector<16xf32>,
    %broadcast_in_dim3A_239 = arith.constant 0.000000e+00 : f32
    %broadcast_in_dim3A_240 = vector.broadcast %broadcast_in_dim3A_239 : f32 to vector<16xf32>
    %swap3A_241 = arith.constant 512 : index
    %swap3A_242 = tpu.vector_load %arg6[%swap3A_241] {strides = array<i32>} : memref<640xf32, #tpu.memory_space<vmem>>, vector<16xf32>,
    %swap3A_243 = vector.shape_cast %swap3A_242 : vector<16xf32> to vector<16xf32>
    %swap3A_244 = vector.shape_cast %broadcast_in_dim3A_240 : vector<16xf32> to vector<16xf32>
    tpu.vector_store %arg6[%swap3A_241], %swap3A_244 {strides = array<i32>} : memref<640xf32, #tpu.memory_space<vmem>>, vector<16xf32>,
    %broadcast_in_dim3A_245 = arith.constant 0.000000e+00 : f32
    %broadcast_in_dim3A_246 = vector.broadcast %broadcast_in_dim3A_245 : f32 to vector<16xf32>
    %swap3A_247 = arith.constant 528 : index
    %swap3A_248 = tpu.vector_load %arg6[%swap3A_247] {strides = array<i32>} : memref<640xf32, #tpu.memory_space<vmem>>, vector<16xf32>,
    %swap3A_249 = vector.shape_cast %swap3A_248 : vector<16xf32> to vector<16xf32>
    %swap3A_250 = vector.shape_cast %broadcast_in_dim3A_246 : vector<16xf32> to vector<16xf32>
    tpu.vector_store %arg6[%swap3A_247], %swap3A_250 {strides = array<i32>} : memref<640xf32, #tpu.memory_space<vmem>>, vector<16xf32>,
    %broadcast_in_dim3A_251 = arith.constant 0.000000e+00 : f32
    %broadcast_in_dim3A_252 = vector.broadcast %broadcast_in_dim3A_251 : f32 to vector<16xf32>
    %swap3A_253 = arith.constant 544 : index
    %swap3A_254 = tpu.vector_load %arg6[%swap3A_253] {strides = array<i32>} : memref<640xf32, #tpu.memory_space<vmem>>, vector<16xf32>,
    %swap3A_255 = vector.shape_cast %swap3A_254 : vector<16xf32> to vector<16xf32>
    %swap3A_256 = vector.shape_cast %broadcast_in_dim3A_252 : vector<16xf32> to vector<16xf32>
    tpu.vector_store %arg6[%swap3A_253], %swap3A_256 {strides = array<i32>} : memref<640xf32, #tpu.memory_space<vmem>>, vector<16xf32>,
    %broadcast_in_dim3A_257 = arith.constant 0.000000e+00 : f32
    %broadcast_in_dim3A_258 = vector.broadcast %broadcast_in_dim3A_257 : f32 to vector<16xf32>
    %swap3A_259 = arith.constant 560 : index
    %swap3A_260 = tpu.vector_load %arg6[%swap3A_259] {strides = array<i32>} : memref<640xf32, #tpu.memory_space<vmem>>, vector<16xf32>,
    %swap3A_261 = vector.shape_cast %swap3A_260 : vector<16xf32> to vector<16xf32>
    %swap3A_262 = vector.shape_cast %broadcast_in_dim3A_258 : vector<16xf32> to vector<16xf32>
    tpu.vector_store %arg6[%swap3A_259], %swap3A_262 {strides = array<i32>} : memref<640xf32, #tpu.memory_space<vmem>>, vector<16xf32>,
    %broadcast_in_dim3A_263 = arith.constant 0.000000e+00 : f32
    %broadcast_in_dim3A_264 = vector.broadcast %broadcast_in_dim3A_263 : f32 to vector<16xf32>
    %swap3A_265 = arith.constant 576 : index
    %swap3A_266 = tpu.vector_load %arg6[%swap3A_265] {strides = array<i32>} : memref<640xf32, #tpu.memory_space<vmem>>, vector<16xf32>,
    %swap3A_267 = vector.shape_cast %swap3A_266 : vector<16xf32> to vector<16xf32>
    %swap3A_268 = vector.shape_cast %broadcast_in_dim3A_264 : vector<16xf32> to vector<16xf32>
    tpu.vector_store %arg6[%swap3A_265], %swap3A_268 {strides = array<i32>} : memref<640xf32, #tpu.memory_space<vmem>>, vector<16xf32>,
    %broadcast_in_dim3A_269 = arith.constant 0.000000e+00 : f32
    %broadcast_in_dim3A_270 = vector.broadcast %broadcast_in_dim3A_269 : f32 to vector<16xf32>
    %swap3A_271 = arith.constant 592 : index
    %swap3A_272 = tpu.vector_load %arg6[%swap3A_271] {strides = array<i32>} : memref<640xf32, #tpu.memory_space<vmem>>, vector<16xf32>,
    %swap3A_273 = vector.shape_cast %swap3A_272 : vector<16xf32> to vector<16xf32>
    %swap3A_274 = vector.shape_cast %broadcast_in_dim3A_270 : vector<16xf32> to vector<16xf32>
    tpu.vector_store %arg6[%swap3A_271], %swap3A_274 {strides = array<i32>} : memref<640xf32, #tpu.memory_space<vmem>>, vector<16xf32>,
    %broadcast_in_dim3A_275 = arith.constant 0.000000e+00 : f32
    %broadcast_in_dim3A_276 = vector.broadcast %broadcast_in_dim3A_275 : f32 to vector<16xf32>
    %swap3A_277 = arith.constant 608 : index
    %swap3A_278 = tpu.vector_load %arg6[%swap3A_277] {strides = array<i32>} : memref<640xf32, #tpu.memory_space<vmem>>, vector<16xf32>,
    %swap3A_279 = vector.shape_cast %swap3A_278 : vector<16xf32> to vector<16xf32>
    %swap3A_280 = vector.shape_cast %broadcast_in_dim3A_276 : vector<16xf32> to vector<16xf32>
    tpu.vector_store %arg6[%swap3A_277], %swap3A_280 {strides = array<i32>} : memref<640xf32, #tpu.memory_space<vmem>>, vector<16xf32>,
    %broadcast_in_dim3A_281 = arith.constant 0.000000e+00 : f32
    %broadcast_in_dim3A_282 = vector.broadcast %broadcast_in_dim3A_281 : f32 to vector<16xf32>
    %swap3A_283 = arith.constant 624 : index
    %swap3A_284 = tpu.vector_load %arg6[%swap3A_283] {strides = array<i32>} : memref<640xf32, #tpu.memory_space<vmem>>, vector<16xf32>,
    %swap3A_285 = vector.shape_cast %swap3A_284 : vector<16xf32> to vector<16xf32>
    %swap3A_286 = vector.shape_cast %broadcast_in_dim3A_282 : vector<16xf32> to vector<16xf32>
    tpu.vector_store %arg6[%swap3A_283], %swap3A_286 {strides = array<i32>} : memref<640xf32, #tpu.memory_space<vmem>>, vector<16xf32>,
    %mul3A_287 = arith.constant 640 : i32
    %mul3A_288 = arith.muli %arg1, %mul3A_287 : i32
    "tpu.region"() ({
      %run_scoped3A = tpu.sem_alloc : memref<!tpu.dma_semaphore, #tpu.memory_space<semaphore_mem>>
      %dma_start3A = tpu.memref_slice %arg7[%mul3A_288] : memref<10240xf32, #tpu.memory_space<vmem_shared>> -> memref<640xf32, #tpu.memory_space<vmem_shared>>
      %dma_start3A_299 = tpu.memref_slice %arg7[%mul3A_288] : memref<10240xf32, #tpu.memory_space<vmem_shared>> -> memref<640xf32, #tpu.memory_space<vmem_shared>>
      tpu.enqueue_dma source(%arg6 : memref<640xf32, #tpu.memory_space<vmem>>) target(%dma_start3A_299 : memref<640xf32, #tpu.memory_space<vmem_shared>>) target_semaphore(%run_scoped3A : memref<!tpu.dma_semaphore, #tpu.memory_space<semaphore_mem>>)
      %dma_wait3A = tpu.memref_slice %arg7[%mul3A_288] : memref<10240xf32, #tpu.memory_space<vmem_shared>> -> memref<640xf32, #tpu.memory_space<vmem_shared>>
      %dma_wait3A_300 = tpu.memref_slice %arg7[%mul3A_288] : memref<10240xf32, #tpu.memory_space<vmem_shared>> -> memref<640xf32, #tpu.memory_space<vmem_shared>>
      tpu.wait_dma2 semaphore(%run_scoped3A : memref<!tpu.dma_semaphore, #tpu.memory_space<semaphore_mem>>) src(%arg6 : memref<640xf32, #tpu.memory_space<vmem>>) dst(%dma_wait3A_300 : memref<640xf32, #tpu.memory_space<vmem_shared>>)
      tpu.yield
    }) : () -> ()
    %barrier3A = arith.constant 0 : index
    tpu.barrier barrier_id(%barrier3A)
    %scan3A = arith.constant 0 : i32
    %scan3A_289 = arith.constant 0 : i32
    %scan3A_290 = arith.constant 20 : i32
    %scan3A_291 = arith.addi %scan3A_289, %scan3A_290 : i32
    %scan3A_292 = arith.constant 1 : i32
    %scan3A_293 = scf.for %scan3A_299 = %scan3A_289 to %scan3A_291 step %scan3A_292 iter_args(%scan3A_300 = %scan3A) -> (i32)  : i32 {
      %mul3A_301 = arith.constant 4 : i32
      %mul3A_302 = arith.muli %scan3A_299, %mul3A_301 : i32
      %add3A_303 = arith.constant 0 : i32
      %add3A_304 = arith.addi %mul3A_302, %add3A_303 : i32
      %dma_start3A = arith.constant 0 : i32
      %dma_start3A_305 = tpu.memref_slice %arg4[%add3A_304, %dma_start3A] : memref<80x128xi32, #tpu.memory_space<vmem>> -> memref<1x128xi32, #tpu.memory_space<vmem>>
      %dma_start3A_306 = tpu.memref_squeeze %dma_start3A_305 : memref<1x128xi32, #tpu.memory_space<vmem>> -> memref<128xi32, #tpu.memory_space<vmem>>
      %dma_start3A_307 = arith.constant 0 : i32
      %dma_start3A_308 = tpu.memref_slice %arg7[%dma_start3A_307] : memref<10240xf32, #tpu.memory_space<vmem_shared>> -> memref<10240xf32, #tpu.memory_space<vmem_shared>>
      tpu.enqueue_indirect_dma source(%arg5 : memref<128xf32, #tpu.memory_space<vmem>>) target(%dma_start3A_308 : memref<10240xf32, #tpu.memory_space<vmem_shared>>) offsets(%dma_start3A_306 : memref<128xi32, #tpu.memory_space<vmem>>) semaphore(%arg8 : memref<!tpu.dma_semaphore, #tpu.memory_space<semaphore_mem>>) {add = true}
      %mul3A_309 = arith.constant 4 : i32
      %mul3A_310 = arith.muli %scan3A_299, %mul3A_309 : i32
      %add3A_311 = arith.constant 1 : i32
      %add3A_312 = arith.addi %mul3A_310, %add3A_311 : i32
      %dma_start3A_313 = arith.constant 0 : i32
      %dma_start3A_314 = tpu.memref_slice %arg4[%add3A_312, %dma_start3A_313] : memref<80x128xi32, #tpu.memory_space<vmem>> -> memref<1x128xi32, #tpu.memory_space<vmem>>
      %dma_start3A_315 = tpu.memref_squeeze %dma_start3A_314 : memref<1x128xi32, #tpu.memory_space<vmem>> -> memref<128xi32, #tpu.memory_space<vmem>>
      %dma_start3A_316 = arith.constant 0 : i32
      %dma_start3A_317 = tpu.memref_slice %arg7[%dma_start3A_316] : memref<10240xf32, #tpu.memory_space<vmem_shared>> -> memref<10240xf32, #tpu.memory_space<vmem_shared>>
      tpu.enqueue_indirect_dma source(%arg5 : memref<128xf32, #tpu.memory_space<vmem>>) target(%dma_start3A_317 : memref<10240xf32, #tpu.memory_space<vmem_shared>>) offsets(%dma_start3A_315 : memref<128xi32, #tpu.memory_space<vmem>>) semaphore(%arg9 : memref<!tpu.dma_semaphore, #tpu.memory_space<semaphore_mem>>) {add = true}
      %mul3A_318 = arith.constant 4 : i32
      %mul3A_319 = arith.muli %scan3A_299, %mul3A_318 : i32
      %add3A_320 = arith.constant 2 : i32
      %add3A_321 = arith.addi %mul3A_319, %add3A_320 : i32
      %dma_start3A_322 = arith.constant 0 : i32
      %dma_start3A_323 = tpu.memref_slice %arg4[%add3A_321, %dma_start3A_322] : memref<80x128xi32, #tpu.memory_space<vmem>> -> memref<1x128xi32, #tpu.memory_space<vmem>>
      %dma_start3A_324 = tpu.memref_squeeze %dma_start3A_323 : memref<1x128xi32, #tpu.memory_space<vmem>> -> memref<128xi32, #tpu.memory_space<vmem>>
      %dma_start3A_325 = arith.constant 0 : i32
      %dma_start3A_326 = tpu.memref_slice %arg7[%dma_start3A_325] : memref<10240xf32, #tpu.memory_space<vmem_shared>> -> memref<10240xf32, #tpu.memory_space<vmem_shared>>
      tpu.enqueue_indirect_dma source(%arg5 : memref<128xf32, #tpu.memory_space<vmem>>) target(%dma_start3A_326 : memref<10240xf32, #tpu.memory_space<vmem_shared>>) offsets(%dma_start3A_324 : memref<128xi32, #tpu.memory_space<vmem>>) semaphore(%arg10 : memref<!tpu.dma_semaphore, #tpu.memory_space<semaphore_mem>>) {add = true}
      %mul3A_327 = arith.constant 4 : i32
      %mul3A_328 = arith.muli %scan3A_299, %mul3A_327 : i32
      %add3A_329 = arith.constant 3 : i32
      %add3A_330 = arith.addi %mul3A_328, %add3A_329 : i32
      %dma_start3A_331 = arith.constant 0 : i32
      %dma_start3A_332 = tpu.memref_slice %arg4[%add3A_330, %dma_start3A_331] : memref<80x128xi32, #tpu.memory_space<vmem>> -> memref<1x128xi32, #tpu.memory_space<vmem>>
      %dma_start3A_333 = tpu.memref_squeeze %dma_start3A_332 : memref<1x128xi32, #tpu.memory_space<vmem>> -> memref<128xi32, #tpu.memory_space<vmem>>
      %dma_start3A_334 = arith.constant 0 : i32
      %dma_start3A_335 = tpu.memref_slice %arg7[%dma_start3A_334] : memref<10240xf32, #tpu.memory_space<vmem_shared>> -> memref<10240xf32, #tpu.memory_space<vmem_shared>>
      tpu.enqueue_indirect_dma source(%arg5 : memref<128xf32, #tpu.memory_space<vmem>>) target(%dma_start3A_335 : memref<10240xf32, #tpu.memory_space<vmem_shared>>) offsets(%dma_start3A_333 : memref<128xi32, #tpu.memory_space<vmem>>) semaphore(%arg11 : memref<!tpu.dma_semaphore, #tpu.memory_space<semaphore_mem>>) {add = true}
      %dma_wait3A = arith.constant 0 : i32
      %dma_wait3A_336 = tpu.memref_slice %arg4[%add3A_304, %dma_wait3A] : memref<80x128xi32, #tpu.memory_space<vmem>> -> memref<1x128xi32, #tpu.memory_space<vmem>>
      %dma_wait3A_337 = tpu.memref_squeeze %dma_wait3A_336 : memref<1x128xi32, #tpu.memory_space<vmem>> -> memref<128xi32, #tpu.memory_space<vmem>>
      %dma_wait3A_338 = arith.constant 0 : i32
      %dma_wait3A_339 = tpu.memref_slice %arg7[%dma_wait3A_338] : memref<10240xf32, #tpu.memory_space<vmem_shared>> -> memref<10240xf32, #tpu.memory_space<vmem_shared>>
      tpu.wait_indirect_dma semaphore(%arg8 : memref<!tpu.dma_semaphore, #tpu.memory_space<semaphore_mem>>) src(%arg5 : memref<128xf32, #tpu.memory_space<vmem>>) dst(%dma_wait3A_339 : memref<10240xf32, #tpu.memory_space<vmem_shared>>)
      %dma_wait3A_340 = arith.constant 0 : i32
      %dma_wait3A_341 = tpu.memref_slice %arg4[%add3A_312, %dma_wait3A_340] : memref<80x128xi32, #tpu.memory_space<vmem>> -> memref<1x128xi32, #tpu.memory_space<vmem>>
      %dma_wait3A_342 = tpu.memref_squeeze %dma_wait3A_341 : memref<1x128xi32, #tpu.memory_space<vmem>> -> memref<128xi32, #tpu.memory_space<vmem>>
      %dma_wait3A_343 = arith.constant 0 : i32
      %dma_wait3A_344 = tpu.memref_slice %arg7[%dma_wait3A_343] : memref<10240xf32, #tpu.memory_space<vmem_shared>> -> memref<10240xf32, #tpu.memory_space<vmem_shared>>
      tpu.wait_indirect_dma semaphore(%arg9 : memref<!tpu.dma_semaphore, #tpu.memory_space<semaphore_mem>>) src(%arg5 : memref<128xf32, #tpu.memory_space<vmem>>) dst(%dma_wait3A_344 : memref<10240xf32, #tpu.memory_space<vmem_shared>>)
      %dma_wait3A_345 = arith.constant 0 : i32
      %dma_wait3A_346 = tpu.memref_slice %arg4[%add3A_321, %dma_wait3A_345] : memref<80x128xi32, #tpu.memory_space<vmem>> -> memref<1x128xi32, #tpu.memory_space<vmem>>
      %dma_wait3A_347 = tpu.memref_squeeze %dma_wait3A_346 : memref<1x128xi32, #tpu.memory_space<vmem>> -> memref<128xi32, #tpu.memory_space<vmem>>
      %dma_wait3A_348 = arith.constant 0 : i32
      %dma_wait3A_349 = tpu.memref_slice %arg7[%dma_wait3A_348] : memref<10240xf32, #tpu.memory_space<vmem_shared>> -> memref<10240xf32, #tpu.memory_space<vmem_shared>>
      tpu.wait_indirect_dma semaphore(%arg10 : memref<!tpu.dma_semaphore, #tpu.memory_space<semaphore_mem>>) src(%arg5 : memref<128xf32, #tpu.memory_space<vmem>>) dst(%dma_wait3A_349 : memref<10240xf32, #tpu.memory_space<vmem_shared>>)
      %dma_wait3A_350 = arith.constant 0 : i32
      %dma_wait3A_351 = tpu.memref_slice %arg4[%add3A_330, %dma_wait3A_350] : memref<80x128xi32, #tpu.memory_space<vmem>> -> memref<1x128xi32, #tpu.memory_space<vmem>>
      %dma_wait3A_352 = tpu.memref_squeeze %dma_wait3A_351 : memref<1x128xi32, #tpu.memory_space<vmem>> -> memref<128xi32, #tpu.memory_space<vmem>>
      %dma_wait3A_353 = arith.constant 0 : i32
      %dma_wait3A_354 = tpu.memref_slice %arg7[%dma_wait3A_353] : memref<10240xf32, #tpu.memory_space<vmem_shared>> -> memref<10240xf32, #tpu.memory_space<vmem_shared>>
      tpu.wait_indirect_dma semaphore(%arg11 : memref<!tpu.dma_semaphore, #tpu.memory_space<semaphore_mem>>) src(%arg5 : memref<128xf32, #tpu.memory_space<vmem>>) dst(%dma_wait3A_354 : memref<10240xf32, #tpu.memory_space<vmem_shared>>)
      %scan3A_355 = arith.constant 0 : i32
      scf.yield %scan3A_355 : i32
    }
    %scan3A_294 = arith.constant 20 : i32
    %barrier3A_295 = arith.constant 0 : index
    tpu.barrier barrier_id(%barrier3A_295)
    "tpu.region"() ({
      %run_scoped3A = tpu.sem_alloc : memref<!tpu.dma_semaphore, #tpu.memory_space<semaphore_mem>>
      %dma_start3A = tpu.memref_slice %arg7[%mul3A_288] : memref<10240xf32, #tpu.memory_space<vmem_shared>> -> memref<640xf32, #tpu.memory_space<vmem_shared>>
      %dma_start3A_299 = tpu.memref_slice %arg7[%mul3A_288] : memref<10240xf32, #tpu.memory_space<vmem_shared>> -> memref<640xf32, #tpu.memory_space<vmem_shared>>
      tpu.enqueue_dma source(%dma_start3A_299 : memref<640xf32, #tpu.memory_space<vmem_shared>>) target(%arg6 : memref<640xf32, #tpu.memory_space<vmem>>) target_semaphore(%run_scoped3A : memref<!tpu.dma_semaphore, #tpu.memory_space<semaphore_mem>>)
      %dma_wait3A = tpu.memref_slice %arg7[%mul3A_288] : memref<10240xf32, #tpu.memory_space<vmem_shared>> -> memref<640xf32, #tpu.memory_space<vmem_shared>>
      %dma_wait3A_300 = tpu.memref_slice %arg7[%mul3A_288] : memref<10240xf32, #tpu.memory_space<vmem_shared>> -> memref<640xf32, #tpu.memory_space<vmem_shared>>
      tpu.wait_dma2 semaphore(%run_scoped3A : memref<!tpu.dma_semaphore, #tpu.memory_space<semaphore_mem>>) src(%dma_wait3A_300 : memref<640xf32, #tpu.memory_space<vmem_shared>>) dst(%arg6 : memref<640xf32, #tpu.memory_space<vmem>>)
      tpu.yield
    }) : () -> ()
    %mul3A_296 = arith.constant 10240 : i32
    %mul3A_297 = arith.muli %arg0, %mul3A_296 : i32
    %add3A_298 = arith.addi %mul3A_297, %mul3A_288 : i32
    "tpu.region"() ({
      %run_scoped3A = tpu.sem_alloc : memref<!tpu.dma_semaphore, #tpu.memory_space<semaphore_mem>>
      %dma_start3A = tpu.memref_slice %arg3[%add3A_298] : memref<20480xf32, #tpu.memory_space<hbm>> -> memref<640xf32, #tpu.memory_space<hbm>>
      %dma_start3A_299 = tpu.memref_slice %arg3[%add3A_298] : memref<20480xf32, #tpu.memory_space<hbm>> -> memref<640xf32, #tpu.memory_space<hbm>>
      tpu.enqueue_dma source(%arg6 : memref<640xf32, #tpu.memory_space<vmem>>) target(%dma_start3A_299 : memref<640xf32, #tpu.memory_space<hbm>>) target_semaphore(%run_scoped3A : memref<!tpu.dma_semaphore, #tpu.memory_space<semaphore_mem>>)
      %dma_wait3A = tpu.memref_slice %arg3[%add3A_298] : memref<20480xf32, #tpu.memory_space<hbm>> -> memref<640xf32, #tpu.memory_space<hbm>>
      %dma_wait3A_300 = tpu.memref_slice %arg3[%add3A_298] : memref<20480xf32, #tpu.memory_space<hbm>> -> memref<640xf32, #tpu.memory_space<hbm>>
      tpu.wait_dma2 semaphore(%run_scoped3A : memref<!tpu.dma_semaphore, #tpu.memory_space<semaphore_mem>>) src(%arg6 : memref<640xf32, #tpu.memory_space<vmem>>) dst(%dma_wait3A_300 : memref<640xf32, #tpu.memory_space<hbm>>)
      tpu.yield
    }) : () -> ()
    return
  }
}

#map = affine_map<(d0, d1) -> (0, 0)>
#map1 = affine_map<(d0, d1) -> (0, 0, 0)>
module attributes {stable_mosaic.version = 14 : i64} {
  func.func @agg_kernel(%arg0: i32, %arg1: i32, %arg2: memref<10240x64xf32, #tpu.memory_space<hbm>>, %arg3: memref<10240x64xf32, #tpu.memory_space<hbm>>, %arg4: memref<10240x64xf32, #tpu.memory_space<hbm>>, %arg5: memref<32x80x128xi32, #tpu.memory_space<hbm>>, %arg6: memref<32x80x128xi32, #tpu.memory_space<hbm>>, %arg7: memref<2x10240x64xf32, #tpu.memory_space<hbm>>, %arg8: memref<2x10240x64xf32, #tpu.memory_space<hbm>>, %arg9: memref<80x128xi32, #tpu.memory_space<vmem>>, %arg10: memref<80x128xi32, #tpu.memory_space<vmem>>, %arg11: memref<128x64xf32, #tpu.memory_space<vmem>>, %arg12: memref<128x64xf32, #tpu.memory_space<vmem>>, %arg13: memref<128x64xf32, #tpu.memory_space<vmem>>, %arg14: memref<128x64xf32, #tpu.memory_space<vmem>>, %arg15: memref<10240x64xf32, #tpu.memory_space<vmem_shared>>, %arg16: memref<!tpu.dma_semaphore, #tpu.memory_space<semaphore_mem>>, %arg17: memref<!tpu.dma_semaphore, #tpu.memory_space<semaphore_mem>>, %arg18: memref<!tpu.dma_semaphore, #tpu.memory_space<semaphore_mem>>, %arg19: memref<!tpu.dma_semaphore, #tpu.memory_space<semaphore_mem>>) attributes {dimension_semantics = [#tpu.dimension_semantics<core_parallel>, #tpu.dimension_semantics<subcore_parallel>], iteration_bounds = array<i64: 2, 16>, scalar_prefetch = 0 : i64, scratch_operands = 11 : i64, tpu.core_type = #tpu.core_type<sc_vector_subcore>, window_params = [{transform_indices = #map}, {transform_indices = #map}, {transform_indices = #map}, {transform_indices = #map1}, {transform_indices = #map1}, {transform_indices = #map1}, {transform_indices = #map1}]} {
    %mul3A = arith.constant 16 : i32
    %mul3A_0 = arith.muli %arg0, %mul3A : i32
    %add3A = arith.addi %mul3A_0, %arg1 : i32
    "tpu.region"() ({
      %run_scoped3A = tpu.sem_alloc : memref<!tpu.dma_semaphore, #tpu.memory_space<semaphore_mem>>
      %dma_start3A = arith.constant 0 : i32
      %dma_start3A_157 = arith.constant 0 : i32
      %dma_start3A_158 = tpu.memref_slice %arg5[%add3A, %dma_start3A, %dma_start3A_157] : memref<32x80x128xi32, #tpu.memory_space<hbm>> -> memref<1x80x128xi32, #tpu.memory_space<hbm>>
      %dma_start3A_159 = tpu.memref_squeeze %dma_start3A_158 : memref<1x80x128xi32, #tpu.memory_space<hbm>> -> memref<80x128xi32, #tpu.memory_space<hbm>>
      %dma_start3A_160 = arith.constant 0 : i32
      %dma_start3A_161 = arith.constant 0 : i32
      %dma_start3A_162 = tpu.memref_slice %arg5[%add3A, %dma_start3A_160, %dma_start3A_161] : memref<32x80x128xi32, #tpu.memory_space<hbm>> -> memref<1x80x128xi32, #tpu.memory_space<hbm>>
      %dma_start3A_163 = tpu.memref_squeeze %dma_start3A_162 : memref<1x80x128xi32, #tpu.memory_space<hbm>> -> memref<80x128xi32, #tpu.memory_space<hbm>>
      tpu.enqueue_dma source(%dma_start3A_163 : memref<80x128xi32, #tpu.memory_space<hbm>>) target(%arg9 : memref<80x128xi32, #tpu.memory_space<vmem>>) target_semaphore(%run_scoped3A : memref<!tpu.dma_semaphore, #tpu.memory_space<semaphore_mem>>)
      %dma_wait3A = arith.constant 0 : i32
      %dma_wait3A_164 = arith.constant 0 : i32
      %dma_wait3A_165 = tpu.memref_slice %arg5[%add3A, %dma_wait3A, %dma_wait3A_164] : memref<32x80x128xi32, #tpu.memory_space<hbm>> -> memref<1x80x128xi32, #tpu.memory_space<hbm>>
      %dma_wait3A_166 = tpu.memref_squeeze %dma_wait3A_165 : memref<1x80x128xi32, #tpu.memory_space<hbm>> -> memref<80x128xi32, #tpu.memory_space<hbm>>
      %dma_wait3A_167 = arith.constant 0 : i32
      %dma_wait3A_168 = arith.constant 0 : i32
      %dma_wait3A_169 = tpu.memref_slice %arg5[%add3A, %dma_wait3A_167, %dma_wait3A_168] : memref<32x80x128xi32, #tpu.memory_space<hbm>> -> memref<1x80x128xi32, #tpu.memory_space<hbm>>
      %dma_wait3A_170 = tpu.memref_squeeze %dma_wait3A_169 : memref<1x80x128xi32, #tpu.memory_space<hbm>> -> memref<80x128xi32, #tpu.memory_space<hbm>>
      tpu.wait_dma2 semaphore(%run_scoped3A : memref<!tpu.dma_semaphore, #tpu.memory_space<semaphore_mem>>) src(%dma_wait3A_170 : memref<80x128xi32, #tpu.memory_space<hbm>>) dst(%arg9 : memref<80x128xi32, #tpu.memory_space<vmem>>)
      tpu.yield
    }) : () -> ()
    "tpu.region"() ({
      %run_scoped3A = tpu.sem_alloc : memref<!tpu.dma_semaphore, #tpu.memory_space<semaphore_mem>>
      %dma_start3A = arith.constant 0 : i32
      %dma_start3A_157 = arith.constant 0 : i32
      %dma_start3A_158 = tpu.memref_slice %arg6[%add3A, %dma_start3A, %dma_start3A_157] : memref<32x80x128xi32, #tpu.memory_space<hbm>> -> memref<1x80x128xi32, #tpu.memory_space<hbm>>
      %dma_start3A_159 = tpu.memref_squeeze %dma_start3A_158 : memref<1x80x128xi32, #tpu.memory_space<hbm>> -> memref<80x128xi32, #tpu.memory_space<hbm>>
      %dma_start3A_160 = arith.constant 0 : i32
      %dma_start3A_161 = arith.constant 0 : i32
      %dma_start3A_162 = tpu.memref_slice %arg6[%add3A, %dma_start3A_160, %dma_start3A_161] : memref<32x80x128xi32, #tpu.memory_space<hbm>> -> memref<1x80x128xi32, #tpu.memory_space<hbm>>
      %dma_start3A_163 = tpu.memref_squeeze %dma_start3A_162 : memref<1x80x128xi32, #tpu.memory_space<hbm>> -> memref<80x128xi32, #tpu.memory_space<hbm>>
      tpu.enqueue_dma source(%dma_start3A_163 : memref<80x128xi32, #tpu.memory_space<hbm>>) target(%arg10 : memref<80x128xi32, #tpu.memory_space<vmem>>) target_semaphore(%run_scoped3A : memref<!tpu.dma_semaphore, #tpu.memory_space<semaphore_mem>>)
      %dma_wait3A = arith.constant 0 : i32
      %dma_wait3A_164 = arith.constant 0 : i32
      %dma_wait3A_165 = tpu.memref_slice %arg6[%add3A, %dma_wait3A, %dma_wait3A_164] : memref<32x80x128xi32, #tpu.memory_space<hbm>> -> memref<1x80x128xi32, #tpu.memory_space<hbm>>
      %dma_wait3A_166 = tpu.memref_squeeze %dma_wait3A_165 : memref<1x80x128xi32, #tpu.memory_space<hbm>> -> memref<80x128xi32, #tpu.memory_space<hbm>>
      %dma_wait3A_167 = arith.constant 0 : i32
      %dma_wait3A_168 = arith.constant 0 : i32
      %dma_wait3A_169 = tpu.memref_slice %arg6[%add3A, %dma_wait3A_167, %dma_wait3A_168] : memref<32x80x128xi32, #tpu.memory_space<hbm>> -> memref<1x80x128xi32, #tpu.memory_space<hbm>>
      %dma_wait3A_170 = tpu.memref_squeeze %dma_wait3A_169 : memref<1x80x128xi32, #tpu.memory_space<hbm>> -> memref<80x128xi32, #tpu.memory_space<hbm>>
      tpu.wait_dma2 semaphore(%run_scoped3A : memref<!tpu.dma_semaphore, #tpu.memory_space<semaphore_mem>>) src(%dma_wait3A_170 : memref<80x128xi32, #tpu.memory_space<hbm>>) dst(%arg10 : memref<80x128xi32, #tpu.memory_space<vmem>>)
      tpu.yield
    }) : () -> ()
    %mul3A_1 = arith.constant 640 : i32
    %mul3A_2 = arith.muli %arg1, %mul3A_1 : i32
    %add3A_3 = arith.constant 0 : i32
    %add3A_4 = arith.addi %mul3A_2, %add3A_3 : i32
    %eq3A = arith.constant 0 : i32
    %eq3A_5 = arith.cmpi eq, %arg0, %eq3A : i32
    %convert_element_type3A = arith.extui %eq3A_5 : i1 to i32
    %cond3A = arith.constant 0 : i32
    %cond3A_6 = arith.cmpi ne, %convert_element_type3A, %cond3A : i32
    scf.if %cond3A_6 {
      "tpu.region"() ({
        %run_scoped3A = tpu.sem_alloc : memref<!tpu.dma_semaphore, #tpu.memory_space<semaphore_mem>>
        %dma_start3A = arith.constant 0 : i32
        %dma_start3A_157 = tpu.memref_slice %arg2[%add3A_4, %dma_start3A] : memref<10240x64xf32, #tpu.memory_space<hbm>> -> memref<128x64xf32, #tpu.memory_space<hbm>>
        %dma_start3A_158 = arith.constant 0 : i32
        %dma_start3A_159 = tpu.memref_slice %arg2[%add3A_4, %dma_start3A_158] : memref<10240x64xf32, #tpu.memory_space<hbm>> -> memref<128x64xf32, #tpu.memory_space<hbm>>
        tpu.enqueue_dma source(%dma_start3A_159 : memref<128x64xf32, #tpu.memory_space<hbm>>) target(%arg11 : memref<128x64xf32, #tpu.memory_space<vmem>>) target_semaphore(%run_scoped3A : memref<!tpu.dma_semaphore, #tpu.memory_space<semaphore_mem>>)
        %dma_wait3A = arith.constant 0 : i32
        %dma_wait3A_160 = tpu.memref_slice %arg2[%add3A_4, %dma_wait3A] : memref<10240x64xf32, #tpu.memory_space<hbm>> -> memref<128x64xf32, #tpu.memory_space<hbm>>
        %dma_wait3A_161 = arith.constant 0 : i32
        %dma_wait3A_162 = tpu.memref_slice %arg2[%add3A_4, %dma_wait3A_161] : memref<10240x64xf32, #tpu.memory_space<hbm>> -> memref<128x64xf32, #tpu.memory_space<hbm>>
        tpu.wait_dma2 semaphore(%run_scoped3A : memref<!tpu.dma_semaphore, #tpu.memory_space<semaphore_mem>>) src(%dma_wait3A_162 : memref<128x64xf32, #tpu.memory_space<hbm>>) dst(%arg11 : memref<128x64xf32, #tpu.memory_space<vmem>>)
        tpu.yield
      }) : () -> ()
      "tpu.region"() ({
        %run_scoped3A = tpu.sem_alloc : memref<!tpu.dma_semaphore, #tpu.memory_space<semaphore_mem>>
        %dma_start3A = arith.constant 0 : i32
        %dma_start3A_157 = tpu.memref_slice %arg15[%add3A_4, %dma_start3A] : memref<10240x64xf32, #tpu.memory_space<vmem_shared>> -> memref<128x64xf32, #tpu.memory_space<vmem_shared>>
        %dma_start3A_158 = arith.constant 0 : i32
        %dma_start3A_159 = tpu.memref_slice %arg15[%add3A_4, %dma_start3A_158] : memref<10240x64xf32, #tpu.memory_space<vmem_shared>> -> memref<128x64xf32, #tpu.memory_space<vmem_shared>>
        tpu.enqueue_dma source(%arg11 : memref<128x64xf32, #tpu.memory_space<vmem>>) target(%dma_start3A_159 : memref<128x64xf32, #tpu.memory_space<vmem_shared>>) target_semaphore(%run_scoped3A : memref<!tpu.dma_semaphore, #tpu.memory_space<semaphore_mem>>)
        %dma_wait3A = arith.constant 0 : i32
        %dma_wait3A_160 = tpu.memref_slice %arg15[%add3A_4, %dma_wait3A] : memref<10240x64xf32, #tpu.memory_space<vmem_shared>> -> memref<128x64xf32, #tpu.memory_space<vmem_shared>>
        %dma_wait3A_161 = arith.constant 0 : i32
        %dma_wait3A_162 = tpu.memref_slice %arg15[%add3A_4, %dma_wait3A_161] : memref<10240x64xf32, #tpu.memory_space<vmem_shared>> -> memref<128x64xf32, #tpu.memory_space<vmem_shared>>
        tpu.wait_dma2 semaphore(%run_scoped3A : memref<!tpu.dma_semaphore, #tpu.memory_space<semaphore_mem>>) src(%arg11 : memref<128x64xf32, #tpu.memory_space<vmem>>) dst(%dma_wait3A_162 : memref<128x64xf32, #tpu.memory_space<vmem_shared>>)
        tpu.yield
      }) : () -> ()
    } else {
    }
    %ne3A = arith.constant 0 : i32
    %ne3A_7 = arith.cmpi ne, %arg0, %ne3A : i32
    %convert_element_type3A_8 = arith.extui %ne3A_7 : i1 to i32
    %cond3A_9 = arith.constant 0 : i32
    %cond3A_10 = arith.cmpi ne, %convert_element_type3A_8, %cond3A_9 : i32
    scf.if %cond3A_10 {
      "tpu.region"() ({
        %run_scoped3A = tpu.sem_alloc : memref<!tpu.dma_semaphore, #tpu.memory_space<semaphore_mem>>
        %dma_start3A = arith.constant 0 : i32
        %dma_start3A_157 = tpu.memref_slice %arg4[%add3A_4, %dma_start3A] : memref<10240x64xf32, #tpu.memory_space<hbm>> -> memref<128x64xf32, #tpu.memory_space<hbm>>
        %dma_start3A_158 = arith.constant 0 : i32
        %dma_start3A_159 = tpu.memref_slice %arg4[%add3A_4, %dma_start3A_158] : memref<10240x64xf32, #tpu.memory_space<hbm>> -> memref<128x64xf32, #tpu.memory_space<hbm>>
        tpu.enqueue_dma source(%dma_start3A_159 : memref<128x64xf32, #tpu.memory_space<hbm>>) target(%arg11 : memref<128x64xf32, #tpu.memory_space<vmem>>) target_semaphore(%run_scoped3A : memref<!tpu.dma_semaphore, #tpu.memory_space<semaphore_mem>>)
        %dma_wait3A = arith.constant 0 : i32
        %dma_wait3A_160 = tpu.memref_slice %arg4[%add3A_4, %dma_wait3A] : memref<10240x64xf32, #tpu.memory_space<hbm>> -> memref<128x64xf32, #tpu.memory_space<hbm>>
        %dma_wait3A_161 = arith.constant 0 : i32
        %dma_wait3A_162 = tpu.memref_slice %arg4[%add3A_4, %dma_wait3A_161] : memref<10240x64xf32, #tpu.memory_space<hbm>> -> memref<128x64xf32, #tpu.memory_space<hbm>>
        tpu.wait_dma2 semaphore(%run_scoped3A : memref<!tpu.dma_semaphore, #tpu.memory_space<semaphore_mem>>) src(%dma_wait3A_162 : memref<128x64xf32, #tpu.memory_space<hbm>>) dst(%arg11 : memref<128x64xf32, #tpu.memory_space<vmem>>)
        tpu.yield
      }) : () -> ()
      "tpu.region"() ({
        %run_scoped3A = tpu.sem_alloc : memref<!tpu.dma_semaphore, #tpu.memory_space<semaphore_mem>>
        %dma_start3A = arith.constant 0 : i32
        %dma_start3A_157 = tpu.memref_slice %arg15[%add3A_4, %dma_start3A] : memref<10240x64xf32, #tpu.memory_space<vmem_shared>> -> memref<128x64xf32, #tpu.memory_space<vmem_shared>>
        %dma_start3A_158 = arith.constant 0 : i32
        %dma_start3A_159 = tpu.memref_slice %arg15[%add3A_4, %dma_start3A_158] : memref<10240x64xf32, #tpu.memory_space<vmem_shared>> -> memref<128x64xf32, #tpu.memory_space<vmem_shared>>
        tpu.enqueue_dma source(%arg11 : memref<128x64xf32, #tpu.memory_space<vmem>>) target(%dma_start3A_159 : memref<128x64xf32, #tpu.memory_space<vmem_shared>>) target_semaphore(%run_scoped3A : memref<!tpu.dma_semaphore, #tpu.memory_space<semaphore_mem>>)
        %dma_wait3A = arith.constant 0 : i32
        %dma_wait3A_160 = tpu.memref_slice %arg15[%add3A_4, %dma_wait3A] : memref<10240x64xf32, #tpu.memory_space<vmem_shared>> -> memref<128x64xf32, #tpu.memory_space<vmem_shared>>
        %dma_wait3A_161 = arith.constant 0 : i32
        %dma_wait3A_162 = tpu.memref_slice %arg15[%add3A_4, %dma_wait3A_161] : memref<10240x64xf32, #tpu.memory_space<vmem_shared>> -> memref<128x64xf32, #tpu.memory_space<vmem_shared>>
        tpu.wait_dma2 semaphore(%run_scoped3A : memref<!tpu.dma_semaphore, #tpu.memory_space<semaphore_mem>>) src(%arg11 : memref<128x64xf32, #tpu.memory_space<vmem>>) dst(%dma_wait3A_162 : memref<128x64xf32, #tpu.memory_space<vmem_shared>>)
        tpu.yield
      }) : () -> ()
    } else {
    }
    %add3A_11 = arith.constant 128 : i32
    %add3A_12 = arith.addi %mul3A_2, %add3A_11 : i32
    %eq3A_13 = arith.constant 0 : i32
    %eq3A_14 = arith.cmpi eq, %arg0, %eq3A_13 : i32
    %convert_element_type3A_15 = arith.extui %eq3A_14 : i1 to i32
    %cond3A_16 = arith.constant 0 : i32
    %cond3A_17 = arith.cmpi ne, %convert_element_type3A_15, %cond3A_16 : i32
    scf.if %cond3A_17 {
      "tpu.region"() ({
        %run_scoped3A = tpu.sem_alloc : memref<!tpu.dma_semaphore, #tpu.memory_space<semaphore_mem>>
        %dma_start3A = arith.constant 0 : i32
        %dma_start3A_157 = tpu.memref_slice %arg2[%add3A_12, %dma_start3A] : memref<10240x64xf32, #tpu.memory_space<hbm>> -> memref<128x64xf32, #tpu.memory_space<hbm>>
        %dma_start3A_158 = arith.constant 0 : i32
        %dma_start3A_159 = tpu.memref_slice %arg2[%add3A_12, %dma_start3A_158] : memref<10240x64xf32, #tpu.memory_space<hbm>> -> memref<128x64xf32, #tpu.memory_space<hbm>>
        tpu.enqueue_dma source(%dma_start3A_159 : memref<128x64xf32, #tpu.memory_space<hbm>>) target(%arg11 : memref<128x64xf32, #tpu.memory_space<vmem>>) target_semaphore(%run_scoped3A : memref<!tpu.dma_semaphore, #tpu.memory_space<semaphore_mem>>)
        %dma_wait3A = arith.constant 0 : i32
        %dma_wait3A_160 = tpu.memref_slice %arg2[%add3A_12, %dma_wait3A] : memref<10240x64xf32, #tpu.memory_space<hbm>> -> memref<128x64xf32, #tpu.memory_space<hbm>>
        %dma_wait3A_161 = arith.constant 0 : i32
        %dma_wait3A_162 = tpu.memref_slice %arg2[%add3A_12, %dma_wait3A_161] : memref<10240x64xf32, #tpu.memory_space<hbm>> -> memref<128x64xf32, #tpu.memory_space<hbm>>
        tpu.wait_dma2 semaphore(%run_scoped3A : memref<!tpu.dma_semaphore, #tpu.memory_space<semaphore_mem>>) src(%dma_wait3A_162 : memref<128x64xf32, #tpu.memory_space<hbm>>) dst(%arg11 : memref<128x64xf32, #tpu.memory_space<vmem>>)
        tpu.yield
      }) : () -> ()
      "tpu.region"() ({
        %run_scoped3A = tpu.sem_alloc : memref<!tpu.dma_semaphore, #tpu.memory_space<semaphore_mem>>
        %dma_start3A = arith.constant 0 : i32
        %dma_start3A_157 = tpu.memref_slice %arg15[%add3A_12, %dma_start3A] : memref<10240x64xf32, #tpu.memory_space<vmem_shared>> -> memref<128x64xf32, #tpu.memory_space<vmem_shared>>
        %dma_start3A_158 = arith.constant 0 : i32
        %dma_start3A_159 = tpu.memref_slice %arg15[%add3A_12, %dma_start3A_158] : memref<10240x64xf32, #tpu.memory_space<vmem_shared>> -> memref<128x64xf32, #tpu.memory_space<vmem_shared>>
        tpu.enqueue_dma source(%arg11 : memref<128x64xf32, #tpu.memory_space<vmem>>) target(%dma_start3A_159 : memref<128x64xf32, #tpu.memory_space<vmem_shared>>) target_semaphore(%run_scoped3A : memref<!tpu.dma_semaphore, #tpu.memory_space<semaphore_mem>>)
        %dma_wait3A = arith.constant 0 : i32
        %dma_wait3A_160 = tpu.memref_slice %arg15[%add3A_12, %dma_wait3A] : memref<10240x64xf32, #tpu.memory_space<vmem_shared>> -> memref<128x64xf32, #tpu.memory_space<vmem_shared>>
        %dma_wait3A_161 = arith.constant 0 : i32
        %dma_wait3A_162 = tpu.memref_slice %arg15[%add3A_12, %dma_wait3A_161] : memref<10240x64xf32, #tpu.memory_space<vmem_shared>> -> memref<128x64xf32, #tpu.memory_space<vmem_shared>>
        tpu.wait_dma2 semaphore(%run_scoped3A : memref<!tpu.dma_semaphore, #tpu.memory_space<semaphore_mem>>) src(%arg11 : memref<128x64xf32, #tpu.memory_space<vmem>>) dst(%dma_wait3A_162 : memref<128x64xf32, #tpu.memory_space<vmem_shared>>)
        tpu.yield
      }) : () -> ()
    } else {
    }
    %ne3A_18 = arith.constant 0 : i32
    %ne3A_19 = arith.cmpi ne, %arg0, %ne3A_18 : i32
    %convert_element_type3A_20 = arith.extui %ne3A_19 : i1 to i32
    %cond3A_21 = arith.constant 0 : i32
    %cond3A_22 = arith.cmpi ne, %convert_element_type3A_20, %cond3A_21 : i32
    scf.if %cond3A_22 {
      "tpu.region"() ({
        %run_scoped3A = tpu.sem_alloc : memref<!tpu.dma_semaphore, #tpu.memory_space<semaphore_mem>>
        %dma_start3A = arith.constant 0 : i32
        %dma_start3A_157 = tpu.memref_slice %arg4[%add3A_12, %dma_start3A] : memref<10240x64xf32, #tpu.memory_space<hbm>> -> memref<128x64xf32, #tpu.memory_space<hbm>>
        %dma_start3A_158 = arith.constant 0 : i32
        %dma_start3A_159 = tpu.memref_slice %arg4[%add3A_12, %dma_start3A_158] : memref<10240x64xf32, #tpu.memory_space<hbm>> -> memref<128x64xf32, #tpu.memory_space<hbm>>
        tpu.enqueue_dma source(%dma_start3A_159 : memref<128x64xf32, #tpu.memory_space<hbm>>) target(%arg11 : memref<128x64xf32, #tpu.memory_space<vmem>>) target_semaphore(%run_scoped3A : memref<!tpu.dma_semaphore, #tpu.memory_space<semaphore_mem>>)
        %dma_wait3A = arith.constant 0 : i32
        %dma_wait3A_160 = tpu.memref_slice %arg4[%add3A_12, %dma_wait3A] : memref<10240x64xf32, #tpu.memory_space<hbm>> -> memref<128x64xf32, #tpu.memory_space<hbm>>
        %dma_wait3A_161 = arith.constant 0 : i32
        %dma_wait3A_162 = tpu.memref_slice %arg4[%add3A_12, %dma_wait3A_161] : memref<10240x64xf32, #tpu.memory_space<hbm>> -> memref<128x64xf32, #tpu.memory_space<hbm>>
        tpu.wait_dma2 semaphore(%run_scoped3A : memref<!tpu.dma_semaphore, #tpu.memory_space<semaphore_mem>>) src(%dma_wait3A_162 : memref<128x64xf32, #tpu.memory_space<hbm>>) dst(%arg11 : memref<128x64xf32, #tpu.memory_space<vmem>>)
        tpu.yield
      }) : () -> ()
      "tpu.region"() ({
        %run_scoped3A = tpu.sem_alloc : memref<!tpu.dma_semaphore, #tpu.memory_space<semaphore_mem>>
        %dma_start3A = arith.constant 0 : i32
        %dma_start3A_157 = tpu.memref_slice %arg15[%add3A_12, %dma_start3A] : memref<10240x64xf32, #tpu.memory_space<vmem_shared>> -> memref<128x64xf32, #tpu.memory_space<vmem_shared>>
        %dma_start3A_158 = arith.constant 0 : i32
        %dma_start3A_159 = tpu.memref_slice %arg15[%add3A_12, %dma_start3A_158] : memref<10240x64xf32, #tpu.memory_space<vmem_shared>> -> memref<128x64xf32, #tpu.memory_space<vmem_shared>>
        tpu.enqueue_dma source(%arg11 : memref<128x64xf32, #tpu.memory_space<vmem>>) target(%dma_start3A_159 : memref<128x64xf32, #tpu.memory_space<vmem_shared>>) target_semaphore(%run_scoped3A : memref<!tpu.dma_semaphore, #tpu.memory_space<semaphore_mem>>)
        %dma_wait3A = arith.constant 0 : i32
        %dma_wait3A_160 = tpu.memref_slice %arg15[%add3A_12, %dma_wait3A] : memref<10240x64xf32, #tpu.memory_space<vmem_shared>> -> memref<128x64xf32, #tpu.memory_space<vmem_shared>>
        %dma_wait3A_161 = arith.constant 0 : i32
        %dma_wait3A_162 = tpu.memref_slice %arg15[%add3A_12, %dma_wait3A_161] : memref<10240x64xf32, #tpu.memory_space<vmem_shared>> -> memref<128x64xf32, #tpu.memory_space<vmem_shared>>
        tpu.wait_dma2 semaphore(%run_scoped3A : memref<!tpu.dma_semaphore, #tpu.memory_space<semaphore_mem>>) src(%arg11 : memref<128x64xf32, #tpu.memory_space<vmem>>) dst(%dma_wait3A_162 : memref<128x64xf32, #tpu.memory_space<vmem_shared>>)
        tpu.yield
      }) : () -> ()
    } else {
    }
    %add3A_23 = arith.constant 256 : i32
    %add3A_24 = arith.addi %mul3A_2, %add3A_23 : i32
    %eq3A_25 = arith.constant 0 : i32
    %eq3A_26 = arith.cmpi eq, %arg0, %eq3A_25 : i32
    %convert_element_type3A_27 = arith.extui %eq3A_26 : i1 to i32
    %cond3A_28 = arith.constant 0 : i32
    %cond3A_29 = arith.cmpi ne, %convert_element_type3A_27, %cond3A_28 : i32
    scf.if %cond3A_29 {
      "tpu.region"() ({
        %run_scoped3A = tpu.sem_alloc : memref<!tpu.dma_semaphore, #tpu.memory_space<semaphore_mem>>
        %dma_start3A = arith.constant 0 : i32
        %dma_start3A_157 = tpu.memref_slice %arg2[%add3A_24, %dma_start3A] : memref<10240x64xf32, #tpu.memory_space<hbm>> -> memref<128x64xf32, #tpu.memory_space<hbm>>
        %dma_start3A_158 = arith.constant 0 : i32
        %dma_start3A_159 = tpu.memref_slice %arg2[%add3A_24, %dma_start3A_158] : memref<10240x64xf32, #tpu.memory_space<hbm>> -> memref<128x64xf32, #tpu.memory_space<hbm>>
        tpu.enqueue_dma source(%dma_start3A_159 : memref<128x64xf32, #tpu.memory_space<hbm>>) target(%arg11 : memref<128x64xf32, #tpu.memory_space<vmem>>) target_semaphore(%run_scoped3A : memref<!tpu.dma_semaphore, #tpu.memory_space<semaphore_mem>>)
        %dma_wait3A = arith.constant 0 : i32
        %dma_wait3A_160 = tpu.memref_slice %arg2[%add3A_24, %dma_wait3A] : memref<10240x64xf32, #tpu.memory_space<hbm>> -> memref<128x64xf32, #tpu.memory_space<hbm>>
        %dma_wait3A_161 = arith.constant 0 : i32
        %dma_wait3A_162 = tpu.memref_slice %arg2[%add3A_24, %dma_wait3A_161] : memref<10240x64xf32, #tpu.memory_space<hbm>> -> memref<128x64xf32, #tpu.memory_space<hbm>>
        tpu.wait_dma2 semaphore(%run_scoped3A : memref<!tpu.dma_semaphore, #tpu.memory_space<semaphore_mem>>) src(%dma_wait3A_162 : memref<128x64xf32, #tpu.memory_space<hbm>>) dst(%arg11 : memref<128x64xf32, #tpu.memory_space<vmem>>)
        tpu.yield
      }) : () -> ()
      "tpu.region"() ({
        %run_scoped3A = tpu.sem_alloc : memref<!tpu.dma_semaphore, #tpu.memory_space<semaphore_mem>>
        %dma_start3A = arith.constant 0 : i32
        %dma_start3A_157 = tpu.memref_slice %arg15[%add3A_24, %dma_start3A] : memref<10240x64xf32, #tpu.memory_space<vmem_shared>> -> memref<128x64xf32, #tpu.memory_space<vmem_shared>>
        %dma_start3A_158 = arith.constant 0 : i32
        %dma_start3A_159 = tpu.memref_slice %arg15[%add3A_24, %dma_start3A_158] : memref<10240x64xf32, #tpu.memory_space<vmem_shared>> -> memref<128x64xf32, #tpu.memory_space<vmem_shared>>
        tpu.enqueue_dma source(%arg11 : memref<128x64xf32, #tpu.memory_space<vmem>>) target(%dma_start3A_159 : memref<128x64xf32, #tpu.memory_space<vmem_shared>>) target_semaphore(%run_scoped3A : memref<!tpu.dma_semaphore, #tpu.memory_space<semaphore_mem>>)
        %dma_wait3A = arith.constant 0 : i32
        %dma_wait3A_160 = tpu.memref_slice %arg15[%add3A_24, %dma_wait3A] : memref<10240x64xf32, #tpu.memory_space<vmem_shared>> -> memref<128x64xf32, #tpu.memory_space<vmem_shared>>
        %dma_wait3A_161 = arith.constant 0 : i32
        %dma_wait3A_162 = tpu.memref_slice %arg15[%add3A_24, %dma_wait3A_161] : memref<10240x64xf32, #tpu.memory_space<vmem_shared>> -> memref<128x64xf32, #tpu.memory_space<vmem_shared>>
        tpu.wait_dma2 semaphore(%run_scoped3A : memref<!tpu.dma_semaphore, #tpu.memory_space<semaphore_mem>>) src(%arg11 : memref<128x64xf32, #tpu.memory_space<vmem>>) dst(%dma_wait3A_162 : memref<128x64xf32, #tpu.memory_space<vmem_shared>>)
        tpu.yield
      }) : () -> ()
    } else {
    }
    %ne3A_30 = arith.constant 0 : i32
    %ne3A_31 = arith.cmpi ne, %arg0, %ne3A_30 : i32
    %convert_element_type3A_32 = arith.extui %ne3A_31 : i1 to i32
    %cond3A_33 = arith.constant 0 : i32
    %cond3A_34 = arith.cmpi ne, %convert_element_type3A_32, %cond3A_33 : i32
    scf.if %cond3A_34 {
      "tpu.region"() ({
        %run_scoped3A = tpu.sem_alloc : memref<!tpu.dma_semaphore, #tpu.memory_space<semaphore_mem>>
        %dma_start3A = arith.constant 0 : i32
        %dma_start3A_157 = tpu.memref_slice %arg4[%add3A_24, %dma_start3A] : memref<10240x64xf32, #tpu.memory_space<hbm>> -> memref<128x64xf32, #tpu.memory_space<hbm>>
        %dma_start3A_158 = arith.constant 0 : i32
        %dma_start3A_159 = tpu.memref_slice %arg4[%add3A_24, %dma_start3A_158] : memref<10240x64xf32, #tpu.memory_space<hbm>> -> memref<128x64xf32, #tpu.memory_space<hbm>>
        tpu.enqueue_dma source(%dma_start3A_159 : memref<128x64xf32, #tpu.memory_space<hbm>>) target(%arg11 : memref<128x64xf32, #tpu.memory_space<vmem>>) target_semaphore(%run_scoped3A : memref<!tpu.dma_semaphore, #tpu.memory_space<semaphore_mem>>)
        %dma_wait3A = arith.constant 0 : i32
        %dma_wait3A_160 = tpu.memref_slice %arg4[%add3A_24, %dma_wait3A] : memref<10240x64xf32, #tpu.memory_space<hbm>> -> memref<128x64xf32, #tpu.memory_space<hbm>>
        %dma_wait3A_161 = arith.constant 0 : i32
        %dma_wait3A_162 = tpu.memref_slice %arg4[%add3A_24, %dma_wait3A_161] : memref<10240x64xf32, #tpu.memory_space<hbm>> -> memref<128x64xf32, #tpu.memory_space<hbm>>
        tpu.wait_dma2 semaphore(%run_scoped3A : memref<!tpu.dma_semaphore, #tpu.memory_space<semaphore_mem>>) src(%dma_wait3A_162 : memref<128x64xf32, #tpu.memory_space<hbm>>) dst(%arg11 : memref<128x64xf32, #tpu.memory_space<vmem>>)
        tpu.yield
      }) : () -> ()
      "tpu.region"() ({
        %run_scoped3A = tpu.sem_alloc : memref<!tpu.dma_semaphore, #tpu.memory_space<semaphore_mem>>
        %dma_start3A = arith.constant 0 : i32
        %dma_start3A_157 = tpu.memref_slice %arg15[%add3A_24, %dma_start3A] : memref<10240x64xf32, #tpu.memory_space<vmem_shared>> -> memref<128x64xf32, #tpu.memory_space<vmem_shared>>
        %dma_start3A_158 = arith.constant 0 : i32
        %dma_start3A_159 = tpu.memref_slice %arg15[%add3A_24, %dma_start3A_158] : memref<10240x64xf32, #tpu.memory_space<vmem_shared>> -> memref<128x64xf32, #tpu.memory_space<vmem_shared>>
        tpu.enqueue_dma source(%arg11 : memref<128x64xf32, #tpu.memory_space<vmem>>) target(%dma_start3A_159 : memref<128x64xf32, #tpu.memory_space<vmem_shared>>) target_semaphore(%run_scoped3A : memref<!tpu.dma_semaphore, #tpu.memory_space<semaphore_mem>>)
        %dma_wait3A = arith.constant 0 : i32
        %dma_wait3A_160 = tpu.memref_slice %arg15[%add3A_24, %dma_wait3A] : memref<10240x64xf32, #tpu.memory_space<vmem_shared>> -> memref<128x64xf32, #tpu.memory_space<vmem_shared>>
        %dma_wait3A_161 = arith.constant 0 : i32
        %dma_wait3A_162 = tpu.memref_slice %arg15[%add3A_24, %dma_wait3A_161] : memref<10240x64xf32, #tpu.memory_space<vmem_shared>> -> memref<128x64xf32, #tpu.memory_space<vmem_shared>>
        tpu.wait_dma2 semaphore(%run_scoped3A : memref<!tpu.dma_semaphore, #tpu.memory_space<semaphore_mem>>) src(%arg11 : memref<128x64xf32, #tpu.memory_space<vmem>>) dst(%dma_wait3A_162 : memref<128x64xf32, #tpu.memory_space<vmem_shared>>)
        tpu.yield
      }) : () -> ()
    } else {
    }
    %add3A_35 = arith.constant 384 : i32
    %add3A_36 = arith.addi %mul3A_2, %add3A_35 : i32
    %eq3A_37 = arith.constant 0 : i32
    %eq3A_38 = arith.cmpi eq, %arg0, %eq3A_37 : i32
    %convert_element_type3A_39 = arith.extui %eq3A_38 : i1 to i32
    %cond3A_40 = arith.constant 0 : i32
    %cond3A_41 = arith.cmpi ne, %convert_element_type3A_39, %cond3A_40 : i32
    scf.if %cond3A_41 {
      "tpu.region"() ({
        %run_scoped3A = tpu.sem_alloc : memref<!tpu.dma_semaphore, #tpu.memory_space<semaphore_mem>>
        %dma_start3A = arith.constant 0 : i32
        %dma_start3A_157 = tpu.memref_slice %arg2[%add3A_36, %dma_start3A] : memref<10240x64xf32, #tpu.memory_space<hbm>> -> memref<128x64xf32, #tpu.memory_space<hbm>>
        %dma_start3A_158 = arith.constant 0 : i32
        %dma_start3A_159 = tpu.memref_slice %arg2[%add3A_36, %dma_start3A_158] : memref<10240x64xf32, #tpu.memory_space<hbm>> -> memref<128x64xf32, #tpu.memory_space<hbm>>
        tpu.enqueue_dma source(%dma_start3A_159 : memref<128x64xf32, #tpu.memory_space<hbm>>) target(%arg11 : memref<128x64xf32, #tpu.memory_space<vmem>>) target_semaphore(%run_scoped3A : memref<!tpu.dma_semaphore, #tpu.memory_space<semaphore_mem>>)
        %dma_wait3A = arith.constant 0 : i32
        %dma_wait3A_160 = tpu.memref_slice %arg2[%add3A_36, %dma_wait3A] : memref<10240x64xf32, #tpu.memory_space<hbm>> -> memref<128x64xf32, #tpu.memory_space<hbm>>
        %dma_wait3A_161 = arith.constant 0 : i32
        %dma_wait3A_162 = tpu.memref_slice %arg2[%add3A_36, %dma_wait3A_161] : memref<10240x64xf32, #tpu.memory_space<hbm>> -> memref<128x64xf32, #tpu.memory_space<hbm>>
        tpu.wait_dma2 semaphore(%run_scoped3A : memref<!tpu.dma_semaphore, #tpu.memory_space<semaphore_mem>>) src(%dma_wait3A_162 : memref<128x64xf32, #tpu.memory_space<hbm>>) dst(%arg11 : memref<128x64xf32, #tpu.memory_space<vmem>>)
        tpu.yield
      }) : () -> ()
      "tpu.region"() ({
        %run_scoped3A = tpu.sem_alloc : memref<!tpu.dma_semaphore, #tpu.memory_space<semaphore_mem>>
        %dma_start3A = arith.constant 0 : i32
        %dma_start3A_157 = tpu.memref_slice %arg15[%add3A_36, %dma_start3A] : memref<10240x64xf32, #tpu.memory_space<vmem_shared>> -> memref<128x64xf32, #tpu.memory_space<vmem_shared>>
        %dma_start3A_158 = arith.constant 0 : i32
        %dma_start3A_159 = tpu.memref_slice %arg15[%add3A_36, %dma_start3A_158] : memref<10240x64xf32, #tpu.memory_space<vmem_shared>> -> memref<128x64xf32, #tpu.memory_space<vmem_shared>>
        tpu.enqueue_dma source(%arg11 : memref<128x64xf32, #tpu.memory_space<vmem>>) target(%dma_start3A_159 : memref<128x64xf32, #tpu.memory_space<vmem_shared>>) target_semaphore(%run_scoped3A : memref<!tpu.dma_semaphore, #tpu.memory_space<semaphore_mem>>)
        %dma_wait3A = arith.constant 0 : i32
        %dma_wait3A_160 = tpu.memref_slice %arg15[%add3A_36, %dma_wait3A] : memref<10240x64xf32, #tpu.memory_space<vmem_shared>> -> memref<128x64xf32, #tpu.memory_space<vmem_shared>>
        %dma_wait3A_161 = arith.constant 0 : i32
        %dma_wait3A_162 = tpu.memref_slice %arg15[%add3A_36, %dma_wait3A_161] : memref<10240x64xf32, #tpu.memory_space<vmem_shared>> -> memref<128x64xf32, #tpu.memory_space<vmem_shared>>
        tpu.wait_dma2 semaphore(%run_scoped3A : memref<!tpu.dma_semaphore, #tpu.memory_space<semaphore_mem>>) src(%arg11 : memref<128x64xf32, #tpu.memory_space<vmem>>) dst(%dma_wait3A_162 : memref<128x64xf32, #tpu.memory_space<vmem_shared>>)
        tpu.yield
      }) : () -> ()
    } else {
    }
    %ne3A_42 = arith.constant 0 : i32
    %ne3A_43 = arith.cmpi ne, %arg0, %ne3A_42 : i32
    %convert_element_type3A_44 = arith.extui %ne3A_43 : i1 to i32
    %cond3A_45 = arith.constant 0 : i32
    %cond3A_46 = arith.cmpi ne, %convert_element_type3A_44, %cond3A_45 : i32
    scf.if %cond3A_46 {
      "tpu.region"() ({
        %run_scoped3A = tpu.sem_alloc : memref<!tpu.dma_semaphore, #tpu.memory_space<semaphore_mem>>
        %dma_start3A = arith.constant 0 : i32
        %dma_start3A_157 = tpu.memref_slice %arg4[%add3A_36, %dma_start3A] : memref<10240x64xf32, #tpu.memory_space<hbm>> -> memref<128x64xf32, #tpu.memory_space<hbm>>
        %dma_start3A_158 = arith.constant 0 : i32
        %dma_start3A_159 = tpu.memref_slice %arg4[%add3A_36, %dma_start3A_158] : memref<10240x64xf32, #tpu.memory_space<hbm>> -> memref<128x64xf32, #tpu.memory_space<hbm>>
        tpu.enqueue_dma source(%dma_start3A_159 : memref<128x64xf32, #tpu.memory_space<hbm>>) target(%arg11 : memref<128x64xf32, #tpu.memory_space<vmem>>) target_semaphore(%run_scoped3A : memref<!tpu.dma_semaphore, #tpu.memory_space<semaphore_mem>>)
        %dma_wait3A = arith.constant 0 : i32
        %dma_wait3A_160 = tpu.memref_slice %arg4[%add3A_36, %dma_wait3A] : memref<10240x64xf32, #tpu.memory_space<hbm>> -> memref<128x64xf32, #tpu.memory_space<hbm>>
        %dma_wait3A_161 = arith.constant 0 : i32
        %dma_wait3A_162 = tpu.memref_slice %arg4[%add3A_36, %dma_wait3A_161] : memref<10240x64xf32, #tpu.memory_space<hbm>> -> memref<128x64xf32, #tpu.memory_space<hbm>>
        tpu.wait_dma2 semaphore(%run_scoped3A : memref<!tpu.dma_semaphore, #tpu.memory_space<semaphore_mem>>) src(%dma_wait3A_162 : memref<128x64xf32, #tpu.memory_space<hbm>>) dst(%arg11 : memref<128x64xf32, #tpu.memory_space<vmem>>)
        tpu.yield
      }) : () -> ()
      "tpu.region"() ({
        %run_scoped3A = tpu.sem_alloc : memref<!tpu.dma_semaphore, #tpu.memory_space<semaphore_mem>>
        %dma_start3A = arith.constant 0 : i32
        %dma_start3A_157 = tpu.memref_slice %arg15[%add3A_36, %dma_start3A] : memref<10240x64xf32, #tpu.memory_space<vmem_shared>> -> memref<128x64xf32, #tpu.memory_space<vmem_shared>>
        %dma_start3A_158 = arith.constant 0 : i32
        %dma_start3A_159 = tpu.memref_slice %arg15[%add3A_36, %dma_start3A_158] : memref<10240x64xf32, #tpu.memory_space<vmem_shared>> -> memref<128x64xf32, #tpu.memory_space<vmem_shared>>
        tpu.enqueue_dma source(%arg11 : memref<128x64xf32, #tpu.memory_space<vmem>>) target(%dma_start3A_159 : memref<128x64xf32, #tpu.memory_space<vmem_shared>>) target_semaphore(%run_scoped3A : memref<!tpu.dma_semaphore, #tpu.memory_space<semaphore_mem>>)
        %dma_wait3A = arith.constant 0 : i32
        %dma_wait3A_160 = tpu.memref_slice %arg15[%add3A_36, %dma_wait3A] : memref<10240x64xf32, #tpu.memory_space<vmem_shared>> -> memref<128x64xf32, #tpu.memory_space<vmem_shared>>
        %dma_wait3A_161 = arith.constant 0 : i32
        %dma_wait3A_162 = tpu.memref_slice %arg15[%add3A_36, %dma_wait3A_161] : memref<10240x64xf32, #tpu.memory_space<vmem_shared>> -> memref<128x64xf32, #tpu.memory_space<vmem_shared>>
        tpu.wait_dma2 semaphore(%run_scoped3A : memref<!tpu.dma_semaphore, #tpu.memory_space<semaphore_mem>>) src(%arg11 : memref<128x64xf32, #tpu.memory_space<vmem>>) dst(%dma_wait3A_162 : memref<128x64xf32, #tpu.memory_space<vmem_shared>>)
        tpu.yield
      }) : () -> ()
    } else {
    }
    %add3A_47 = arith.constant 512 : i32
    %add3A_48 = arith.addi %mul3A_2, %add3A_47 : i32
    %eq3A_49 = arith.constant 0 : i32
    %eq3A_50 = arith.cmpi eq, %arg0, %eq3A_49 : i32
    %convert_element_type3A_51 = arith.extui %eq3A_50 : i1 to i32
    %cond3A_52 = arith.constant 0 : i32
    %cond3A_53 = arith.cmpi ne, %convert_element_type3A_51, %cond3A_52 : i32
    scf.if %cond3A_53 {
      "tpu.region"() ({
        %run_scoped3A = tpu.sem_alloc : memref<!tpu.dma_semaphore, #tpu.memory_space<semaphore_mem>>
        %dma_start3A = arith.constant 0 : i32
        %dma_start3A_157 = tpu.memref_slice %arg2[%add3A_48, %dma_start3A] : memref<10240x64xf32, #tpu.memory_space<hbm>> -> memref<128x64xf32, #tpu.memory_space<hbm>>
        %dma_start3A_158 = arith.constant 0 : i32
        %dma_start3A_159 = tpu.memref_slice %arg2[%add3A_48, %dma_start3A_158] : memref<10240x64xf32, #tpu.memory_space<hbm>> -> memref<128x64xf32, #tpu.memory_space<hbm>>
        tpu.enqueue_dma source(%dma_start3A_159 : memref<128x64xf32, #tpu.memory_space<hbm>>) target(%arg11 : memref<128x64xf32, #tpu.memory_space<vmem>>) target_semaphore(%run_scoped3A : memref<!tpu.dma_semaphore, #tpu.memory_space<semaphore_mem>>)
        %dma_wait3A = arith.constant 0 : i32
        %dma_wait3A_160 = tpu.memref_slice %arg2[%add3A_48, %dma_wait3A] : memref<10240x64xf32, #tpu.memory_space<hbm>> -> memref<128x64xf32, #tpu.memory_space<hbm>>
        %dma_wait3A_161 = arith.constant 0 : i32
        %dma_wait3A_162 = tpu.memref_slice %arg2[%add3A_48, %dma_wait3A_161] : memref<10240x64xf32, #tpu.memory_space<hbm>> -> memref<128x64xf32, #tpu.memory_space<hbm>>
        tpu.wait_dma2 semaphore(%run_scoped3A : memref<!tpu.dma_semaphore, #tpu.memory_space<semaphore_mem>>) src(%dma_wait3A_162 : memref<128x64xf32, #tpu.memory_space<hbm>>) dst(%arg11 : memref<128x64xf32, #tpu.memory_space<vmem>>)
        tpu.yield
      }) : () -> ()
      "tpu.region"() ({
        %run_scoped3A = tpu.sem_alloc : memref<!tpu.dma_semaphore, #tpu.memory_space<semaphore_mem>>
        %dma_start3A = arith.constant 0 : i32
        %dma_start3A_157 = tpu.memref_slice %arg15[%add3A_48, %dma_start3A] : memref<10240x64xf32, #tpu.memory_space<vmem_shared>> -> memref<128x64xf32, #tpu.memory_space<vmem_shared>>
        %dma_start3A_158 = arith.constant 0 : i32
        %dma_start3A_159 = tpu.memref_slice %arg15[%add3A_48, %dma_start3A_158] : memref<10240x64xf32, #tpu.memory_space<vmem_shared>> -> memref<128x64xf32, #tpu.memory_space<vmem_shared>>
        tpu.enqueue_dma source(%arg11 : memref<128x64xf32, #tpu.memory_space<vmem>>) target(%dma_start3A_159 : memref<128x64xf32, #tpu.memory_space<vmem_shared>>) target_semaphore(%run_scoped3A : memref<!tpu.dma_semaphore, #tpu.memory_space<semaphore_mem>>)
        %dma_wait3A = arith.constant 0 : i32
        %dma_wait3A_160 = tpu.memref_slice %arg15[%add3A_48, %dma_wait3A] : memref<10240x64xf32, #tpu.memory_space<vmem_shared>> -> memref<128x64xf32, #tpu.memory_space<vmem_shared>>
        %dma_wait3A_161 = arith.constant 0 : i32
        %dma_wait3A_162 = tpu.memref_slice %arg15[%add3A_48, %dma_wait3A_161] : memref<10240x64xf32, #tpu.memory_space<vmem_shared>> -> memref<128x64xf32, #tpu.memory_space<vmem_shared>>
        tpu.wait_dma2 semaphore(%run_scoped3A : memref<!tpu.dma_semaphore, #tpu.memory_space<semaphore_mem>>) src(%arg11 : memref<128x64xf32, #tpu.memory_space<vmem>>) dst(%dma_wait3A_162 : memref<128x64xf32, #tpu.memory_space<vmem_shared>>)
        tpu.yield
      }) : () -> ()
    } else {
    }
    %ne3A_54 = arith.constant 0 : i32
    %ne3A_55 = arith.cmpi ne, %arg0, %ne3A_54 : i32
    %convert_element_type3A_56 = arith.extui %ne3A_55 : i1 to i32
    %cond3A_57 = arith.constant 0 : i32
    %cond3A_58 = arith.cmpi ne, %convert_element_type3A_56, %cond3A_57 : i32
    scf.if %cond3A_58 {
      "tpu.region"() ({
        %run_scoped3A = tpu.sem_alloc : memref<!tpu.dma_semaphore, #tpu.memory_space<semaphore_mem>>
        %dma_start3A = arith.constant 0 : i32
        %dma_start3A_157 = tpu.memref_slice %arg4[%add3A_48, %dma_start3A] : memref<10240x64xf32, #tpu.memory_space<hbm>> -> memref<128x64xf32, #tpu.memory_space<hbm>>
        %dma_start3A_158 = arith.constant 0 : i32
        %dma_start3A_159 = tpu.memref_slice %arg4[%add3A_48, %dma_start3A_158] : memref<10240x64xf32, #tpu.memory_space<hbm>> -> memref<128x64xf32, #tpu.memory_space<hbm>>
        tpu.enqueue_dma source(%dma_start3A_159 : memref<128x64xf32, #tpu.memory_space<hbm>>) target(%arg11 : memref<128x64xf32, #tpu.memory_space<vmem>>) target_semaphore(%run_scoped3A : memref<!tpu.dma_semaphore, #tpu.memory_space<semaphore_mem>>)
        %dma_wait3A = arith.constant 0 : i32
        %dma_wait3A_160 = tpu.memref_slice %arg4[%add3A_48, %dma_wait3A] : memref<10240x64xf32, #tpu.memory_space<hbm>> -> memref<128x64xf32, #tpu.memory_space<hbm>>
        %dma_wait3A_161 = arith.constant 0 : i32
        %dma_wait3A_162 = tpu.memref_slice %arg4[%add3A_48, %dma_wait3A_161] : memref<10240x64xf32, #tpu.memory_space<hbm>> -> memref<128x64xf32, #tpu.memory_space<hbm>>
        tpu.wait_dma2 semaphore(%run_scoped3A : memref<!tpu.dma_semaphore, #tpu.memory_space<semaphore_mem>>) src(%dma_wait3A_162 : memref<128x64xf32, #tpu.memory_space<hbm>>) dst(%arg11 : memref<128x64xf32, #tpu.memory_space<vmem>>)
        tpu.yield
      }) : () -> ()
      "tpu.region"() ({
        %run_scoped3A = tpu.sem_alloc : memref<!tpu.dma_semaphore, #tpu.memory_space<semaphore_mem>>
        %dma_start3A = arith.constant 0 : i32
        %dma_start3A_157 = tpu.memref_slice %arg15[%add3A_48, %dma_start3A] : memref<10240x64xf32, #tpu.memory_space<vmem_shared>> -> memref<128x64xf32, #tpu.memory_space<vmem_shared>>
        %dma_start3A_158 = arith.constant 0 : i32
        %dma_start3A_159 = tpu.memref_slice %arg15[%add3A_48, %dma_start3A_158] : memref<10240x64xf32, #tpu.memory_space<vmem_shared>> -> memref<128x64xf32, #tpu.memory_space<vmem_shared>>
        tpu.enqueue_dma source(%arg11 : memref<128x64xf32, #tpu.memory_space<vmem>>) target(%dma_start3A_159 : memref<128x64xf32, #tpu.memory_space<vmem_shared>>) target_semaphore(%run_scoped3A : memref<!tpu.dma_semaphore, #tpu.memory_space<semaphore_mem>>)
        %dma_wait3A = arith.constant 0 : i32
        %dma_wait3A_160 = tpu.memref_slice %arg15[%add3A_48, %dma_wait3A] : memref<10240x64xf32, #tpu.memory_space<vmem_shared>> -> memref<128x64xf32, #tpu.memory_space<vmem_shared>>
        %dma_wait3A_161 = arith.constant 0 : i32
        %dma_wait3A_162 = tpu.memref_slice %arg15[%add3A_48, %dma_wait3A_161] : memref<10240x64xf32, #tpu.memory_space<vmem_shared>> -> memref<128x64xf32, #tpu.memory_space<vmem_shared>>
        tpu.wait_dma2 semaphore(%run_scoped3A : memref<!tpu.dma_semaphore, #tpu.memory_space<semaphore_mem>>) src(%arg11 : memref<128x64xf32, #tpu.memory_space<vmem>>) dst(%dma_wait3A_162 : memref<128x64xf32, #tpu.memory_space<vmem_shared>>)
        tpu.yield
      }) : () -> ()
    } else {
    }
    %barrier3A = arith.constant 0 : index
    tpu.barrier barrier_id(%barrier3A)
    %scan3A = arith.constant 0 : i32
    %scan3A_59 = arith.constant 0 : i32
    %scan3A_60 = arith.constant 20 : i32
    %scan3A_61 = arith.addi %scan3A_59, %scan3A_60 : i32
    %scan3A_62 = arith.constant 1 : i32
    %scan3A_63 = scf.for %scan3A_157 = %scan3A_59 to %scan3A_61 step %scan3A_62 iter_args(%scan3A_158 = %scan3A) -> (i32)  : i32 {
      %mul3A_159 = arith.constant 4 : i32
      %mul3A_160 = arith.muli %scan3A_157, %mul3A_159 : i32
      %add3A_161 = arith.constant 0 : i32
      %add3A_162 = arith.addi %mul3A_160, %add3A_161 : i32
      %dma_start3A = arith.constant 0 : i32
      %dma_start3A_163 = tpu.memref_slice %arg9[%add3A_162, %dma_start3A] : memref<80x128xi32, #tpu.memory_space<vmem>> -> memref<1x128xi32, #tpu.memory_space<vmem>>
      %dma_start3A_164 = tpu.memref_squeeze %dma_start3A_163 : memref<1x128xi32, #tpu.memory_space<vmem>> -> memref<128xi32, #tpu.memory_space<vmem>>
      %dma_start3A_165 = arith.constant 0 : i32
      %dma_start3A_166 = arith.constant 0 : i32
      %dma_start3A_167 = tpu.memref_slice %arg2[%dma_start3A_165, %dma_start3A_166] : memref<10240x64xf32, #tpu.memory_space<hbm>> -> memref<10240x64xf32, #tpu.memory_space<hbm>>
      tpu.enqueue_indirect_dma source(%dma_start3A_167 : memref<10240x64xf32, #tpu.memory_space<hbm>>) target(%arg11 : memref<128x64xf32, #tpu.memory_space<vmem>>) offsets(%dma_start3A_164 : memref<128xi32, #tpu.memory_space<vmem>>) semaphore(%arg16 : memref<!tpu.dma_semaphore, #tpu.memory_space<semaphore_mem>>)
      %mul3A_168 = arith.constant 4 : i32
      %mul3A_169 = arith.muli %scan3A_157, %mul3A_168 : i32
      %add3A_170 = arith.constant 1 : i32
      %add3A_171 = arith.addi %mul3A_169, %add3A_170 : i32
      %dma_start3A_172 = arith.constant 0 : i32
      %dma_start3A_173 = tpu.memref_slice %arg9[%add3A_171, %dma_start3A_172] : memref<80x128xi32, #tpu.memory_space<vmem>> -> memref<1x128xi32, #tpu.memory_space<vmem>>
      %dma_start3A_174 = tpu.memref_squeeze %dma_start3A_173 : memref<1x128xi32, #tpu.memory_space<vmem>> -> memref<128xi32, #tpu.memory_space<vmem>>
      %dma_start3A_175 = arith.constant 0 : i32
      %dma_start3A_176 = arith.constant 0 : i32
      %dma_start3A_177 = tpu.memref_slice %arg2[%dma_start3A_175, %dma_start3A_176] : memref<10240x64xf32, #tpu.memory_space<hbm>> -> memref<10240x64xf32, #tpu.memory_space<hbm>>
      tpu.enqueue_indirect_dma source(%dma_start3A_177 : memref<10240x64xf32, #tpu.memory_space<hbm>>) target(%arg12 : memref<128x64xf32, #tpu.memory_space<vmem>>) offsets(%dma_start3A_174 : memref<128xi32, #tpu.memory_space<vmem>>) semaphore(%arg17 : memref<!tpu.dma_semaphore, #tpu.memory_space<semaphore_mem>>)
      %mul3A_178 = arith.constant 4 : i32
      %mul3A_179 = arith.muli %scan3A_157, %mul3A_178 : i32
      %add3A_180 = arith.constant 2 : i32
      %add3A_181 = arith.addi %mul3A_179, %add3A_180 : i32
      %dma_start3A_182 = arith.constant 0 : i32
      %dma_start3A_183 = tpu.memref_slice %arg9[%add3A_181, %dma_start3A_182] : memref<80x128xi32, #tpu.memory_space<vmem>> -> memref<1x128xi32, #tpu.memory_space<vmem>>
      %dma_start3A_184 = tpu.memref_squeeze %dma_start3A_183 : memref<1x128xi32, #tpu.memory_space<vmem>> -> memref<128xi32, #tpu.memory_space<vmem>>
      %dma_start3A_185 = arith.constant 0 : i32
      %dma_start3A_186 = arith.constant 0 : i32
      %dma_start3A_187 = tpu.memref_slice %arg2[%dma_start3A_185, %dma_start3A_186] : memref<10240x64xf32, #tpu.memory_space<hbm>> -> memref<10240x64xf32, #tpu.memory_space<hbm>>
      tpu.enqueue_indirect_dma source(%dma_start3A_187 : memref<10240x64xf32, #tpu.memory_space<hbm>>) target(%arg13 : memref<128x64xf32, #tpu.memory_space<vmem>>) offsets(%dma_start3A_184 : memref<128xi32, #tpu.memory_space<vmem>>) semaphore(%arg18 : memref<!tpu.dma_semaphore, #tpu.memory_space<semaphore_mem>>)
      %mul3A_188 = arith.constant 4 : i32
      %mul3A_189 = arith.muli %scan3A_157, %mul3A_188 : i32
      %add3A_190 = arith.constant 3 : i32
      %add3A_191 = arith.addi %mul3A_189, %add3A_190 : i32
      %dma_start3A_192 = arith.constant 0 : i32
      %dma_start3A_193 = tpu.memref_slice %arg9[%add3A_191, %dma_start3A_192] : memref<80x128xi32, #tpu.memory_space<vmem>> -> memref<1x128xi32, #tpu.memory_space<vmem>>
      %dma_start3A_194 = tpu.memref_squeeze %dma_start3A_193 : memref<1x128xi32, #tpu.memory_space<vmem>> -> memref<128xi32, #tpu.memory_space<vmem>>
      %dma_start3A_195 = arith.constant 0 : i32
      %dma_start3A_196 = arith.constant 0 : i32
      %dma_start3A_197 = tpu.memref_slice %arg2[%dma_start3A_195, %dma_start3A_196] : memref<10240x64xf32, #tpu.memory_space<hbm>> -> memref<10240x64xf32, #tpu.memory_space<hbm>>
      tpu.enqueue_indirect_dma source(%dma_start3A_197 : memref<10240x64xf32, #tpu.memory_space<hbm>>) target(%arg14 : memref<128x64xf32, #tpu.memory_space<vmem>>) offsets(%dma_start3A_194 : memref<128xi32, #tpu.memory_space<vmem>>) semaphore(%arg19 : memref<!tpu.dma_semaphore, #tpu.memory_space<semaphore_mem>>)
      %dma_wait3A = arith.constant 0 : i32
      %dma_wait3A_198 = tpu.memref_slice %arg9[%add3A_162, %dma_wait3A] : memref<80x128xi32, #tpu.memory_space<vmem>> -> memref<1x128xi32, #tpu.memory_space<vmem>>
      %dma_wait3A_199 = tpu.memref_squeeze %dma_wait3A_198 : memref<1x128xi32, #tpu.memory_space<vmem>> -> memref<128xi32, #tpu.memory_space<vmem>>
      %dma_wait3A_200 = arith.constant 0 : i32
      %dma_wait3A_201 = arith.constant 0 : i32
      %dma_wait3A_202 = tpu.memref_slice %arg2[%dma_wait3A_200, %dma_wait3A_201] : memref<10240x64xf32, #tpu.memory_space<hbm>> -> memref<10240x64xf32, #tpu.memory_space<hbm>>
      tpu.wait_indirect_dma semaphore(%arg16 : memref<!tpu.dma_semaphore, #tpu.memory_space<semaphore_mem>>) src(%dma_wait3A_202 : memref<10240x64xf32, #tpu.memory_space<hbm>>) dst(%arg11 : memref<128x64xf32, #tpu.memory_space<vmem>>)
      %mul3A_203 = arith.constant 4 : i32
      %mul3A_204 = arith.muli %scan3A_157, %mul3A_203 : i32
      %add3A_205 = arith.constant 0 : i32
      %add3A_206 = arith.addi %mul3A_204, %add3A_205 : i32
      "tpu.region"() ({
        %run_scoped3A = tpu.sem_alloc : memref<!tpu.dma_semaphore, #tpu.memory_space<semaphore_mem>>
        %dma_start3A_238 = arith.constant 0 : i32
        %dma_start3A_239 = tpu.memref_slice %arg10[%add3A_206, %dma_start3A_238] : memref<80x128xi32, #tpu.memory_space<vmem>> -> memref<1x128xi32, #tpu.memory_space<vmem>>
        %dma_start3A_240 = tpu.memref_squeeze %dma_start3A_239 : memref<1x128xi32, #tpu.memory_space<vmem>> -> memref<128xi32, #tpu.memory_space<vmem>>
        %dma_start3A_241 = arith.constant 0 : i32
        %dma_start3A_242 = arith.constant 0 : i32
        %dma_start3A_243 = tpu.memref_slice %arg15[%dma_start3A_241, %dma_start3A_242] : memref<10240x64xf32, #tpu.memory_space<vmem_shared>> -> memref<10240x64xf32, #tpu.memory_space<vmem_shared>>
        tpu.enqueue_indirect_dma source(%arg11 : memref<128x64xf32, #tpu.memory_space<vmem>>) target(%dma_start3A_243 : memref<10240x64xf32, #tpu.memory_space<vmem_shared>>) offsets(%dma_start3A_240 : memref<128xi32, #tpu.memory_space<vmem>>) semaphore(%run_scoped3A : memref<!tpu.dma_semaphore, #tpu.memory_space<semaphore_mem>>) {add = true}
        %dma_wait3A_244 = arith.constant 0 : i32
        %dma_wait3A_245 = tpu.memref_slice %arg10[%add3A_206, %dma_wait3A_244] : memref<80x128xi32, #tpu.memory_space<vmem>> -> memref<1x128xi32, #tpu.memory_space<vmem>>
        %dma_wait3A_246 = tpu.memref_squeeze %dma_wait3A_245 : memref<1x128xi32, #tpu.memory_space<vmem>> -> memref<128xi32, #tpu.memory_space<vmem>>
        %dma_wait3A_247 = arith.constant 0 : i32
        %dma_wait3A_248 = arith.constant 0 : i32
        %dma_wait3A_249 = tpu.memref_slice %arg15[%dma_wait3A_247, %dma_wait3A_248] : memref<10240x64xf32, #tpu.memory_space<vmem_shared>> -> memref<10240x64xf32, #tpu.memory_space<vmem_shared>>
        tpu.wait_indirect_dma semaphore(%run_scoped3A : memref<!tpu.dma_semaphore, #tpu.memory_space<semaphore_mem>>) src(%arg11 : memref<128x64xf32, #tpu.memory_space<vmem>>) dst(%dma_wait3A_249 : memref<10240x64xf32, #tpu.memory_space<vmem_shared>>)
        tpu.yield
      }) : () -> ()
      %dma_wait3A_207 = arith.constant 0 : i32
      %dma_wait3A_208 = tpu.memref_slice %arg9[%add3A_171, %dma_wait3A_207] : memref<80x128xi32, #tpu.memory_space<vmem>> -> memref<1x128xi32, #tpu.memory_space<vmem>>
      %dma_wait3A_209 = tpu.memref_squeeze %dma_wait3A_208 : memref<1x128xi32, #tpu.memory_space<vmem>> -> memref<128xi32, #tpu.memory_space<vmem>>
      %dma_wait3A_210 = arith.constant 0 : i32
      %dma_wait3A_211 = arith.constant 0 : i32
      %dma_wait3A_212 = tpu.memref_slice %arg2[%dma_wait3A_210, %dma_wait3A_211] : memref<10240x64xf32, #tpu.memory_space<hbm>> -> memref<10240x64xf32, #tpu.memory_space<hbm>>
      tpu.wait_indirect_dma semaphore(%arg17 : memref<!tpu.dma_semaphore, #tpu.memory_space<semaphore_mem>>) src(%dma_wait3A_212 : memref<10240x64xf32, #tpu.memory_space<hbm>>) dst(%arg12 : memref<128x64xf32, #tpu.memory_space<vmem>>)
      %mul3A_213 = arith.constant 4 : i32
      %mul3A_214 = arith.muli %scan3A_157, %mul3A_213 : i32
      %add3A_215 = arith.constant 1 : i32
      %add3A_216 = arith.addi %mul3A_214, %add3A_215 : i32
      "tpu.region"() ({
        %run_scoped3A = tpu.sem_alloc : memref<!tpu.dma_semaphore, #tpu.memory_space<semaphore_mem>>
        %dma_start3A_238 = arith.constant 0 : i32
        %dma_start3A_239 = tpu.memref_slice %arg10[%add3A_216, %dma_start3A_238] : memref<80x128xi32, #tpu.memory_space<vmem>> -> memref<1x128xi32, #tpu.memory_space<vmem>>
        %dma_start3A_240 = tpu.memref_squeeze %dma_start3A_239 : memref<1x128xi32, #tpu.memory_space<vmem>> -> memref<128xi32, #tpu.memory_space<vmem>>
        %dma_start3A_241 = arith.constant 0 : i32
        %dma_start3A_242 = arith.constant 0 : i32
        %dma_start3A_243 = tpu.memref_slice %arg15[%dma_start3A_241, %dma_start3A_242] : memref<10240x64xf32, #tpu.memory_space<vmem_shared>> -> memref<10240x64xf32, #tpu.memory_space<vmem_shared>>
        tpu.enqueue_indirect_dma source(%arg12 : memref<128x64xf32, #tpu.memory_space<vmem>>) target(%dma_start3A_243 : memref<10240x64xf32, #tpu.memory_space<vmem_shared>>) offsets(%dma_start3A_240 : memref<128xi32, #tpu.memory_space<vmem>>) semaphore(%run_scoped3A : memref<!tpu.dma_semaphore, #tpu.memory_space<semaphore_mem>>) {add = true}
        %dma_wait3A_244 = arith.constant 0 : i32
        %dma_wait3A_245 = tpu.memref_slice %arg10[%add3A_216, %dma_wait3A_244] : memref<80x128xi32, #tpu.memory_space<vmem>> -> memref<1x128xi32, #tpu.memory_space<vmem>>
        %dma_wait3A_246 = tpu.memref_squeeze %dma_wait3A_245 : memref<1x128xi32, #tpu.memory_space<vmem>> -> memref<128xi32, #tpu.memory_space<vmem>>
        %dma_wait3A_247 = arith.constant 0 : i32
        %dma_wait3A_248 = arith.constant 0 : i32
        %dma_wait3A_249 = tpu.memref_slice %arg15[%dma_wait3A_247, %dma_wait3A_248] : memref<10240x64xf32, #tpu.memory_space<vmem_shared>> -> memref<10240x64xf32, #tpu.memory_space<vmem_shared>>
        tpu.wait_indirect_dma semaphore(%run_scoped3A : memref<!tpu.dma_semaphore, #tpu.memory_space<semaphore_mem>>) src(%arg12 : memref<128x64xf32, #tpu.memory_space<vmem>>) dst(%dma_wait3A_249 : memref<10240x64xf32, #tpu.memory_space<vmem_shared>>)
        tpu.yield
      }) : () -> ()
      %dma_wait3A_217 = arith.constant 0 : i32
      %dma_wait3A_218 = tpu.memref_slice %arg9[%add3A_181, %dma_wait3A_217] : memref<80x128xi32, #tpu.memory_space<vmem>> -> memref<1x128xi32, #tpu.memory_space<vmem>>
      %dma_wait3A_219 = tpu.memref_squeeze %dma_wait3A_218 : memref<1x128xi32, #tpu.memory_space<vmem>> -> memref<128xi32, #tpu.memory_space<vmem>>
      %dma_wait3A_220 = arith.constant 0 : i32
      %dma_wait3A_221 = arith.constant 0 : i32
      %dma_wait3A_222 = tpu.memref_slice %arg2[%dma_wait3A_220, %dma_wait3A_221] : memref<10240x64xf32, #tpu.memory_space<hbm>> -> memref<10240x64xf32, #tpu.memory_space<hbm>>
      tpu.wait_indirect_dma semaphore(%arg18 : memref<!tpu.dma_semaphore, #tpu.memory_space<semaphore_mem>>) src(%dma_wait3A_222 : memref<10240x64xf32, #tpu.memory_space<hbm>>) dst(%arg13 : memref<128x64xf32, #tpu.memory_space<vmem>>)
      %mul3A_223 = arith.constant 4 : i32
      %mul3A_224 = arith.muli %scan3A_157, %mul3A_223 : i32
      %add3A_225 = arith.constant 2 : i32
      %add3A_226 = arith.addi %mul3A_224, %add3A_225 : i32
      "tpu.region"() ({
        %run_scoped3A = tpu.sem_alloc : memref<!tpu.dma_semaphore, #tpu.memory_space<semaphore_mem>>
        %dma_start3A_238 = arith.constant 0 : i32
        %dma_start3A_239 = tpu.memref_slice %arg10[%add3A_226, %dma_start3A_238] : memref<80x128xi32, #tpu.memory_space<vmem>> -> memref<1x128xi32, #tpu.memory_space<vmem>>
        %dma_start3A_240 = tpu.memref_squeeze %dma_start3A_239 : memref<1x128xi32, #tpu.memory_space<vmem>> -> memref<128xi32, #tpu.memory_space<vmem>>
        %dma_start3A_241 = arith.constant 0 : i32
        %dma_start3A_242 = arith.constant 0 : i32
        %dma_start3A_243 = tpu.memref_slice %arg15[%dma_start3A_241, %dma_start3A_242] : memref<10240x64xf32, #tpu.memory_space<vmem_shared>> -> memref<10240x64xf32, #tpu.memory_space<vmem_shared>>
        tpu.enqueue_indirect_dma source(%arg13 : memref<128x64xf32, #tpu.memory_space<vmem>>) target(%dma_start3A_243 : memref<10240x64xf32, #tpu.memory_space<vmem_shared>>) offsets(%dma_start3A_240 : memref<128xi32, #tpu.memory_space<vmem>>) semaphore(%run_scoped3A : memref<!tpu.dma_semaphore, #tpu.memory_space<semaphore_mem>>) {add = true}
        %dma_wait3A_244 = arith.constant 0 : i32
        %dma_wait3A_245 = tpu.memref_slice %arg10[%add3A_226, %dma_wait3A_244] : memref<80x128xi32, #tpu.memory_space<vmem>> -> memref<1x128xi32, #tpu.memory_space<vmem>>
        %dma_wait3A_246 = tpu.memref_squeeze %dma_wait3A_245 : memref<1x128xi32, #tpu.memory_space<vmem>> -> memref<128xi32, #tpu.memory_space<vmem>>
        %dma_wait3A_247 = arith.constant 0 : i32
        %dma_wait3A_248 = arith.constant 0 : i32
        %dma_wait3A_249 = tpu.memref_slice %arg15[%dma_wait3A_247, %dma_wait3A_248] : memref<10240x64xf32, #tpu.memory_space<vmem_shared>> -> memref<10240x64xf32, #tpu.memory_space<vmem_shared>>
        tpu.wait_indirect_dma semaphore(%run_scoped3A : memref<!tpu.dma_semaphore, #tpu.memory_space<semaphore_mem>>) src(%arg13 : memref<128x64xf32, #tpu.memory_space<vmem>>) dst(%dma_wait3A_249 : memref<10240x64xf32, #tpu.memory_space<vmem_shared>>)
        tpu.yield
      }) : () -> ()
      %dma_wait3A_227 = arith.constant 0 : i32
      %dma_wait3A_228 = tpu.memref_slice %arg9[%add3A_191, %dma_wait3A_227] : memref<80x128xi32, #tpu.memory_space<vmem>> -> memref<1x128xi32, #tpu.memory_space<vmem>>
      %dma_wait3A_229 = tpu.memref_squeeze %dma_wait3A_228 : memref<1x128xi32, #tpu.memory_space<vmem>> -> memref<128xi32, #tpu.memory_space<vmem>>
      %dma_wait3A_230 = arith.constant 0 : i32
      %dma_wait3A_231 = arith.constant 0 : i32
      %dma_wait3A_232 = tpu.memref_slice %arg2[%dma_wait3A_230, %dma_wait3A_231] : memref<10240x64xf32, #tpu.memory_space<hbm>> -> memref<10240x64xf32, #tpu.memory_space<hbm>>
      tpu.wait_indirect_dma semaphore(%arg19 : memref<!tpu.dma_semaphore, #tpu.memory_space<semaphore_mem>>) src(%dma_wait3A_232 : memref<10240x64xf32, #tpu.memory_space<hbm>>) dst(%arg14 : memref<128x64xf32, #tpu.memory_space<vmem>>)
      %mul3A_233 = arith.constant 4 : i32
      %mul3A_234 = arith.muli %scan3A_157, %mul3A_233 : i32
      %add3A_235 = arith.constant 3 : i32
      %add3A_236 = arith.addi %mul3A_234, %add3A_235 : i32
      "tpu.region"() ({
        %run_scoped3A = tpu.sem_alloc : memref<!tpu.dma_semaphore, #tpu.memory_space<semaphore_mem>>
        %dma_start3A_238 = arith.constant 0 : i32
        %dma_start3A_239 = tpu.memref_slice %arg10[%add3A_236, %dma_start3A_238] : memref<80x128xi32, #tpu.memory_space<vmem>> -> memref<1x128xi32, #tpu.memory_space<vmem>>
        %dma_start3A_240 = tpu.memref_squeeze %dma_start3A_239 : memref<1x128xi32, #tpu.memory_space<vmem>> -> memref<128xi32, #tpu.memory_space<vmem>>
        %dma_start3A_241 = arith.constant 0 : i32
        %dma_start3A_242 = arith.constant 0 : i32
        %dma_start3A_243 = tpu.memref_slice %arg15[%dma_start3A_241, %dma_start3A_242] : memref<10240x64xf32, #tpu.memory_space<vmem_shared>> -> memref<10240x64xf32, #tpu.memory_space<vmem_shared>>
        tpu.enqueue_indirect_dma source(%arg14 : memref<128x64xf32, #tpu.memory_space<vmem>>) target(%dma_start3A_243 : memref<10240x64xf32, #tpu.memory_space<vmem_shared>>) offsets(%dma_start3A_240 : memref<128xi32, #tpu.memory_space<vmem>>) semaphore(%run_scoped3A : memref<!tpu.dma_semaphore, #tpu.memory_space<semaphore_mem>>) {add = true}
        %dma_wait3A_244 = arith.constant 0 : i32
        %dma_wait3A_245 = tpu.memref_slice %arg10[%add3A_236, %dma_wait3A_244] : memref<80x128xi32, #tpu.memory_space<vmem>> -> memref<1x128xi32, #tpu.memory_space<vmem>>
        %dma_wait3A_246 = tpu.memref_squeeze %dma_wait3A_245 : memref<1x128xi32, #tpu.memory_space<vmem>> -> memref<128xi32, #tpu.memory_space<vmem>>
        %dma_wait3A_247 = arith.constant 0 : i32
        %dma_wait3A_248 = arith.constant 0 : i32
        %dma_wait3A_249 = tpu.memref_slice %arg15[%dma_wait3A_247, %dma_wait3A_248] : memref<10240x64xf32, #tpu.memory_space<vmem_shared>> -> memref<10240x64xf32, #tpu.memory_space<vmem_shared>>
        tpu.wait_indirect_dma semaphore(%run_scoped3A : memref<!tpu.dma_semaphore, #tpu.memory_space<semaphore_mem>>) src(%arg14 : memref<128x64xf32, #tpu.memory_space<vmem>>) dst(%dma_wait3A_249 : memref<10240x64xf32, #tpu.memory_space<vmem_shared>>)
        tpu.yield
      }) : () -> ()
      %scan3A_237 = arith.constant 0 : i32
      scf.yield %scan3A_237 : i32
    }
    %scan3A_64 = arith.constant 20 : i32
    %barrier3A_65 = arith.constant 0 : index
    tpu.barrier barrier_id(%barrier3A_65)
    %add3A_66 = arith.constant 0 : i32
    %add3A_67 = arith.addi %mul3A_2, %add3A_66 : i32
    "tpu.region"() ({
      %run_scoped3A = tpu.sem_alloc : memref<!tpu.dma_semaphore, #tpu.memory_space<semaphore_mem>>
      %dma_start3A = arith.constant 0 : i32
      %dma_start3A_157 = tpu.memref_slice %arg15[%add3A_67, %dma_start3A] : memref<10240x64xf32, #tpu.memory_space<vmem_shared>> -> memref<128x64xf32, #tpu.memory_space<vmem_shared>>
      %dma_start3A_158 = arith.constant 0 : i32
      %dma_start3A_159 = tpu.memref_slice %arg15[%add3A_67, %dma_start3A_158] : memref<10240x64xf32, #tpu.memory_space<vmem_shared>> -> memref<128x64xf32, #tpu.memory_space<vmem_shared>>
      tpu.enqueue_dma source(%dma_start3A_159 : memref<128x64xf32, #tpu.memory_space<vmem_shared>>) target(%arg11 : memref<128x64xf32, #tpu.memory_space<vmem>>) target_semaphore(%run_scoped3A : memref<!tpu.dma_semaphore, #tpu.memory_space<semaphore_mem>>)
      %dma_wait3A = arith.constant 0 : i32
      %dma_wait3A_160 = tpu.memref_slice %arg15[%add3A_67, %dma_wait3A] : memref<10240x64xf32, #tpu.memory_space<vmem_shared>> -> memref<128x64xf32, #tpu.memory_space<vmem_shared>>
      %dma_wait3A_161 = arith.constant 0 : i32
      %dma_wait3A_162 = tpu.memref_slice %arg15[%add3A_67, %dma_wait3A_161] : memref<10240x64xf32, #tpu.memory_space<vmem_shared>> -> memref<128x64xf32, #tpu.memory_space<vmem_shared>>
      tpu.wait_dma2 semaphore(%run_scoped3A : memref<!tpu.dma_semaphore, #tpu.memory_space<semaphore_mem>>) src(%dma_wait3A_162 : memref<128x64xf32, #tpu.memory_space<vmem_shared>>) dst(%arg11 : memref<128x64xf32, #tpu.memory_space<vmem>>)
      tpu.yield
    }) : () -> ()
    "tpu.region"() ({
      %run_scoped3A = tpu.sem_alloc : memref<!tpu.dma_semaphore, #tpu.memory_space<semaphore_mem>>
      %dma_start3A = arith.constant 0 : i32
      %dma_start3A_157 = tpu.memref_slice %arg7[%arg0, %add3A_67, %dma_start3A] : memref<2x10240x64xf32, #tpu.memory_space<hbm>> -> memref<1x128x64xf32, #tpu.memory_space<hbm>>
      %dma_start3A_158 = tpu.memref_squeeze %dma_start3A_157 : memref<1x128x64xf32, #tpu.memory_space<hbm>> -> memref<128x64xf32, #tpu.memory_space<hbm>>
      %dma_start3A_159 = arith.constant 0 : i32
      %dma_start3A_160 = tpu.memref_slice %arg7[%arg0, %add3A_67, %dma_start3A_159] : memref<2x10240x64xf32, #tpu.memory_space<hbm>> -> memref<1x128x64xf32, #tpu.memory_space<hbm>>
      %dma_start3A_161 = tpu.memref_squeeze %dma_start3A_160 : memref<1x128x64xf32, #tpu.memory_space<hbm>> -> memref<128x64xf32, #tpu.memory_space<hbm>>
      tpu.enqueue_dma source(%arg11 : memref<128x64xf32, #tpu.memory_space<vmem>>) target(%dma_start3A_161 : memref<128x64xf32, #tpu.memory_space<hbm>>) target_semaphore(%run_scoped3A : memref<!tpu.dma_semaphore, #tpu.memory_space<semaphore_mem>>)
      %dma_wait3A = arith.constant 0 : i32
      %dma_wait3A_162 = tpu.memref_slice %arg7[%arg0, %add3A_67, %dma_wait3A] : memref<2x10240x64xf32, #tpu.memory_space<hbm>> -> memref<1x128x64xf32, #tpu.memory_space<hbm>>
      %dma_wait3A_163 = tpu.memref_squeeze %dma_wait3A_162 : memref<1x128x64xf32, #tpu.memory_space<hbm>> -> memref<128x64xf32, #tpu.memory_space<hbm>>
      %dma_wait3A_164 = arith.constant 0 : i32
      %dma_wait3A_165 = tpu.memref_slice %arg7[%arg0, %add3A_67, %dma_wait3A_164] : memref<2x10240x64xf32, #tpu.memory_space<hbm>> -> memref<1x128x64xf32, #tpu.memory_space<hbm>>
      %dma_wait3A_166 = tpu.memref_squeeze %dma_wait3A_165 : memref<1x128x64xf32, #tpu.memory_space<hbm>> -> memref<128x64xf32, #tpu.memory_space<hbm>>
      tpu.wait_dma2 semaphore(%run_scoped3A : memref<!tpu.dma_semaphore, #tpu.memory_space<semaphore_mem>>) src(%arg11 : memref<128x64xf32, #tpu.memory_space<vmem>>) dst(%dma_wait3A_166 : memref<128x64xf32, #tpu.memory_space<hbm>>)
      tpu.yield
    }) : () -> ()
    %add3A_68 = arith.constant 128 : i32
    %add3A_69 = arith.addi %mul3A_2, %add3A_68 : i32
    "tpu.region"() ({
      %run_scoped3A = tpu.sem_alloc : memref<!tpu.dma_semaphore, #tpu.memory_space<semaphore_mem>>
      %dma_start3A = arith.constant 0 : i32
      %dma_start3A_157 = tpu.memref_slice %arg15[%add3A_69, %dma_start3A] : memref<10240x64xf32, #tpu.memory_space<vmem_shared>> -> memref<128x64xf32, #tpu.memory_space<vmem_shared>>
      %dma_start3A_158 = arith.constant 0 : i32
      %dma_start3A_159 = tpu.memref_slice %arg15[%add3A_69, %dma_start3A_158] : memref<10240x64xf32, #tpu.memory_space<vmem_shared>> -> memref<128x64xf32, #tpu.memory_space<vmem_shared>>
      tpu.enqueue_dma source(%dma_start3A_159 : memref<128x64xf32, #tpu.memory_space<vmem_shared>>) target(%arg11 : memref<128x64xf32, #tpu.memory_space<vmem>>) target_semaphore(%run_scoped3A : memref<!tpu.dma_semaphore, #tpu.memory_space<semaphore_mem>>)
      %dma_wait3A = arith.constant 0 : i32
      %dma_wait3A_160 = tpu.memref_slice %arg15[%add3A_69, %dma_wait3A] : memref<10240x64xf32, #tpu.memory_space<vmem_shared>> -> memref<128x64xf32, #tpu.memory_space<vmem_shared>>
      %dma_wait3A_161 = arith.constant 0 : i32
      %dma_wait3A_162 = tpu.memref_slice %arg15[%add3A_69, %dma_wait3A_161] : memref<10240x64xf32, #tpu.memory_space<vmem_shared>> -> memref<128x64xf32, #tpu.memory_space<vmem_shared>>
      tpu.wait_dma2 semaphore(%run_scoped3A : memref<!tpu.dma_semaphore, #tpu.memory_space<semaphore_mem>>) src(%dma_wait3A_162 : memref<128x64xf32, #tpu.memory_space<vmem_shared>>) dst(%arg11 : memref<128x64xf32, #tpu.memory_space<vmem>>)
      tpu.yield
    }) : () -> ()
    "tpu.region"() ({
      %run_scoped3A = tpu.sem_alloc : memref<!tpu.dma_semaphore, #tpu.memory_space<semaphore_mem>>
      %dma_start3A = arith.constant 0 : i32
      %dma_start3A_157 = tpu.memref_slice %arg7[%arg0, %add3A_69, %dma_start3A] : memref<2x10240x64xf32, #tpu.memory_space<hbm>> -> memref<1x128x64xf32, #tpu.memory_space<hbm>>
      %dma_start3A_158 = tpu.memref_squeeze %dma_start3A_157 : memref<1x128x64xf32, #tpu.memory_space<hbm>> -> memref<128x64xf32, #tpu.memory_space<hbm>>
      %dma_start3A_159 = arith.constant 0 : i32
      %dma_start3A_160 = tpu.memref_slice %arg7[%arg0, %add3A_69, %dma_start3A_159] : memref<2x10240x64xf32, #tpu.memory_space<hbm>> -> memref<1x128x64xf32, #tpu.memory_space<hbm>>
      %dma_start3A_161 = tpu.memref_squeeze %dma_start3A_160 : memref<1x128x64xf32, #tpu.memory_space<hbm>> -> memref<128x64xf32, #tpu.memory_space<hbm>>
      tpu.enqueue_dma source(%arg11 : memref<128x64xf32, #tpu.memory_space<vmem>>) target(%dma_start3A_161 : memref<128x64xf32, #tpu.memory_space<hbm>>) target_semaphore(%run_scoped3A : memref<!tpu.dma_semaphore, #tpu.memory_space<semaphore_mem>>)
      %dma_wait3A = arith.constant 0 : i32
      %dma_wait3A_162 = tpu.memref_slice %arg7[%arg0, %add3A_69, %dma_wait3A] : memref<2x10240x64xf32, #tpu.memory_space<hbm>> -> memref<1x128x64xf32, #tpu.memory_space<hbm>>
      %dma_wait3A_163 = tpu.memref_squeeze %dma_wait3A_162 : memref<1x128x64xf32, #tpu.memory_space<hbm>> -> memref<128x64xf32, #tpu.memory_space<hbm>>
      %dma_wait3A_164 = arith.constant 0 : i32
      %dma_wait3A_165 = tpu.memref_slice %arg7[%arg0, %add3A_69, %dma_wait3A_164] : memref<2x10240x64xf32, #tpu.memory_space<hbm>> -> memref<1x128x64xf32, #tpu.memory_space<hbm>>
      %dma_wait3A_166 = tpu.memref_squeeze %dma_wait3A_165 : memref<1x128x64xf32, #tpu.memory_space<hbm>> -> memref<128x64xf32, #tpu.memory_space<hbm>>
      tpu.wait_dma2 semaphore(%run_scoped3A : memref<!tpu.dma_semaphore, #tpu.memory_space<semaphore_mem>>) src(%arg11 : memref<128x64xf32, #tpu.memory_space<vmem>>) dst(%dma_wait3A_166 : memref<128x64xf32, #tpu.memory_space<hbm>>)
      tpu.yield
    }) : () -> ()
    %add3A_70 = arith.constant 256 : i32
    %add3A_71 = arith.addi %mul3A_2, %add3A_70 : i32
    "tpu.region"() ({
      %run_scoped3A = tpu.sem_alloc : memref<!tpu.dma_semaphore, #tpu.memory_space<semaphore_mem>>
      %dma_start3A = arith.constant 0 : i32
      %dma_start3A_157 = tpu.memref_slice %arg15[%add3A_71, %dma_start3A] : memref<10240x64xf32, #tpu.memory_space<vmem_shared>> -> memref<128x64xf32, #tpu.memory_space<vmem_shared>>
      %dma_start3A_158 = arith.constant 0 : i32
      %dma_start3A_159 = tpu.memref_slice %arg15[%add3A_71, %dma_start3A_158] : memref<10240x64xf32, #tpu.memory_space<vmem_shared>> -> memref<128x64xf32, #tpu.memory_space<vmem_shared>>
      tpu.enqueue_dma source(%dma_start3A_159 : memref<128x64xf32, #tpu.memory_space<vmem_shared>>) target(%arg11 : memref<128x64xf32, #tpu.memory_space<vmem>>) target_semaphore(%run_scoped3A : memref<!tpu.dma_semaphore, #tpu.memory_space<semaphore_mem>>)
      %dma_wait3A = arith.constant 0 : i32
      %dma_wait3A_160 = tpu.memref_slice %arg15[%add3A_71, %dma_wait3A] : memref<10240x64xf32, #tpu.memory_space<vmem_shared>> -> memref<128x64xf32, #tpu.memory_space<vmem_shared>>
      %dma_wait3A_161 = arith.constant 0 : i32
      %dma_wait3A_162 = tpu.memref_slice %arg15[%add3A_71, %dma_wait3A_161] : memref<10240x64xf32, #tpu.memory_space<vmem_shared>> -> memref<128x64xf32, #tpu.memory_space<vmem_shared>>
      tpu.wait_dma2 semaphore(%run_scoped3A : memref<!tpu.dma_semaphore, #tpu.memory_space<semaphore_mem>>) src(%dma_wait3A_162 : memref<128x64xf32, #tpu.memory_space<vmem_shared>>) dst(%arg11 : memref<128x64xf32, #tpu.memory_space<vmem>>)
      tpu.yield
    }) : () -> ()
    "tpu.region"() ({
      %run_scoped3A = tpu.sem_alloc : memref<!tpu.dma_semaphore, #tpu.memory_space<semaphore_mem>>
      %dma_start3A = arith.constant 0 : i32
      %dma_start3A_157 = tpu.memref_slice %arg7[%arg0, %add3A_71, %dma_start3A] : memref<2x10240x64xf32, #tpu.memory_space<hbm>> -> memref<1x128x64xf32, #tpu.memory_space<hbm>>
      %dma_start3A_158 = tpu.memref_squeeze %dma_start3A_157 : memref<1x128x64xf32, #tpu.memory_space<hbm>> -> memref<128x64xf32, #tpu.memory_space<hbm>>
      %dma_start3A_159 = arith.constant 0 : i32
      %dma_start3A_160 = tpu.memref_slice %arg7[%arg0, %add3A_71, %dma_start3A_159] : memref<2x10240x64xf32, #tpu.memory_space<hbm>> -> memref<1x128x64xf32, #tpu.memory_space<hbm>>
      %dma_start3A_161 = tpu.memref_squeeze %dma_start3A_160 : memref<1x128x64xf32, #tpu.memory_space<hbm>> -> memref<128x64xf32, #tpu.memory_space<hbm>>
      tpu.enqueue_dma source(%arg11 : memref<128x64xf32, #tpu.memory_space<vmem>>) target(%dma_start3A_161 : memref<128x64xf32, #tpu.memory_space<hbm>>) target_semaphore(%run_scoped3A : memref<!tpu.dma_semaphore, #tpu.memory_space<semaphore_mem>>)
      %dma_wait3A = arith.constant 0 : i32
      %dma_wait3A_162 = tpu.memref_slice %arg7[%arg0, %add3A_71, %dma_wait3A] : memref<2x10240x64xf32, #tpu.memory_space<hbm>> -> memref<1x128x64xf32, #tpu.memory_space<hbm>>
      %dma_wait3A_163 = tpu.memref_squeeze %dma_wait3A_162 : memref<1x128x64xf32, #tpu.memory_space<hbm>> -> memref<128x64xf32, #tpu.memory_space<hbm>>
      %dma_wait3A_164 = arith.constant 0 : i32
      %dma_wait3A_165 = tpu.memref_slice %arg7[%arg0, %add3A_71, %dma_wait3A_164] : memref<2x10240x64xf32, #tpu.memory_space<hbm>> -> memref<1x128x64xf32, #tpu.memory_space<hbm>>
      %dma_wait3A_166 = tpu.memref_squeeze %dma_wait3A_165 : memref<1x128x64xf32, #tpu.memory_space<hbm>> -> memref<128x64xf32, #tpu.memory_space<hbm>>
      tpu.wait_dma2 semaphore(%run_scoped3A : memref<!tpu.dma_semaphore, #tpu.memory_space<semaphore_mem>>) src(%arg11 : memref<128x64xf32, #tpu.memory_space<vmem>>) dst(%dma_wait3A_166 : memref<128x64xf32, #tpu.memory_space<hbm>>)
      tpu.yield
    }) : () -> ()
    %add3A_72 = arith.constant 384 : i32
    %add3A_73 = arith.addi %mul3A_2, %add3A_72 : i32
    "tpu.region"() ({
      %run_scoped3A = tpu.sem_alloc : memref<!tpu.dma_semaphore, #tpu.memory_space<semaphore_mem>>
      %dma_start3A = arith.constant 0 : i32
      %dma_start3A_157 = tpu.memref_slice %arg15[%add3A_73, %dma_start3A] : memref<10240x64xf32, #tpu.memory_space<vmem_shared>> -> memref<128x64xf32, #tpu.memory_space<vmem_shared>>
      %dma_start3A_158 = arith.constant 0 : i32
      %dma_start3A_159 = tpu.memref_slice %arg15[%add3A_73, %dma_start3A_158] : memref<10240x64xf32, #tpu.memory_space<vmem_shared>> -> memref<128x64xf32, #tpu.memory_space<vmem_shared>>
      tpu.enqueue_dma source(%dma_start3A_159 : memref<128x64xf32, #tpu.memory_space<vmem_shared>>) target(%arg11 : memref<128x64xf32, #tpu.memory_space<vmem>>) target_semaphore(%run_scoped3A : memref<!tpu.dma_semaphore, #tpu.memory_space<semaphore_mem>>)
      %dma_wait3A = arith.constant 0 : i32
      %dma_wait3A_160 = tpu.memref_slice %arg15[%add3A_73, %dma_wait3A] : memref<10240x64xf32, #tpu.memory_space<vmem_shared>> -> memref<128x64xf32, #tpu.memory_space<vmem_shared>>
      %dma_wait3A_161 = arith.constant 0 : i32
      %dma_wait3A_162 = tpu.memref_slice %arg15[%add3A_73, %dma_wait3A_161] : memref<10240x64xf32, #tpu.memory_space<vmem_shared>> -> memref<128x64xf32, #tpu.memory_space<vmem_shared>>
      tpu.wait_dma2 semaphore(%run_scoped3A : memref<!tpu.dma_semaphore, #tpu.memory_space<semaphore_mem>>) src(%dma_wait3A_162 : memref<128x64xf32, #tpu.memory_space<vmem_shared>>) dst(%arg11 : memref<128x64xf32, #tpu.memory_space<vmem>>)
      tpu.yield
    }) : () -> ()
    "tpu.region"() ({
      %run_scoped3A = tpu.sem_alloc : memref<!tpu.dma_semaphore, #tpu.memory_space<semaphore_mem>>
      %dma_start3A = arith.constant 0 : i32
      %dma_start3A_157 = tpu.memref_slice %arg7[%arg0, %add3A_73, %dma_start3A] : memref<2x10240x64xf32, #tpu.memory_space<hbm>> -> memref<1x128x64xf32, #tpu.memory_space<hbm>>
      %dma_start3A_158 = tpu.memref_squeeze %dma_start3A_157 : memref<1x128x64xf32, #tpu.memory_space<hbm>> -> memref<128x64xf32, #tpu.memory_space<hbm>>
      %dma_start3A_159 = arith.constant 0 : i32
      %dma_start3A_160 = tpu.memref_slice %arg7[%arg0, %add3A_73, %dma_start3A_159] : memref<2x10240x64xf32, #tpu.memory_space<hbm>> -> memref<1x128x64xf32, #tpu.memory_space<hbm>>
      %dma_start3A_161 = tpu.memref_squeeze %dma_start3A_160 : memref<1x128x64xf32, #tpu.memory_space<hbm>> -> memref<128x64xf32, #tpu.memory_space<hbm>>
      tpu.enqueue_dma source(%arg11 : memref<128x64xf32, #tpu.memory_space<vmem>>) target(%dma_start3A_161 : memref<128x64xf32, #tpu.memory_space<hbm>>) target_semaphore(%run_scoped3A : memref<!tpu.dma_semaphore, #tpu.memory_space<semaphore_mem>>)
      %dma_wait3A = arith.constant 0 : i32
      %dma_wait3A_162 = tpu.memref_slice %arg7[%arg0, %add3A_73, %dma_wait3A] : memref<2x10240x64xf32, #tpu.memory_space<hbm>> -> memref<1x128x64xf32, #tpu.memory_space<hbm>>
      %dma_wait3A_163 = tpu.memref_squeeze %dma_wait3A_162 : memref<1x128x64xf32, #tpu.memory_space<hbm>> -> memref<128x64xf32, #tpu.memory_space<hbm>>
      %dma_wait3A_164 = arith.constant 0 : i32
      %dma_wait3A_165 = tpu.memref_slice %arg7[%arg0, %add3A_73, %dma_wait3A_164] : memref<2x10240x64xf32, #tpu.memory_space<hbm>> -> memref<1x128x64xf32, #tpu.memory_space<hbm>>
      %dma_wait3A_166 = tpu.memref_squeeze %dma_wait3A_165 : memref<1x128x64xf32, #tpu.memory_space<hbm>> -> memref<128x64xf32, #tpu.memory_space<hbm>>
      tpu.wait_dma2 semaphore(%run_scoped3A : memref<!tpu.dma_semaphore, #tpu.memory_space<semaphore_mem>>) src(%arg11 : memref<128x64xf32, #tpu.memory_space<vmem>>) dst(%dma_wait3A_166 : memref<128x64xf32, #tpu.memory_space<hbm>>)
      tpu.yield
    }) : () -> ()
    %add3A_74 = arith.constant 512 : i32
    %add3A_75 = arith.addi %mul3A_2, %add3A_74 : i32
    "tpu.region"() ({
      %run_scoped3A = tpu.sem_alloc : memref<!tpu.dma_semaphore, #tpu.memory_space<semaphore_mem>>
      %dma_start3A = arith.constant 0 : i32
      %dma_start3A_157 = tpu.memref_slice %arg15[%add3A_75, %dma_start3A] : memref<10240x64xf32, #tpu.memory_space<vmem_shared>> -> memref<128x64xf32, #tpu.memory_space<vmem_shared>>
      %dma_start3A_158 = arith.constant 0 : i32
      %dma_start3A_159 = tpu.memref_slice %arg15[%add3A_75, %dma_start3A_158] : memref<10240x64xf32, #tpu.memory_space<vmem_shared>> -> memref<128x64xf32, #tpu.memory_space<vmem_shared>>
      tpu.enqueue_dma source(%dma_start3A_159 : memref<128x64xf32, #tpu.memory_space<vmem_shared>>) target(%arg11 : memref<128x64xf32, #tpu.memory_space<vmem>>) target_semaphore(%run_scoped3A : memref<!tpu.dma_semaphore, #tpu.memory_space<semaphore_mem>>)
      %dma_wait3A = arith.constant 0 : i32
      %dma_wait3A_160 = tpu.memref_slice %arg15[%add3A_75, %dma_wait3A] : memref<10240x64xf32, #tpu.memory_space<vmem_shared>> -> memref<128x64xf32, #tpu.memory_space<vmem_shared>>
      %dma_wait3A_161 = arith.constant 0 : i32
      %dma_wait3A_162 = tpu.memref_slice %arg15[%add3A_75, %dma_wait3A_161] : memref<10240x64xf32, #tpu.memory_space<vmem_shared>> -> memref<128x64xf32, #tpu.memory_space<vmem_shared>>
      tpu.wait_dma2 semaphore(%run_scoped3A : memref<!tpu.dma_semaphore, #tpu.memory_space<semaphore_mem>>) src(%dma_wait3A_162 : memref<128x64xf32, #tpu.memory_space<vmem_shared>>) dst(%arg11 : memref<128x64xf32, #tpu.memory_space<vmem>>)
      tpu.yield
    }) : () -> ()
    "tpu.region"() ({
      %run_scoped3A = tpu.sem_alloc : memref<!tpu.dma_semaphore, #tpu.memory_space<semaphore_mem>>
      %dma_start3A = arith.constant 0 : i32
      %dma_start3A_157 = tpu.memref_slice %arg7[%arg0, %add3A_75, %dma_start3A] : memref<2x10240x64xf32, #tpu.memory_space<hbm>> -> memref<1x128x64xf32, #tpu.memory_space<hbm>>
      %dma_start3A_158 = tpu.memref_squeeze %dma_start3A_157 : memref<1x128x64xf32, #tpu.memory_space<hbm>> -> memref<128x64xf32, #tpu.memory_space<hbm>>
      %dma_start3A_159 = arith.constant 0 : i32
      %dma_start3A_160 = tpu.memref_slice %arg7[%arg0, %add3A_75, %dma_start3A_159] : memref<2x10240x64xf32, #tpu.memory_space<hbm>> -> memref<1x128x64xf32, #tpu.memory_space<hbm>>
      %dma_start3A_161 = tpu.memref_squeeze %dma_start3A_160 : memref<1x128x64xf32, #tpu.memory_space<hbm>> -> memref<128x64xf32, #tpu.memory_space<hbm>>
      tpu.enqueue_dma source(%arg11 : memref<128x64xf32, #tpu.memory_space<vmem>>) target(%dma_start3A_161 : memref<128x64xf32, #tpu.memory_space<hbm>>) target_semaphore(%run_scoped3A : memref<!tpu.dma_semaphore, #tpu.memory_space<semaphore_mem>>)
      %dma_wait3A = arith.constant 0 : i32
      %dma_wait3A_162 = tpu.memref_slice %arg7[%arg0, %add3A_75, %dma_wait3A] : memref<2x10240x64xf32, #tpu.memory_space<hbm>> -> memref<1x128x64xf32, #tpu.memory_space<hbm>>
      %dma_wait3A_163 = tpu.memref_squeeze %dma_wait3A_162 : memref<1x128x64xf32, #tpu.memory_space<hbm>> -> memref<128x64xf32, #tpu.memory_space<hbm>>
      %dma_wait3A_164 = arith.constant 0 : i32
      %dma_wait3A_165 = tpu.memref_slice %arg7[%arg0, %add3A_75, %dma_wait3A_164] : memref<2x10240x64xf32, #tpu.memory_space<hbm>> -> memref<1x128x64xf32, #tpu.memory_space<hbm>>
      %dma_wait3A_166 = tpu.memref_squeeze %dma_wait3A_165 : memref<1x128x64xf32, #tpu.memory_space<hbm>> -> memref<128x64xf32, #tpu.memory_space<hbm>>
      tpu.wait_dma2 semaphore(%run_scoped3A : memref<!tpu.dma_semaphore, #tpu.memory_space<semaphore_mem>>) src(%arg11 : memref<128x64xf32, #tpu.memory_space<vmem>>) dst(%dma_wait3A_166 : memref<128x64xf32, #tpu.memory_space<hbm>>)
      tpu.yield
    }) : () -> ()
    %barrier3A_76 = arith.constant 0 : index
    tpu.barrier barrier_id(%barrier3A_76)
    %add3A_77 = arith.constant 0 : i32
    %add3A_78 = arith.addi %mul3A_2, %add3A_77 : i32
    %eq3A_79 = arith.constant 0 : i32
    %eq3A_80 = arith.cmpi eq, %arg0, %eq3A_79 : i32
    %convert_element_type3A_81 = arith.extui %eq3A_80 : i1 to i32
    %cond3A_82 = arith.constant 0 : i32
    %cond3A_83 = arith.cmpi ne, %convert_element_type3A_81, %cond3A_82 : i32
    scf.if %cond3A_83 {
      "tpu.region"() ({
        %run_scoped3A = tpu.sem_alloc : memref<!tpu.dma_semaphore, #tpu.memory_space<semaphore_mem>>
        %dma_start3A = arith.constant 0 : i32
        %dma_start3A_157 = tpu.memref_slice %arg3[%add3A_78, %dma_start3A] : memref<10240x64xf32, #tpu.memory_space<hbm>> -> memref<128x64xf32, #tpu.memory_space<hbm>>
        %dma_start3A_158 = arith.constant 0 : i32
        %dma_start3A_159 = tpu.memref_slice %arg3[%add3A_78, %dma_start3A_158] : memref<10240x64xf32, #tpu.memory_space<hbm>> -> memref<128x64xf32, #tpu.memory_space<hbm>>
        tpu.enqueue_dma source(%dma_start3A_159 : memref<128x64xf32, #tpu.memory_space<hbm>>) target(%arg11 : memref<128x64xf32, #tpu.memory_space<vmem>>) target_semaphore(%run_scoped3A : memref<!tpu.dma_semaphore, #tpu.memory_space<semaphore_mem>>)
        %dma_wait3A = arith.constant 0 : i32
        %dma_wait3A_160 = tpu.memref_slice %arg3[%add3A_78, %dma_wait3A] : memref<10240x64xf32, #tpu.memory_space<hbm>> -> memref<128x64xf32, #tpu.memory_space<hbm>>
        %dma_wait3A_161 = arith.constant 0 : i32
        %dma_wait3A_162 = tpu.memref_slice %arg3[%add3A_78, %dma_wait3A_161] : memref<10240x64xf32, #tpu.memory_space<hbm>> -> memref<128x64xf32, #tpu.memory_space<hbm>>
        tpu.wait_dma2 semaphore(%run_scoped3A : memref<!tpu.dma_semaphore, #tpu.memory_space<semaphore_mem>>) src(%dma_wait3A_162 : memref<128x64xf32, #tpu.memory_space<hbm>>) dst(%arg11 : memref<128x64xf32, #tpu.memory_space<vmem>>)
        tpu.yield
      }) : () -> ()
      "tpu.region"() ({
        %run_scoped3A = tpu.sem_alloc : memref<!tpu.dma_semaphore, #tpu.memory_space<semaphore_mem>>
        %dma_start3A = arith.constant 0 : i32
        %dma_start3A_157 = tpu.memref_slice %arg15[%add3A_78, %dma_start3A] : memref<10240x64xf32, #tpu.memory_space<vmem_shared>> -> memref<128x64xf32, #tpu.memory_space<vmem_shared>>
        %dma_start3A_158 = arith.constant 0 : i32
        %dma_start3A_159 = tpu.memref_slice %arg15[%add3A_78, %dma_start3A_158] : memref<10240x64xf32, #tpu.memory_space<vmem_shared>> -> memref<128x64xf32, #tpu.memory_space<vmem_shared>>
        tpu.enqueue_dma source(%arg11 : memref<128x64xf32, #tpu.memory_space<vmem>>) target(%dma_start3A_159 : memref<128x64xf32, #tpu.memory_space<vmem_shared>>) target_semaphore(%run_scoped3A : memref<!tpu.dma_semaphore, #tpu.memory_space<semaphore_mem>>)
        %dma_wait3A = arith.constant 0 : i32
        %dma_wait3A_160 = tpu.memref_slice %arg15[%add3A_78, %dma_wait3A] : memref<10240x64xf32, #tpu.memory_space<vmem_shared>> -> memref<128x64xf32, #tpu.memory_space<vmem_shared>>
        %dma_wait3A_161 = arith.constant 0 : i32
        %dma_wait3A_162 = tpu.memref_slice %arg15[%add3A_78, %dma_wait3A_161] : memref<10240x64xf32, #tpu.memory_space<vmem_shared>> -> memref<128x64xf32, #tpu.memory_space<vmem_shared>>
        tpu.wait_dma2 semaphore(%run_scoped3A : memref<!tpu.dma_semaphore, #tpu.memory_space<semaphore_mem>>) src(%arg11 : memref<128x64xf32, #tpu.memory_space<vmem>>) dst(%dma_wait3A_162 : memref<128x64xf32, #tpu.memory_space<vmem_shared>>)
        tpu.yield
      }) : () -> ()
    } else {
    }
    %ne3A_84 = arith.constant 0 : i32
    %ne3A_85 = arith.cmpi ne, %arg0, %ne3A_84 : i32
    %convert_element_type3A_86 = arith.extui %ne3A_85 : i1 to i32
    %cond3A_87 = arith.constant 0 : i32
    %cond3A_88 = arith.cmpi ne, %convert_element_type3A_86, %cond3A_87 : i32
    scf.if %cond3A_88 {
      "tpu.region"() ({
        %run_scoped3A = tpu.sem_alloc : memref<!tpu.dma_semaphore, #tpu.memory_space<semaphore_mem>>
        %dma_start3A = arith.constant 0 : i32
        %dma_start3A_157 = tpu.memref_slice %arg4[%add3A_78, %dma_start3A] : memref<10240x64xf32, #tpu.memory_space<hbm>> -> memref<128x64xf32, #tpu.memory_space<hbm>>
        %dma_start3A_158 = arith.constant 0 : i32
        %dma_start3A_159 = tpu.memref_slice %arg4[%add3A_78, %dma_start3A_158] : memref<10240x64xf32, #tpu.memory_space<hbm>> -> memref<128x64xf32, #tpu.memory_space<hbm>>
        tpu.enqueue_dma source(%dma_start3A_159 : memref<128x64xf32, #tpu.memory_space<hbm>>) target(%arg11 : memref<128x64xf32, #tpu.memory_space<vmem>>) target_semaphore(%run_scoped3A : memref<!tpu.dma_semaphore, #tpu.memory_space<semaphore_mem>>)
        %dma_wait3A = arith.constant 0 : i32
        %dma_wait3A_160 = tpu.memref_slice %arg4[%add3A_78, %dma_wait3A] : memref<10240x64xf32, #tpu.memory_space<hbm>> -> memref<128x64xf32, #tpu.memory_space<hbm>>
        %dma_wait3A_161 = arith.constant 0 : i32
        %dma_wait3A_162 = tpu.memref_slice %arg4[%add3A_78, %dma_wait3A_161] : memref<10240x64xf32, #tpu.memory_space<hbm>> -> memref<128x64xf32, #tpu.memory_space<hbm>>
        tpu.wait_dma2 semaphore(%run_scoped3A : memref<!tpu.dma_semaphore, #tpu.memory_space<semaphore_mem>>) src(%dma_wait3A_162 : memref<128x64xf32, #tpu.memory_space<hbm>>) dst(%arg11 : memref<128x64xf32, #tpu.memory_space<vmem>>)
        tpu.yield
      }) : () -> ()
      "tpu.region"() ({
        %run_scoped3A = tpu.sem_alloc : memref<!tpu.dma_semaphore, #tpu.memory_space<semaphore_mem>>
        %dma_start3A = arith.constant 0 : i32
        %dma_start3A_157 = tpu.memref_slice %arg15[%add3A_78, %dma_start3A] : memref<10240x64xf32, #tpu.memory_space<vmem_shared>> -> memref<128x64xf32, #tpu.memory_space<vmem_shared>>
        %dma_start3A_158 = arith.constant 0 : i32
        %dma_start3A_159 = tpu.memref_slice %arg15[%add3A_78, %dma_start3A_158] : memref<10240x64xf32, #tpu.memory_space<vmem_shared>> -> memref<128x64xf32, #tpu.memory_space<vmem_shared>>
        tpu.enqueue_dma source(%arg11 : memref<128x64xf32, #tpu.memory_space<vmem>>) target(%dma_start3A_159 : memref<128x64xf32, #tpu.memory_space<vmem_shared>>) target_semaphore(%run_scoped3A : memref<!tpu.dma_semaphore, #tpu.memory_space<semaphore_mem>>)
        %dma_wait3A = arith.constant 0 : i32
        %dma_wait3A_160 = tpu.memref_slice %arg15[%add3A_78, %dma_wait3A] : memref<10240x64xf32, #tpu.memory_space<vmem_shared>> -> memref<128x64xf32, #tpu.memory_space<vmem_shared>>
        %dma_wait3A_161 = arith.constant 0 : i32
        %dma_wait3A_162 = tpu.memref_slice %arg15[%add3A_78, %dma_wait3A_161] : memref<10240x64xf32, #tpu.memory_space<vmem_shared>> -> memref<128x64xf32, #tpu.memory_space<vmem_shared>>
        tpu.wait_dma2 semaphore(%run_scoped3A : memref<!tpu.dma_semaphore, #tpu.memory_space<semaphore_mem>>) src(%arg11 : memref<128x64xf32, #tpu.memory_space<vmem>>) dst(%dma_wait3A_162 : memref<128x64xf32, #tpu.memory_space<vmem_shared>>)
        tpu.yield
      }) : () -> ()
    } else {
    }
    %add3A_89 = arith.constant 128 : i32
    %add3A_90 = arith.addi %mul3A_2, %add3A_89 : i32
    %eq3A_91 = arith.constant 0 : i32
    %eq3A_92 = arith.cmpi eq, %arg0, %eq3A_91 : i32
    %convert_element_type3A_93 = arith.extui %eq3A_92 : i1 to i32
    %cond3A_94 = arith.constant 0 : i32
    %cond3A_95 = arith.cmpi ne, %convert_element_type3A_93, %cond3A_94 : i32
    scf.if %cond3A_95 {
      "tpu.region"() ({
        %run_scoped3A = tpu.sem_alloc : memref<!tpu.dma_semaphore, #tpu.memory_space<semaphore_mem>>
        %dma_start3A = arith.constant 0 : i32
        %dma_start3A_157 = tpu.memref_slice %arg3[%add3A_90, %dma_start3A] : memref<10240x64xf32, #tpu.memory_space<hbm>> -> memref<128x64xf32, #tpu.memory_space<hbm>>
        %dma_start3A_158 = arith.constant 0 : i32
        %dma_start3A_159 = tpu.memref_slice %arg3[%add3A_90, %dma_start3A_158] : memref<10240x64xf32, #tpu.memory_space<hbm>> -> memref<128x64xf32, #tpu.memory_space<hbm>>
        tpu.enqueue_dma source(%dma_start3A_159 : memref<128x64xf32, #tpu.memory_space<hbm>>) target(%arg11 : memref<128x64xf32, #tpu.memory_space<vmem>>) target_semaphore(%run_scoped3A : memref<!tpu.dma_semaphore, #tpu.memory_space<semaphore_mem>>)
        %dma_wait3A = arith.constant 0 : i32
        %dma_wait3A_160 = tpu.memref_slice %arg3[%add3A_90, %dma_wait3A] : memref<10240x64xf32, #tpu.memory_space<hbm>> -> memref<128x64xf32, #tpu.memory_space<hbm>>
        %dma_wait3A_161 = arith.constant 0 : i32
        %dma_wait3A_162 = tpu.memref_slice %arg3[%add3A_90, %dma_wait3A_161] : memref<10240x64xf32, #tpu.memory_space<hbm>> -> memref<128x64xf32, #tpu.memory_space<hbm>>
        tpu.wait_dma2 semaphore(%run_scoped3A : memref<!tpu.dma_semaphore, #tpu.memory_space<semaphore_mem>>) src(%dma_wait3A_162 : memref<128x64xf32, #tpu.memory_space<hbm>>) dst(%arg11 : memref<128x64xf32, #tpu.memory_space<vmem>>)
        tpu.yield
      }) : () -> ()
      "tpu.region"() ({
        %run_scoped3A = tpu.sem_alloc : memref<!tpu.dma_semaphore, #tpu.memory_space<semaphore_mem>>
        %dma_start3A = arith.constant 0 : i32
        %dma_start3A_157 = tpu.memref_slice %arg15[%add3A_90, %dma_start3A] : memref<10240x64xf32, #tpu.memory_space<vmem_shared>> -> memref<128x64xf32, #tpu.memory_space<vmem_shared>>
        %dma_start3A_158 = arith.constant 0 : i32
        %dma_start3A_159 = tpu.memref_slice %arg15[%add3A_90, %dma_start3A_158] : memref<10240x64xf32, #tpu.memory_space<vmem_shared>> -> memref<128x64xf32, #tpu.memory_space<vmem_shared>>
        tpu.enqueue_dma source(%arg11 : memref<128x64xf32, #tpu.memory_space<vmem>>) target(%dma_start3A_159 : memref<128x64xf32, #tpu.memory_space<vmem_shared>>) target_semaphore(%run_scoped3A : memref<!tpu.dma_semaphore, #tpu.memory_space<semaphore_mem>>)
        %dma_wait3A = arith.constant 0 : i32
        %dma_wait3A_160 = tpu.memref_slice %arg15[%add3A_90, %dma_wait3A] : memref<10240x64xf32, #tpu.memory_space<vmem_shared>> -> memref<128x64xf32, #tpu.memory_space<vmem_shared>>
        %dma_wait3A_161 = arith.constant 0 : i32
        %dma_wait3A_162 = tpu.memref_slice %arg15[%add3A_90, %dma_wait3A_161] : memref<10240x64xf32, #tpu.memory_space<vmem_shared>> -> memref<128x64xf32, #tpu.memory_space<vmem_shared>>
        tpu.wait_dma2 semaphore(%run_scoped3A : memref<!tpu.dma_semaphore, #tpu.memory_space<semaphore_mem>>) src(%arg11 : memref<128x64xf32, #tpu.memory_space<vmem>>) dst(%dma_wait3A_162 : memref<128x64xf32, #tpu.memory_space<vmem_shared>>)
        tpu.yield
      }) : () -> ()
    } else {
    }
    %ne3A_96 = arith.constant 0 : i32
    %ne3A_97 = arith.cmpi ne, %arg0, %ne3A_96 : i32
    %convert_element_type3A_98 = arith.extui %ne3A_97 : i1 to i32
    %cond3A_99 = arith.constant 0 : i32
    %cond3A_100 = arith.cmpi ne, %convert_element_type3A_98, %cond3A_99 : i32
    scf.if %cond3A_100 {
      "tpu.region"() ({
        %run_scoped3A = tpu.sem_alloc : memref<!tpu.dma_semaphore, #tpu.memory_space<semaphore_mem>>
        %dma_start3A = arith.constant 0 : i32
        %dma_start3A_157 = tpu.memref_slice %arg4[%add3A_90, %dma_start3A] : memref<10240x64xf32, #tpu.memory_space<hbm>> -> memref<128x64xf32, #tpu.memory_space<hbm>>
        %dma_start3A_158 = arith.constant 0 : i32
        %dma_start3A_159 = tpu.memref_slice %arg4[%add3A_90, %dma_start3A_158] : memref<10240x64xf32, #tpu.memory_space<hbm>> -> memref<128x64xf32, #tpu.memory_space<hbm>>
        tpu.enqueue_dma source(%dma_start3A_159 : memref<128x64xf32, #tpu.memory_space<hbm>>) target(%arg11 : memref<128x64xf32, #tpu.memory_space<vmem>>) target_semaphore(%run_scoped3A : memref<!tpu.dma_semaphore, #tpu.memory_space<semaphore_mem>>)
        %dma_wait3A = arith.constant 0 : i32
        %dma_wait3A_160 = tpu.memref_slice %arg4[%add3A_90, %dma_wait3A] : memref<10240x64xf32, #tpu.memory_space<hbm>> -> memref<128x64xf32, #tpu.memory_space<hbm>>
        %dma_wait3A_161 = arith.constant 0 : i32
        %dma_wait3A_162 = tpu.memref_slice %arg4[%add3A_90, %dma_wait3A_161] : memref<10240x64xf32, #tpu.memory_space<hbm>> -> memref<128x64xf32, #tpu.memory_space<hbm>>
        tpu.wait_dma2 semaphore(%run_scoped3A : memref<!tpu.dma_semaphore, #tpu.memory_space<semaphore_mem>>) src(%dma_wait3A_162 : memref<128x64xf32, #tpu.memory_space<hbm>>) dst(%arg11 : memref<128x64xf32, #tpu.memory_space<vmem>>)
        tpu.yield
      }) : () -> ()
      "tpu.region"() ({
        %run_scoped3A = tpu.sem_alloc : memref<!tpu.dma_semaphore, #tpu.memory_space<semaphore_mem>>
        %dma_start3A = arith.constant 0 : i32
        %dma_start3A_157 = tpu.memref_slice %arg15[%add3A_90, %dma_start3A] : memref<10240x64xf32, #tpu.memory_space<vmem_shared>> -> memref<128x64xf32, #tpu.memory_space<vmem_shared>>
        %dma_start3A_158 = arith.constant 0 : i32
        %dma_start3A_159 = tpu.memref_slice %arg15[%add3A_90, %dma_start3A_158] : memref<10240x64xf32, #tpu.memory_space<vmem_shared>> -> memref<128x64xf32, #tpu.memory_space<vmem_shared>>
        tpu.enqueue_dma source(%arg11 : memref<128x64xf32, #tpu.memory_space<vmem>>) target(%dma_start3A_159 : memref<128x64xf32, #tpu.memory_space<vmem_shared>>) target_semaphore(%run_scoped3A : memref<!tpu.dma_semaphore, #tpu.memory_space<semaphore_mem>>)
        %dma_wait3A = arith.constant 0 : i32
        %dma_wait3A_160 = tpu.memref_slice %arg15[%add3A_90, %dma_wait3A] : memref<10240x64xf32, #tpu.memory_space<vmem_shared>> -> memref<128x64xf32, #tpu.memory_space<vmem_shared>>
        %dma_wait3A_161 = arith.constant 0 : i32
        %dma_wait3A_162 = tpu.memref_slice %arg15[%add3A_90, %dma_wait3A_161] : memref<10240x64xf32, #tpu.memory_space<vmem_shared>> -> memref<128x64xf32, #tpu.memory_space<vmem_shared>>
        tpu.wait_dma2 semaphore(%run_scoped3A : memref<!tpu.dma_semaphore, #tpu.memory_space<semaphore_mem>>) src(%arg11 : memref<128x64xf32, #tpu.memory_space<vmem>>) dst(%dma_wait3A_162 : memref<128x64xf32, #tpu.memory_space<vmem_shared>>)
        tpu.yield
      }) : () -> ()
    } else {
    }
    %add3A_101 = arith.constant 256 : i32
    %add3A_102 = arith.addi %mul3A_2, %add3A_101 : i32
    %eq3A_103 = arith.constant 0 : i32
    %eq3A_104 = arith.cmpi eq, %arg0, %eq3A_103 : i32
    %convert_element_type3A_105 = arith.extui %eq3A_104 : i1 to i32
    %cond3A_106 = arith.constant 0 : i32
    %cond3A_107 = arith.cmpi ne, %convert_element_type3A_105, %cond3A_106 : i32
    scf.if %cond3A_107 {
      "tpu.region"() ({
        %run_scoped3A = tpu.sem_alloc : memref<!tpu.dma_semaphore, #tpu.memory_space<semaphore_mem>>
        %dma_start3A = arith.constant 0 : i32
        %dma_start3A_157 = tpu.memref_slice %arg3[%add3A_102, %dma_start3A] : memref<10240x64xf32, #tpu.memory_space<hbm>> -> memref<128x64xf32, #tpu.memory_space<hbm>>
        %dma_start3A_158 = arith.constant 0 : i32
        %dma_start3A_159 = tpu.memref_slice %arg3[%add3A_102, %dma_start3A_158] : memref<10240x64xf32, #tpu.memory_space<hbm>> -> memref<128x64xf32, #tpu.memory_space<hbm>>
        tpu.enqueue_dma source(%dma_start3A_159 : memref<128x64xf32, #tpu.memory_space<hbm>>) target(%arg11 : memref<128x64xf32, #tpu.memory_space<vmem>>) target_semaphore(%run_scoped3A : memref<!tpu.dma_semaphore, #tpu.memory_space<semaphore_mem>>)
        %dma_wait3A = arith.constant 0 : i32
        %dma_wait3A_160 = tpu.memref_slice %arg3[%add3A_102, %dma_wait3A] : memref<10240x64xf32, #tpu.memory_space<hbm>> -> memref<128x64xf32, #tpu.memory_space<hbm>>
        %dma_wait3A_161 = arith.constant 0 : i32
        %dma_wait3A_162 = tpu.memref_slice %arg3[%add3A_102, %dma_wait3A_161] : memref<10240x64xf32, #tpu.memory_space<hbm>> -> memref<128x64xf32, #tpu.memory_space<hbm>>
        tpu.wait_dma2 semaphore(%run_scoped3A : memref<!tpu.dma_semaphore, #tpu.memory_space<semaphore_mem>>) src(%dma_wait3A_162 : memref<128x64xf32, #tpu.memory_space<hbm>>) dst(%arg11 : memref<128x64xf32, #tpu.memory_space<vmem>>)
        tpu.yield
      }) : () -> ()
      "tpu.region"() ({
        %run_scoped3A = tpu.sem_alloc : memref<!tpu.dma_semaphore, #tpu.memory_space<semaphore_mem>>
        %dma_start3A = arith.constant 0 : i32
        %dma_start3A_157 = tpu.memref_slice %arg15[%add3A_102, %dma_start3A] : memref<10240x64xf32, #tpu.memory_space<vmem_shared>> -> memref<128x64xf32, #tpu.memory_space<vmem_shared>>
        %dma_start3A_158 = arith.constant 0 : i32
        %dma_start3A_159 = tpu.memref_slice %arg15[%add3A_102, %dma_start3A_158] : memref<10240x64xf32, #tpu.memory_space<vmem_shared>> -> memref<128x64xf32, #tpu.memory_space<vmem_shared>>
        tpu.enqueue_dma source(%arg11 : memref<128x64xf32, #tpu.memory_space<vmem>>) target(%dma_start3A_159 : memref<128x64xf32, #tpu.memory_space<vmem_shared>>) target_semaphore(%run_scoped3A : memref<!tpu.dma_semaphore, #tpu.memory_space<semaphore_mem>>)
        %dma_wait3A = arith.constant 0 : i32
        %dma_wait3A_160 = tpu.memref_slice %arg15[%add3A_102, %dma_wait3A] : memref<10240x64xf32, #tpu.memory_space<vmem_shared>> -> memref<128x64xf32, #tpu.memory_space<vmem_shared>>
        %dma_wait3A_161 = arith.constant 0 : i32
        %dma_wait3A_162 = tpu.memref_slice %arg15[%add3A_102, %dma_wait3A_161] : memref<10240x64xf32, #tpu.memory_space<vmem_shared>> -> memref<128x64xf32, #tpu.memory_space<vmem_shared>>
        tpu.wait_dma2 semaphore(%run_scoped3A : memref<!tpu.dma_semaphore, #tpu.memory_space<semaphore_mem>>) src(%arg11 : memref<128x64xf32, #tpu.memory_space<vmem>>) dst(%dma_wait3A_162 : memref<128x64xf32, #tpu.memory_space<vmem_shared>>)
        tpu.yield
      }) : () -> ()
    } else {
    }
    %ne3A_108 = arith.constant 0 : i32
    %ne3A_109 = arith.cmpi ne, %arg0, %ne3A_108 : i32
    %convert_element_type3A_110 = arith.extui %ne3A_109 : i1 to i32
    %cond3A_111 = arith.constant 0 : i32
    %cond3A_112 = arith.cmpi ne, %convert_element_type3A_110, %cond3A_111 : i32
    scf.if %cond3A_112 {
      "tpu.region"() ({
        %run_scoped3A = tpu.sem_alloc : memref<!tpu.dma_semaphore, #tpu.memory_space<semaphore_mem>>
        %dma_start3A = arith.constant 0 : i32
        %dma_start3A_157 = tpu.memref_slice %arg4[%add3A_102, %dma_start3A] : memref<10240x64xf32, #tpu.memory_space<hbm>> -> memref<128x64xf32, #tpu.memory_space<hbm>>
        %dma_start3A_158 = arith.constant 0 : i32
        %dma_start3A_159 = tpu.memref_slice %arg4[%add3A_102, %dma_start3A_158] : memref<10240x64xf32, #tpu.memory_space<hbm>> -> memref<128x64xf32, #tpu.memory_space<hbm>>
        tpu.enqueue_dma source(%dma_start3A_159 : memref<128x64xf32, #tpu.memory_space<hbm>>) target(%arg11 : memref<128x64xf32, #tpu.memory_space<vmem>>) target_semaphore(%run_scoped3A : memref<!tpu.dma_semaphore, #tpu.memory_space<semaphore_mem>>)
        %dma_wait3A = arith.constant 0 : i32
        %dma_wait3A_160 = tpu.memref_slice %arg4[%add3A_102, %dma_wait3A] : memref<10240x64xf32, #tpu.memory_space<hbm>> -> memref<128x64xf32, #tpu.memory_space<hbm>>
        %dma_wait3A_161 = arith.constant 0 : i32
        %dma_wait3A_162 = tpu.memref_slice %arg4[%add3A_102, %dma_wait3A_161] : memref<10240x64xf32, #tpu.memory_space<hbm>> -> memref<128x64xf32, #tpu.memory_space<hbm>>
        tpu.wait_dma2 semaphore(%run_scoped3A : memref<!tpu.dma_semaphore, #tpu.memory_space<semaphore_mem>>) src(%dma_wait3A_162 : memref<128x64xf32, #tpu.memory_space<hbm>>) dst(%arg11 : memref<128x64xf32, #tpu.memory_space<vmem>>)
        tpu.yield
      }) : () -> ()
      "tpu.region"() ({
        %run_scoped3A = tpu.sem_alloc : memref<!tpu.dma_semaphore, #tpu.memory_space<semaphore_mem>>
        %dma_start3A = arith.constant 0 : i32
        %dma_start3A_157 = tpu.memref_slice %arg15[%add3A_102, %dma_start3A] : memref<10240x64xf32, #tpu.memory_space<vmem_shared>> -> memref<128x64xf32, #tpu.memory_space<vmem_shared>>
        %dma_start3A_158 = arith.constant 0 : i32
        %dma_start3A_159 = tpu.memref_slice %arg15[%add3A_102, %dma_start3A_158] : memref<10240x64xf32, #tpu.memory_space<vmem_shared>> -> memref<128x64xf32, #tpu.memory_space<vmem_shared>>
        tpu.enqueue_dma source(%arg11 : memref<128x64xf32, #tpu.memory_space<vmem>>) target(%dma_start3A_159 : memref<128x64xf32, #tpu.memory_space<vmem_shared>>) target_semaphore(%run_scoped3A : memref<!tpu.dma_semaphore, #tpu.memory_space<semaphore_mem>>)
        %dma_wait3A = arith.constant 0 : i32
        %dma_wait3A_160 = tpu.memref_slice %arg15[%add3A_102, %dma_wait3A] : memref<10240x64xf32, #tpu.memory_space<vmem_shared>> -> memref<128x64xf32, #tpu.memory_space<vmem_shared>>
        %dma_wait3A_161 = arith.constant 0 : i32
        %dma_wait3A_162 = tpu.memref_slice %arg15[%add3A_102, %dma_wait3A_161] : memref<10240x64xf32, #tpu.memory_space<vmem_shared>> -> memref<128x64xf32, #tpu.memory_space<vmem_shared>>
        tpu.wait_dma2 semaphore(%run_scoped3A : memref<!tpu.dma_semaphore, #tpu.memory_space<semaphore_mem>>) src(%arg11 : memref<128x64xf32, #tpu.memory_space<vmem>>) dst(%dma_wait3A_162 : memref<128x64xf32, #tpu.memory_space<vmem_shared>>)
        tpu.yield
      }) : () -> ()
    } else {
    }
    %add3A_113 = arith.constant 384 : i32
    %add3A_114 = arith.addi %mul3A_2, %add3A_113 : i32
    %eq3A_115 = arith.constant 0 : i32
    %eq3A_116 = arith.cmpi eq, %arg0, %eq3A_115 : i32
    %convert_element_type3A_117 = arith.extui %eq3A_116 : i1 to i32
    %cond3A_118 = arith.constant 0 : i32
    %cond3A_119 = arith.cmpi ne, %convert_element_type3A_117, %cond3A_118 : i32
    scf.if %cond3A_119 {
      "tpu.region"() ({
        %run_scoped3A = tpu.sem_alloc : memref<!tpu.dma_semaphore, #tpu.memory_space<semaphore_mem>>
        %dma_start3A = arith.constant 0 : i32
        %dma_start3A_157 = tpu.memref_slice %arg3[%add3A_114, %dma_start3A] : memref<10240x64xf32, #tpu.memory_space<hbm>> -> memref<128x64xf32, #tpu.memory_space<hbm>>
        %dma_start3A_158 = arith.constant 0 : i32
        %dma_start3A_159 = tpu.memref_slice %arg3[%add3A_114, %dma_start3A_158] : memref<10240x64xf32, #tpu.memory_space<hbm>> -> memref<128x64xf32, #tpu.memory_space<hbm>>
        tpu.enqueue_dma source(%dma_start3A_159 : memref<128x64xf32, #tpu.memory_space<hbm>>) target(%arg11 : memref<128x64xf32, #tpu.memory_space<vmem>>) target_semaphore(%run_scoped3A : memref<!tpu.dma_semaphore, #tpu.memory_space<semaphore_mem>>)
        %dma_wait3A = arith.constant 0 : i32
        %dma_wait3A_160 = tpu.memref_slice %arg3[%add3A_114, %dma_wait3A] : memref<10240x64xf32, #tpu.memory_space<hbm>> -> memref<128x64xf32, #tpu.memory_space<hbm>>
        %dma_wait3A_161 = arith.constant 0 : i32
        %dma_wait3A_162 = tpu.memref_slice %arg3[%add3A_114, %dma_wait3A_161] : memref<10240x64xf32, #tpu.memory_space<hbm>> -> memref<128x64xf32, #tpu.memory_space<hbm>>
        tpu.wait_dma2 semaphore(%run_scoped3A : memref<!tpu.dma_semaphore, #tpu.memory_space<semaphore_mem>>) src(%dma_wait3A_162 : memref<128x64xf32, #tpu.memory_space<hbm>>) dst(%arg11 : memref<128x64xf32, #tpu.memory_space<vmem>>)
        tpu.yield
      }) : () -> ()
      "tpu.region"() ({
        %run_scoped3A = tpu.sem_alloc : memref<!tpu.dma_semaphore, #tpu.memory_space<semaphore_mem>>
        %dma_start3A = arith.constant 0 : i32
        %dma_start3A_157 = tpu.memref_slice %arg15[%add3A_114, %dma_start3A] : memref<10240x64xf32, #tpu.memory_space<vmem_shared>> -> memref<128x64xf32, #tpu.memory_space<vmem_shared>>
        %dma_start3A_158 = arith.constant 0 : i32
        %dma_start3A_159 = tpu.memref_slice %arg15[%add3A_114, %dma_start3A_158] : memref<10240x64xf32, #tpu.memory_space<vmem_shared>> -> memref<128x64xf32, #tpu.memory_space<vmem_shared>>
        tpu.enqueue_dma source(%arg11 : memref<128x64xf32, #tpu.memory_space<vmem>>) target(%dma_start3A_159 : memref<128x64xf32, #tpu.memory_space<vmem_shared>>) target_semaphore(%run_scoped3A : memref<!tpu.dma_semaphore, #tpu.memory_space<semaphore_mem>>)
        %dma_wait3A = arith.constant 0 : i32
        %dma_wait3A_160 = tpu.memref_slice %arg15[%add3A_114, %dma_wait3A] : memref<10240x64xf32, #tpu.memory_space<vmem_shared>> -> memref<128x64xf32, #tpu.memory_space<vmem_shared>>
        %dma_wait3A_161 = arith.constant 0 : i32
        %dma_wait3A_162 = tpu.memref_slice %arg15[%add3A_114, %dma_wait3A_161] : memref<10240x64xf32, #tpu.memory_space<vmem_shared>> -> memref<128x64xf32, #tpu.memory_space<vmem_shared>>
        tpu.wait_dma2 semaphore(%run_scoped3A : memref<!tpu.dma_semaphore, #tpu.memory_space<semaphore_mem>>) src(%arg11 : memref<128x64xf32, #tpu.memory_space<vmem>>) dst(%dma_wait3A_162 : memref<128x64xf32, #tpu.memory_space<vmem_shared>>)
        tpu.yield
      }) : () -> ()
    } else {
    }
    %ne3A_120 = arith.constant 0 : i32
    %ne3A_121 = arith.cmpi ne, %arg0, %ne3A_120 : i32
    %convert_element_type3A_122 = arith.extui %ne3A_121 : i1 to i32
    %cond3A_123 = arith.constant 0 : i32
    %cond3A_124 = arith.cmpi ne, %convert_element_type3A_122, %cond3A_123 : i32
    scf.if %cond3A_124 {
      "tpu.region"() ({
        %run_scoped3A = tpu.sem_alloc : memref<!tpu.dma_semaphore, #tpu.memory_space<semaphore_mem>>
        %dma_start3A = arith.constant 0 : i32
        %dma_start3A_157 = tpu.memref_slice %arg4[%add3A_114, %dma_start3A] : memref<10240x64xf32, #tpu.memory_space<hbm>> -> memref<128x64xf32, #tpu.memory_space<hbm>>
        %dma_start3A_158 = arith.constant 0 : i32
        %dma_start3A_159 = tpu.memref_slice %arg4[%add3A_114, %dma_start3A_158] : memref<10240x64xf32, #tpu.memory_space<hbm>> -> memref<128x64xf32, #tpu.memory_space<hbm>>
        tpu.enqueue_dma source(%dma_start3A_159 : memref<128x64xf32, #tpu.memory_space<hbm>>) target(%arg11 : memref<128x64xf32, #tpu.memory_space<vmem>>) target_semaphore(%run_scoped3A : memref<!tpu.dma_semaphore, #tpu.memory_space<semaphore_mem>>)
        %dma_wait3A = arith.constant 0 : i32
        %dma_wait3A_160 = tpu.memref_slice %arg4[%add3A_114, %dma_wait3A] : memref<10240x64xf32, #tpu.memory_space<hbm>> -> memref<128x64xf32, #tpu.memory_space<hbm>>
        %dma_wait3A_161 = arith.constant 0 : i32
        %dma_wait3A_162 = tpu.memref_slice %arg4[%add3A_114, %dma_wait3A_161] : memref<10240x64xf32, #tpu.memory_space<hbm>> -> memref<128x64xf32, #tpu.memory_space<hbm>>
        tpu.wait_dma2 semaphore(%run_scoped3A : memref<!tpu.dma_semaphore, #tpu.memory_space<semaphore_mem>>) src(%dma_wait3A_162 : memref<128x64xf32, #tpu.memory_space<hbm>>) dst(%arg11 : memref<128x64xf32, #tpu.memory_space<vmem>>)
        tpu.yield
      }) : () -> ()
      "tpu.region"() ({
        %run_scoped3A = tpu.sem_alloc : memref<!tpu.dma_semaphore, #tpu.memory_space<semaphore_mem>>
        %dma_start3A = arith.constant 0 : i32
        %dma_start3A_157 = tpu.memref_slice %arg15[%add3A_114, %dma_start3A] : memref<10240x64xf32, #tpu.memory_space<vmem_shared>> -> memref<128x64xf32, #tpu.memory_space<vmem_shared>>
        %dma_start3A_158 = arith.constant 0 : i32
        %dma_start3A_159 = tpu.memref_slice %arg15[%add3A_114, %dma_start3A_158] : memref<10240x64xf32, #tpu.memory_space<vmem_shared>> -> memref<128x64xf32, #tpu.memory_space<vmem_shared>>
        tpu.enqueue_dma source(%arg11 : memref<128x64xf32, #tpu.memory_space<vmem>>) target(%dma_start3A_159 : memref<128x64xf32, #tpu.memory_space<vmem_shared>>) target_semaphore(%run_scoped3A : memref<!tpu.dma_semaphore, #tpu.memory_space<semaphore_mem>>)
        %dma_wait3A = arith.constant 0 : i32
        %dma_wait3A_160 = tpu.memref_slice %arg15[%add3A_114, %dma_wait3A] : memref<10240x64xf32, #tpu.memory_space<vmem_shared>> -> memref<128x64xf32, #tpu.memory_space<vmem_shared>>
        %dma_wait3A_161 = arith.constant 0 : i32
        %dma_wait3A_162 = tpu.memref_slice %arg15[%add3A_114, %dma_wait3A_161] : memref<10240x64xf32, #tpu.memory_space<vmem_shared>> -> memref<128x64xf32, #tpu.memory_space<vmem_shared>>
        tpu.wait_dma2 semaphore(%run_scoped3A : memref<!tpu.dma_semaphore, #tpu.memory_space<semaphore_mem>>) src(%arg11 : memref<128x64xf32, #tpu.memory_space<vmem>>) dst(%dma_wait3A_162 : memref<128x64xf32, #tpu.memory_space<vmem_shared>>)
        tpu.yield
      }) : () -> ()
    } else {
    }
    %add3A_125 = arith.constant 512 : i32
    %add3A_126 = arith.addi %mul3A_2, %add3A_125 : i32
    %eq3A_127 = arith.constant 0 : i32
    %eq3A_128 = arith.cmpi eq, %arg0, %eq3A_127 : i32
    %convert_element_type3A_129 = arith.extui %eq3A_128 : i1 to i32
    %cond3A_130 = arith.constant 0 : i32
    %cond3A_131 = arith.cmpi ne, %convert_element_type3A_129, %cond3A_130 : i32
    scf.if %cond3A_131 {
      "tpu.region"() ({
        %run_scoped3A = tpu.sem_alloc : memref<!tpu.dma_semaphore, #tpu.memory_space<semaphore_mem>>
        %dma_start3A = arith.constant 0 : i32
        %dma_start3A_157 = tpu.memref_slice %arg3[%add3A_126, %dma_start3A] : memref<10240x64xf32, #tpu.memory_space<hbm>> -> memref<128x64xf32, #tpu.memory_space<hbm>>
        %dma_start3A_158 = arith.constant 0 : i32
        %dma_start3A_159 = tpu.memref_slice %arg3[%add3A_126, %dma_start3A_158] : memref<10240x64xf32, #tpu.memory_space<hbm>> -> memref<128x64xf32, #tpu.memory_space<hbm>>
        tpu.enqueue_dma source(%dma_start3A_159 : memref<128x64xf32, #tpu.memory_space<hbm>>) target(%arg11 : memref<128x64xf32, #tpu.memory_space<vmem>>) target_semaphore(%run_scoped3A : memref<!tpu.dma_semaphore, #tpu.memory_space<semaphore_mem>>)
        %dma_wait3A = arith.constant 0 : i32
        %dma_wait3A_160 = tpu.memref_slice %arg3[%add3A_126, %dma_wait3A] : memref<10240x64xf32, #tpu.memory_space<hbm>> -> memref<128x64xf32, #tpu.memory_space<hbm>>
        %dma_wait3A_161 = arith.constant 0 : i32
        %dma_wait3A_162 = tpu.memref_slice %arg3[%add3A_126, %dma_wait3A_161] : memref<10240x64xf32, #tpu.memory_space<hbm>> -> memref<128x64xf32, #tpu.memory_space<hbm>>
        tpu.wait_dma2 semaphore(%run_scoped3A : memref<!tpu.dma_semaphore, #tpu.memory_space<semaphore_mem>>) src(%dma_wait3A_162 : memref<128x64xf32, #tpu.memory_space<hbm>>) dst(%arg11 : memref<128x64xf32, #tpu.memory_space<vmem>>)
        tpu.yield
      }) : () -> ()
      "tpu.region"() ({
        %run_scoped3A = tpu.sem_alloc : memref<!tpu.dma_semaphore, #tpu.memory_space<semaphore_mem>>
        %dma_start3A = arith.constant 0 : i32
        %dma_start3A_157 = tpu.memref_slice %arg15[%add3A_126, %dma_start3A] : memref<10240x64xf32, #tpu.memory_space<vmem_shared>> -> memref<128x64xf32, #tpu.memory_space<vmem_shared>>
        %dma_start3A_158 = arith.constant 0 : i32
        %dma_start3A_159 = tpu.memref_slice %arg15[%add3A_126, %dma_start3A_158] : memref<10240x64xf32, #tpu.memory_space<vmem_shared>> -> memref<128x64xf32, #tpu.memory_space<vmem_shared>>
        tpu.enqueue_dma source(%arg11 : memref<128x64xf32, #tpu.memory_space<vmem>>) target(%dma_start3A_159 : memref<128x64xf32, #tpu.memory_space<vmem_shared>>) target_semaphore(%run_scoped3A : memref<!tpu.dma_semaphore, #tpu.memory_space<semaphore_mem>>)
        %dma_wait3A = arith.constant 0 : i32
        %dma_wait3A_160 = tpu.memref_slice %arg15[%add3A_126, %dma_wait3A] : memref<10240x64xf32, #tpu.memory_space<vmem_shared>> -> memref<128x64xf32, #tpu.memory_space<vmem_shared>>
        %dma_wait3A_161 = arith.constant 0 : i32
        %dma_wait3A_162 = tpu.memref_slice %arg15[%add3A_126, %dma_wait3A_161] : memref<10240x64xf32, #tpu.memory_space<vmem_shared>> -> memref<128x64xf32, #tpu.memory_space<vmem_shared>>
        tpu.wait_dma2 semaphore(%run_scoped3A : memref<!tpu.dma_semaphore, #tpu.memory_space<semaphore_mem>>) src(%arg11 : memref<128x64xf32, #tpu.memory_space<vmem>>) dst(%dma_wait3A_162 : memref<128x64xf32, #tpu.memory_space<vmem_shared>>)
        tpu.yield
      }) : () -> ()
    } else {
    }
    %ne3A_132 = arith.constant 0 : i32
    %ne3A_133 = arith.cmpi ne, %arg0, %ne3A_132 : i32
    %convert_element_type3A_134 = arith.extui %ne3A_133 : i1 to i32
    %cond3A_135 = arith.constant 0 : i32
    %cond3A_136 = arith.cmpi ne, %convert_element_type3A_134, %cond3A_135 : i32
    scf.if %cond3A_136 {
      "tpu.region"() ({
        %run_scoped3A = tpu.sem_alloc : memref<!tpu.dma_semaphore, #tpu.memory_space<semaphore_mem>>
        %dma_start3A = arith.constant 0 : i32
        %dma_start3A_157 = tpu.memref_slice %arg4[%add3A_126, %dma_start3A] : memref<10240x64xf32, #tpu.memory_space<hbm>> -> memref<128x64xf32, #tpu.memory_space<hbm>>
        %dma_start3A_158 = arith.constant 0 : i32
        %dma_start3A_159 = tpu.memref_slice %arg4[%add3A_126, %dma_start3A_158] : memref<10240x64xf32, #tpu.memory_space<hbm>> -> memref<128x64xf32, #tpu.memory_space<hbm>>
        tpu.enqueue_dma source(%dma_start3A_159 : memref<128x64xf32, #tpu.memory_space<hbm>>) target(%arg11 : memref<128x64xf32, #tpu.memory_space<vmem>>) target_semaphore(%run_scoped3A : memref<!tpu.dma_semaphore, #tpu.memory_space<semaphore_mem>>)
        %dma_wait3A = arith.constant 0 : i32
        %dma_wait3A_160 = tpu.memref_slice %arg4[%add3A_126, %dma_wait3A] : memref<10240x64xf32, #tpu.memory_space<hbm>> -> memref<128x64xf32, #tpu.memory_space<hbm>>
        %dma_wait3A_161 = arith.constant 0 : i32
        %dma_wait3A_162 = tpu.memref_slice %arg4[%add3A_126, %dma_wait3A_161] : memref<10240x64xf32, #tpu.memory_space<hbm>> -> memref<128x64xf32, #tpu.memory_space<hbm>>
        tpu.wait_dma2 semaphore(%run_scoped3A : memref<!tpu.dma_semaphore, #tpu.memory_space<semaphore_mem>>) src(%dma_wait3A_162 : memref<128x64xf32, #tpu.memory_space<hbm>>) dst(%arg11 : memref<128x64xf32, #tpu.memory_space<vmem>>)
        tpu.yield
      }) : () -> ()
      "tpu.region"() ({
        %run_scoped3A = tpu.sem_alloc : memref<!tpu.dma_semaphore, #tpu.memory_space<semaphore_mem>>
        %dma_start3A = arith.constant 0 : i32
        %dma_start3A_157 = tpu.memref_slice %arg15[%add3A_126, %dma_start3A] : memref<10240x64xf32, #tpu.memory_space<vmem_shared>> -> memref<128x64xf32, #tpu.memory_space<vmem_shared>>
        %dma_start3A_158 = arith.constant 0 : i32
        %dma_start3A_159 = tpu.memref_slice %arg15[%add3A_126, %dma_start3A_158] : memref<10240x64xf32, #tpu.memory_space<vmem_shared>> -> memref<128x64xf32, #tpu.memory_space<vmem_shared>>
        tpu.enqueue_dma source(%arg11 : memref<128x64xf32, #tpu.memory_space<vmem>>) target(%dma_start3A_159 : memref<128x64xf32, #tpu.memory_space<vmem_shared>>) target_semaphore(%run_scoped3A : memref<!tpu.dma_semaphore, #tpu.memory_space<semaphore_mem>>)
        %dma_wait3A = arith.constant 0 : i32
        %dma_wait3A_160 = tpu.memref_slice %arg15[%add3A_126, %dma_wait3A] : memref<10240x64xf32, #tpu.memory_space<vmem_shared>> -> memref<128x64xf32, #tpu.memory_space<vmem_shared>>
        %dma_wait3A_161 = arith.constant 0 : i32
        %dma_wait3A_162 = tpu.memref_slice %arg15[%add3A_126, %dma_wait3A_161] : memref<10240x64xf32, #tpu.memory_space<vmem_shared>> -> memref<128x64xf32, #tpu.memory_space<vmem_shared>>
        tpu.wait_dma2 semaphore(%run_scoped3A : memref<!tpu.dma_semaphore, #tpu.memory_space<semaphore_mem>>) src(%arg11 : memref<128x64xf32, #tpu.memory_space<vmem>>) dst(%dma_wait3A_162 : memref<128x64xf32, #tpu.memory_space<vmem_shared>>)
        tpu.yield
      }) : () -> ()
    } else {
    }
    %barrier3A_137 = arith.constant 0 : index
    tpu.barrier barrier_id(%barrier3A_137)
    %scan3A_138 = arith.constant 0 : i32
    %scan3A_139 = arith.constant 0 : i32
    %scan3A_140 = arith.constant 20 : i32
    %scan3A_141 = arith.addi %scan3A_139, %scan3A_140 : i32
    %scan3A_142 = arith.constant 1 : i32
    %scan3A_143 = scf.for %scan3A_157 = %scan3A_139 to %scan3A_141 step %scan3A_142 iter_args(%scan3A_158 = %scan3A_138) -> (i32)  : i32 {
      %mul3A_159 = arith.constant 4 : i32
      %mul3A_160 = arith.muli %scan3A_157, %mul3A_159 : i32
      %add3A_161 = arith.constant 0 : i32
      %add3A_162 = arith.addi %mul3A_160, %add3A_161 : i32
      %dma_start3A = arith.constant 0 : i32
      %dma_start3A_163 = tpu.memref_slice %arg9[%add3A_162, %dma_start3A] : memref<80x128xi32, #tpu.memory_space<vmem>> -> memref<1x128xi32, #tpu.memory_space<vmem>>
      %dma_start3A_164 = tpu.memref_squeeze %dma_start3A_163 : memref<1x128xi32, #tpu.memory_space<vmem>> -> memref<128xi32, #tpu.memory_space<vmem>>
      %dma_start3A_165 = arith.constant 0 : i32
      %dma_start3A_166 = arith.constant 0 : i32
      %dma_start3A_167 = tpu.memref_slice %arg3[%dma_start3A_165, %dma_start3A_166] : memref<10240x64xf32, #tpu.memory_space<hbm>> -> memref<10240x64xf32, #tpu.memory_space<hbm>>
      tpu.enqueue_indirect_dma source(%dma_start3A_167 : memref<10240x64xf32, #tpu.memory_space<hbm>>) target(%arg11 : memref<128x64xf32, #tpu.memory_space<vmem>>) offsets(%dma_start3A_164 : memref<128xi32, #tpu.memory_space<vmem>>) semaphore(%arg16 : memref<!tpu.dma_semaphore, #tpu.memory_space<semaphore_mem>>)
      %mul3A_168 = arith.constant 4 : i32
      %mul3A_169 = arith.muli %scan3A_157, %mul3A_168 : i32
      %add3A_170 = arith.constant 1 : i32
      %add3A_171 = arith.addi %mul3A_169, %add3A_170 : i32
      %dma_start3A_172 = arith.constant 0 : i32
      %dma_start3A_173 = tpu.memref_slice %arg9[%add3A_171, %dma_start3A_172] : memref<80x128xi32, #tpu.memory_space<vmem>> -> memref<1x128xi32, #tpu.memory_space<vmem>>
      %dma_start3A_174 = tpu.memref_squeeze %dma_start3A_173 : memref<1x128xi32, #tpu.memory_space<vmem>> -> memref<128xi32, #tpu.memory_space<vmem>>
      %dma_start3A_175 = arith.constant 0 : i32
      %dma_start3A_176 = arith.constant 0 : i32
      %dma_start3A_177 = tpu.memref_slice %arg3[%dma_start3A_175, %dma_start3A_176] : memref<10240x64xf32, #tpu.memory_space<hbm>> -> memref<10240x64xf32, #tpu.memory_space<hbm>>
      tpu.enqueue_indirect_dma source(%dma_start3A_177 : memref<10240x64xf32, #tpu.memory_space<hbm>>) target(%arg12 : memref<128x64xf32, #tpu.memory_space<vmem>>) offsets(%dma_start3A_174 : memref<128xi32, #tpu.memory_space<vmem>>) semaphore(%arg17 : memref<!tpu.dma_semaphore, #tpu.memory_space<semaphore_mem>>)
      %mul3A_178 = arith.constant 4 : i32
      %mul3A_179 = arith.muli %scan3A_157, %mul3A_178 : i32
      %add3A_180 = arith.constant 2 : i32
      %add3A_181 = arith.addi %mul3A_179, %add3A_180 : i32
      %dma_start3A_182 = arith.constant 0 : i32
      %dma_start3A_183 = tpu.memref_slice %arg9[%add3A_181, %dma_start3A_182] : memref<80x128xi32, #tpu.memory_space<vmem>> -> memref<1x128xi32, #tpu.memory_space<vmem>>
      %dma_start3A_184 = tpu.memref_squeeze %dma_start3A_183 : memref<1x128xi32, #tpu.memory_space<vmem>> -> memref<128xi32, #tpu.memory_space<vmem>>
      %dma_start3A_185 = arith.constant 0 : i32
      %dma_start3A_186 = arith.constant 0 : i32
      %dma_start3A_187 = tpu.memref_slice %arg3[%dma_start3A_185, %dma_start3A_186] : memref<10240x64xf32, #tpu.memory_space<hbm>> -> memref<10240x64xf32, #tpu.memory_space<hbm>>
      tpu.enqueue_indirect_dma source(%dma_start3A_187 : memref<10240x64xf32, #tpu.memory_space<hbm>>) target(%arg13 : memref<128x64xf32, #tpu.memory_space<vmem>>) offsets(%dma_start3A_184 : memref<128xi32, #tpu.memory_space<vmem>>) semaphore(%arg18 : memref<!tpu.dma_semaphore, #tpu.memory_space<semaphore_mem>>)
      %mul3A_188 = arith.constant 4 : i32
      %mul3A_189 = arith.muli %scan3A_157, %mul3A_188 : i32
      %add3A_190 = arith.constant 3 : i32
      %add3A_191 = arith.addi %mul3A_189, %add3A_190 : i32
      %dma_start3A_192 = arith.constant 0 : i32
      %dma_start3A_193 = tpu.memref_slice %arg9[%add3A_191, %dma_start3A_192] : memref<80x128xi32, #tpu.memory_space<vmem>> -> memref<1x128xi32, #tpu.memory_space<vmem>>
      %dma_start3A_194 = tpu.memref_squeeze %dma_start3A_193 : memref<1x128xi32, #tpu.memory_space<vmem>> -> memref<128xi32, #tpu.memory_space<vmem>>
      %dma_start3A_195 = arith.constant 0 : i32
      %dma_start3A_196 = arith.constant 0 : i32
      %dma_start3A_197 = tpu.memref_slice %arg3[%dma_start3A_195, %dma_start3A_196] : memref<10240x64xf32, #tpu.memory_space<hbm>> -> memref<10240x64xf32, #tpu.memory_space<hbm>>
      tpu.enqueue_indirect_dma source(%dma_start3A_197 : memref<10240x64xf32, #tpu.memory_space<hbm>>) target(%arg14 : memref<128x64xf32, #tpu.memory_space<vmem>>) offsets(%dma_start3A_194 : memref<128xi32, #tpu.memory_space<vmem>>) semaphore(%arg19 : memref<!tpu.dma_semaphore, #tpu.memory_space<semaphore_mem>>)
      %dma_wait3A = arith.constant 0 : i32
      %dma_wait3A_198 = tpu.memref_slice %arg9[%add3A_162, %dma_wait3A] : memref<80x128xi32, #tpu.memory_space<vmem>> -> memref<1x128xi32, #tpu.memory_space<vmem>>
      %dma_wait3A_199 = tpu.memref_squeeze %dma_wait3A_198 : memref<1x128xi32, #tpu.memory_space<vmem>> -> memref<128xi32, #tpu.memory_space<vmem>>
      %dma_wait3A_200 = arith.constant 0 : i32
      %dma_wait3A_201 = arith.constant 0 : i32
      %dma_wait3A_202 = tpu.memref_slice %arg3[%dma_wait3A_200, %dma_wait3A_201] : memref<10240x64xf32, #tpu.memory_space<hbm>> -> memref<10240x64xf32, #tpu.memory_space<hbm>>
      tpu.wait_indirect_dma semaphore(%arg16 : memref<!tpu.dma_semaphore, #tpu.memory_space<semaphore_mem>>) src(%dma_wait3A_202 : memref<10240x64xf32, #tpu.memory_space<hbm>>) dst(%arg11 : memref<128x64xf32, #tpu.memory_space<vmem>>)
      %mul3A_203 = arith.constant 4 : i32
      %mul3A_204 = arith.muli %scan3A_157, %mul3A_203 : i32
      %add3A_205 = arith.constant 0 : i32
      %add3A_206 = arith.addi %mul3A_204, %add3A_205 : i32
      "tpu.region"() ({
        %run_scoped3A = tpu.sem_alloc : memref<!tpu.dma_semaphore, #tpu.memory_space<semaphore_mem>>
        %dma_start3A_238 = arith.constant 0 : i32
        %dma_start3A_239 = tpu.memref_slice %arg10[%add3A_206, %dma_start3A_238] : memref<80x128xi32, #tpu.memory_space<vmem>> -> memref<1x128xi32, #tpu.memory_space<vmem>>
        %dma_start3A_240 = tpu.memref_squeeze %dma_start3A_239 : memref<1x128xi32, #tpu.memory_space<vmem>> -> memref<128xi32, #tpu.memory_space<vmem>>
        %dma_start3A_241 = arith.constant 0 : i32
        %dma_start3A_242 = arith.constant 0 : i32
        %dma_start3A_243 = tpu.memref_slice %arg15[%dma_start3A_241, %dma_start3A_242] : memref<10240x64xf32, #tpu.memory_space<vmem_shared>> -> memref<10240x64xf32, #tpu.memory_space<vmem_shared>>
        tpu.enqueue_indirect_dma source(%arg11 : memref<128x64xf32, #tpu.memory_space<vmem>>) target(%dma_start3A_243 : memref<10240x64xf32, #tpu.memory_space<vmem_shared>>) offsets(%dma_start3A_240 : memref<128xi32, #tpu.memory_space<vmem>>) semaphore(%run_scoped3A : memref<!tpu.dma_semaphore, #tpu.memory_space<semaphore_mem>>) {add = true}
        %dma_wait3A_244 = arith.constant 0 : i32
        %dma_wait3A_245 = tpu.memref_slice %arg10[%add3A_206, %dma_wait3A_244] : memref<80x128xi32, #tpu.memory_space<vmem>> -> memref<1x128xi32, #tpu.memory_space<vmem>>
        %dma_wait3A_246 = tpu.memref_squeeze %dma_wait3A_245 : memref<1x128xi32, #tpu.memory_space<vmem>> -> memref<128xi32, #tpu.memory_space<vmem>>
        %dma_wait3A_247 = arith.constant 0 : i32
        %dma_wait3A_248 = arith.constant 0 : i32
        %dma_wait3A_249 = tpu.memref_slice %arg15[%dma_wait3A_247, %dma_wait3A_248] : memref<10240x64xf32, #tpu.memory_space<vmem_shared>> -> memref<10240x64xf32, #tpu.memory_space<vmem_shared>>
        tpu.wait_indirect_dma semaphore(%run_scoped3A : memref<!tpu.dma_semaphore, #tpu.memory_space<semaphore_mem>>) src(%arg11 : memref<128x64xf32, #tpu.memory_space<vmem>>) dst(%dma_wait3A_249 : memref<10240x64xf32, #tpu.memory_space<vmem_shared>>)
        tpu.yield
      }) : () -> ()
      %dma_wait3A_207 = arith.constant 0 : i32
      %dma_wait3A_208 = tpu.memref_slice %arg9[%add3A_171, %dma_wait3A_207] : memref<80x128xi32, #tpu.memory_space<vmem>> -> memref<1x128xi32, #tpu.memory_space<vmem>>
      %dma_wait3A_209 = tpu.memref_squeeze %dma_wait3A_208 : memref<1x128xi32, #tpu.memory_space<vmem>> -> memref<128xi32, #tpu.memory_space<vmem>>
      %dma_wait3A_210 = arith.constant 0 : i32
      %dma_wait3A_211 = arith.constant 0 : i32
      %dma_wait3A_212 = tpu.memref_slice %arg3[%dma_wait3A_210, %dma_wait3A_211] : memref<10240x64xf32, #tpu.memory_space<hbm>> -> memref<10240x64xf32, #tpu.memory_space<hbm>>
      tpu.wait_indirect_dma semaphore(%arg17 : memref<!tpu.dma_semaphore, #tpu.memory_space<semaphore_mem>>) src(%dma_wait3A_212 : memref<10240x64xf32, #tpu.memory_space<hbm>>) dst(%arg12 : memref<128x64xf32, #tpu.memory_space<vmem>>)
      %mul3A_213 = arith.constant 4 : i32
      %mul3A_214 = arith.muli %scan3A_157, %mul3A_213 : i32
      %add3A_215 = arith.constant 1 : i32
      %add3A_216 = arith.addi %mul3A_214, %add3A_215 : i32
      "tpu.region"() ({
        %run_scoped3A = tpu.sem_alloc : memref<!tpu.dma_semaphore, #tpu.memory_space<semaphore_mem>>
        %dma_start3A_238 = arith.constant 0 : i32
        %dma_start3A_239 = tpu.memref_slice %arg10[%add3A_216, %dma_start3A_238] : memref<80x128xi32, #tpu.memory_space<vmem>> -> memref<1x128xi32, #tpu.memory_space<vmem>>
        %dma_start3A_240 = tpu.memref_squeeze %dma_start3A_239 : memref<1x128xi32, #tpu.memory_space<vmem>> -> memref<128xi32, #tpu.memory_space<vmem>>
        %dma_start3A_241 = arith.constant 0 : i32
        %dma_start3A_242 = arith.constant 0 : i32
        %dma_start3A_243 = tpu.memref_slice %arg15[%dma_start3A_241, %dma_start3A_242] : memref<10240x64xf32, #tpu.memory_space<vmem_shared>> -> memref<10240x64xf32, #tpu.memory_space<vmem_shared>>
        tpu.enqueue_indirect_dma source(%arg12 : memref<128x64xf32, #tpu.memory_space<vmem>>) target(%dma_start3A_243 : memref<10240x64xf32, #tpu.memory_space<vmem_shared>>) offsets(%dma_start3A_240 : memref<128xi32, #tpu.memory_space<vmem>>) semaphore(%run_scoped3A : memref<!tpu.dma_semaphore, #tpu.memory_space<semaphore_mem>>) {add = true}
        %dma_wait3A_244 = arith.constant 0 : i32
        %dma_wait3A_245 = tpu.memref_slice %arg10[%add3A_216, %dma_wait3A_244] : memref<80x128xi32, #tpu.memory_space<vmem>> -> memref<1x128xi32, #tpu.memory_space<vmem>>
        %dma_wait3A_246 = tpu.memref_squeeze %dma_wait3A_245 : memref<1x128xi32, #tpu.memory_space<vmem>> -> memref<128xi32, #tpu.memory_space<vmem>>
        %dma_wait3A_247 = arith.constant 0 : i32
        %dma_wait3A_248 = arith.constant 0 : i32
        %dma_wait3A_249 = tpu.memref_slice %arg15[%dma_wait3A_247, %dma_wait3A_248] : memref<10240x64xf32, #tpu.memory_space<vmem_shared>> -> memref<10240x64xf32, #tpu.memory_space<vmem_shared>>
        tpu.wait_indirect_dma semaphore(%run_scoped3A : memref<!tpu.dma_semaphore, #tpu.memory_space<semaphore_mem>>) src(%arg12 : memref<128x64xf32, #tpu.memory_space<vmem>>) dst(%dma_wait3A_249 : memref<10240x64xf32, #tpu.memory_space<vmem_shared>>)
        tpu.yield
      }) : () -> ()
      %dma_wait3A_217 = arith.constant 0 : i32
      %dma_wait3A_218 = tpu.memref_slice %arg9[%add3A_181, %dma_wait3A_217] : memref<80x128xi32, #tpu.memory_space<vmem>> -> memref<1x128xi32, #tpu.memory_space<vmem>>
      %dma_wait3A_219 = tpu.memref_squeeze %dma_wait3A_218 : memref<1x128xi32, #tpu.memory_space<vmem>> -> memref<128xi32, #tpu.memory_space<vmem>>
      %dma_wait3A_220 = arith.constant 0 : i32
      %dma_wait3A_221 = arith.constant 0 : i32
      %dma_wait3A_222 = tpu.memref_slice %arg3[%dma_wait3A_220, %dma_wait3A_221] : memref<10240x64xf32, #tpu.memory_space<hbm>> -> memref<10240x64xf32, #tpu.memory_space<hbm>>
      tpu.wait_indirect_dma semaphore(%arg18 : memref<!tpu.dma_semaphore, #tpu.memory_space<semaphore_mem>>) src(%dma_wait3A_222 : memref<10240x64xf32, #tpu.memory_space<hbm>>) dst(%arg13 : memref<128x64xf32, #tpu.memory_space<vmem>>)
      %mul3A_223 = arith.constant 4 : i32
      %mul3A_224 = arith.muli %scan3A_157, %mul3A_223 : i32
      %add3A_225 = arith.constant 2 : i32
      %add3A_226 = arith.addi %mul3A_224, %add3A_225 : i32
      "tpu.region"() ({
        %run_scoped3A = tpu.sem_alloc : memref<!tpu.dma_semaphore, #tpu.memory_space<semaphore_mem>>
        %dma_start3A_238 = arith.constant 0 : i32
        %dma_start3A_239 = tpu.memref_slice %arg10[%add3A_226, %dma_start3A_238] : memref<80x128xi32, #tpu.memory_space<vmem>> -> memref<1x128xi32, #tpu.memory_space<vmem>>
        %dma_start3A_240 = tpu.memref_squeeze %dma_start3A_239 : memref<1x128xi32, #tpu.memory_space<vmem>> -> memref<128xi32, #tpu.memory_space<vmem>>
        %dma_start3A_241 = arith.constant 0 : i32
        %dma_start3A_242 = arith.constant 0 : i32
        %dma_start3A_243 = tpu.memref_slice %arg15[%dma_start3A_241, %dma_start3A_242] : memref<10240x64xf32, #tpu.memory_space<vmem_shared>> -> memref<10240x64xf32, #tpu.memory_space<vmem_shared>>
        tpu.enqueue_indirect_dma source(%arg13 : memref<128x64xf32, #tpu.memory_space<vmem>>) target(%dma_start3A_243 : memref<10240x64xf32, #tpu.memory_space<vmem_shared>>) offsets(%dma_start3A_240 : memref<128xi32, #tpu.memory_space<vmem>>) semaphore(%run_scoped3A : memref<!tpu.dma_semaphore, #tpu.memory_space<semaphore_mem>>) {add = true}
        %dma_wait3A_244 = arith.constant 0 : i32
        %dma_wait3A_245 = tpu.memref_slice %arg10[%add3A_226, %dma_wait3A_244] : memref<80x128xi32, #tpu.memory_space<vmem>> -> memref<1x128xi32, #tpu.memory_space<vmem>>
        %dma_wait3A_246 = tpu.memref_squeeze %dma_wait3A_245 : memref<1x128xi32, #tpu.memory_space<vmem>> -> memref<128xi32, #tpu.memory_space<vmem>>
        %dma_wait3A_247 = arith.constant 0 : i32
        %dma_wait3A_248 = arith.constant 0 : i32
        %dma_wait3A_249 = tpu.memref_slice %arg15[%dma_wait3A_247, %dma_wait3A_248] : memref<10240x64xf32, #tpu.memory_space<vmem_shared>> -> memref<10240x64xf32, #tpu.memory_space<vmem_shared>>
        tpu.wait_indirect_dma semaphore(%run_scoped3A : memref<!tpu.dma_semaphore, #tpu.memory_space<semaphore_mem>>) src(%arg13 : memref<128x64xf32, #tpu.memory_space<vmem>>) dst(%dma_wait3A_249 : memref<10240x64xf32, #tpu.memory_space<vmem_shared>>)
        tpu.yield
      }) : () -> ()
      %dma_wait3A_227 = arith.constant 0 : i32
      %dma_wait3A_228 = tpu.memref_slice %arg9[%add3A_191, %dma_wait3A_227] : memref<80x128xi32, #tpu.memory_space<vmem>> -> memref<1x128xi32, #tpu.memory_space<vmem>>
      %dma_wait3A_229 = tpu.memref_squeeze %dma_wait3A_228 : memref<1x128xi32, #tpu.memory_space<vmem>> -> memref<128xi32, #tpu.memory_space<vmem>>
      %dma_wait3A_230 = arith.constant 0 : i32
      %dma_wait3A_231 = arith.constant 0 : i32
      %dma_wait3A_232 = tpu.memref_slice %arg3[%dma_wait3A_230, %dma_wait3A_231] : memref<10240x64xf32, #tpu.memory_space<hbm>> -> memref<10240x64xf32, #tpu.memory_space<hbm>>
      tpu.wait_indirect_dma semaphore(%arg19 : memref<!tpu.dma_semaphore, #tpu.memory_space<semaphore_mem>>) src(%dma_wait3A_232 : memref<10240x64xf32, #tpu.memory_space<hbm>>) dst(%arg14 : memref<128x64xf32, #tpu.memory_space<vmem>>)
      %mul3A_233 = arith.constant 4 : i32
      %mul3A_234 = arith.muli %scan3A_157, %mul3A_233 : i32
      %add3A_235 = arith.constant 3 : i32
      %add3A_236 = arith.addi %mul3A_234, %add3A_235 : i32
      "tpu.region"() ({
        %run_scoped3A = tpu.sem_alloc : memref<!tpu.dma_semaphore, #tpu.memory_space<semaphore_mem>>
        %dma_start3A_238 = arith.constant 0 : i32
        %dma_start3A_239 = tpu.memref_slice %arg10[%add3A_236, %dma_start3A_238] : memref<80x128xi32, #tpu.memory_space<vmem>> -> memref<1x128xi32, #tpu.memory_space<vmem>>
        %dma_start3A_240 = tpu.memref_squeeze %dma_start3A_239 : memref<1x128xi32, #tpu.memory_space<vmem>> -> memref<128xi32, #tpu.memory_space<vmem>>
        %dma_start3A_241 = arith.constant 0 : i32
        %dma_start3A_242 = arith.constant 0 : i32
        %dma_start3A_243 = tpu.memref_slice %arg15[%dma_start3A_241, %dma_start3A_242] : memref<10240x64xf32, #tpu.memory_space<vmem_shared>> -> memref<10240x64xf32, #tpu.memory_space<vmem_shared>>
        tpu.enqueue_indirect_dma source(%arg14 : memref<128x64xf32, #tpu.memory_space<vmem>>) target(%dma_start3A_243 : memref<10240x64xf32, #tpu.memory_space<vmem_shared>>) offsets(%dma_start3A_240 : memref<128xi32, #tpu.memory_space<vmem>>) semaphore(%run_scoped3A : memref<!tpu.dma_semaphore, #tpu.memory_space<semaphore_mem>>) {add = true}
        %dma_wait3A_244 = arith.constant 0 : i32
        %dma_wait3A_245 = tpu.memref_slice %arg10[%add3A_236, %dma_wait3A_244] : memref<80x128xi32, #tpu.memory_space<vmem>> -> memref<1x128xi32, #tpu.memory_space<vmem>>
        %dma_wait3A_246 = tpu.memref_squeeze %dma_wait3A_245 : memref<1x128xi32, #tpu.memory_space<vmem>> -> memref<128xi32, #tpu.memory_space<vmem>>
        %dma_wait3A_247 = arith.constant 0 : i32
        %dma_wait3A_248 = arith.constant 0 : i32
        %dma_wait3A_249 = tpu.memref_slice %arg15[%dma_wait3A_247, %dma_wait3A_248] : memref<10240x64xf32, #tpu.memory_space<vmem_shared>> -> memref<10240x64xf32, #tpu.memory_space<vmem_shared>>
        tpu.wait_indirect_dma semaphore(%run_scoped3A : memref<!tpu.dma_semaphore, #tpu.memory_space<semaphore_mem>>) src(%arg14 : memref<128x64xf32, #tpu.memory_space<vmem>>) dst(%dma_wait3A_249 : memref<10240x64xf32, #tpu.memory_space<vmem_shared>>)
        tpu.yield
      }) : () -> ()
      %scan3A_237 = arith.constant 0 : i32
      scf.yield %scan3A_237 : i32
    }
    %scan3A_144 = arith.constant 20 : i32
    %barrier3A_145 = arith.constant 0 : index
    tpu.barrier barrier_id(%barrier3A_145)
    %add3A_146 = arith.constant 0 : i32
    %add3A_147 = arith.addi %mul3A_2, %add3A_146 : i32
    "tpu.region"() ({
      %run_scoped3A = tpu.sem_alloc : memref<!tpu.dma_semaphore, #tpu.memory_space<semaphore_mem>>
      %dma_start3A = arith.constant 0 : i32
      %dma_start3A_157 = tpu.memref_slice %arg15[%add3A_147, %dma_start3A] : memref<10240x64xf32, #tpu.memory_space<vmem_shared>> -> memref<128x64xf32, #tpu.memory_space<vmem_shared>>
      %dma_start3A_158 = arith.constant 0 : i32
      %dma_start3A_159 = tpu.memref_slice %arg15[%add3A_147, %dma_start3A_158] : memref<10240x64xf32, #tpu.memory_space<vmem_shared>> -> memref<128x64xf32, #tpu.memory_space<vmem_shared>>
      tpu.enqueue_dma source(%dma_start3A_159 : memref<128x64xf32, #tpu.memory_space<vmem_shared>>) target(%arg11 : memref<128x64xf32, #tpu.memory_space<vmem>>) target_semaphore(%run_scoped3A : memref<!tpu.dma_semaphore, #tpu.memory_space<semaphore_mem>>)
      %dma_wait3A = arith.constant 0 : i32
      %dma_wait3A_160 = tpu.memref_slice %arg15[%add3A_147, %dma_wait3A] : memref<10240x64xf32, #tpu.memory_space<vmem_shared>> -> memref<128x64xf32, #tpu.memory_space<vmem_shared>>
      %dma_wait3A_161 = arith.constant 0 : i32
      %dma_wait3A_162 = tpu.memref_slice %arg15[%add3A_147, %dma_wait3A_161] : memref<10240x64xf32, #tpu.memory_space<vmem_shared>> -> memref<128x64xf32, #tpu.memory_space<vmem_shared>>
      tpu.wait_dma2 semaphore(%run_scoped3A : memref<!tpu.dma_semaphore, #tpu.memory_space<semaphore_mem>>) src(%dma_wait3A_162 : memref<128x64xf32, #tpu.memory_space<vmem_shared>>) dst(%arg11 : memref<128x64xf32, #tpu.memory_space<vmem>>)
      tpu.yield
    }) : () -> ()
    "tpu.region"() ({
      %run_scoped3A = tpu.sem_alloc : memref<!tpu.dma_semaphore, #tpu.memory_space<semaphore_mem>>
      %dma_start3A = arith.constant 0 : i32
      %dma_start3A_157 = tpu.memref_slice %arg8[%arg0, %add3A_147, %dma_start3A] : memref<2x10240x64xf32, #tpu.memory_space<hbm>> -> memref<1x128x64xf32, #tpu.memory_space<hbm>>
      %dma_start3A_158 = tpu.memref_squeeze %dma_start3A_157 : memref<1x128x64xf32, #tpu.memory_space<hbm>> -> memref<128x64xf32, #tpu.memory_space<hbm>>
      %dma_start3A_159 = arith.constant 0 : i32
      %dma_start3A_160 = tpu.memref_slice %arg8[%arg0, %add3A_147, %dma_start3A_159] : memref<2x10240x64xf32, #tpu.memory_space<hbm>> -> memref<1x128x64xf32, #tpu.memory_space<hbm>>
      %dma_start3A_161 = tpu.memref_squeeze %dma_start3A_160 : memref<1x128x64xf32, #tpu.memory_space<hbm>> -> memref<128x64xf32, #tpu.memory_space<hbm>>
      tpu.enqueue_dma source(%arg11 : memref<128x64xf32, #tpu.memory_space<vmem>>) target(%dma_start3A_161 : memref<128x64xf32, #tpu.memory_space<hbm>>) target_semaphore(%run_scoped3A : memref<!tpu.dma_semaphore, #tpu.memory_space<semaphore_mem>>)
      %dma_wait3A = arith.constant 0 : i32
      %dma_wait3A_162 = tpu.memref_slice %arg8[%arg0, %add3A_147, %dma_wait3A] : memref<2x10240x64xf32, #tpu.memory_space<hbm>> -> memref<1x128x64xf32, #tpu.memory_space<hbm>>
      %dma_wait3A_163 = tpu.memref_squeeze %dma_wait3A_162 : memref<1x128x64xf32, #tpu.memory_space<hbm>> -> memref<128x64xf32, #tpu.memory_space<hbm>>
      %dma_wait3A_164 = arith.constant 0 : i32
      %dma_wait3A_165 = tpu.memref_slice %arg8[%arg0, %add3A_147, %dma_wait3A_164] : memref<2x10240x64xf32, #tpu.memory_space<hbm>> -> memref<1x128x64xf32, #tpu.memory_space<hbm>>
      %dma_wait3A_166 = tpu.memref_squeeze %dma_wait3A_165 : memref<1x128x64xf32, #tpu.memory_space<hbm>> -> memref<128x64xf32, #tpu.memory_space<hbm>>
      tpu.wait_dma2 semaphore(%run_scoped3A : memref<!tpu.dma_semaphore, #tpu.memory_space<semaphore_mem>>) src(%arg11 : memref<128x64xf32, #tpu.memory_space<vmem>>) dst(%dma_wait3A_166 : memref<128x64xf32, #tpu.memory_space<hbm>>)
      tpu.yield
    }) : () -> ()
    %add3A_148 = arith.constant 128 : i32
    %add3A_149 = arith.addi %mul3A_2, %add3A_148 : i32
    "tpu.region"() ({
      %run_scoped3A = tpu.sem_alloc : memref<!tpu.dma_semaphore, #tpu.memory_space<semaphore_mem>>
      %dma_start3A = arith.constant 0 : i32
      %dma_start3A_157 = tpu.memref_slice %arg15[%add3A_149, %dma_start3A] : memref<10240x64xf32, #tpu.memory_space<vmem_shared>> -> memref<128x64xf32, #tpu.memory_space<vmem_shared>>
      %dma_start3A_158 = arith.constant 0 : i32
      %dma_start3A_159 = tpu.memref_slice %arg15[%add3A_149, %dma_start3A_158] : memref<10240x64xf32, #tpu.memory_space<vmem_shared>> -> memref<128x64xf32, #tpu.memory_space<vmem_shared>>
      tpu.enqueue_dma source(%dma_start3A_159 : memref<128x64xf32, #tpu.memory_space<vmem_shared>>) target(%arg11 : memref<128x64xf32, #tpu.memory_space<vmem>>) target_semaphore(%run_scoped3A : memref<!tpu.dma_semaphore, #tpu.memory_space<semaphore_mem>>)
      %dma_wait3A = arith.constant 0 : i32
      %dma_wait3A_160 = tpu.memref_slice %arg15[%add3A_149, %dma_wait3A] : memref<10240x64xf32, #tpu.memory_space<vmem_shared>> -> memref<128x64xf32, #tpu.memory_space<vmem_shared>>
      %dma_wait3A_161 = arith.constant 0 : i32
      %dma_wait3A_162 = tpu.memref_slice %arg15[%add3A_149, %dma_wait3A_161] : memref<10240x64xf32, #tpu.memory_space<vmem_shared>> -> memref<128x64xf32, #tpu.memory_space<vmem_shared>>
      tpu.wait_dma2 semaphore(%run_scoped3A : memref<!tpu.dma_semaphore, #tpu.memory_space<semaphore_mem>>) src(%dma_wait3A_162 : memref<128x64xf32, #tpu.memory_space<vmem_shared>>) dst(%arg11 : memref<128x64xf32, #tpu.memory_space<vmem>>)
      tpu.yield
    }) : () -> ()
    "tpu.region"() ({
      %run_scoped3A = tpu.sem_alloc : memref<!tpu.dma_semaphore, #tpu.memory_space<semaphore_mem>>
      %dma_start3A = arith.constant 0 : i32
      %dma_start3A_157 = tpu.memref_slice %arg8[%arg0, %add3A_149, %dma_start3A] : memref<2x10240x64xf32, #tpu.memory_space<hbm>> -> memref<1x128x64xf32, #tpu.memory_space<hbm>>
      %dma_start3A_158 = tpu.memref_squeeze %dma_start3A_157 : memref<1x128x64xf32, #tpu.memory_space<hbm>> -> memref<128x64xf32, #tpu.memory_space<hbm>>
      %dma_start3A_159 = arith.constant 0 : i32
      %dma_start3A_160 = tpu.memref_slice %arg8[%arg0, %add3A_149, %dma_start3A_159] : memref<2x10240x64xf32, #tpu.memory_space<hbm>> -> memref<1x128x64xf32, #tpu.memory_space<hbm>>
      %dma_start3A_161 = tpu.memref_squeeze %dma_start3A_160 : memref<1x128x64xf32, #tpu.memory_space<hbm>> -> memref<128x64xf32, #tpu.memory_space<hbm>>
      tpu.enqueue_dma source(%arg11 : memref<128x64xf32, #tpu.memory_space<vmem>>) target(%dma_start3A_161 : memref<128x64xf32, #tpu.memory_space<hbm>>) target_semaphore(%run_scoped3A : memref<!tpu.dma_semaphore, #tpu.memory_space<semaphore_mem>>)
      %dma_wait3A = arith.constant 0 : i32
      %dma_wait3A_162 = tpu.memref_slice %arg8[%arg0, %add3A_149, %dma_wait3A] : memref<2x10240x64xf32, #tpu.memory_space<hbm>> -> memref<1x128x64xf32, #tpu.memory_space<hbm>>
      %dma_wait3A_163 = tpu.memref_squeeze %dma_wait3A_162 : memref<1x128x64xf32, #tpu.memory_space<hbm>> -> memref<128x64xf32, #tpu.memory_space<hbm>>
      %dma_wait3A_164 = arith.constant 0 : i32
      %dma_wait3A_165 = tpu.memref_slice %arg8[%arg0, %add3A_149, %dma_wait3A_164] : memref<2x10240x64xf32, #tpu.memory_space<hbm>> -> memref<1x128x64xf32, #tpu.memory_space<hbm>>
      %dma_wait3A_166 = tpu.memref_squeeze %dma_wait3A_165 : memref<1x128x64xf32, #tpu.memory_space<hbm>> -> memref<128x64xf32, #tpu.memory_space<hbm>>
      tpu.wait_dma2 semaphore(%run_scoped3A : memref<!tpu.dma_semaphore, #tpu.memory_space<semaphore_mem>>) src(%arg11 : memref<128x64xf32, #tpu.memory_space<vmem>>) dst(%dma_wait3A_166 : memref<128x64xf32, #tpu.memory_space<hbm>>)
      tpu.yield
    }) : () -> ()
    %add3A_150 = arith.constant 256 : i32
    %add3A_151 = arith.addi %mul3A_2, %add3A_150 : i32
    "tpu.region"() ({
      %run_scoped3A = tpu.sem_alloc : memref<!tpu.dma_semaphore, #tpu.memory_space<semaphore_mem>>
      %dma_start3A = arith.constant 0 : i32
      %dma_start3A_157 = tpu.memref_slice %arg15[%add3A_151, %dma_start3A] : memref<10240x64xf32, #tpu.memory_space<vmem_shared>> -> memref<128x64xf32, #tpu.memory_space<vmem_shared>>
      %dma_start3A_158 = arith.constant 0 : i32
      %dma_start3A_159 = tpu.memref_slice %arg15[%add3A_151, %dma_start3A_158] : memref<10240x64xf32, #tpu.memory_space<vmem_shared>> -> memref<128x64xf32, #tpu.memory_space<vmem_shared>>
      tpu.enqueue_dma source(%dma_start3A_159 : memref<128x64xf32, #tpu.memory_space<vmem_shared>>) target(%arg11 : memref<128x64xf32, #tpu.memory_space<vmem>>) target_semaphore(%run_scoped3A : memref<!tpu.dma_semaphore, #tpu.memory_space<semaphore_mem>>)
      %dma_wait3A = arith.constant 0 : i32
      %dma_wait3A_160 = tpu.memref_slice %arg15[%add3A_151, %dma_wait3A] : memref<10240x64xf32, #tpu.memory_space<vmem_shared>> -> memref<128x64xf32, #tpu.memory_space<vmem_shared>>
      %dma_wait3A_161 = arith.constant 0 : i32
      %dma_wait3A_162 = tpu.memref_slice %arg15[%add3A_151, %dma_wait3A_161] : memref<10240x64xf32, #tpu.memory_space<vmem_shared>> -> memref<128x64xf32, #tpu.memory_space<vmem_shared>>
      tpu.wait_dma2 semaphore(%run_scoped3A : memref<!tpu.dma_semaphore, #tpu.memory_space<semaphore_mem>>) src(%dma_wait3A_162 : memref<128x64xf32, #tpu.memory_space<vmem_shared>>) dst(%arg11 : memref<128x64xf32, #tpu.memory_space<vmem>>)
      tpu.yield
    }) : () -> ()
    "tpu.region"() ({
      %run_scoped3A = tpu.sem_alloc : memref<!tpu.dma_semaphore, #tpu.memory_space<semaphore_mem>>
      %dma_start3A = arith.constant 0 : i32
      %dma_start3A_157 = tpu.memref_slice %arg8[%arg0, %add3A_151, %dma_start3A] : memref<2x10240x64xf32, #tpu.memory_space<hbm>> -> memref<1x128x64xf32, #tpu.memory_space<hbm>>
      %dma_start3A_158 = tpu.memref_squeeze %dma_start3A_157 : memref<1x128x64xf32, #tpu.memory_space<hbm>> -> memref<128x64xf32, #tpu.memory_space<hbm>>
      %dma_start3A_159 = arith.constant 0 : i32
      %dma_start3A_160 = tpu.memref_slice %arg8[%arg0, %add3A_151, %dma_start3A_159] : memref<2x10240x64xf32, #tpu.memory_space<hbm>> -> memref<1x128x64xf32, #tpu.memory_space<hbm>>
      %dma_start3A_161 = tpu.memref_squeeze %dma_start3A_160 : memref<1x128x64xf32, #tpu.memory_space<hbm>> -> memref<128x64xf32, #tpu.memory_space<hbm>>
      tpu.enqueue_dma source(%arg11 : memref<128x64xf32, #tpu.memory_space<vmem>>) target(%dma_start3A_161 : memref<128x64xf32, #tpu.memory_space<hbm>>) target_semaphore(%run_scoped3A : memref<!tpu.dma_semaphore, #tpu.memory_space<semaphore_mem>>)
      %dma_wait3A = arith.constant 0 : i32
      %dma_wait3A_162 = tpu.memref_slice %arg8[%arg0, %add3A_151, %dma_wait3A] : memref<2x10240x64xf32, #tpu.memory_space<hbm>> -> memref<1x128x64xf32, #tpu.memory_space<hbm>>
      %dma_wait3A_163 = tpu.memref_squeeze %dma_wait3A_162 : memref<1x128x64xf32, #tpu.memory_space<hbm>> -> memref<128x64xf32, #tpu.memory_space<hbm>>
      %dma_wait3A_164 = arith.constant 0 : i32
      %dma_wait3A_165 = tpu.memref_slice %arg8[%arg0, %add3A_151, %dma_wait3A_164] : memref<2x10240x64xf32, #tpu.memory_space<hbm>> -> memref<1x128x64xf32, #tpu.memory_space<hbm>>
      %dma_wait3A_166 = tpu.memref_squeeze %dma_wait3A_165 : memref<1x128x64xf32, #tpu.memory_space<hbm>> -> memref<128x64xf32, #tpu.memory_space<hbm>>
      tpu.wait_dma2 semaphore(%run_scoped3A : memref<!tpu.dma_semaphore, #tpu.memory_space<semaphore_mem>>) src(%arg11 : memref<128x64xf32, #tpu.memory_space<vmem>>) dst(%dma_wait3A_166 : memref<128x64xf32, #tpu.memory_space<hbm>>)
      tpu.yield
    }) : () -> ()
    %add3A_152 = arith.constant 384 : i32
    %add3A_153 = arith.addi %mul3A_2, %add3A_152 : i32
    "tpu.region"() ({
      %run_scoped3A = tpu.sem_alloc : memref<!tpu.dma_semaphore, #tpu.memory_space<semaphore_mem>>
      %dma_start3A = arith.constant 0 : i32
      %dma_start3A_157 = tpu.memref_slice %arg15[%add3A_153, %dma_start3A] : memref<10240x64xf32, #tpu.memory_space<vmem_shared>> -> memref<128x64xf32, #tpu.memory_space<vmem_shared>>
      %dma_start3A_158 = arith.constant 0 : i32
      %dma_start3A_159 = tpu.memref_slice %arg15[%add3A_153, %dma_start3A_158] : memref<10240x64xf32, #tpu.memory_space<vmem_shared>> -> memref<128x64xf32, #tpu.memory_space<vmem_shared>>
      tpu.enqueue_dma source(%dma_start3A_159 : memref<128x64xf32, #tpu.memory_space<vmem_shared>>) target(%arg11 : memref<128x64xf32, #tpu.memory_space<vmem>>) target_semaphore(%run_scoped3A : memref<!tpu.dma_semaphore, #tpu.memory_space<semaphore_mem>>)
      %dma_wait3A = arith.constant 0 : i32
      %dma_wait3A_160 = tpu.memref_slice %arg15[%add3A_153, %dma_wait3A] : memref<10240x64xf32, #tpu.memory_space<vmem_shared>> -> memref<128x64xf32, #tpu.memory_space<vmem_shared>>
      %dma_wait3A_161 = arith.constant 0 : i32
      %dma_wait3A_162 = tpu.memref_slice %arg15[%add3A_153, %dma_wait3A_161] : memref<10240x64xf32, #tpu.memory_space<vmem_shared>> -> memref<128x64xf32, #tpu.memory_space<vmem_shared>>
      tpu.wait_dma2 semaphore(%run_scoped3A : memref<!tpu.dma_semaphore, #tpu.memory_space<semaphore_mem>>) src(%dma_wait3A_162 : memref<128x64xf32, #tpu.memory_space<vmem_shared>>) dst(%arg11 : memref<128x64xf32, #tpu.memory_space<vmem>>)
      tpu.yield
    }) : () -> ()
    "tpu.region"() ({
      %run_scoped3A = tpu.sem_alloc : memref<!tpu.dma_semaphore, #tpu.memory_space<semaphore_mem>>
      %dma_start3A = arith.constant 0 : i32
      %dma_start3A_157 = tpu.memref_slice %arg8[%arg0, %add3A_153, %dma_start3A] : memref<2x10240x64xf32, #tpu.memory_space<hbm>> -> memref<1x128x64xf32, #tpu.memory_space<hbm>>
      %dma_start3A_158 = tpu.memref_squeeze %dma_start3A_157 : memref<1x128x64xf32, #tpu.memory_space<hbm>> -> memref<128x64xf32, #tpu.memory_space<hbm>>
      %dma_start3A_159 = arith.constant 0 : i32
      %dma_start3A_160 = tpu.memref_slice %arg8[%arg0, %add3A_153, %dma_start3A_159] : memref<2x10240x64xf32, #tpu.memory_space<hbm>> -> memref<1x128x64xf32, #tpu.memory_space<hbm>>
      %dma_start3A_161 = tpu.memref_squeeze %dma_start3A_160 : memref<1x128x64xf32, #tpu.memory_space<hbm>> -> memref<128x64xf32, #tpu.memory_space<hbm>>
      tpu.enqueue_dma source(%arg11 : memref<128x64xf32, #tpu.memory_space<vmem>>) target(%dma_start3A_161 : memref<128x64xf32, #tpu.memory_space<hbm>>) target_semaphore(%run_scoped3A : memref<!tpu.dma_semaphore, #tpu.memory_space<semaphore_mem>>)
      %dma_wait3A = arith.constant 0 : i32
      %dma_wait3A_162 = tpu.memref_slice %arg8[%arg0, %add3A_153, %dma_wait3A] : memref<2x10240x64xf32, #tpu.memory_space<hbm>> -> memref<1x128x64xf32, #tpu.memory_space<hbm>>
      %dma_wait3A_163 = tpu.memref_squeeze %dma_wait3A_162 : memref<1x128x64xf32, #tpu.memory_space<hbm>> -> memref<128x64xf32, #tpu.memory_space<hbm>>
      %dma_wait3A_164 = arith.constant 0 : i32
      %dma_wait3A_165 = tpu.memref_slice %arg8[%arg0, %add3A_153, %dma_wait3A_164] : memref<2x10240x64xf32, #tpu.memory_space<hbm>> -> memref<1x128x64xf32, #tpu.memory_space<hbm>>
      %dma_wait3A_166 = tpu.memref_squeeze %dma_wait3A_165 : memref<1x128x64xf32, #tpu.memory_space<hbm>> -> memref<128x64xf32, #tpu.memory_space<hbm>>
      tpu.wait_dma2 semaphore(%run_scoped3A : memref<!tpu.dma_semaphore, #tpu.memory_space<semaphore_mem>>) src(%arg11 : memref<128x64xf32, #tpu.memory_space<vmem>>) dst(%dma_wait3A_166 : memref<128x64xf32, #tpu.memory_space<hbm>>)
      tpu.yield
    }) : () -> ()
    %add3A_154 = arith.constant 512 : i32
    %add3A_155 = arith.addi %mul3A_2, %add3A_154 : i32
    "tpu.region"() ({
      %run_scoped3A = tpu.sem_alloc : memref<!tpu.dma_semaphore, #tpu.memory_space<semaphore_mem>>
      %dma_start3A = arith.constant 0 : i32
      %dma_start3A_157 = tpu.memref_slice %arg15[%add3A_155, %dma_start3A] : memref<10240x64xf32, #tpu.memory_space<vmem_shared>> -> memref<128x64xf32, #tpu.memory_space<vmem_shared>>
      %dma_start3A_158 = arith.constant 0 : i32
      %dma_start3A_159 = tpu.memref_slice %arg15[%add3A_155, %dma_start3A_158] : memref<10240x64xf32, #tpu.memory_space<vmem_shared>> -> memref<128x64xf32, #tpu.memory_space<vmem_shared>>
      tpu.enqueue_dma source(%dma_start3A_159 : memref<128x64xf32, #tpu.memory_space<vmem_shared>>) target(%arg11 : memref<128x64xf32, #tpu.memory_space<vmem>>) target_semaphore(%run_scoped3A : memref<!tpu.dma_semaphore, #tpu.memory_space<semaphore_mem>>)
      %dma_wait3A = arith.constant 0 : i32
      %dma_wait3A_160 = tpu.memref_slice %arg15[%add3A_155, %dma_wait3A] : memref<10240x64xf32, #tpu.memory_space<vmem_shared>> -> memref<128x64xf32, #tpu.memory_space<vmem_shared>>
      %dma_wait3A_161 = arith.constant 0 : i32
      %dma_wait3A_162 = tpu.memref_slice %arg15[%add3A_155, %dma_wait3A_161] : memref<10240x64xf32, #tpu.memory_space<vmem_shared>> -> memref<128x64xf32, #tpu.memory_space<vmem_shared>>
      tpu.wait_dma2 semaphore(%run_scoped3A : memref<!tpu.dma_semaphore, #tpu.memory_space<semaphore_mem>>) src(%dma_wait3A_162 : memref<128x64xf32, #tpu.memory_space<vmem_shared>>) dst(%arg11 : memref<128x64xf32, #tpu.memory_space<vmem>>)
      tpu.yield
    }) : () -> ()
    "tpu.region"() ({
      %run_scoped3A = tpu.sem_alloc : memref<!tpu.dma_semaphore, #tpu.memory_space<semaphore_mem>>
      %dma_start3A = arith.constant 0 : i32
      %dma_start3A_157 = tpu.memref_slice %arg8[%arg0, %add3A_155, %dma_start3A] : memref<2x10240x64xf32, #tpu.memory_space<hbm>> -> memref<1x128x64xf32, #tpu.memory_space<hbm>>
      %dma_start3A_158 = tpu.memref_squeeze %dma_start3A_157 : memref<1x128x64xf32, #tpu.memory_space<hbm>> -> memref<128x64xf32, #tpu.memory_space<hbm>>
      %dma_start3A_159 = arith.constant 0 : i32
      %dma_start3A_160 = tpu.memref_slice %arg8[%arg0, %add3A_155, %dma_start3A_159] : memref<2x10240x64xf32, #tpu.memory_space<hbm>> -> memref<1x128x64xf32, #tpu.memory_space<hbm>>
      %dma_start3A_161 = tpu.memref_squeeze %dma_start3A_160 : memref<1x128x64xf32, #tpu.memory_space<hbm>> -> memref<128x64xf32, #tpu.memory_space<hbm>>
      tpu.enqueue_dma source(%arg11 : memref<128x64xf32, #tpu.memory_space<vmem>>) target(%dma_start3A_161 : memref<128x64xf32, #tpu.memory_space<hbm>>) target_semaphore(%run_scoped3A : memref<!tpu.dma_semaphore, #tpu.memory_space<semaphore_mem>>)
      %dma_wait3A = arith.constant 0 : i32
      %dma_wait3A_162 = tpu.memref_slice %arg8[%arg0, %add3A_155, %dma_wait3A] : memref<2x10240x64xf32, #tpu.memory_space<hbm>> -> memref<1x128x64xf32, #tpu.memory_space<hbm>>
      %dma_wait3A_163 = tpu.memref_squeeze %dma_wait3A_162 : memref<1x128x64xf32, #tpu.memory_space<hbm>> -> memref<128x64xf32, #tpu.memory_space<hbm>>
      %dma_wait3A_164 = arith.constant 0 : i32
      %dma_wait3A_165 = tpu.memref_slice %arg8[%arg0, %add3A_155, %dma_wait3A_164] : memref<2x10240x64xf32, #tpu.memory_space<hbm>> -> memref<1x128x64xf32, #tpu.memory_space<hbm>>
      %dma_wait3A_166 = tpu.memref_squeeze %dma_wait3A_165 : memref<1x128x64xf32, #tpu.memory_space<hbm>> -> memref<128x64xf32, #tpu.memory_space<hbm>>
      tpu.wait_dma2 semaphore(%run_scoped3A : memref<!tpu.dma_semaphore, #tpu.memory_space<semaphore_mem>>) src(%arg11 : memref<128x64xf32, #tpu.memory_space<vmem>>) dst(%dma_wait3A_166 : memref<128x64xf32, #tpu.memory_space<hbm>>)
      tpu.yield
    }) : () -> ()
    %barrier3A_156 = arith.constant 0 : index
    tpu.barrier barrier_id(%barrier3A_156)
    return
  }
}

#map = affine_map<(d0, d1) -> (0, 0)>
#map1 = affine_map<(d0, d1) -> (0, 0, 0)>
module attributes {stable_mosaic.version = 14 : i64} {
  func.func @agg_kernel(%arg0: i32, %arg1: i32, %arg2: memref<10240x40xf32, #tpu.memory_space<hbm>>, %arg3: memref<10240x40xf32, #tpu.memory_space<hbm>>, %arg4: memref<32x80x128xi32, #tpu.memory_space<hbm>>, %arg5: memref<32x80x128xi32, #tpu.memory_space<hbm>>, %arg6: memref<2x10240x40xf32, #tpu.memory_space<hbm>>, %arg7: memref<80x128xi32, #tpu.memory_space<vmem>>, %arg8: memref<80x128xi32, #tpu.memory_space<vmem>>, %arg9: memref<128x40xf32, #tpu.memory_space<vmem>>, %arg10: memref<128x40xf32, #tpu.memory_space<vmem>>, %arg11: memref<128x40xf32, #tpu.memory_space<vmem>>, %arg12: memref<128x40xf32, #tpu.memory_space<vmem>>, %arg13: memref<10240x40xf32, #tpu.memory_space<vmem_shared>>, %arg14: memref<!tpu.dma_semaphore, #tpu.memory_space<semaphore_mem>>, %arg15: memref<!tpu.dma_semaphore, #tpu.memory_space<semaphore_mem>>, %arg16: memref<!tpu.dma_semaphore, #tpu.memory_space<semaphore_mem>>, %arg17: memref<!tpu.dma_semaphore, #tpu.memory_space<semaphore_mem>>) attributes {dimension_semantics = [#tpu.dimension_semantics<core_parallel>, #tpu.dimension_semantics<subcore_parallel>], iteration_bounds = array<i64: 2, 16>, scalar_prefetch = 0 : i64, scratch_operands = 11 : i64, tpu.core_type = #tpu.core_type<sc_vector_subcore>, window_params = [{transform_indices = #map}, {transform_indices = #map}, {transform_indices = #map1}, {transform_indices = #map1}, {transform_indices = #map1}]} {
    %mul3A = arith.constant 16 : i32
    %mul3A_0 = arith.muli %arg0, %mul3A : i32
    %add3A = arith.addi %mul3A_0, %arg1 : i32
    "tpu.region"() ({
      %run_scoped3A = tpu.sem_alloc : memref<!tpu.dma_semaphore, #tpu.memory_space<semaphore_mem>>
      %dma_start3A = arith.constant 0 : i32
      %dma_start3A_77 = arith.constant 0 : i32
      %dma_start3A_78 = tpu.memref_slice %arg4[%add3A, %dma_start3A, %dma_start3A_77] : memref<32x80x128xi32, #tpu.memory_space<hbm>> -> memref<1x80x128xi32, #tpu.memory_space<hbm>>
      %dma_start3A_79 = tpu.memref_squeeze %dma_start3A_78 : memref<1x80x128xi32, #tpu.memory_space<hbm>> -> memref<80x128xi32, #tpu.memory_space<hbm>>
      %dma_start3A_80 = arith.constant 0 : i32
      %dma_start3A_81 = arith.constant 0 : i32
      %dma_start3A_82 = tpu.memref_slice %arg4[%add3A, %dma_start3A_80, %dma_start3A_81] : memref<32x80x128xi32, #tpu.memory_space<hbm>> -> memref<1x80x128xi32, #tpu.memory_space<hbm>>
      %dma_start3A_83 = tpu.memref_squeeze %dma_start3A_82 : memref<1x80x128xi32, #tpu.memory_space<hbm>> -> memref<80x128xi32, #tpu.memory_space<hbm>>
      tpu.enqueue_dma source(%dma_start3A_83 : memref<80x128xi32, #tpu.memory_space<hbm>>) target(%arg7 : memref<80x128xi32, #tpu.memory_space<vmem>>) target_semaphore(%run_scoped3A : memref<!tpu.dma_semaphore, #tpu.memory_space<semaphore_mem>>)
      %dma_wait3A = arith.constant 0 : i32
      %dma_wait3A_84 = arith.constant 0 : i32
      %dma_wait3A_85 = tpu.memref_slice %arg4[%add3A, %dma_wait3A, %dma_wait3A_84] : memref<32x80x128xi32, #tpu.memory_space<hbm>> -> memref<1x80x128xi32, #tpu.memory_space<hbm>>
      %dma_wait3A_86 = tpu.memref_squeeze %dma_wait3A_85 : memref<1x80x128xi32, #tpu.memory_space<hbm>> -> memref<80x128xi32, #tpu.memory_space<hbm>>
      %dma_wait3A_87 = arith.constant 0 : i32
      %dma_wait3A_88 = arith.constant 0 : i32
      %dma_wait3A_89 = tpu.memref_slice %arg4[%add3A, %dma_wait3A_87, %dma_wait3A_88] : memref<32x80x128xi32, #tpu.memory_space<hbm>> -> memref<1x80x128xi32, #tpu.memory_space<hbm>>
      %dma_wait3A_90 = tpu.memref_squeeze %dma_wait3A_89 : memref<1x80x128xi32, #tpu.memory_space<hbm>> -> memref<80x128xi32, #tpu.memory_space<hbm>>
      tpu.wait_dma2 semaphore(%run_scoped3A : memref<!tpu.dma_semaphore, #tpu.memory_space<semaphore_mem>>) src(%dma_wait3A_90 : memref<80x128xi32, #tpu.memory_space<hbm>>) dst(%arg7 : memref<80x128xi32, #tpu.memory_space<vmem>>)
      tpu.yield
    }) : () -> ()
    "tpu.region"() ({
      %run_scoped3A = tpu.sem_alloc : memref<!tpu.dma_semaphore, #tpu.memory_space<semaphore_mem>>
      %dma_start3A = arith.constant 0 : i32
      %dma_start3A_77 = arith.constant 0 : i32
      %dma_start3A_78 = tpu.memref_slice %arg5[%add3A, %dma_start3A, %dma_start3A_77] : memref<32x80x128xi32, #tpu.memory_space<hbm>> -> memref<1x80x128xi32, #tpu.memory_space<hbm>>
      %dma_start3A_79 = tpu.memref_squeeze %dma_start3A_78 : memref<1x80x128xi32, #tpu.memory_space<hbm>> -> memref<80x128xi32, #tpu.memory_space<hbm>>
      %dma_start3A_80 = arith.constant 0 : i32
      %dma_start3A_81 = arith.constant 0 : i32
      %dma_start3A_82 = tpu.memref_slice %arg5[%add3A, %dma_start3A_80, %dma_start3A_81] : memref<32x80x128xi32, #tpu.memory_space<hbm>> -> memref<1x80x128xi32, #tpu.memory_space<hbm>>
      %dma_start3A_83 = tpu.memref_squeeze %dma_start3A_82 : memref<1x80x128xi32, #tpu.memory_space<hbm>> -> memref<80x128xi32, #tpu.memory_space<hbm>>
      tpu.enqueue_dma source(%dma_start3A_83 : memref<80x128xi32, #tpu.memory_space<hbm>>) target(%arg8 : memref<80x128xi32, #tpu.memory_space<vmem>>) target_semaphore(%run_scoped3A : memref<!tpu.dma_semaphore, #tpu.memory_space<semaphore_mem>>)
      %dma_wait3A = arith.constant 0 : i32
      %dma_wait3A_84 = arith.constant 0 : i32
      %dma_wait3A_85 = tpu.memref_slice %arg5[%add3A, %dma_wait3A, %dma_wait3A_84] : memref<32x80x128xi32, #tpu.memory_space<hbm>> -> memref<1x80x128xi32, #tpu.memory_space<hbm>>
      %dma_wait3A_86 = tpu.memref_squeeze %dma_wait3A_85 : memref<1x80x128xi32, #tpu.memory_space<hbm>> -> memref<80x128xi32, #tpu.memory_space<hbm>>
      %dma_wait3A_87 = arith.constant 0 : i32
      %dma_wait3A_88 = arith.constant 0 : i32
      %dma_wait3A_89 = tpu.memref_slice %arg5[%add3A, %dma_wait3A_87, %dma_wait3A_88] : memref<32x80x128xi32, #tpu.memory_space<hbm>> -> memref<1x80x128xi32, #tpu.memory_space<hbm>>
      %dma_wait3A_90 = tpu.memref_squeeze %dma_wait3A_89 : memref<1x80x128xi32, #tpu.memory_space<hbm>> -> memref<80x128xi32, #tpu.memory_space<hbm>>
      tpu.wait_dma2 semaphore(%run_scoped3A : memref<!tpu.dma_semaphore, #tpu.memory_space<semaphore_mem>>) src(%dma_wait3A_90 : memref<80x128xi32, #tpu.memory_space<hbm>>) dst(%arg8 : memref<80x128xi32, #tpu.memory_space<vmem>>)
      tpu.yield
    }) : () -> ()
    %mul3A_1 = arith.constant 640 : i32
    %mul3A_2 = arith.muli %arg1, %mul3A_1 : i32
    %add3A_3 = arith.constant 0 : i32
    %add3A_4 = arith.addi %mul3A_2, %add3A_3 : i32
    %eq3A = arith.constant 0 : i32
    %eq3A_5 = arith.cmpi eq, %arg0, %eq3A : i32
    %convert_element_type3A = arith.extui %eq3A_5 : i1 to i32
    %cond3A = arith.constant 0 : i32
    %cond3A_6 = arith.cmpi ne, %convert_element_type3A, %cond3A : i32
    scf.if %cond3A_6 {
      "tpu.region"() ({
        %run_scoped3A = tpu.sem_alloc : memref<!tpu.dma_semaphore, #tpu.memory_space<semaphore_mem>>
        %dma_start3A = arith.constant 0 : i32
        %dma_start3A_77 = tpu.memref_slice %arg2[%add3A_4, %dma_start3A] : memref<10240x40xf32, #tpu.memory_space<hbm>> -> memref<128x40xf32, #tpu.memory_space<hbm>>
        %dma_start3A_78 = arith.constant 0 : i32
        %dma_start3A_79 = tpu.memref_slice %arg2[%add3A_4, %dma_start3A_78] : memref<10240x40xf32, #tpu.memory_space<hbm>> -> memref<128x40xf32, #tpu.memory_space<hbm>>
        tpu.enqueue_dma source(%dma_start3A_79 : memref<128x40xf32, #tpu.memory_space<hbm>>) target(%arg9 : memref<128x40xf32, #tpu.memory_space<vmem>>) target_semaphore(%run_scoped3A : memref<!tpu.dma_semaphore, #tpu.memory_space<semaphore_mem>>)
        %dma_wait3A = arith.constant 0 : i32
        %dma_wait3A_80 = tpu.memref_slice %arg2[%add3A_4, %dma_wait3A] : memref<10240x40xf32, #tpu.memory_space<hbm>> -> memref<128x40xf32, #tpu.memory_space<hbm>>
        %dma_wait3A_81 = arith.constant 0 : i32
        %dma_wait3A_82 = tpu.memref_slice %arg2[%add3A_4, %dma_wait3A_81] : memref<10240x40xf32, #tpu.memory_space<hbm>> -> memref<128x40xf32, #tpu.memory_space<hbm>>
        tpu.wait_dma2 semaphore(%run_scoped3A : memref<!tpu.dma_semaphore, #tpu.memory_space<semaphore_mem>>) src(%dma_wait3A_82 : memref<128x40xf32, #tpu.memory_space<hbm>>) dst(%arg9 : memref<128x40xf32, #tpu.memory_space<vmem>>)
        tpu.yield
      }) : () -> ()
      "tpu.region"() ({
        %run_scoped3A = tpu.sem_alloc : memref<!tpu.dma_semaphore, #tpu.memory_space<semaphore_mem>>
        %dma_start3A = arith.constant 0 : i32
        %dma_start3A_77 = tpu.memref_slice %arg13[%add3A_4, %dma_start3A] : memref<10240x40xf32, #tpu.memory_space<vmem_shared>> -> memref<128x40xf32, #tpu.memory_space<vmem_shared>>
        %dma_start3A_78 = arith.constant 0 : i32
        %dma_start3A_79 = tpu.memref_slice %arg13[%add3A_4, %dma_start3A_78] : memref<10240x40xf32, #tpu.memory_space<vmem_shared>> -> memref<128x40xf32, #tpu.memory_space<vmem_shared>>
        tpu.enqueue_dma source(%arg9 : memref<128x40xf32, #tpu.memory_space<vmem>>) target(%dma_start3A_79 : memref<128x40xf32, #tpu.memory_space<vmem_shared>>) target_semaphore(%run_scoped3A : memref<!tpu.dma_semaphore, #tpu.memory_space<semaphore_mem>>)
        %dma_wait3A = arith.constant 0 : i32
        %dma_wait3A_80 = tpu.memref_slice %arg13[%add3A_4, %dma_wait3A] : memref<10240x40xf32, #tpu.memory_space<vmem_shared>> -> memref<128x40xf32, #tpu.memory_space<vmem_shared>>
        %dma_wait3A_81 = arith.constant 0 : i32
        %dma_wait3A_82 = tpu.memref_slice %arg13[%add3A_4, %dma_wait3A_81] : memref<10240x40xf32, #tpu.memory_space<vmem_shared>> -> memref<128x40xf32, #tpu.memory_space<vmem_shared>>
        tpu.wait_dma2 semaphore(%run_scoped3A : memref<!tpu.dma_semaphore, #tpu.memory_space<semaphore_mem>>) src(%arg9 : memref<128x40xf32, #tpu.memory_space<vmem>>) dst(%dma_wait3A_82 : memref<128x40xf32, #tpu.memory_space<vmem_shared>>)
        tpu.yield
      }) : () -> ()
    } else {
    }
    %ne3A = arith.constant 0 : i32
    %ne3A_7 = arith.cmpi ne, %arg0, %ne3A : i32
    %convert_element_type3A_8 = arith.extui %ne3A_7 : i1 to i32
    %cond3A_9 = arith.constant 0 : i32
    %cond3A_10 = arith.cmpi ne, %convert_element_type3A_8, %cond3A_9 : i32
    scf.if %cond3A_10 {
      "tpu.region"() ({
        %run_scoped3A = tpu.sem_alloc : memref<!tpu.dma_semaphore, #tpu.memory_space<semaphore_mem>>
        %dma_start3A = arith.constant 0 : i32
        %dma_start3A_77 = tpu.memref_slice %arg3[%add3A_4, %dma_start3A] : memref<10240x40xf32, #tpu.memory_space<hbm>> -> memref<128x40xf32, #tpu.memory_space<hbm>>
        %dma_start3A_78 = arith.constant 0 : i32
        %dma_start3A_79 = tpu.memref_slice %arg3[%add3A_4, %dma_start3A_78] : memref<10240x40xf32, #tpu.memory_space<hbm>> -> memref<128x40xf32, #tpu.memory_space<hbm>>
        tpu.enqueue_dma source(%dma_start3A_79 : memref<128x40xf32, #tpu.memory_space<hbm>>) target(%arg9 : memref<128x40xf32, #tpu.memory_space<vmem>>) target_semaphore(%run_scoped3A : memref<!tpu.dma_semaphore, #tpu.memory_space<semaphore_mem>>)
        %dma_wait3A = arith.constant 0 : i32
        %dma_wait3A_80 = tpu.memref_slice %arg3[%add3A_4, %dma_wait3A] : memref<10240x40xf32, #tpu.memory_space<hbm>> -> memref<128x40xf32, #tpu.memory_space<hbm>>
        %dma_wait3A_81 = arith.constant 0 : i32
        %dma_wait3A_82 = tpu.memref_slice %arg3[%add3A_4, %dma_wait3A_81] : memref<10240x40xf32, #tpu.memory_space<hbm>> -> memref<128x40xf32, #tpu.memory_space<hbm>>
        tpu.wait_dma2 semaphore(%run_scoped3A : memref<!tpu.dma_semaphore, #tpu.memory_space<semaphore_mem>>) src(%dma_wait3A_82 : memref<128x40xf32, #tpu.memory_space<hbm>>) dst(%arg9 : memref<128x40xf32, #tpu.memory_space<vmem>>)
        tpu.yield
      }) : () -> ()
      "tpu.region"() ({
        %run_scoped3A = tpu.sem_alloc : memref<!tpu.dma_semaphore, #tpu.memory_space<semaphore_mem>>
        %dma_start3A = arith.constant 0 : i32
        %dma_start3A_77 = tpu.memref_slice %arg13[%add3A_4, %dma_start3A] : memref<10240x40xf32, #tpu.memory_space<vmem_shared>> -> memref<128x40xf32, #tpu.memory_space<vmem_shared>>
        %dma_start3A_78 = arith.constant 0 : i32
        %dma_start3A_79 = tpu.memref_slice %arg13[%add3A_4, %dma_start3A_78] : memref<10240x40xf32, #tpu.memory_space<vmem_shared>> -> memref<128x40xf32, #tpu.memory_space<vmem_shared>>
        tpu.enqueue_dma source(%arg9 : memref<128x40xf32, #tpu.memory_space<vmem>>) target(%dma_start3A_79 : memref<128x40xf32, #tpu.memory_space<vmem_shared>>) target_semaphore(%run_scoped3A : memref<!tpu.dma_semaphore, #tpu.memory_space<semaphore_mem>>)
        %dma_wait3A = arith.constant 0 : i32
        %dma_wait3A_80 = tpu.memref_slice %arg13[%add3A_4, %dma_wait3A] : memref<10240x40xf32, #tpu.memory_space<vmem_shared>> -> memref<128x40xf32, #tpu.memory_space<vmem_shared>>
        %dma_wait3A_81 = arith.constant 0 : i32
        %dma_wait3A_82 = tpu.memref_slice %arg13[%add3A_4, %dma_wait3A_81] : memref<10240x40xf32, #tpu.memory_space<vmem_shared>> -> memref<128x40xf32, #tpu.memory_space<vmem_shared>>
        tpu.wait_dma2 semaphore(%run_scoped3A : memref<!tpu.dma_semaphore, #tpu.memory_space<semaphore_mem>>) src(%arg9 : memref<128x40xf32, #tpu.memory_space<vmem>>) dst(%dma_wait3A_82 : memref<128x40xf32, #tpu.memory_space<vmem_shared>>)
        tpu.yield
      }) : () -> ()
    } else {
    }
    %add3A_11 = arith.constant 128 : i32
    %add3A_12 = arith.addi %mul3A_2, %add3A_11 : i32
    %eq3A_13 = arith.constant 0 : i32
    %eq3A_14 = arith.cmpi eq, %arg0, %eq3A_13 : i32
    %convert_element_type3A_15 = arith.extui %eq3A_14 : i1 to i32
    %cond3A_16 = arith.constant 0 : i32
    %cond3A_17 = arith.cmpi ne, %convert_element_type3A_15, %cond3A_16 : i32
    scf.if %cond3A_17 {
      "tpu.region"() ({
        %run_scoped3A = tpu.sem_alloc : memref<!tpu.dma_semaphore, #tpu.memory_space<semaphore_mem>>
        %dma_start3A = arith.constant 0 : i32
        %dma_start3A_77 = tpu.memref_slice %arg2[%add3A_12, %dma_start3A] : memref<10240x40xf32, #tpu.memory_space<hbm>> -> memref<128x40xf32, #tpu.memory_space<hbm>>
        %dma_start3A_78 = arith.constant 0 : i32
        %dma_start3A_79 = tpu.memref_slice %arg2[%add3A_12, %dma_start3A_78] : memref<10240x40xf32, #tpu.memory_space<hbm>> -> memref<128x40xf32, #tpu.memory_space<hbm>>
        tpu.enqueue_dma source(%dma_start3A_79 : memref<128x40xf32, #tpu.memory_space<hbm>>) target(%arg9 : memref<128x40xf32, #tpu.memory_space<vmem>>) target_semaphore(%run_scoped3A : memref<!tpu.dma_semaphore, #tpu.memory_space<semaphore_mem>>)
        %dma_wait3A = arith.constant 0 : i32
        %dma_wait3A_80 = tpu.memref_slice %arg2[%add3A_12, %dma_wait3A] : memref<10240x40xf32, #tpu.memory_space<hbm>> -> memref<128x40xf32, #tpu.memory_space<hbm>>
        %dma_wait3A_81 = arith.constant 0 : i32
        %dma_wait3A_82 = tpu.memref_slice %arg2[%add3A_12, %dma_wait3A_81] : memref<10240x40xf32, #tpu.memory_space<hbm>> -> memref<128x40xf32, #tpu.memory_space<hbm>>
        tpu.wait_dma2 semaphore(%run_scoped3A : memref<!tpu.dma_semaphore, #tpu.memory_space<semaphore_mem>>) src(%dma_wait3A_82 : memref<128x40xf32, #tpu.memory_space<hbm>>) dst(%arg9 : memref<128x40xf32, #tpu.memory_space<vmem>>)
        tpu.yield
      }) : () -> ()
      "tpu.region"() ({
        %run_scoped3A = tpu.sem_alloc : memref<!tpu.dma_semaphore, #tpu.memory_space<semaphore_mem>>
        %dma_start3A = arith.constant 0 : i32
        %dma_start3A_77 = tpu.memref_slice %arg13[%add3A_12, %dma_start3A] : memref<10240x40xf32, #tpu.memory_space<vmem_shared>> -> memref<128x40xf32, #tpu.memory_space<vmem_shared>>
        %dma_start3A_78 = arith.constant 0 : i32
        %dma_start3A_79 = tpu.memref_slice %arg13[%add3A_12, %dma_start3A_78] : memref<10240x40xf32, #tpu.memory_space<vmem_shared>> -> memref<128x40xf32, #tpu.memory_space<vmem_shared>>
        tpu.enqueue_dma source(%arg9 : memref<128x40xf32, #tpu.memory_space<vmem>>) target(%dma_start3A_79 : memref<128x40xf32, #tpu.memory_space<vmem_shared>>) target_semaphore(%run_scoped3A : memref<!tpu.dma_semaphore, #tpu.memory_space<semaphore_mem>>)
        %dma_wait3A = arith.constant 0 : i32
        %dma_wait3A_80 = tpu.memref_slice %arg13[%add3A_12, %dma_wait3A] : memref<10240x40xf32, #tpu.memory_space<vmem_shared>> -> memref<128x40xf32, #tpu.memory_space<vmem_shared>>
        %dma_wait3A_81 = arith.constant 0 : i32
        %dma_wait3A_82 = tpu.memref_slice %arg13[%add3A_12, %dma_wait3A_81] : memref<10240x40xf32, #tpu.memory_space<vmem_shared>> -> memref<128x40xf32, #tpu.memory_space<vmem_shared>>
        tpu.wait_dma2 semaphore(%run_scoped3A : memref<!tpu.dma_semaphore, #tpu.memory_space<semaphore_mem>>) src(%arg9 : memref<128x40xf32, #tpu.memory_space<vmem>>) dst(%dma_wait3A_82 : memref<128x40xf32, #tpu.memory_space<vmem_shared>>)
        tpu.yield
      }) : () -> ()
    } else {
    }
    %ne3A_18 = arith.constant 0 : i32
    %ne3A_19 = arith.cmpi ne, %arg0, %ne3A_18 : i32
    %convert_element_type3A_20 = arith.extui %ne3A_19 : i1 to i32
    %cond3A_21 = arith.constant 0 : i32
    %cond3A_22 = arith.cmpi ne, %convert_element_type3A_20, %cond3A_21 : i32
    scf.if %cond3A_22 {
      "tpu.region"() ({
        %run_scoped3A = tpu.sem_alloc : memref<!tpu.dma_semaphore, #tpu.memory_space<semaphore_mem>>
        %dma_start3A = arith.constant 0 : i32
        %dma_start3A_77 = tpu.memref_slice %arg3[%add3A_12, %dma_start3A] : memref<10240x40xf32, #tpu.memory_space<hbm>> -> memref<128x40xf32, #tpu.memory_space<hbm>>
        %dma_start3A_78 = arith.constant 0 : i32
        %dma_start3A_79 = tpu.memref_slice %arg3[%add3A_12, %dma_start3A_78] : memref<10240x40xf32, #tpu.memory_space<hbm>> -> memref<128x40xf32, #tpu.memory_space<hbm>>
        tpu.enqueue_dma source(%dma_start3A_79 : memref<128x40xf32, #tpu.memory_space<hbm>>) target(%arg9 : memref<128x40xf32, #tpu.memory_space<vmem>>) target_semaphore(%run_scoped3A : memref<!tpu.dma_semaphore, #tpu.memory_space<semaphore_mem>>)
        %dma_wait3A = arith.constant 0 : i32
        %dma_wait3A_80 = tpu.memref_slice %arg3[%add3A_12, %dma_wait3A] : memref<10240x40xf32, #tpu.memory_space<hbm>> -> memref<128x40xf32, #tpu.memory_space<hbm>>
        %dma_wait3A_81 = arith.constant 0 : i32
        %dma_wait3A_82 = tpu.memref_slice %arg3[%add3A_12, %dma_wait3A_81] : memref<10240x40xf32, #tpu.memory_space<hbm>> -> memref<128x40xf32, #tpu.memory_space<hbm>>
        tpu.wait_dma2 semaphore(%run_scoped3A : memref<!tpu.dma_semaphore, #tpu.memory_space<semaphore_mem>>) src(%dma_wait3A_82 : memref<128x40xf32, #tpu.memory_space<hbm>>) dst(%arg9 : memref<128x40xf32, #tpu.memory_space<vmem>>)
        tpu.yield
      }) : () -> ()
      "tpu.region"() ({
        %run_scoped3A = tpu.sem_alloc : memref<!tpu.dma_semaphore, #tpu.memory_space<semaphore_mem>>
        %dma_start3A = arith.constant 0 : i32
        %dma_start3A_77 = tpu.memref_slice %arg13[%add3A_12, %dma_start3A] : memref<10240x40xf32, #tpu.memory_space<vmem_shared>> -> memref<128x40xf32, #tpu.memory_space<vmem_shared>>
        %dma_start3A_78 = arith.constant 0 : i32
        %dma_start3A_79 = tpu.memref_slice %arg13[%add3A_12, %dma_start3A_78] : memref<10240x40xf32, #tpu.memory_space<vmem_shared>> -> memref<128x40xf32, #tpu.memory_space<vmem_shared>>
        tpu.enqueue_dma source(%arg9 : memref<128x40xf32, #tpu.memory_space<vmem>>) target(%dma_start3A_79 : memref<128x40xf32, #tpu.memory_space<vmem_shared>>) target_semaphore(%run_scoped3A : memref<!tpu.dma_semaphore, #tpu.memory_space<semaphore_mem>>)
        %dma_wait3A = arith.constant 0 : i32
        %dma_wait3A_80 = tpu.memref_slice %arg13[%add3A_12, %dma_wait3A] : memref<10240x40xf32, #tpu.memory_space<vmem_shared>> -> memref<128x40xf32, #tpu.memory_space<vmem_shared>>
        %dma_wait3A_81 = arith.constant 0 : i32
        %dma_wait3A_82 = tpu.memref_slice %arg13[%add3A_12, %dma_wait3A_81] : memref<10240x40xf32, #tpu.memory_space<vmem_shared>> -> memref<128x40xf32, #tpu.memory_space<vmem_shared>>
        tpu.wait_dma2 semaphore(%run_scoped3A : memref<!tpu.dma_semaphore, #tpu.memory_space<semaphore_mem>>) src(%arg9 : memref<128x40xf32, #tpu.memory_space<vmem>>) dst(%dma_wait3A_82 : memref<128x40xf32, #tpu.memory_space<vmem_shared>>)
        tpu.yield
      }) : () -> ()
    } else {
    }
    %add3A_23 = arith.constant 256 : i32
    %add3A_24 = arith.addi %mul3A_2, %add3A_23 : i32
    %eq3A_25 = arith.constant 0 : i32
    %eq3A_26 = arith.cmpi eq, %arg0, %eq3A_25 : i32
    %convert_element_type3A_27 = arith.extui %eq3A_26 : i1 to i32
    %cond3A_28 = arith.constant 0 : i32
    %cond3A_29 = arith.cmpi ne, %convert_element_type3A_27, %cond3A_28 : i32
    scf.if %cond3A_29 {
      "tpu.region"() ({
        %run_scoped3A = tpu.sem_alloc : memref<!tpu.dma_semaphore, #tpu.memory_space<semaphore_mem>>
        %dma_start3A = arith.constant 0 : i32
        %dma_start3A_77 = tpu.memref_slice %arg2[%add3A_24, %dma_start3A] : memref<10240x40xf32, #tpu.memory_space<hbm>> -> memref<128x40xf32, #tpu.memory_space<hbm>>
        %dma_start3A_78 = arith.constant 0 : i32
        %dma_start3A_79 = tpu.memref_slice %arg2[%add3A_24, %dma_start3A_78] : memref<10240x40xf32, #tpu.memory_space<hbm>> -> memref<128x40xf32, #tpu.memory_space<hbm>>
        tpu.enqueue_dma source(%dma_start3A_79 : memref<128x40xf32, #tpu.memory_space<hbm>>) target(%arg9 : memref<128x40xf32, #tpu.memory_space<vmem>>) target_semaphore(%run_scoped3A : memref<!tpu.dma_semaphore, #tpu.memory_space<semaphore_mem>>)
        %dma_wait3A = arith.constant 0 : i32
        %dma_wait3A_80 = tpu.memref_slice %arg2[%add3A_24, %dma_wait3A] : memref<10240x40xf32, #tpu.memory_space<hbm>> -> memref<128x40xf32, #tpu.memory_space<hbm>>
        %dma_wait3A_81 = arith.constant 0 : i32
        %dma_wait3A_82 = tpu.memref_slice %arg2[%add3A_24, %dma_wait3A_81] : memref<10240x40xf32, #tpu.memory_space<hbm>> -> memref<128x40xf32, #tpu.memory_space<hbm>>
        tpu.wait_dma2 semaphore(%run_scoped3A : memref<!tpu.dma_semaphore, #tpu.memory_space<semaphore_mem>>) src(%dma_wait3A_82 : memref<128x40xf32, #tpu.memory_space<hbm>>) dst(%arg9 : memref<128x40xf32, #tpu.memory_space<vmem>>)
        tpu.yield
      }) : () -> ()
      "tpu.region"() ({
        %run_scoped3A = tpu.sem_alloc : memref<!tpu.dma_semaphore, #tpu.memory_space<semaphore_mem>>
        %dma_start3A = arith.constant 0 : i32
        %dma_start3A_77 = tpu.memref_slice %arg13[%add3A_24, %dma_start3A] : memref<10240x40xf32, #tpu.memory_space<vmem_shared>> -> memref<128x40xf32, #tpu.memory_space<vmem_shared>>
        %dma_start3A_78 = arith.constant 0 : i32
        %dma_start3A_79 = tpu.memref_slice %arg13[%add3A_24, %dma_start3A_78] : memref<10240x40xf32, #tpu.memory_space<vmem_shared>> -> memref<128x40xf32, #tpu.memory_space<vmem_shared>>
        tpu.enqueue_dma source(%arg9 : memref<128x40xf32, #tpu.memory_space<vmem>>) target(%dma_start3A_79 : memref<128x40xf32, #tpu.memory_space<vmem_shared>>) target_semaphore(%run_scoped3A : memref<!tpu.dma_semaphore, #tpu.memory_space<semaphore_mem>>)
        %dma_wait3A = arith.constant 0 : i32
        %dma_wait3A_80 = tpu.memref_slice %arg13[%add3A_24, %dma_wait3A] : memref<10240x40xf32, #tpu.memory_space<vmem_shared>> -> memref<128x40xf32, #tpu.memory_space<vmem_shared>>
        %dma_wait3A_81 = arith.constant 0 : i32
        %dma_wait3A_82 = tpu.memref_slice %arg13[%add3A_24, %dma_wait3A_81] : memref<10240x40xf32, #tpu.memory_space<vmem_shared>> -> memref<128x40xf32, #tpu.memory_space<vmem_shared>>
        tpu.wait_dma2 semaphore(%run_scoped3A : memref<!tpu.dma_semaphore, #tpu.memory_space<semaphore_mem>>) src(%arg9 : memref<128x40xf32, #tpu.memory_space<vmem>>) dst(%dma_wait3A_82 : memref<128x40xf32, #tpu.memory_space<vmem_shared>>)
        tpu.yield
      }) : () -> ()
    } else {
    }
    %ne3A_30 = arith.constant 0 : i32
    %ne3A_31 = arith.cmpi ne, %arg0, %ne3A_30 : i32
    %convert_element_type3A_32 = arith.extui %ne3A_31 : i1 to i32
    %cond3A_33 = arith.constant 0 : i32
    %cond3A_34 = arith.cmpi ne, %convert_element_type3A_32, %cond3A_33 : i32
    scf.if %cond3A_34 {
      "tpu.region"() ({
        %run_scoped3A = tpu.sem_alloc : memref<!tpu.dma_semaphore, #tpu.memory_space<semaphore_mem>>
        %dma_start3A = arith.constant 0 : i32
        %dma_start3A_77 = tpu.memref_slice %arg3[%add3A_24, %dma_start3A] : memref<10240x40xf32, #tpu.memory_space<hbm>> -> memref<128x40xf32, #tpu.memory_space<hbm>>
        %dma_start3A_78 = arith.constant 0 : i32
        %dma_start3A_79 = tpu.memref_slice %arg3[%add3A_24, %dma_start3A_78] : memref<10240x40xf32, #tpu.memory_space<hbm>> -> memref<128x40xf32, #tpu.memory_space<hbm>>
        tpu.enqueue_dma source(%dma_start3A_79 : memref<128x40xf32, #tpu.memory_space<hbm>>) target(%arg9 : memref<128x40xf32, #tpu.memory_space<vmem>>) target_semaphore(%run_scoped3A : memref<!tpu.dma_semaphore, #tpu.memory_space<semaphore_mem>>)
        %dma_wait3A = arith.constant 0 : i32
        %dma_wait3A_80 = tpu.memref_slice %arg3[%add3A_24, %dma_wait3A] : memref<10240x40xf32, #tpu.memory_space<hbm>> -> memref<128x40xf32, #tpu.memory_space<hbm>>
        %dma_wait3A_81 = arith.constant 0 : i32
        %dma_wait3A_82 = tpu.memref_slice %arg3[%add3A_24, %dma_wait3A_81] : memref<10240x40xf32, #tpu.memory_space<hbm>> -> memref<128x40xf32, #tpu.memory_space<hbm>>
        tpu.wait_dma2 semaphore(%run_scoped3A : memref<!tpu.dma_semaphore, #tpu.memory_space<semaphore_mem>>) src(%dma_wait3A_82 : memref<128x40xf32, #tpu.memory_space<hbm>>) dst(%arg9 : memref<128x40xf32, #tpu.memory_space<vmem>>)
        tpu.yield
      }) : () -> ()
      "tpu.region"() ({
        %run_scoped3A = tpu.sem_alloc : memref<!tpu.dma_semaphore, #tpu.memory_space<semaphore_mem>>
        %dma_start3A = arith.constant 0 : i32
        %dma_start3A_77 = tpu.memref_slice %arg13[%add3A_24, %dma_start3A] : memref<10240x40xf32, #tpu.memory_space<vmem_shared>> -> memref<128x40xf32, #tpu.memory_space<vmem_shared>>
        %dma_start3A_78 = arith.constant 0 : i32
        %dma_start3A_79 = tpu.memref_slice %arg13[%add3A_24, %dma_start3A_78] : memref<10240x40xf32, #tpu.memory_space<vmem_shared>> -> memref<128x40xf32, #tpu.memory_space<vmem_shared>>
        tpu.enqueue_dma source(%arg9 : memref<128x40xf32, #tpu.memory_space<vmem>>) target(%dma_start3A_79 : memref<128x40xf32, #tpu.memory_space<vmem_shared>>) target_semaphore(%run_scoped3A : memref<!tpu.dma_semaphore, #tpu.memory_space<semaphore_mem>>)
        %dma_wait3A = arith.constant 0 : i32
        %dma_wait3A_80 = tpu.memref_slice %arg13[%add3A_24, %dma_wait3A] : memref<10240x40xf32, #tpu.memory_space<vmem_shared>> -> memref<128x40xf32, #tpu.memory_space<vmem_shared>>
        %dma_wait3A_81 = arith.constant 0 : i32
        %dma_wait3A_82 = tpu.memref_slice %arg13[%add3A_24, %dma_wait3A_81] : memref<10240x40xf32, #tpu.memory_space<vmem_shared>> -> memref<128x40xf32, #tpu.memory_space<vmem_shared>>
        tpu.wait_dma2 semaphore(%run_scoped3A : memref<!tpu.dma_semaphore, #tpu.memory_space<semaphore_mem>>) src(%arg9 : memref<128x40xf32, #tpu.memory_space<vmem>>) dst(%dma_wait3A_82 : memref<128x40xf32, #tpu.memory_space<vmem_shared>>)
        tpu.yield
      }) : () -> ()
    } else {
    }
    %add3A_35 = arith.constant 384 : i32
    %add3A_36 = arith.addi %mul3A_2, %add3A_35 : i32
    %eq3A_37 = arith.constant 0 : i32
    %eq3A_38 = arith.cmpi eq, %arg0, %eq3A_37 : i32
    %convert_element_type3A_39 = arith.extui %eq3A_38 : i1 to i32
    %cond3A_40 = arith.constant 0 : i32
    %cond3A_41 = arith.cmpi ne, %convert_element_type3A_39, %cond3A_40 : i32
    scf.if %cond3A_41 {
      "tpu.region"() ({
        %run_scoped3A = tpu.sem_alloc : memref<!tpu.dma_semaphore, #tpu.memory_space<semaphore_mem>>
        %dma_start3A = arith.constant 0 : i32
        %dma_start3A_77 = tpu.memref_slice %arg2[%add3A_36, %dma_start3A] : memref<10240x40xf32, #tpu.memory_space<hbm>> -> memref<128x40xf32, #tpu.memory_space<hbm>>
        %dma_start3A_78 = arith.constant 0 : i32
        %dma_start3A_79 = tpu.memref_slice %arg2[%add3A_36, %dma_start3A_78] : memref<10240x40xf32, #tpu.memory_space<hbm>> -> memref<128x40xf32, #tpu.memory_space<hbm>>
        tpu.enqueue_dma source(%dma_start3A_79 : memref<128x40xf32, #tpu.memory_space<hbm>>) target(%arg9 : memref<128x40xf32, #tpu.memory_space<vmem>>) target_semaphore(%run_scoped3A : memref<!tpu.dma_semaphore, #tpu.memory_space<semaphore_mem>>)
        %dma_wait3A = arith.constant 0 : i32
        %dma_wait3A_80 = tpu.memref_slice %arg2[%add3A_36, %dma_wait3A] : memref<10240x40xf32, #tpu.memory_space<hbm>> -> memref<128x40xf32, #tpu.memory_space<hbm>>
        %dma_wait3A_81 = arith.constant 0 : i32
        %dma_wait3A_82 = tpu.memref_slice %arg2[%add3A_36, %dma_wait3A_81] : memref<10240x40xf32, #tpu.memory_space<hbm>> -> memref<128x40xf32, #tpu.memory_space<hbm>>
        tpu.wait_dma2 semaphore(%run_scoped3A : memref<!tpu.dma_semaphore, #tpu.memory_space<semaphore_mem>>) src(%dma_wait3A_82 : memref<128x40xf32, #tpu.memory_space<hbm>>) dst(%arg9 : memref<128x40xf32, #tpu.memory_space<vmem>>)
        tpu.yield
      }) : () -> ()
      "tpu.region"() ({
        %run_scoped3A = tpu.sem_alloc : memref<!tpu.dma_semaphore, #tpu.memory_space<semaphore_mem>>
        %dma_start3A = arith.constant 0 : i32
        %dma_start3A_77 = tpu.memref_slice %arg13[%add3A_36, %dma_start3A] : memref<10240x40xf32, #tpu.memory_space<vmem_shared>> -> memref<128x40xf32, #tpu.memory_space<vmem_shared>>
        %dma_start3A_78 = arith.constant 0 : i32
        %dma_start3A_79 = tpu.memref_slice %arg13[%add3A_36, %dma_start3A_78] : memref<10240x40xf32, #tpu.memory_space<vmem_shared>> -> memref<128x40xf32, #tpu.memory_space<vmem_shared>>
        tpu.enqueue_dma source(%arg9 : memref<128x40xf32, #tpu.memory_space<vmem>>) target(%dma_start3A_79 : memref<128x40xf32, #tpu.memory_space<vmem_shared>>) target_semaphore(%run_scoped3A : memref<!tpu.dma_semaphore, #tpu.memory_space<semaphore_mem>>)
        %dma_wait3A = arith.constant 0 : i32
        %dma_wait3A_80 = tpu.memref_slice %arg13[%add3A_36, %dma_wait3A] : memref<10240x40xf32, #tpu.memory_space<vmem_shared>> -> memref<128x40xf32, #tpu.memory_space<vmem_shared>>
        %dma_wait3A_81 = arith.constant 0 : i32
        %dma_wait3A_82 = tpu.memref_slice %arg13[%add3A_36, %dma_wait3A_81] : memref<10240x40xf32, #tpu.memory_space<vmem_shared>> -> memref<128x40xf32, #tpu.memory_space<vmem_shared>>
        tpu.wait_dma2 semaphore(%run_scoped3A : memref<!tpu.dma_semaphore, #tpu.memory_space<semaphore_mem>>) src(%arg9 : memref<128x40xf32, #tpu.memory_space<vmem>>) dst(%dma_wait3A_82 : memref<128x40xf32, #tpu.memory_space<vmem_shared>>)
        tpu.yield
      }) : () -> ()
    } else {
    }
    %ne3A_42 = arith.constant 0 : i32
    %ne3A_43 = arith.cmpi ne, %arg0, %ne3A_42 : i32
    %convert_element_type3A_44 = arith.extui %ne3A_43 : i1 to i32
    %cond3A_45 = arith.constant 0 : i32
    %cond3A_46 = arith.cmpi ne, %convert_element_type3A_44, %cond3A_45 : i32
    scf.if %cond3A_46 {
      "tpu.region"() ({
        %run_scoped3A = tpu.sem_alloc : memref<!tpu.dma_semaphore, #tpu.memory_space<semaphore_mem>>
        %dma_start3A = arith.constant 0 : i32
        %dma_start3A_77 = tpu.memref_slice %arg3[%add3A_36, %dma_start3A] : memref<10240x40xf32, #tpu.memory_space<hbm>> -> memref<128x40xf32, #tpu.memory_space<hbm>>
        %dma_start3A_78 = arith.constant 0 : i32
        %dma_start3A_79 = tpu.memref_slice %arg3[%add3A_36, %dma_start3A_78] : memref<10240x40xf32, #tpu.memory_space<hbm>> -> memref<128x40xf32, #tpu.memory_space<hbm>>
        tpu.enqueue_dma source(%dma_start3A_79 : memref<128x40xf32, #tpu.memory_space<hbm>>) target(%arg9 : memref<128x40xf32, #tpu.memory_space<vmem>>) target_semaphore(%run_scoped3A : memref<!tpu.dma_semaphore, #tpu.memory_space<semaphore_mem>>)
        %dma_wait3A = arith.constant 0 : i32
        %dma_wait3A_80 = tpu.memref_slice %arg3[%add3A_36, %dma_wait3A] : memref<10240x40xf32, #tpu.memory_space<hbm>> -> memref<128x40xf32, #tpu.memory_space<hbm>>
        %dma_wait3A_81 = arith.constant 0 : i32
        %dma_wait3A_82 = tpu.memref_slice %arg3[%add3A_36, %dma_wait3A_81] : memref<10240x40xf32, #tpu.memory_space<hbm>> -> memref<128x40xf32, #tpu.memory_space<hbm>>
        tpu.wait_dma2 semaphore(%run_scoped3A : memref<!tpu.dma_semaphore, #tpu.memory_space<semaphore_mem>>) src(%dma_wait3A_82 : memref<128x40xf32, #tpu.memory_space<hbm>>) dst(%arg9 : memref<128x40xf32, #tpu.memory_space<vmem>>)
        tpu.yield
      }) : () -> ()
      "tpu.region"() ({
        %run_scoped3A = tpu.sem_alloc : memref<!tpu.dma_semaphore, #tpu.memory_space<semaphore_mem>>
        %dma_start3A = arith.constant 0 : i32
        %dma_start3A_77 = tpu.memref_slice %arg13[%add3A_36, %dma_start3A] : memref<10240x40xf32, #tpu.memory_space<vmem_shared>> -> memref<128x40xf32, #tpu.memory_space<vmem_shared>>
        %dma_start3A_78 = arith.constant 0 : i32
        %dma_start3A_79 = tpu.memref_slice %arg13[%add3A_36, %dma_start3A_78] : memref<10240x40xf32, #tpu.memory_space<vmem_shared>> -> memref<128x40xf32, #tpu.memory_space<vmem_shared>>
        tpu.enqueue_dma source(%arg9 : memref<128x40xf32, #tpu.memory_space<vmem>>) target(%dma_start3A_79 : memref<128x40xf32, #tpu.memory_space<vmem_shared>>) target_semaphore(%run_scoped3A : memref<!tpu.dma_semaphore, #tpu.memory_space<semaphore_mem>>)
        %dma_wait3A = arith.constant 0 : i32
        %dma_wait3A_80 = tpu.memref_slice %arg13[%add3A_36, %dma_wait3A] : memref<10240x40xf32, #tpu.memory_space<vmem_shared>> -> memref<128x40xf32, #tpu.memory_space<vmem_shared>>
        %dma_wait3A_81 = arith.constant 0 : i32
        %dma_wait3A_82 = tpu.memref_slice %arg13[%add3A_36, %dma_wait3A_81] : memref<10240x40xf32, #tpu.memory_space<vmem_shared>> -> memref<128x40xf32, #tpu.memory_space<vmem_shared>>
        tpu.wait_dma2 semaphore(%run_scoped3A : memref<!tpu.dma_semaphore, #tpu.memory_space<semaphore_mem>>) src(%arg9 : memref<128x40xf32, #tpu.memory_space<vmem>>) dst(%dma_wait3A_82 : memref<128x40xf32, #tpu.memory_space<vmem_shared>>)
        tpu.yield
      }) : () -> ()
    } else {
    }
    %add3A_47 = arith.constant 512 : i32
    %add3A_48 = arith.addi %mul3A_2, %add3A_47 : i32
    %eq3A_49 = arith.constant 0 : i32
    %eq3A_50 = arith.cmpi eq, %arg0, %eq3A_49 : i32
    %convert_element_type3A_51 = arith.extui %eq3A_50 : i1 to i32
    %cond3A_52 = arith.constant 0 : i32
    %cond3A_53 = arith.cmpi ne, %convert_element_type3A_51, %cond3A_52 : i32
    scf.if %cond3A_53 {
      "tpu.region"() ({
        %run_scoped3A = tpu.sem_alloc : memref<!tpu.dma_semaphore, #tpu.memory_space<semaphore_mem>>
        %dma_start3A = arith.constant 0 : i32
        %dma_start3A_77 = tpu.memref_slice %arg2[%add3A_48, %dma_start3A] : memref<10240x40xf32, #tpu.memory_space<hbm>> -> memref<128x40xf32, #tpu.memory_space<hbm>>
        %dma_start3A_78 = arith.constant 0 : i32
        %dma_start3A_79 = tpu.memref_slice %arg2[%add3A_48, %dma_start3A_78] : memref<10240x40xf32, #tpu.memory_space<hbm>> -> memref<128x40xf32, #tpu.memory_space<hbm>>
        tpu.enqueue_dma source(%dma_start3A_79 : memref<128x40xf32, #tpu.memory_space<hbm>>) target(%arg9 : memref<128x40xf32, #tpu.memory_space<vmem>>) target_semaphore(%run_scoped3A : memref<!tpu.dma_semaphore, #tpu.memory_space<semaphore_mem>>)
        %dma_wait3A = arith.constant 0 : i32
        %dma_wait3A_80 = tpu.memref_slice %arg2[%add3A_48, %dma_wait3A] : memref<10240x40xf32, #tpu.memory_space<hbm>> -> memref<128x40xf32, #tpu.memory_space<hbm>>
        %dma_wait3A_81 = arith.constant 0 : i32
        %dma_wait3A_82 = tpu.memref_slice %arg2[%add3A_48, %dma_wait3A_81] : memref<10240x40xf32, #tpu.memory_space<hbm>> -> memref<128x40xf32, #tpu.memory_space<hbm>>
        tpu.wait_dma2 semaphore(%run_scoped3A : memref<!tpu.dma_semaphore, #tpu.memory_space<semaphore_mem>>) src(%dma_wait3A_82 : memref<128x40xf32, #tpu.memory_space<hbm>>) dst(%arg9 : memref<128x40xf32, #tpu.memory_space<vmem>>)
        tpu.yield
      }) : () -> ()
      "tpu.region"() ({
        %run_scoped3A = tpu.sem_alloc : memref<!tpu.dma_semaphore, #tpu.memory_space<semaphore_mem>>
        %dma_start3A = arith.constant 0 : i32
        %dma_start3A_77 = tpu.memref_slice %arg13[%add3A_48, %dma_start3A] : memref<10240x40xf32, #tpu.memory_space<vmem_shared>> -> memref<128x40xf32, #tpu.memory_space<vmem_shared>>
        %dma_start3A_78 = arith.constant 0 : i32
        %dma_start3A_79 = tpu.memref_slice %arg13[%add3A_48, %dma_start3A_78] : memref<10240x40xf32, #tpu.memory_space<vmem_shared>> -> memref<128x40xf32, #tpu.memory_space<vmem_shared>>
        tpu.enqueue_dma source(%arg9 : memref<128x40xf32, #tpu.memory_space<vmem>>) target(%dma_start3A_79 : memref<128x40xf32, #tpu.memory_space<vmem_shared>>) target_semaphore(%run_scoped3A : memref<!tpu.dma_semaphore, #tpu.memory_space<semaphore_mem>>)
        %dma_wait3A = arith.constant 0 : i32
        %dma_wait3A_80 = tpu.memref_slice %arg13[%add3A_48, %dma_wait3A] : memref<10240x40xf32, #tpu.memory_space<vmem_shared>> -> memref<128x40xf32, #tpu.memory_space<vmem_shared>>
        %dma_wait3A_81 = arith.constant 0 : i32
        %dma_wait3A_82 = tpu.memref_slice %arg13[%add3A_48, %dma_wait3A_81] : memref<10240x40xf32, #tpu.memory_space<vmem_shared>> -> memref<128x40xf32, #tpu.memory_space<vmem_shared>>
        tpu.wait_dma2 semaphore(%run_scoped3A : memref<!tpu.dma_semaphore, #tpu.memory_space<semaphore_mem>>) src(%arg9 : memref<128x40xf32, #tpu.memory_space<vmem>>) dst(%dma_wait3A_82 : memref<128x40xf32, #tpu.memory_space<vmem_shared>>)
        tpu.yield
      }) : () -> ()
    } else {
    }
    %ne3A_54 = arith.constant 0 : i32
    %ne3A_55 = arith.cmpi ne, %arg0, %ne3A_54 : i32
    %convert_element_type3A_56 = arith.extui %ne3A_55 : i1 to i32
    %cond3A_57 = arith.constant 0 : i32
    %cond3A_58 = arith.cmpi ne, %convert_element_type3A_56, %cond3A_57 : i32
    scf.if %cond3A_58 {
      "tpu.region"() ({
        %run_scoped3A = tpu.sem_alloc : memref<!tpu.dma_semaphore, #tpu.memory_space<semaphore_mem>>
        %dma_start3A = arith.constant 0 : i32
        %dma_start3A_77 = tpu.memref_slice %arg3[%add3A_48, %dma_start3A] : memref<10240x40xf32, #tpu.memory_space<hbm>> -> memref<128x40xf32, #tpu.memory_space<hbm>>
        %dma_start3A_78 = arith.constant 0 : i32
        %dma_start3A_79 = tpu.memref_slice %arg3[%add3A_48, %dma_start3A_78] : memref<10240x40xf32, #tpu.memory_space<hbm>> -> memref<128x40xf32, #tpu.memory_space<hbm>>
        tpu.enqueue_dma source(%dma_start3A_79 : memref<128x40xf32, #tpu.memory_space<hbm>>) target(%arg9 : memref<128x40xf32, #tpu.memory_space<vmem>>) target_semaphore(%run_scoped3A : memref<!tpu.dma_semaphore, #tpu.memory_space<semaphore_mem>>)
        %dma_wait3A = arith.constant 0 : i32
        %dma_wait3A_80 = tpu.memref_slice %arg3[%add3A_48, %dma_wait3A] : memref<10240x40xf32, #tpu.memory_space<hbm>> -> memref<128x40xf32, #tpu.memory_space<hbm>>
        %dma_wait3A_81 = arith.constant 0 : i32
        %dma_wait3A_82 = tpu.memref_slice %arg3[%add3A_48, %dma_wait3A_81] : memref<10240x40xf32, #tpu.memory_space<hbm>> -> memref<128x40xf32, #tpu.memory_space<hbm>>
        tpu.wait_dma2 semaphore(%run_scoped3A : memref<!tpu.dma_semaphore, #tpu.memory_space<semaphore_mem>>) src(%dma_wait3A_82 : memref<128x40xf32, #tpu.memory_space<hbm>>) dst(%arg9 : memref<128x40xf32, #tpu.memory_space<vmem>>)
        tpu.yield
      }) : () -> ()
      "tpu.region"() ({
        %run_scoped3A = tpu.sem_alloc : memref<!tpu.dma_semaphore, #tpu.memory_space<semaphore_mem>>
        %dma_start3A = arith.constant 0 : i32
        %dma_start3A_77 = tpu.memref_slice %arg13[%add3A_48, %dma_start3A] : memref<10240x40xf32, #tpu.memory_space<vmem_shared>> -> memref<128x40xf32, #tpu.memory_space<vmem_shared>>
        %dma_start3A_78 = arith.constant 0 : i32
        %dma_start3A_79 = tpu.memref_slice %arg13[%add3A_48, %dma_start3A_78] : memref<10240x40xf32, #tpu.memory_space<vmem_shared>> -> memref<128x40xf32, #tpu.memory_space<vmem_shared>>
        tpu.enqueue_dma source(%arg9 : memref<128x40xf32, #tpu.memory_space<vmem>>) target(%dma_start3A_79 : memref<128x40xf32, #tpu.memory_space<vmem_shared>>) target_semaphore(%run_scoped3A : memref<!tpu.dma_semaphore, #tpu.memory_space<semaphore_mem>>)
        %dma_wait3A = arith.constant 0 : i32
        %dma_wait3A_80 = tpu.memref_slice %arg13[%add3A_48, %dma_wait3A] : memref<10240x40xf32, #tpu.memory_space<vmem_shared>> -> memref<128x40xf32, #tpu.memory_space<vmem_shared>>
        %dma_wait3A_81 = arith.constant 0 : i32
        %dma_wait3A_82 = tpu.memref_slice %arg13[%add3A_48, %dma_wait3A_81] : memref<10240x40xf32, #tpu.memory_space<vmem_shared>> -> memref<128x40xf32, #tpu.memory_space<vmem_shared>>
        tpu.wait_dma2 semaphore(%run_scoped3A : memref<!tpu.dma_semaphore, #tpu.memory_space<semaphore_mem>>) src(%arg9 : memref<128x40xf32, #tpu.memory_space<vmem>>) dst(%dma_wait3A_82 : memref<128x40xf32, #tpu.memory_space<vmem_shared>>)
        tpu.yield
      }) : () -> ()
    } else {
    }
    %barrier3A = arith.constant 0 : index
    tpu.barrier barrier_id(%barrier3A)
    %scan3A = arith.constant 0 : i32
    %scan3A_59 = arith.constant 0 : i32
    %scan3A_60 = arith.constant 20 : i32
    %scan3A_61 = arith.addi %scan3A_59, %scan3A_60 : i32
    %scan3A_62 = arith.constant 1 : i32
    %scan3A_63 = scf.for %scan3A_77 = %scan3A_59 to %scan3A_61 step %scan3A_62 iter_args(%scan3A_78 = %scan3A) -> (i32)  : i32 {
      %mul3A_79 = arith.constant 4 : i32
      %mul3A_80 = arith.muli %scan3A_77, %mul3A_79 : i32
      %add3A_81 = arith.constant 0 : i32
      %add3A_82 = arith.addi %mul3A_80, %add3A_81 : i32
      %dma_start3A = arith.constant 0 : i32
      %dma_start3A_83 = tpu.memref_slice %arg7[%add3A_82, %dma_start3A] : memref<80x128xi32, #tpu.memory_space<vmem>> -> memref<1x128xi32, #tpu.memory_space<vmem>>
      %dma_start3A_84 = tpu.memref_squeeze %dma_start3A_83 : memref<1x128xi32, #tpu.memory_space<vmem>> -> memref<128xi32, #tpu.memory_space<vmem>>
      %dma_start3A_85 = arith.constant 0 : i32
      %dma_start3A_86 = arith.constant 0 : i32
      %dma_start3A_87 = tpu.memref_slice %arg2[%dma_start3A_85, %dma_start3A_86] : memref<10240x40xf32, #tpu.memory_space<hbm>> -> memref<10240x40xf32, #tpu.memory_space<hbm>>
      tpu.enqueue_indirect_dma source(%dma_start3A_87 : memref<10240x40xf32, #tpu.memory_space<hbm>>) target(%arg9 : memref<128x40xf32, #tpu.memory_space<vmem>>) offsets(%dma_start3A_84 : memref<128xi32, #tpu.memory_space<vmem>>) semaphore(%arg14 : memref<!tpu.dma_semaphore, #tpu.memory_space<semaphore_mem>>)
      %mul3A_88 = arith.constant 4 : i32
      %mul3A_89 = arith.muli %scan3A_77, %mul3A_88 : i32
      %add3A_90 = arith.constant 1 : i32
      %add3A_91 = arith.addi %mul3A_89, %add3A_90 : i32
      %dma_start3A_92 = arith.constant 0 : i32
      %dma_start3A_93 = tpu.memref_slice %arg7[%add3A_91, %dma_start3A_92] : memref<80x128xi32, #tpu.memory_space<vmem>> -> memref<1x128xi32, #tpu.memory_space<vmem>>
      %dma_start3A_94 = tpu.memref_squeeze %dma_start3A_93 : memref<1x128xi32, #tpu.memory_space<vmem>> -> memref<128xi32, #tpu.memory_space<vmem>>
      %dma_start3A_95 = arith.constant 0 : i32
      %dma_start3A_96 = arith.constant 0 : i32
      %dma_start3A_97 = tpu.memref_slice %arg2[%dma_start3A_95, %dma_start3A_96] : memref<10240x40xf32, #tpu.memory_space<hbm>> -> memref<10240x40xf32, #tpu.memory_space<hbm>>
      tpu.enqueue_indirect_dma source(%dma_start3A_97 : memref<10240x40xf32, #tpu.memory_space<hbm>>) target(%arg10 : memref<128x40xf32, #tpu.memory_space<vmem>>) offsets(%dma_start3A_94 : memref<128xi32, #tpu.memory_space<vmem>>) semaphore(%arg15 : memref<!tpu.dma_semaphore, #tpu.memory_space<semaphore_mem>>)
      %mul3A_98 = arith.constant 4 : i32
      %mul3A_99 = arith.muli %scan3A_77, %mul3A_98 : i32
      %add3A_100 = arith.constant 2 : i32
      %add3A_101 = arith.addi %mul3A_99, %add3A_100 : i32
      %dma_start3A_102 = arith.constant 0 : i32
      %dma_start3A_103 = tpu.memref_slice %arg7[%add3A_101, %dma_start3A_102] : memref<80x128xi32, #tpu.memory_space<vmem>> -> memref<1x128xi32, #tpu.memory_space<vmem>>
      %dma_start3A_104 = tpu.memref_squeeze %dma_start3A_103 : memref<1x128xi32, #tpu.memory_space<vmem>> -> memref<128xi32, #tpu.memory_space<vmem>>
      %dma_start3A_105 = arith.constant 0 : i32
      %dma_start3A_106 = arith.constant 0 : i32
      %dma_start3A_107 = tpu.memref_slice %arg2[%dma_start3A_105, %dma_start3A_106] : memref<10240x40xf32, #tpu.memory_space<hbm>> -> memref<10240x40xf32, #tpu.memory_space<hbm>>
      tpu.enqueue_indirect_dma source(%dma_start3A_107 : memref<10240x40xf32, #tpu.memory_space<hbm>>) target(%arg11 : memref<128x40xf32, #tpu.memory_space<vmem>>) offsets(%dma_start3A_104 : memref<128xi32, #tpu.memory_space<vmem>>) semaphore(%arg16 : memref<!tpu.dma_semaphore, #tpu.memory_space<semaphore_mem>>)
      %mul3A_108 = arith.constant 4 : i32
      %mul3A_109 = arith.muli %scan3A_77, %mul3A_108 : i32
      %add3A_110 = arith.constant 3 : i32
      %add3A_111 = arith.addi %mul3A_109, %add3A_110 : i32
      %dma_start3A_112 = arith.constant 0 : i32
      %dma_start3A_113 = tpu.memref_slice %arg7[%add3A_111, %dma_start3A_112] : memref<80x128xi32, #tpu.memory_space<vmem>> -> memref<1x128xi32, #tpu.memory_space<vmem>>
      %dma_start3A_114 = tpu.memref_squeeze %dma_start3A_113 : memref<1x128xi32, #tpu.memory_space<vmem>> -> memref<128xi32, #tpu.memory_space<vmem>>
      %dma_start3A_115 = arith.constant 0 : i32
      %dma_start3A_116 = arith.constant 0 : i32
      %dma_start3A_117 = tpu.memref_slice %arg2[%dma_start3A_115, %dma_start3A_116] : memref<10240x40xf32, #tpu.memory_space<hbm>> -> memref<10240x40xf32, #tpu.memory_space<hbm>>
      tpu.enqueue_indirect_dma source(%dma_start3A_117 : memref<10240x40xf32, #tpu.memory_space<hbm>>) target(%arg12 : memref<128x40xf32, #tpu.memory_space<vmem>>) offsets(%dma_start3A_114 : memref<128xi32, #tpu.memory_space<vmem>>) semaphore(%arg17 : memref<!tpu.dma_semaphore, #tpu.memory_space<semaphore_mem>>)
      %dma_wait3A = arith.constant 0 : i32
      %dma_wait3A_118 = tpu.memref_slice %arg7[%add3A_82, %dma_wait3A] : memref<80x128xi32, #tpu.memory_space<vmem>> -> memref<1x128xi32, #tpu.memory_space<vmem>>
      %dma_wait3A_119 = tpu.memref_squeeze %dma_wait3A_118 : memref<1x128xi32, #tpu.memory_space<vmem>> -> memref<128xi32, #tpu.memory_space<vmem>>
      %dma_wait3A_120 = arith.constant 0 : i32
      %dma_wait3A_121 = arith.constant 0 : i32
      %dma_wait3A_122 = tpu.memref_slice %arg2[%dma_wait3A_120, %dma_wait3A_121] : memref<10240x40xf32, #tpu.memory_space<hbm>> -> memref<10240x40xf32, #tpu.memory_space<hbm>>
      tpu.wait_indirect_dma semaphore(%arg14 : memref<!tpu.dma_semaphore, #tpu.memory_space<semaphore_mem>>) src(%dma_wait3A_122 : memref<10240x40xf32, #tpu.memory_space<hbm>>) dst(%arg9 : memref<128x40xf32, #tpu.memory_space<vmem>>)
      %mul3A_123 = arith.constant 4 : i32
      %mul3A_124 = arith.muli %scan3A_77, %mul3A_123 : i32
      %add3A_125 = arith.constant 0 : i32
      %add3A_126 = arith.addi %mul3A_124, %add3A_125 : i32
      "tpu.region"() ({
        %run_scoped3A = tpu.sem_alloc : memref<!tpu.dma_semaphore, #tpu.memory_space<semaphore_mem>>
        %dma_start3A_158 = arith.constant 0 : i32
        %dma_start3A_159 = tpu.memref_slice %arg8[%add3A_126, %dma_start3A_158] : memref<80x128xi32, #tpu.memory_space<vmem>> -> memref<1x128xi32, #tpu.memory_space<vmem>>
        %dma_start3A_160 = tpu.memref_squeeze %dma_start3A_159 : memref<1x128xi32, #tpu.memory_space<vmem>> -> memref<128xi32, #tpu.memory_space<vmem>>
        %dma_start3A_161 = arith.constant 0 : i32
        %dma_start3A_162 = arith.constant 0 : i32
        %dma_start3A_163 = tpu.memref_slice %arg13[%dma_start3A_161, %dma_start3A_162] : memref<10240x40xf32, #tpu.memory_space<vmem_shared>> -> memref<10240x40xf32, #tpu.memory_space<vmem_shared>>
        tpu.enqueue_indirect_dma source(%arg9 : memref<128x40xf32, #tpu.memory_space<vmem>>) target(%dma_start3A_163 : memref<10240x40xf32, #tpu.memory_space<vmem_shared>>) offsets(%dma_start3A_160 : memref<128xi32, #tpu.memory_space<vmem>>) semaphore(%run_scoped3A : memref<!tpu.dma_semaphore, #tpu.memory_space<semaphore_mem>>) {add = true}
        %dma_wait3A_164 = arith.constant 0 : i32
        %dma_wait3A_165 = tpu.memref_slice %arg8[%add3A_126, %dma_wait3A_164] : memref<80x128xi32, #tpu.memory_space<vmem>> -> memref<1x128xi32, #tpu.memory_space<vmem>>
        %dma_wait3A_166 = tpu.memref_squeeze %dma_wait3A_165 : memref<1x128xi32, #tpu.memory_space<vmem>> -> memref<128xi32, #tpu.memory_space<vmem>>
        %dma_wait3A_167 = arith.constant 0 : i32
        %dma_wait3A_168 = arith.constant 0 : i32
        %dma_wait3A_169 = tpu.memref_slice %arg13[%dma_wait3A_167, %dma_wait3A_168] : memref<10240x40xf32, #tpu.memory_space<vmem_shared>> -> memref<10240x40xf32, #tpu.memory_space<vmem_shared>>
        tpu.wait_indirect_dma semaphore(%run_scoped3A : memref<!tpu.dma_semaphore, #tpu.memory_space<semaphore_mem>>) src(%arg9 : memref<128x40xf32, #tpu.memory_space<vmem>>) dst(%dma_wait3A_169 : memref<10240x40xf32, #tpu.memory_space<vmem_shared>>)
        tpu.yield
      }) : () -> ()
      %dma_wait3A_127 = arith.constant 0 : i32
      %dma_wait3A_128 = tpu.memref_slice %arg7[%add3A_91, %dma_wait3A_127] : memref<80x128xi32, #tpu.memory_space<vmem>> -> memref<1x128xi32, #tpu.memory_space<vmem>>
      %dma_wait3A_129 = tpu.memref_squeeze %dma_wait3A_128 : memref<1x128xi32, #tpu.memory_space<vmem>> -> memref<128xi32, #tpu.memory_space<vmem>>
      %dma_wait3A_130 = arith.constant 0 : i32
      %dma_wait3A_131 = arith.constant 0 : i32
      %dma_wait3A_132 = tpu.memref_slice %arg2[%dma_wait3A_130, %dma_wait3A_131] : memref<10240x40xf32, #tpu.memory_space<hbm>> -> memref<10240x40xf32, #tpu.memory_space<hbm>>
      tpu.wait_indirect_dma semaphore(%arg15 : memref<!tpu.dma_semaphore, #tpu.memory_space<semaphore_mem>>) src(%dma_wait3A_132 : memref<10240x40xf32, #tpu.memory_space<hbm>>) dst(%arg10 : memref<128x40xf32, #tpu.memory_space<vmem>>)
      %mul3A_133 = arith.constant 4 : i32
      %mul3A_134 = arith.muli %scan3A_77, %mul3A_133 : i32
      %add3A_135 = arith.constant 1 : i32
      %add3A_136 = arith.addi %mul3A_134, %add3A_135 : i32
      "tpu.region"() ({
        %run_scoped3A = tpu.sem_alloc : memref<!tpu.dma_semaphore, #tpu.memory_space<semaphore_mem>>
        %dma_start3A_158 = arith.constant 0 : i32
        %dma_start3A_159 = tpu.memref_slice %arg8[%add3A_136, %dma_start3A_158] : memref<80x128xi32, #tpu.memory_space<vmem>> -> memref<1x128xi32, #tpu.memory_space<vmem>>
        %dma_start3A_160 = tpu.memref_squeeze %dma_start3A_159 : memref<1x128xi32, #tpu.memory_space<vmem>> -> memref<128xi32, #tpu.memory_space<vmem>>
        %dma_start3A_161 = arith.constant 0 : i32
        %dma_start3A_162 = arith.constant 0 : i32
        %dma_start3A_163 = tpu.memref_slice %arg13[%dma_start3A_161, %dma_start3A_162] : memref<10240x40xf32, #tpu.memory_space<vmem_shared>> -> memref<10240x40xf32, #tpu.memory_space<vmem_shared>>
        tpu.enqueue_indirect_dma source(%arg10 : memref<128x40xf32, #tpu.memory_space<vmem>>) target(%dma_start3A_163 : memref<10240x40xf32, #tpu.memory_space<vmem_shared>>) offsets(%dma_start3A_160 : memref<128xi32, #tpu.memory_space<vmem>>) semaphore(%run_scoped3A : memref<!tpu.dma_semaphore, #tpu.memory_space<semaphore_mem>>) {add = true}
        %dma_wait3A_164 = arith.constant 0 : i32
        %dma_wait3A_165 = tpu.memref_slice %arg8[%add3A_136, %dma_wait3A_164] : memref<80x128xi32, #tpu.memory_space<vmem>> -> memref<1x128xi32, #tpu.memory_space<vmem>>
        %dma_wait3A_166 = tpu.memref_squeeze %dma_wait3A_165 : memref<1x128xi32, #tpu.memory_space<vmem>> -> memref<128xi32, #tpu.memory_space<vmem>>
        %dma_wait3A_167 = arith.constant 0 : i32
        %dma_wait3A_168 = arith.constant 0 : i32
        %dma_wait3A_169 = tpu.memref_slice %arg13[%dma_wait3A_167, %dma_wait3A_168] : memref<10240x40xf32, #tpu.memory_space<vmem_shared>> -> memref<10240x40xf32, #tpu.memory_space<vmem_shared>>
        tpu.wait_indirect_dma semaphore(%run_scoped3A : memref<!tpu.dma_semaphore, #tpu.memory_space<semaphore_mem>>) src(%arg10 : memref<128x40xf32, #tpu.memory_space<vmem>>) dst(%dma_wait3A_169 : memref<10240x40xf32, #tpu.memory_space<vmem_shared>>)
        tpu.yield
      }) : () -> ()
      %dma_wait3A_137 = arith.constant 0 : i32
      %dma_wait3A_138 = tpu.memref_slice %arg7[%add3A_101, %dma_wait3A_137] : memref<80x128xi32, #tpu.memory_space<vmem>> -> memref<1x128xi32, #tpu.memory_space<vmem>>
      %dma_wait3A_139 = tpu.memref_squeeze %dma_wait3A_138 : memref<1x128xi32, #tpu.memory_space<vmem>> -> memref<128xi32, #tpu.memory_space<vmem>>
      %dma_wait3A_140 = arith.constant 0 : i32
      %dma_wait3A_141 = arith.constant 0 : i32
      %dma_wait3A_142 = tpu.memref_slice %arg2[%dma_wait3A_140, %dma_wait3A_141] : memref<10240x40xf32, #tpu.memory_space<hbm>> -> memref<10240x40xf32, #tpu.memory_space<hbm>>
      tpu.wait_indirect_dma semaphore(%arg16 : memref<!tpu.dma_semaphore, #tpu.memory_space<semaphore_mem>>) src(%dma_wait3A_142 : memref<10240x40xf32, #tpu.memory_space<hbm>>) dst(%arg11 : memref<128x40xf32, #tpu.memory_space<vmem>>)
      %mul3A_143 = arith.constant 4 : i32
      %mul3A_144 = arith.muli %scan3A_77, %mul3A_143 : i32
      %add3A_145 = arith.constant 2 : i32
      %add3A_146 = arith.addi %mul3A_144, %add3A_145 : i32
      "tpu.region"() ({
        %run_scoped3A = tpu.sem_alloc : memref<!tpu.dma_semaphore, #tpu.memory_space<semaphore_mem>>
        %dma_start3A_158 = arith.constant 0 : i32
        %dma_start3A_159 = tpu.memref_slice %arg8[%add3A_146, %dma_start3A_158] : memref<80x128xi32, #tpu.memory_space<vmem>> -> memref<1x128xi32, #tpu.memory_space<vmem>>
        %dma_start3A_160 = tpu.memref_squeeze %dma_start3A_159 : memref<1x128xi32, #tpu.memory_space<vmem>> -> memref<128xi32, #tpu.memory_space<vmem>>
        %dma_start3A_161 = arith.constant 0 : i32
        %dma_start3A_162 = arith.constant 0 : i32
        %dma_start3A_163 = tpu.memref_slice %arg13[%dma_start3A_161, %dma_start3A_162] : memref<10240x40xf32, #tpu.memory_space<vmem_shared>> -> memref<10240x40xf32, #tpu.memory_space<vmem_shared>>
        tpu.enqueue_indirect_dma source(%arg11 : memref<128x40xf32, #tpu.memory_space<vmem>>) target(%dma_start3A_163 : memref<10240x40xf32, #tpu.memory_space<vmem_shared>>) offsets(%dma_start3A_160 : memref<128xi32, #tpu.memory_space<vmem>>) semaphore(%run_scoped3A : memref<!tpu.dma_semaphore, #tpu.memory_space<semaphore_mem>>) {add = true}
        %dma_wait3A_164 = arith.constant 0 : i32
        %dma_wait3A_165 = tpu.memref_slice %arg8[%add3A_146, %dma_wait3A_164] : memref<80x128xi32, #tpu.memory_space<vmem>> -> memref<1x128xi32, #tpu.memory_space<vmem>>
        %dma_wait3A_166 = tpu.memref_squeeze %dma_wait3A_165 : memref<1x128xi32, #tpu.memory_space<vmem>> -> memref<128xi32, #tpu.memory_space<vmem>>
        %dma_wait3A_167 = arith.constant 0 : i32
        %dma_wait3A_168 = arith.constant 0 : i32
        %dma_wait3A_169 = tpu.memref_slice %arg13[%dma_wait3A_167, %dma_wait3A_168] : memref<10240x40xf32, #tpu.memory_space<vmem_shared>> -> memref<10240x40xf32, #tpu.memory_space<vmem_shared>>
        tpu.wait_indirect_dma semaphore(%run_scoped3A : memref<!tpu.dma_semaphore, #tpu.memory_space<semaphore_mem>>) src(%arg11 : memref<128x40xf32, #tpu.memory_space<vmem>>) dst(%dma_wait3A_169 : memref<10240x40xf32, #tpu.memory_space<vmem_shared>>)
        tpu.yield
      }) : () -> ()
      %dma_wait3A_147 = arith.constant 0 : i32
      %dma_wait3A_148 = tpu.memref_slice %arg7[%add3A_111, %dma_wait3A_147] : memref<80x128xi32, #tpu.memory_space<vmem>> -> memref<1x128xi32, #tpu.memory_space<vmem>>
      %dma_wait3A_149 = tpu.memref_squeeze %dma_wait3A_148 : memref<1x128xi32, #tpu.memory_space<vmem>> -> memref<128xi32, #tpu.memory_space<vmem>>
      %dma_wait3A_150 = arith.constant 0 : i32
      %dma_wait3A_151 = arith.constant 0 : i32
      %dma_wait3A_152 = tpu.memref_slice %arg2[%dma_wait3A_150, %dma_wait3A_151] : memref<10240x40xf32, #tpu.memory_space<hbm>> -> memref<10240x40xf32, #tpu.memory_space<hbm>>
      tpu.wait_indirect_dma semaphore(%arg17 : memref<!tpu.dma_semaphore, #tpu.memory_space<semaphore_mem>>) src(%dma_wait3A_152 : memref<10240x40xf32, #tpu.memory_space<hbm>>) dst(%arg12 : memref<128x40xf32, #tpu.memory_space<vmem>>)
      %mul3A_153 = arith.constant 4 : i32
      %mul3A_154 = arith.muli %scan3A_77, %mul3A_153 : i32
      %add3A_155 = arith.constant 3 : i32
      %add3A_156 = arith.addi %mul3A_154, %add3A_155 : i32
      "tpu.region"() ({
        %run_scoped3A = tpu.sem_alloc : memref<!tpu.dma_semaphore, #tpu.memory_space<semaphore_mem>>
        %dma_start3A_158 = arith.constant 0 : i32
        %dma_start3A_159 = tpu.memref_slice %arg8[%add3A_156, %dma_start3A_158] : memref<80x128xi32, #tpu.memory_space<vmem>> -> memref<1x128xi32, #tpu.memory_space<vmem>>
        %dma_start3A_160 = tpu.memref_squeeze %dma_start3A_159 : memref<1x128xi32, #tpu.memory_space<vmem>> -> memref<128xi32, #tpu.memory_space<vmem>>
        %dma_start3A_161 = arith.constant 0 : i32
        %dma_start3A_162 = arith.constant 0 : i32
        %dma_start3A_163 = tpu.memref_slice %arg13[%dma_start3A_161, %dma_start3A_162] : memref<10240x40xf32, #tpu.memory_space<vmem_shared>> -> memref<10240x40xf32, #tpu.memory_space<vmem_shared>>
        tpu.enqueue_indirect_dma source(%arg12 : memref<128x40xf32, #tpu.memory_space<vmem>>) target(%dma_start3A_163 : memref<10240x40xf32, #tpu.memory_space<vmem_shared>>) offsets(%dma_start3A_160 : memref<128xi32, #tpu.memory_space<vmem>>) semaphore(%run_scoped3A : memref<!tpu.dma_semaphore, #tpu.memory_space<semaphore_mem>>) {add = true}
        %dma_wait3A_164 = arith.constant 0 : i32
        %dma_wait3A_165 = tpu.memref_slice %arg8[%add3A_156, %dma_wait3A_164] : memref<80x128xi32, #tpu.memory_space<vmem>> -> memref<1x128xi32, #tpu.memory_space<vmem>>
        %dma_wait3A_166 = tpu.memref_squeeze %dma_wait3A_165 : memref<1x128xi32, #tpu.memory_space<vmem>> -> memref<128xi32, #tpu.memory_space<vmem>>
        %dma_wait3A_167 = arith.constant 0 : i32
        %dma_wait3A_168 = arith.constant 0 : i32
        %dma_wait3A_169 = tpu.memref_slice %arg13[%dma_wait3A_167, %dma_wait3A_168] : memref<10240x40xf32, #tpu.memory_space<vmem_shared>> -> memref<10240x40xf32, #tpu.memory_space<vmem_shared>>
        tpu.wait_indirect_dma semaphore(%run_scoped3A : memref<!tpu.dma_semaphore, #tpu.memory_space<semaphore_mem>>) src(%arg12 : memref<128x40xf32, #tpu.memory_space<vmem>>) dst(%dma_wait3A_169 : memref<10240x40xf32, #tpu.memory_space<vmem_shared>>)
        tpu.yield
      }) : () -> ()
      %scan3A_157 = arith.constant 0 : i32
      scf.yield %scan3A_157 : i32
    }
    %scan3A_64 = arith.constant 20 : i32
    %barrier3A_65 = arith.constant 0 : index
    tpu.barrier barrier_id(%barrier3A_65)
    %add3A_66 = arith.constant 0 : i32
    %add3A_67 = arith.addi %mul3A_2, %add3A_66 : i32
    "tpu.region"() ({
      %run_scoped3A = tpu.sem_alloc : memref<!tpu.dma_semaphore, #tpu.memory_space<semaphore_mem>>
      %dma_start3A = arith.constant 0 : i32
      %dma_start3A_77 = tpu.memref_slice %arg13[%add3A_67, %dma_start3A] : memref<10240x40xf32, #tpu.memory_space<vmem_shared>> -> memref<128x40xf32, #tpu.memory_space<vmem_shared>>
      %dma_start3A_78 = arith.constant 0 : i32
      %dma_start3A_79 = tpu.memref_slice %arg13[%add3A_67, %dma_start3A_78] : memref<10240x40xf32, #tpu.memory_space<vmem_shared>> -> memref<128x40xf32, #tpu.memory_space<vmem_shared>>
      tpu.enqueue_dma source(%dma_start3A_79 : memref<128x40xf32, #tpu.memory_space<vmem_shared>>) target(%arg9 : memref<128x40xf32, #tpu.memory_space<vmem>>) target_semaphore(%run_scoped3A : memref<!tpu.dma_semaphore, #tpu.memory_space<semaphore_mem>>)
      %dma_wait3A = arith.constant 0 : i32
      %dma_wait3A_80 = tpu.memref_slice %arg13[%add3A_67, %dma_wait3A] : memref<10240x40xf32, #tpu.memory_space<vmem_shared>> -> memref<128x40xf32, #tpu.memory_space<vmem_shared>>
      %dma_wait3A_81 = arith.constant 0 : i32
      %dma_wait3A_82 = tpu.memref_slice %arg13[%add3A_67, %dma_wait3A_81] : memref<10240x40xf32, #tpu.memory_space<vmem_shared>> -> memref<128x40xf32, #tpu.memory_space<vmem_shared>>
      tpu.wait_dma2 semaphore(%run_scoped3A : memref<!tpu.dma_semaphore, #tpu.memory_space<semaphore_mem>>) src(%dma_wait3A_82 : memref<128x40xf32, #tpu.memory_space<vmem_shared>>) dst(%arg9 : memref<128x40xf32, #tpu.memory_space<vmem>>)
      tpu.yield
    }) : () -> ()
    "tpu.region"() ({
      %run_scoped3A = tpu.sem_alloc : memref<!tpu.dma_semaphore, #tpu.memory_space<semaphore_mem>>
      %dma_start3A = arith.constant 0 : i32
      %dma_start3A_77 = tpu.memref_slice %arg6[%arg0, %add3A_67, %dma_start3A] : memref<2x10240x40xf32, #tpu.memory_space<hbm>> -> memref<1x128x40xf32, #tpu.memory_space<hbm>>
      %dma_start3A_78 = tpu.memref_squeeze %dma_start3A_77 : memref<1x128x40xf32, #tpu.memory_space<hbm>> -> memref<128x40xf32, #tpu.memory_space<hbm>>
      %dma_start3A_79 = arith.constant 0 : i32
      %dma_start3A_80 = tpu.memref_slice %arg6[%arg0, %add3A_67, %dma_start3A_79] : memref<2x10240x40xf32, #tpu.memory_space<hbm>> -> memref<1x128x40xf32, #tpu.memory_space<hbm>>
      %dma_start3A_81 = tpu.memref_squeeze %dma_start3A_80 : memref<1x128x40xf32, #tpu.memory_space<hbm>> -> memref<128x40xf32, #tpu.memory_space<hbm>>
      tpu.enqueue_dma source(%arg9 : memref<128x40xf32, #tpu.memory_space<vmem>>) target(%dma_start3A_81 : memref<128x40xf32, #tpu.memory_space<hbm>>) target_semaphore(%run_scoped3A : memref<!tpu.dma_semaphore, #tpu.memory_space<semaphore_mem>>)
      %dma_wait3A = arith.constant 0 : i32
      %dma_wait3A_82 = tpu.memref_slice %arg6[%arg0, %add3A_67, %dma_wait3A] : memref<2x10240x40xf32, #tpu.memory_space<hbm>> -> memref<1x128x40xf32, #tpu.memory_space<hbm>>
      %dma_wait3A_83 = tpu.memref_squeeze %dma_wait3A_82 : memref<1x128x40xf32, #tpu.memory_space<hbm>> -> memref<128x40xf32, #tpu.memory_space<hbm>>
      %dma_wait3A_84 = arith.constant 0 : i32
      %dma_wait3A_85 = tpu.memref_slice %arg6[%arg0, %add3A_67, %dma_wait3A_84] : memref<2x10240x40xf32, #tpu.memory_space<hbm>> -> memref<1x128x40xf32, #tpu.memory_space<hbm>>
      %dma_wait3A_86 = tpu.memref_squeeze %dma_wait3A_85 : memref<1x128x40xf32, #tpu.memory_space<hbm>> -> memref<128x40xf32, #tpu.memory_space<hbm>>
      tpu.wait_dma2 semaphore(%run_scoped3A : memref<!tpu.dma_semaphore, #tpu.memory_space<semaphore_mem>>) src(%arg9 : memref<128x40xf32, #tpu.memory_space<vmem>>) dst(%dma_wait3A_86 : memref<128x40xf32, #tpu.memory_space<hbm>>)
      tpu.yield
    }) : () -> ()
    %add3A_68 = arith.constant 128 : i32
    %add3A_69 = arith.addi %mul3A_2, %add3A_68 : i32
    "tpu.region"() ({
      %run_scoped3A = tpu.sem_alloc : memref<!tpu.dma_semaphore, #tpu.memory_space<semaphore_mem>>
      %dma_start3A = arith.constant 0 : i32
      %dma_start3A_77 = tpu.memref_slice %arg13[%add3A_69, %dma_start3A] : memref<10240x40xf32, #tpu.memory_space<vmem_shared>> -> memref<128x40xf32, #tpu.memory_space<vmem_shared>>
      %dma_start3A_78 = arith.constant 0 : i32
      %dma_start3A_79 = tpu.memref_slice %arg13[%add3A_69, %dma_start3A_78] : memref<10240x40xf32, #tpu.memory_space<vmem_shared>> -> memref<128x40xf32, #tpu.memory_space<vmem_shared>>
      tpu.enqueue_dma source(%dma_start3A_79 : memref<128x40xf32, #tpu.memory_space<vmem_shared>>) target(%arg9 : memref<128x40xf32, #tpu.memory_space<vmem>>) target_semaphore(%run_scoped3A : memref<!tpu.dma_semaphore, #tpu.memory_space<semaphore_mem>>)
      %dma_wait3A = arith.constant 0 : i32
      %dma_wait3A_80 = tpu.memref_slice %arg13[%add3A_69, %dma_wait3A] : memref<10240x40xf32, #tpu.memory_space<vmem_shared>> -> memref<128x40xf32, #tpu.memory_space<vmem_shared>>
      %dma_wait3A_81 = arith.constant 0 : i32
      %dma_wait3A_82 = tpu.memref_slice %arg13[%add3A_69, %dma_wait3A_81] : memref<10240x40xf32, #tpu.memory_space<vmem_shared>> -> memref<128x40xf32, #tpu.memory_space<vmem_shared>>
      tpu.wait_dma2 semaphore(%run_scoped3A : memref<!tpu.dma_semaphore, #tpu.memory_space<semaphore_mem>>) src(%dma_wait3A_82 : memref<128x40xf32, #tpu.memory_space<vmem_shared>>) dst(%arg9 : memref<128x40xf32, #tpu.memory_space<vmem>>)
      tpu.yield
    }) : () -> ()
    "tpu.region"() ({
      %run_scoped3A = tpu.sem_alloc : memref<!tpu.dma_semaphore, #tpu.memory_space<semaphore_mem>>
      %dma_start3A = arith.constant 0 : i32
      %dma_start3A_77 = tpu.memref_slice %arg6[%arg0, %add3A_69, %dma_start3A] : memref<2x10240x40xf32, #tpu.memory_space<hbm>> -> memref<1x128x40xf32, #tpu.memory_space<hbm>>
      %dma_start3A_78 = tpu.memref_squeeze %dma_start3A_77 : memref<1x128x40xf32, #tpu.memory_space<hbm>> -> memref<128x40xf32, #tpu.memory_space<hbm>>
      %dma_start3A_79 = arith.constant 0 : i32
      %dma_start3A_80 = tpu.memref_slice %arg6[%arg0, %add3A_69, %dma_start3A_79] : memref<2x10240x40xf32, #tpu.memory_space<hbm>> -> memref<1x128x40xf32, #tpu.memory_space<hbm>>
      %dma_start3A_81 = tpu.memref_squeeze %dma_start3A_80 : memref<1x128x40xf32, #tpu.memory_space<hbm>> -> memref<128x40xf32, #tpu.memory_space<hbm>>
      tpu.enqueue_dma source(%arg9 : memref<128x40xf32, #tpu.memory_space<vmem>>) target(%dma_start3A_81 : memref<128x40xf32, #tpu.memory_space<hbm>>) target_semaphore(%run_scoped3A : memref<!tpu.dma_semaphore, #tpu.memory_space<semaphore_mem>>)
      %dma_wait3A = arith.constant 0 : i32
      %dma_wait3A_82 = tpu.memref_slice %arg6[%arg0, %add3A_69, %dma_wait3A] : memref<2x10240x40xf32, #tpu.memory_space<hbm>> -> memref<1x128x40xf32, #tpu.memory_space<hbm>>
      %dma_wait3A_83 = tpu.memref_squeeze %dma_wait3A_82 : memref<1x128x40xf32, #tpu.memory_space<hbm>> -> memref<128x40xf32, #tpu.memory_space<hbm>>
      %dma_wait3A_84 = arith.constant 0 : i32
      %dma_wait3A_85 = tpu.memref_slice %arg6[%arg0, %add3A_69, %dma_wait3A_84] : memref<2x10240x40xf32, #tpu.memory_space<hbm>> -> memref<1x128x40xf32, #tpu.memory_space<hbm>>
      %dma_wait3A_86 = tpu.memref_squeeze %dma_wait3A_85 : memref<1x128x40xf32, #tpu.memory_space<hbm>> -> memref<128x40xf32, #tpu.memory_space<hbm>>
      tpu.wait_dma2 semaphore(%run_scoped3A : memref<!tpu.dma_semaphore, #tpu.memory_space<semaphore_mem>>) src(%arg9 : memref<128x40xf32, #tpu.memory_space<vmem>>) dst(%dma_wait3A_86 : memref<128x40xf32, #tpu.memory_space<hbm>>)
      tpu.yield
    }) : () -> ()
    %add3A_70 = arith.constant 256 : i32
    %add3A_71 = arith.addi %mul3A_2, %add3A_70 : i32
    "tpu.region"() ({
      %run_scoped3A = tpu.sem_alloc : memref<!tpu.dma_semaphore, #tpu.memory_space<semaphore_mem>>
      %dma_start3A = arith.constant 0 : i32
      %dma_start3A_77 = tpu.memref_slice %arg13[%add3A_71, %dma_start3A] : memref<10240x40xf32, #tpu.memory_space<vmem_shared>> -> memref<128x40xf32, #tpu.memory_space<vmem_shared>>
      %dma_start3A_78 = arith.constant 0 : i32
      %dma_start3A_79 = tpu.memref_slice %arg13[%add3A_71, %dma_start3A_78] : memref<10240x40xf32, #tpu.memory_space<vmem_shared>> -> memref<128x40xf32, #tpu.memory_space<vmem_shared>>
      tpu.enqueue_dma source(%dma_start3A_79 : memref<128x40xf32, #tpu.memory_space<vmem_shared>>) target(%arg9 : memref<128x40xf32, #tpu.memory_space<vmem>>) target_semaphore(%run_scoped3A : memref<!tpu.dma_semaphore, #tpu.memory_space<semaphore_mem>>)
      %dma_wait3A = arith.constant 0 : i32
      %dma_wait3A_80 = tpu.memref_slice %arg13[%add3A_71, %dma_wait3A] : memref<10240x40xf32, #tpu.memory_space<vmem_shared>> -> memref<128x40xf32, #tpu.memory_space<vmem_shared>>
      %dma_wait3A_81 = arith.constant 0 : i32
      %dma_wait3A_82 = tpu.memref_slice %arg13[%add3A_71, %dma_wait3A_81] : memref<10240x40xf32, #tpu.memory_space<vmem_shared>> -> memref<128x40xf32, #tpu.memory_space<vmem_shared>>
      tpu.wait_dma2 semaphore(%run_scoped3A : memref<!tpu.dma_semaphore, #tpu.memory_space<semaphore_mem>>) src(%dma_wait3A_82 : memref<128x40xf32, #tpu.memory_space<vmem_shared>>) dst(%arg9 : memref<128x40xf32, #tpu.memory_space<vmem>>)
      tpu.yield
    }) : () -> ()
    "tpu.region"() ({
      %run_scoped3A = tpu.sem_alloc : memref<!tpu.dma_semaphore, #tpu.memory_space<semaphore_mem>>
      %dma_start3A = arith.constant 0 : i32
      %dma_start3A_77 = tpu.memref_slice %arg6[%arg0, %add3A_71, %dma_start3A] : memref<2x10240x40xf32, #tpu.memory_space<hbm>> -> memref<1x128x40xf32, #tpu.memory_space<hbm>>
      %dma_start3A_78 = tpu.memref_squeeze %dma_start3A_77 : memref<1x128x40xf32, #tpu.memory_space<hbm>> -> memref<128x40xf32, #tpu.memory_space<hbm>>
      %dma_start3A_79 = arith.constant 0 : i32
      %dma_start3A_80 = tpu.memref_slice %arg6[%arg0, %add3A_71, %dma_start3A_79] : memref<2x10240x40xf32, #tpu.memory_space<hbm>> -> memref<1x128x40xf32, #tpu.memory_space<hbm>>
      %dma_start3A_81 = tpu.memref_squeeze %dma_start3A_80 : memref<1x128x40xf32, #tpu.memory_space<hbm>> -> memref<128x40xf32, #tpu.memory_space<hbm>>
      tpu.enqueue_dma source(%arg9 : memref<128x40xf32, #tpu.memory_space<vmem>>) target(%dma_start3A_81 : memref<128x40xf32, #tpu.memory_space<hbm>>) target_semaphore(%run_scoped3A : memref<!tpu.dma_semaphore, #tpu.memory_space<semaphore_mem>>)
      %dma_wait3A = arith.constant 0 : i32
      %dma_wait3A_82 = tpu.memref_slice %arg6[%arg0, %add3A_71, %dma_wait3A] : memref<2x10240x40xf32, #tpu.memory_space<hbm>> -> memref<1x128x40xf32, #tpu.memory_space<hbm>>
      %dma_wait3A_83 = tpu.memref_squeeze %dma_wait3A_82 : memref<1x128x40xf32, #tpu.memory_space<hbm>> -> memref<128x40xf32, #tpu.memory_space<hbm>>
      %dma_wait3A_84 = arith.constant 0 : i32
      %dma_wait3A_85 = tpu.memref_slice %arg6[%arg0, %add3A_71, %dma_wait3A_84] : memref<2x10240x40xf32, #tpu.memory_space<hbm>> -> memref<1x128x40xf32, #tpu.memory_space<hbm>>
      %dma_wait3A_86 = tpu.memref_squeeze %dma_wait3A_85 : memref<1x128x40xf32, #tpu.memory_space<hbm>> -> memref<128x40xf32, #tpu.memory_space<hbm>>
      tpu.wait_dma2 semaphore(%run_scoped3A : memref<!tpu.dma_semaphore, #tpu.memory_space<semaphore_mem>>) src(%arg9 : memref<128x40xf32, #tpu.memory_space<vmem>>) dst(%dma_wait3A_86 : memref<128x40xf32, #tpu.memory_space<hbm>>)
      tpu.yield
    }) : () -> ()
    %add3A_72 = arith.constant 384 : i32
    %add3A_73 = arith.addi %mul3A_2, %add3A_72 : i32
    "tpu.region"() ({
      %run_scoped3A = tpu.sem_alloc : memref<!tpu.dma_semaphore, #tpu.memory_space<semaphore_mem>>
      %dma_start3A = arith.constant 0 : i32
      %dma_start3A_77 = tpu.memref_slice %arg13[%add3A_73, %dma_start3A] : memref<10240x40xf32, #tpu.memory_space<vmem_shared>> -> memref<128x40xf32, #tpu.memory_space<vmem_shared>>
      %dma_start3A_78 = arith.constant 0 : i32
      %dma_start3A_79 = tpu.memref_slice %arg13[%add3A_73, %dma_start3A_78] : memref<10240x40xf32, #tpu.memory_space<vmem_shared>> -> memref<128x40xf32, #tpu.memory_space<vmem_shared>>
      tpu.enqueue_dma source(%dma_start3A_79 : memref<128x40xf32, #tpu.memory_space<vmem_shared>>) target(%arg9 : memref<128x40xf32, #tpu.memory_space<vmem>>) target_semaphore(%run_scoped3A : memref<!tpu.dma_semaphore, #tpu.memory_space<semaphore_mem>>)
      %dma_wait3A = arith.constant 0 : i32
      %dma_wait3A_80 = tpu.memref_slice %arg13[%add3A_73, %dma_wait3A] : memref<10240x40xf32, #tpu.memory_space<vmem_shared>> -> memref<128x40xf32, #tpu.memory_space<vmem_shared>>
      %dma_wait3A_81 = arith.constant 0 : i32
      %dma_wait3A_82 = tpu.memref_slice %arg13[%add3A_73, %dma_wait3A_81] : memref<10240x40xf32, #tpu.memory_space<vmem_shared>> -> memref<128x40xf32, #tpu.memory_space<vmem_shared>>
      tpu.wait_dma2 semaphore(%run_scoped3A : memref<!tpu.dma_semaphore, #tpu.memory_space<semaphore_mem>>) src(%dma_wait3A_82 : memref<128x40xf32, #tpu.memory_space<vmem_shared>>) dst(%arg9 : memref<128x40xf32, #tpu.memory_space<vmem>>)
      tpu.yield
    }) : () -> ()
    "tpu.region"() ({
      %run_scoped3A = tpu.sem_alloc : memref<!tpu.dma_semaphore, #tpu.memory_space<semaphore_mem>>
      %dma_start3A = arith.constant 0 : i32
      %dma_start3A_77 = tpu.memref_slice %arg6[%arg0, %add3A_73, %dma_start3A] : memref<2x10240x40xf32, #tpu.memory_space<hbm>> -> memref<1x128x40xf32, #tpu.memory_space<hbm>>
      %dma_start3A_78 = tpu.memref_squeeze %dma_start3A_77 : memref<1x128x40xf32, #tpu.memory_space<hbm>> -> memref<128x40xf32, #tpu.memory_space<hbm>>
      %dma_start3A_79 = arith.constant 0 : i32
      %dma_start3A_80 = tpu.memref_slice %arg6[%arg0, %add3A_73, %dma_start3A_79] : memref<2x10240x40xf32, #tpu.memory_space<hbm>> -> memref<1x128x40xf32, #tpu.memory_space<hbm>>
      %dma_start3A_81 = tpu.memref_squeeze %dma_start3A_80 : memref<1x128x40xf32, #tpu.memory_space<hbm>> -> memref<128x40xf32, #tpu.memory_space<hbm>>
      tpu.enqueue_dma source(%arg9 : memref<128x40xf32, #tpu.memory_space<vmem>>) target(%dma_start3A_81 : memref<128x40xf32, #tpu.memory_space<hbm>>) target_semaphore(%run_scoped3A : memref<!tpu.dma_semaphore, #tpu.memory_space<semaphore_mem>>)
      %dma_wait3A = arith.constant 0 : i32
      %dma_wait3A_82 = tpu.memref_slice %arg6[%arg0, %add3A_73, %dma_wait3A] : memref<2x10240x40xf32, #tpu.memory_space<hbm>> -> memref<1x128x40xf32, #tpu.memory_space<hbm>>
      %dma_wait3A_83 = tpu.memref_squeeze %dma_wait3A_82 : memref<1x128x40xf32, #tpu.memory_space<hbm>> -> memref<128x40xf32, #tpu.memory_space<hbm>>
      %dma_wait3A_84 = arith.constant 0 : i32
      %dma_wait3A_85 = tpu.memref_slice %arg6[%arg0, %add3A_73, %dma_wait3A_84] : memref<2x10240x40xf32, #tpu.memory_space<hbm>> -> memref<1x128x40xf32, #tpu.memory_space<hbm>>
      %dma_wait3A_86 = tpu.memref_squeeze %dma_wait3A_85 : memref<1x128x40xf32, #tpu.memory_space<hbm>> -> memref<128x40xf32, #tpu.memory_space<hbm>>
      tpu.wait_dma2 semaphore(%run_scoped3A : memref<!tpu.dma_semaphore, #tpu.memory_space<semaphore_mem>>) src(%arg9 : memref<128x40xf32, #tpu.memory_space<vmem>>) dst(%dma_wait3A_86 : memref<128x40xf32, #tpu.memory_space<hbm>>)
      tpu.yield
    }) : () -> ()
    %add3A_74 = arith.constant 512 : i32
    %add3A_75 = arith.addi %mul3A_2, %add3A_74 : i32
    "tpu.region"() ({
      %run_scoped3A = tpu.sem_alloc : memref<!tpu.dma_semaphore, #tpu.memory_space<semaphore_mem>>
      %dma_start3A = arith.constant 0 : i32
      %dma_start3A_77 = tpu.memref_slice %arg13[%add3A_75, %dma_start3A] : memref<10240x40xf32, #tpu.memory_space<vmem_shared>> -> memref<128x40xf32, #tpu.memory_space<vmem_shared>>
      %dma_start3A_78 = arith.constant 0 : i32
      %dma_start3A_79 = tpu.memref_slice %arg13[%add3A_75, %dma_start3A_78] : memref<10240x40xf32, #tpu.memory_space<vmem_shared>> -> memref<128x40xf32, #tpu.memory_space<vmem_shared>>
      tpu.enqueue_dma source(%dma_start3A_79 : memref<128x40xf32, #tpu.memory_space<vmem_shared>>) target(%arg9 : memref<128x40xf32, #tpu.memory_space<vmem>>) target_semaphore(%run_scoped3A : memref<!tpu.dma_semaphore, #tpu.memory_space<semaphore_mem>>)
      %dma_wait3A = arith.constant 0 : i32
      %dma_wait3A_80 = tpu.memref_slice %arg13[%add3A_75, %dma_wait3A] : memref<10240x40xf32, #tpu.memory_space<vmem_shared>> -> memref<128x40xf32, #tpu.memory_space<vmem_shared>>
      %dma_wait3A_81 = arith.constant 0 : i32
      %dma_wait3A_82 = tpu.memref_slice %arg13[%add3A_75, %dma_wait3A_81] : memref<10240x40xf32, #tpu.memory_space<vmem_shared>> -> memref<128x40xf32, #tpu.memory_space<vmem_shared>>
      tpu.wait_dma2 semaphore(%run_scoped3A : memref<!tpu.dma_semaphore, #tpu.memory_space<semaphore_mem>>) src(%dma_wait3A_82 : memref<128x40xf32, #tpu.memory_space<vmem_shared>>) dst(%arg9 : memref<128x40xf32, #tpu.memory_space<vmem>>)
      tpu.yield
    }) : () -> ()
    "tpu.region"() ({
      %run_scoped3A = tpu.sem_alloc : memref<!tpu.dma_semaphore, #tpu.memory_space<semaphore_mem>>
      %dma_start3A = arith.constant 0 : i32
      %dma_start3A_77 = tpu.memref_slice %arg6[%arg0, %add3A_75, %dma_start3A] : memref<2x10240x40xf32, #tpu.memory_space<hbm>> -> memref<1x128x40xf32, #tpu.memory_space<hbm>>
      %dma_start3A_78 = tpu.memref_squeeze %dma_start3A_77 : memref<1x128x40xf32, #tpu.memory_space<hbm>> -> memref<128x40xf32, #tpu.memory_space<hbm>>
      %dma_start3A_79 = arith.constant 0 : i32
      %dma_start3A_80 = tpu.memref_slice %arg6[%arg0, %add3A_75, %dma_start3A_79] : memref<2x10240x40xf32, #tpu.memory_space<hbm>> -> memref<1x128x40xf32, #tpu.memory_space<hbm>>
      %dma_start3A_81 = tpu.memref_squeeze %dma_start3A_80 : memref<1x128x40xf32, #tpu.memory_space<hbm>> -> memref<128x40xf32, #tpu.memory_space<hbm>>
      tpu.enqueue_dma source(%arg9 : memref<128x40xf32, #tpu.memory_space<vmem>>) target(%dma_start3A_81 : memref<128x40xf32, #tpu.memory_space<hbm>>) target_semaphore(%run_scoped3A : memref<!tpu.dma_semaphore, #tpu.memory_space<semaphore_mem>>)
      %dma_wait3A = arith.constant 0 : i32
      %dma_wait3A_82 = tpu.memref_slice %arg6[%arg0, %add3A_75, %dma_wait3A] : memref<2x10240x40xf32, #tpu.memory_space<hbm>> -> memref<1x128x40xf32, #tpu.memory_space<hbm>>
      %dma_wait3A_83 = tpu.memref_squeeze %dma_wait3A_82 : memref<1x128x40xf32, #tpu.memory_space<hbm>> -> memref<128x40xf32, #tpu.memory_space<hbm>>
      %dma_wait3A_84 = arith.constant 0 : i32
      %dma_wait3A_85 = tpu.memref_slice %arg6[%arg0, %add3A_75, %dma_wait3A_84] : memref<2x10240x40xf32, #tpu.memory_space<hbm>> -> memref<1x128x40xf32, #tpu.memory_space<hbm>>
      %dma_wait3A_86 = tpu.memref_squeeze %dma_wait3A_85 : memref<1x128x40xf32, #tpu.memory_space<hbm>> -> memref<128x40xf32, #tpu.memory_space<hbm>>
      tpu.wait_dma2 semaphore(%run_scoped3A : memref<!tpu.dma_semaphore, #tpu.memory_space<semaphore_mem>>) src(%arg9 : memref<128x40xf32, #tpu.memory_space<vmem>>) dst(%dma_wait3A_86 : memref<128x40xf32, #tpu.memory_space<hbm>>)
      tpu.yield
    }) : () -> ()
    %barrier3A_76 = arith.constant 0 : index
    tpu.barrier barrier_id(%barrier3A_76)
    return
  }
}

module attributes {stable_mosaic.version = 14 : i64} {
  func.func @_y1_body(%arg0: i32, %arg1: memref<1280x128xf32, #tpu.memory_space<vmem>>, %arg2: memref<128x128xf32, #tpu.memory_space<vmem>>, %arg3: memref<1280x1xf32, #tpu.memory_space<vmem>>, %arg4: memref<1280x1xf32, #tpu.memory_space<vmem>>, %arg5: memref<1280x128xf32, #tpu.memory_space<vmem>>, %arg6: memref<1280x1xf32, #tpu.memory_space<vmem>>) attributes {dimension_semantics = [#tpu.dimension_semantics<arbitrary>], iteration_bounds = array<i64: 8>, scalar_prefetch = 0 : i64, scratch_operands = 0 : i64, tpu.core_type = #tpu.core_type<tc>, window_params = [{transform_indices = @transform_0, window_bounds = array<i64: 1280, 128>}, {pipeline_mode = #tpu.pipeline_mode<synchronous>, transform_indices = @transform_1, window_bounds = array<i64: 128, 128>}, {transform_indices = @transform_2, window_bounds = array<i64: 1280, 1>}, {transform_indices = @transform_3, window_bounds = array<i64: 1280, 1>}, {transform_indices = @transform_4, window_bounds = array<i64: 1280, 128>}, {transform_indices = @transform_5, window_bounds = array<i64: 1280, 1>}]} {
    %get3A = arith.constant 0 : index
    %get3A_0 = arith.constant 0 : index
    %get3A_1 = vector.load %arg3[%get3A, %get3A_0] : memref<1280x1xf32, #tpu.memory_space<vmem>>, vector<1280x1xf32>
    %get3A_2 = arith.constant 0 : index
    %get3A_3 = arith.constant 0 : index
    %get3A_4 = vector.load %arg4[%get3A_2, %get3A_3] : memref<1280x1xf32, #tpu.memory_space<vmem>>, vector<1280x1xf32>
    %add3A = arith.addf %get3A_1, %get3A_4 : vector<1280x1xf32>
    %add3A_5 = arith.constant 1.000000e+00 : f32
    %add3A_6 = vector.broadcast %add3A_5 : f32 to vector<1280x1xf32>
    %add3A_7 = arith.addf %add3A, %add3A_6 : vector<1280x1xf32>
    %rsqrt3A = math.rsqrt %add3A_7 : vector<1280x1xf32>
    %get3A_8 = arith.constant 0 : index
    %get3A_9 = arith.constant 0 : index
    %get3A_10 = vector.load %arg1[%get3A_8, %get3A_9] : memref<1280x128xf32, #tpu.memory_space<vmem>>, vector<1280x128xf32>
    %get3A_11 = arith.constant 0 : index
    %get3A_12 = arith.constant 0 : index
    %get3A_13 = vector.load %arg2[%get3A_11, %get3A_12] : memref<128x128xf32, #tpu.memory_space<vmem>>, vector<128x128xf32>
    %dot_general3A = arith.constant dense<0.000000e+00> : vector<1280x128xf32>
    %dot_general3A_14 = tpu.matmul %get3A_10, %get3A_13, %dot_general3A {dimension_numbers = #tpu.dot_dimension_numbers<[1], [0], [0], [1], [0, 0, 1, 1], [], []>, transpose_lhs_hint = false} : vector<1280x128xf32>, vector<128x128xf32>, vector<1280x128xf32> -> vector<1280x128xf32>
    %mul3A = vector.broadcast %rsqrt3A : vector<1280x1xf32> to vector<1280x128xf32>
    %mul3A_15 = arith.mulf %dot_general3A_14, %mul3A : vector<1280x128xf32>
    %swap3A = arith.constant 0 : index
    %swap3A_16 = arith.constant 0 : index
    %swap3A_17 = vector.load %arg5[%swap3A, %swap3A_16] : memref<1280x128xf32, #tpu.memory_space<vmem>>, vector<1280x128xf32>
    tpu.vector_store %arg5[%swap3A, %swap3A_16], %mul3A_15 {strides = array<i32>} : memref<1280x128xf32, #tpu.memory_space<vmem>>, vector<1280x128xf32>,
    %swap3A_18 = arith.constant 0 : index
    %swap3A_19 = arith.constant 0 : index
    %swap3A_20 = vector.load %arg6[%swap3A_18, %swap3A_19] : memref<1280x1xf32, #tpu.memory_space<vmem>>, vector<1280x1xf32>
    tpu.vector_store %arg6[%swap3A_18, %swap3A_19], %rsqrt3A {strides = array<i32>} : memref<1280x1xf32, #tpu.memory_space<vmem>>, vector<1280x1xf32>,
    return
  }
  func.func @transform_0(%arg0: i32) -> (i32, i32) {
    %c0_i32 = arith.constant 0 : i32
    %c0_i32_0 = arith.constant 0 : i32
    return %arg0, %c0_i32 : i32, i32
  }
  func.func @transform_1(%arg0: i32) -> (i32, i32) {
    %c0_i32 = arith.constant 0 : i32
    %c0_i32_0 = arith.constant 0 : i32
    %c0_i32_1 = arith.constant 0 : i32
    return %c0_i32, %c0_i32_0 : i32, i32
  }
  func.func @transform_2(%arg0: i32) -> (i32, i32) {
    %c0_i32 = arith.constant 0 : i32
    %c0_i32_0 = arith.constant 0 : i32
    return %arg0, %c0_i32 : i32, i32
  }
  func.func @transform_3(%arg0: i32) -> (i32, i32) {
    %c0_i32 = arith.constant 0 : i32
    %c0_i32_0 = arith.constant 0 : i32
    return %arg0, %c0_i32 : i32, i32
  }
  func.func @transform_4(%arg0: i32) -> (i32, i32) {
    %c0_i32 = arith.constant 0 : i32
    %c0_i32_0 = arith.constant 0 : i32
    return %arg0, %c0_i32 : i32, i32
  }
  func.func @transform_5(%arg0: i32) -> (i32, i32) {
    %c0_i32 = arith.constant 0 : i32
    %c0_i32_0 = arith.constant 0 : i32
    return %arg0, %c0_i32 : i32, i32
  }
}

module attributes {stable_mosaic.version = 14 : i64} {
  func.func @_mid_body(%arg0: i32, %arg1: memref<2x1280x64xf32, #tpu.memory_space<vmem>>, %arg2: memref<2x1280x64xf32, #tpu.memory_space<vmem>>, %arg3: memref<1280x1xf32, #tpu.memory_space<vmem>>, %arg4: memref<1x128xf32, #tpu.memory_space<vmem>>, %arg5: memref<1x128xf32, #tpu.memory_space<vmem>>, %arg6: memref<1x128xf32, #tpu.memory_space<vmem>>, %arg7: memref<1x128xf32, #tpu.memory_space<vmem>>, %arg8: memref<1x128xf32, #tpu.memory_space<vmem>>, %arg9: memref<128x40xf32, #tpu.memory_space<vmem>>, %arg10: memref<1280x40xf32, #tpu.memory_space<vmem>>) attributes {dimension_semantics = [#tpu.dimension_semantics<arbitrary>], iteration_bounds = array<i64: 8>, scalar_prefetch = 0 : i64, scratch_operands = 0 : i64, tpu.core_type = #tpu.core_type<tc>, window_params = [{transform_indices = @transform_0, window_bounds = array<i64: 2, 1280, 64>}, {transform_indices = @transform_1, window_bounds = array<i64: 2, 1280, 64>}, {transform_indices = @transform_2, window_bounds = array<i64: 1280, 1>}, {pipeline_mode = #tpu.pipeline_mode<synchronous>, transform_indices = @transform_3, window_bounds = array<i64: 1, 128>}, {pipeline_mode = #tpu.pipeline_mode<synchronous>, transform_indices = @transform_4, window_bounds = array<i64: 1, 128>}, {pipeline_mode = #tpu.pipeline_mode<synchronous>, transform_indices = @transform_5, window_bounds = array<i64: 1, 128>}, {pipeline_mode = #tpu.pipeline_mode<synchronous>, transform_indices = @transform_6, window_bounds = array<i64: 1, 128>}, {pipeline_mode = #tpu.pipeline_mode<synchronous>, transform_indices = @transform_7, window_bounds = array<i64: 1, 128>}, {pipeline_mode = #tpu.pipeline_mode<synchronous>, transform_indices = @transform_8, window_bounds = array<i64: 128, 40>}, {transform_indices = @transform_9, window_bounds = array<i64: 1280, 40>}]} {
    %get3A = arith.constant 0 : index
    %get3A_0 = arith.constant 0 : index
    %get3A_1 = vector.load %arg4[%get3A, %get3A_0] : memref<1x128xf32, #tpu.memory_space<vmem>>, vector<1x128xf32>
    %get3A_2 = arith.constant 0 : index
    %get3A_3 = arith.constant 0 : index
    %get3A_4 = vector.load %arg7[%get3A_2, %get3A_3] : memref<1x128xf32, #tpu.memory_space<vmem>>, vector<1x128xf32>
    %add3A = arith.constant 9.99999974E-6 : f32
    %add3A_5 = vector.broadcast %add3A : f32 to vector<1x128xf32>
    %add3A_6 = arith.addf %get3A_4, %add3A_5 : vector<1x128xf32>
    %rsqrt3A = math.rsqrt %add3A_6 : vector<1x128xf32>
    %mul3A = arith.mulf %get3A_1, %rsqrt3A : vector<1x128xf32>
    %get3A_7 = arith.constant 0 : index
    %get3A_8 = arith.constant 0 : index
    %get3A_9 = vector.load %arg8[%get3A_7, %get3A_8] : memref<1x128xf32, #tpu.memory_space<vmem>>, vector<1x128xf32>
    %get3A_10 = arith.constant 0 : index
    %get3A_11 = arith.constant 0 : index
    %get3A_12 = vector.load %arg6[%get3A_10, %get3A_11] : memref<1x128xf32, #tpu.memory_space<vmem>>, vector<1x128xf32>
    %sub3A = arith.subf %get3A_9, %get3A_12 : vector<1x128xf32>
    %mul3A_13 = arith.mulf %sub3A, %mul3A : vector<1x128xf32>
    %get3A_14 = arith.constant 0 : index
    %get3A_15 = arith.constant 0 : index
    %get3A_16 = vector.load %arg5[%get3A_14, %get3A_15] : memref<1x128xf32, #tpu.memory_space<vmem>>, vector<1x128xf32>
    %add3A_17 = arith.addf %mul3A_13, %get3A_16 : vector<1x128xf32>
    %get3A_18 = arith.constant 0 : index
    %get3A_19 = arith.constant 0 : index
    %get3A_20 = arith.constant 0 : index
    %get3A_21 = vector.load %arg1[%get3A_18, %get3A_19, %get3A_20] : memref<2x1280x64xf32, #tpu.memory_space<vmem>>, vector<1x1280x64xf32>
    %get3A_22 = vector.shape_cast %get3A_21 : vector<1x1280x64xf32> to vector<1280x64xf32>
    %get3A_23 = arith.constant 1 : index
    %get3A_24 = arith.constant 0 : index
    %get3A_25 = arith.constant 0 : index
    %get3A_26 = vector.load %arg1[%get3A_23, %get3A_24, %get3A_25] : memref<2x1280x64xf32, #tpu.memory_space<vmem>>, vector<1x1280x64xf32>
    %get3A_27 = vector.shape_cast %get3A_26 : vector<1x1280x64xf32> to vector<1280x64xf32>
    %add3A_28 = arith.addf %get3A_22, %get3A_27 : vector<1280x64xf32>
    %get3A_29 = arith.constant 0 : index
    %get3A_30 = arith.constant 0 : index
    %get3A_31 = arith.constant 0 : index
    %get3A_32 = vector.load %arg2[%get3A_29, %get3A_30, %get3A_31] : memref<2x1280x64xf32, #tpu.memory_space<vmem>>, vector<1x1280x64xf32>
    %get3A_33 = vector.shape_cast %get3A_32 : vector<1x1280x64xf32> to vector<1280x64xf32>
    %get3A_34 = arith.constant 1 : index
    %get3A_35 = arith.constant 0 : index
    %get3A_36 = arith.constant 0 : index
    %get3A_37 = vector.load %arg2[%get3A_34, %get3A_35, %get3A_36] : memref<2x1280x64xf32, #tpu.memory_space<vmem>>, vector<1x1280x64xf32>
    %get3A_38 = vector.shape_cast %get3A_37 : vector<1x1280x64xf32> to vector<1280x64xf32>
    %add3A_39 = arith.addf %get3A_33, %get3A_38 : vector<1280x64xf32>
    %concatenate3A = tpu.concatenate %add3A_28, %add3A_39 in 1 : vector<1280x64xf32>, vector<1280x64xf32> -> vector<1280x128xf32>
    %get3A_40 = arith.constant 0 : index
    %get3A_41 = arith.constant 0 : index
    %get3A_42 = vector.load %arg3[%get3A_40, %get3A_41] : memref<1280x1xf32, #tpu.memory_space<vmem>>, vector<1280x1xf32>
    %mul3A_43 = vector.broadcast %get3A_42 : vector<1280x1xf32> to vector<1280x128xf32>
    %mul3A_44 = arith.mulf %concatenate3A, %mul3A_43 : vector<1280x128xf32>
    %mul3A_45 = vector.broadcast %mul3A : vector<1x128xf32> to vector<1280x128xf32>
    %mul3A_46 = arith.mulf %mul3A_44, %mul3A_45 : vector<1280x128xf32>
    %add3A_47 = vector.broadcast %add3A_17 : vector<1x128xf32> to vector<1280x128xf32>
    %add3A_48 = arith.addf %mul3A_46, %add3A_47 : vector<1280x128xf32>
    %max3A = arith.constant 0.000000e+00 : f32
    %max3A_49 = vector.broadcast %max3A : f32 to vector<1280x128xf32>
    %max3A_50 = arith.maximumf %add3A_48, %max3A_49 : vector<1280x128xf32>
    %get3A_51 = arith.constant 0 : index
    %get3A_52 = arith.constant 0 : index
    %get3A_53 = vector.load %arg9[%get3A_51, %get3A_52] : memref<128x40xf32, #tpu.memory_space<vmem>>, vector<128x40xf32>
    %dot_general3A = arith.constant dense<0.000000e+00> : vector<1280x40xf32>
    %dot_general3A_54 = tpu.matmul %max3A_50, %get3A_53, %dot_general3A {dimension_numbers = #tpu.dot_dimension_numbers<[1], [0], [0], [1], [0, 0, 1, 1], [], []>, transpose_lhs_hint = false} : vector<1280x128xf32>, vector<128x40xf32>, vector<1280x40xf32> -> vector<1280x40xf32>
    %get3A_55 = arith.constant 0 : index
    %get3A_56 = arith.constant 0 : index
    %get3A_57 = vector.load %arg3[%get3A_55, %get3A_56] : memref<1280x1xf32, #tpu.memory_space<vmem>>, vector<1280x1xf32>
    %mul3A_58 = vector.broadcast %get3A_57 : vector<1280x1xf32> to vector<1280x40xf32>
    %mul3A_59 = arith.mulf %dot_general3A_54, %mul3A_58 : vector<1280x40xf32>
    %swap3A = arith.constant 0 : index
    %swap3A_60 = arith.constant 0 : index
    %swap3A_61 = vector.load %arg10[%swap3A, %swap3A_60] : memref<1280x40xf32, #tpu.memory_space<vmem>>, vector<1280x40xf32>
    tpu.vector_store %arg10[%swap3A, %swap3A_60], %mul3A_59 {strides = array<i32>} : memref<1280x40xf32, #tpu.memory_space<vmem>>, vector<1280x40xf32>,
    return
  }
  func.func @transform_0(%arg0: i32) -> (i32, i32, i32) {
    %c0_i32 = arith.constant 0 : i32
    %c0_i32_0 = arith.constant 0 : i32
    %c0_i32_1 = arith.constant 0 : i32
    return %c0_i32, %arg0, %c0_i32_0 : i32, i32, i32
  }
  func.func @transform_1(%arg0: i32) -> (i32, i32, i32) {
    %c0_i32 = arith.constant 0 : i32
    %c0_i32_0 = arith.constant 0 : i32
    %c0_i32_1 = arith.constant 0 : i32
    return %c0_i32, %arg0, %c0_i32_0 : i32, i32, i32
  }
  func.func @transform_2(%arg0: i32) -> (i32, i32) {
    %c0_i32 = arith.constant 0 : i32
    %c0_i32_0 = arith.constant 0 : i32
    return %arg0, %c0_i32 : i32, i32
  }
  func.func @transform_3(%arg0: i32) -> (i32, i32) {
    %c0_i32 = arith.constant 0 : i32
    %c0_i32_0 = arith.constant 0 : i32
    %c0_i32_1 = arith.constant 0 : i32
    return %c0_i32, %c0_i32_0 : i32, i32
  }
  func.func @transform_4(%arg0: i32) -> (i32, i32) {
    %c0_i32 = arith.constant 0 : i32
    %c0_i32_0 = arith.constant 0 : i32
    %c0_i32_1 = arith.constant 0 : i32
    return %c0_i32, %c0_i32_0 : i32, i32
  }
  func.func @transform_5(%arg0: i32) -> (i32, i32) {
    %c0_i32 = arith.constant 0 : i32
    %c0_i32_0 = arith.constant 0 : i32
    %c0_i32_1 = arith.constant 0 : i32
    return %c0_i32, %c0_i32_0 : i32, i32
  }
  func.func @transform_6(%arg0: i32) -> (i32, i32) {
    %c0_i32 = arith.constant 0 : i32
    %c0_i32_0 = arith.constant 0 : i32
    %c0_i32_1 = arith.constant 0 : i32
    return %c0_i32, %c0_i32_0 : i32, i32
  }
  func.func @transform_7(%arg0: i32) -> (i32, i32) {
    %c0_i32 = arith.constant 0 : i32
    %c0_i32_0 = arith.constant 0 : i32
    %c0_i32_1 = arith.constant 0 : i32
    return %c0_i32, %c0_i32_0 : i32, i32
  }
  func.func @transform_8(%arg0: i32) -> (i32, i32) {
    %c0_i32 = arith.constant 0 : i32
    %c0_i32_0 = arith.constant 0 : i32
    %c0_i32_1 = arith.constant 0 : i32
    return %c0_i32, %c0_i32_0 : i32, i32
  }
  func.func @transform_9(%arg0: i32) -> (i32, i32) {
    %c0_i32 = arith.constant 0 : i32
    %c0_i32_0 = arith.constant 0 : i32
    return %arg0, %c0_i32 : i32, i32
  }
}

module attributes {stable_mosaic.version = 14 : i64} {
  func.func @_out_body(%arg0: i32, %arg1: memref<2x1280x40xf32, #tpu.memory_space<vmem>>, %arg2: memref<1280x1xf32, #tpu.memory_space<vmem>>, %arg3: memref<1x40xf32, #tpu.memory_space<vmem>>, %arg4: memref<1280x40xf32, #tpu.memory_space<vmem>>) attributes {dimension_semantics = [#tpu.dimension_semantics<arbitrary>], iteration_bounds = array<i64: 8>, scalar_prefetch = 0 : i64, scratch_operands = 0 : i64, tpu.core_type = #tpu.core_type<tc>, window_params = [{transform_indices = @transform_0, window_bounds = array<i64: 2, 1280, 40>}, {transform_indices = @transform_1, window_bounds = array<i64: 1280, 1>}, {pipeline_mode = #tpu.pipeline_mode<synchronous>, transform_indices = @transform_2, window_bounds = array<i64: 1, 40>}, {transform_indices = @transform_3, window_bounds = array<i64: 1280, 40>}]} {
    %get3A = arith.constant 0 : index
    %get3A_0 = arith.constant 0 : index
    %get3A_1 = arith.constant 0 : index
    %get3A_2 = vector.load %arg1[%get3A, %get3A_0, %get3A_1] : memref<2x1280x40xf32, #tpu.memory_space<vmem>>, vector<1x1280x40xf32>
    %get3A_3 = vector.shape_cast %get3A_2 : vector<1x1280x40xf32> to vector<1280x40xf32>
    %get3A_4 = arith.constant 1 : index
    %get3A_5 = arith.constant 0 : index
    %get3A_6 = arith.constant 0 : index
    %get3A_7 = vector.load %arg1[%get3A_4, %get3A_5, %get3A_6] : memref<2x1280x40xf32, #tpu.memory_space<vmem>>, vector<1x1280x40xf32>
    %get3A_8 = vector.shape_cast %get3A_7 : vector<1x1280x40xf32> to vector<1280x40xf32>
    %add3A = arith.addf %get3A_3, %get3A_8 : vector<1280x40xf32>
    %get3A_9 = arith.constant 0 : index
    %get3A_10 = arith.constant 0 : index
    %get3A_11 = vector.load %arg2[%get3A_9, %get3A_10] : memref<1280x1xf32, #tpu.memory_space<vmem>>, vector<1280x1xf32>
    %mul3A = vector.broadcast %get3A_11 : vector<1280x1xf32> to vector<1280x40xf32>
    %mul3A_12 = arith.mulf %add3A, %mul3A : vector<1280x40xf32>
    %get3A_13 = arith.constant 0 : index
    %get3A_14 = arith.constant 0 : index
    %get3A_15 = vector.load %arg3[%get3A_13, %get3A_14] : memref<1x40xf32, #tpu.memory_space<vmem>>, vector<1x40xf32>
    %add3A_16 = vector.broadcast %get3A_15 : vector<1x40xf32> to vector<1280x40xf32>
    %add3A_17 = arith.addf %mul3A_12, %add3A_16 : vector<1280x40xf32>
    %swap3A = arith.constant 0 : index
    %swap3A_18 = arith.constant 0 : index
    %swap3A_19 = vector.load %arg4[%swap3A, %swap3A_18] : memref<1280x40xf32, #tpu.memory_space<vmem>>, vector<1280x40xf32>
    tpu.vector_store %arg4[%swap3A, %swap3A_18], %add3A_17 {strides = array<i32>} : memref<1280x40xf32, #tpu.memory_space<vmem>>, vector<1280x40xf32>,
    return
  }
  func.func @transform_0(%arg0: i32) -> (i32, i32, i32) {
    %c0_i32 = arith.constant 0 : i32
    %c0_i32_0 = arith.constant 0 : i32
    %c0_i32_1 = arith.constant 0 : i32
    return %c0_i32, %arg0, %c0_i32_0 : i32, i32, i32
  }
  func.func @transform_1(%arg0: i32) -> (i32, i32) {
    %c0_i32 = arith.constant 0 : i32
    %c0_i32_0 = arith.constant 0 : i32
    return %arg0, %c0_i32 : i32, i32
  }
  func.func @transform_2(%arg0: i32) -> (i32, i32) {
    %c0_i32 = arith.constant 0 : i32
    %c0_i32_0 = arith.constant 0 : i32
    %c0_i32_1 = arith.constant 0 : i32
    return %c0_i32, %c0_i32_0 : i32, i32
  }
  func.func @transform_3(%arg0: i32) -> (i32, i32) {
    %c0_i32 = arith.constant 0 : i32
    %c0_i32_0 = arith.constant 0 : i32
    return %arg0, %c0_i32 : i32, i32
  }
}

</mosaic_0001>

<sc_bundles>
// kernel: kernel.11.cloned.1.call-start
scs
__scs_entry_jumppad:
0x0: {  	(pc) =	sbr.rel $0x88, $3  }
0x1: {  	(tag) =	ssettag $0x0;
	lr =	simm.s32 $0x1  }
0x2: {  	[smem:$0x3F97] =	sst lr;
	_ =	strace $0xD0000000  }
0x3: {  	_ = 	snop  }
0x4: {  	_ = 	snop  }
0x5: {  	_ = 	snop  }
0x6: {  	_ = 	snop  }
0x7: {  	_ = 	snop  }
__scs_overlays_trampoline_lowered:
0x8: {  	[smem:$0x3FA6] =	sst s0  }
0x9: {  	[smem:$0x3FA7] =	sst s1  }
0xa: {  	[smem:$0x3FA8] =	sst s2  }
0xb: {  	[smem:$0x3FA9] =	sst s3  }
0xc: {  	[smem:$0x3FAA] =	sst s4  }
0xd: {  	[smem:$0x3FAB] =	sst s5  }
0xe: {  	[smem:$0x3FAC] =	sst s6  }
0xf: {  	[smem:$0x3FAD] =	sst s7  }
0x10: {  	[smem:$0x3FAE] =	sst s8  }
0x11: {  	[smem:$0x3FAF] =	sst s9;
	s0 =	simm.s32 @!p0 $0x0  }
0x12: {  	s1 =	sld [smem:$0x3F95];
	s0 =	simm.s32 @p0 $0x1  }
0x13: {  	[smem:$0x3FB0] =	sst s0;
	s0 =	simm.s32 @!p1 $0x0  }
0x14: {  	s2 =	sld [smem:$0x3F94];
	s0 =	simm.s32 @p1 $0x1  }
0x15: {  	[smem:$0x3FB1] =	sst s0;
	s0 =	simm.s32 @!p2 $0x0  }
0x16: {  	s3 =	sld [smem:$0x3FDB];
	s0 =	simm.s32 @p2 $0x1  }
0x17: {  	s4 =	simm.s32 $0x1BF5;
	[smem:$0x3FB3] =	sst s0  }
0x18: {  	s0 =	sld [smem:$0x3F96];
	_ =	swait.ge [sflag:s4], $0x0  }
0x19: {  	s7 =	sld [smem:$0x3F97]  }
0x1a: {  	s8 =	sadd.s32 $0xFFFFE003, lr  }
0x1b: {  	s9 =	sadd.s32 $0xFFFFFEF7, lr;
	s5 =	simm.s32 $0xFFFFFFFF;
	p2 =	slt.u32 s8, $0xFFFFF086  }
0x1c: {  	p1 =	slt.u32 s9, $0xF7A;
	s5 =	simm.s32 @!p2 $0x0  }
0x1d: {  	s5 =	simm.s32 @p1 $0x1;
	p0 =	seq.s32 s7, s2  }
0x1e: {  	s7 =	smul.u32 @!p0 $0xF7A, s2;
	p2 =	seq.s32 @!p0 s5, $0x0  }
0x1f: {  	s9 =	smul.u32 $0xF7A, s1;
	s8 =	simm.s32 @!p0 $0x1BF5;
	p2 =	por !p2, p0  }
0x20: {  	[sflag:s8] =	ssyncset.s32 @!p0 $0xFFFFF086;
	s6 =	sadd.s32 @!p0 s3, s7;
	s7 =	simm.s32 @!p0 $0x108  }
0x21: {  	s3 =	sadd.s32 s3, s9;
	s6 =	sadd.s32 @!p0 $0x88, s6;
	s7 =	simm.s32 @p2 $0x1082  }
0x22: {  	[simem:s7], [sflag:s8] =	dma.local @!p0 [hbm:s6], $0xF7A  }
0x23: {  	s9 =	sor.u32 $0xD0000000, s2;
	s6 =	simm.s32 $0x108;
	_ =	swait.ge @!p0 [sflag:s8], $0x0  }
0x24: {  	s3 =	sadd.s32 $0x88, s3;
	s6 =	simm.s32 @!p1 $0x1082;
	[sflag:s4] =	ssyncset.s32 $0xFFFFF086  }
0x25: {  	[simem:s6], [sflag:s4] =	dma.local [hbm:s3], $0xF7A  }
0x26: {  	[smem:$0x3F97] =	sst s1;
	(tag) =	ssettag s2;
	_ =	strace s9  }
0x27: {  	s1 =	sld [smem:$0x3FA7]  }
0x28: {  	s2 =	sld [smem:$0x3FA8]  }
0x29: {  	s4 =	sld [smem:$0x3FAA]  }
0x2a: {  	p0 =	seq.s32 s5, $0x0;
	s5 =	sld [smem:$0x3FAB]  }
0x2b: {  	s6 =	sld [smem:$0x3FAC]  }
0x2c: {  	s7 =	sld [smem:$0x3FAD]  }
0x2d: {  	s3 =	simm.s32 $0x108;
	s8 =	sld [smem:$0x3FAE]  }
0x2e: {  	s3 =	simm.s32 @!p0 $0x1082;
	s9 =	sld [smem:$0x3FAF]  }
0x2f: {  	lr =	sadd.s32 s0, s3;
	s0 =	sld [smem:$0x3FA6]  }
0x30: {  	s3 =	sld [smem:$0x3FA9]  }
0x31: {  	[smem:$0x3FB2] =	sst s10  }
0x32: {  	s10 =	sld [smem:$0x3FB0];
	_ =	sdelay $0x3  }
0x33: {  	p0 =	seq.s32 s10, $0x1;
	s10 =	sld [smem:$0x3FB2];
	_ =	sdelay $0x3  }
0x34: {  	[smem:$0x3FB2] =	sst s10  }
0x35: {  	s10 =	sld [smem:$0x3FB1];
	_ =	sdelay $0x3  }
0x36: {  	p1 =	seq.s32 s10, $0x1;
	s10 =	sld [smem:$0x3FB2];
	_ =	sdelay $0x3  }
0x37: {  	[smem:$0x3FB2] =	sst s10  }
0x38: {  	s10 =	sld [smem:$0x3FB3]  }
0x39: {  	_ = 	snop;
	(pc) =	sbr.ind lr, $3  }
0x3a: {  	_ = 	snop  }
0x3b: {  	_ = 	snop  }
0x3c: {  	p2 =	seq.s32 s10, $0x1;
	s10 =	sld [smem:$0x3FB2]  }
0x3d: {  	_ =	shalt  }
0x3e: {  	_ =	shalt  }
0x3f: {  	_ =	shalt  }
0x40: {  	_ =	shalt  }
0x41: {  	_ =	shalt  }
0x42: {  	_ =	shalt  }
0x43: {  	_ =	shalt  }
0x44: {  	_ =	shalt  }
0x45: {  	_ =	shalt  }
0x46: {  	_ =	shalt  }
0x47: {  	_ =	shalt  }
0x48: {  	_ =	shalt  }
0x49: {  	_ =	shalt  }
0x4a: {  	_ =	shalt  }
0x4b: {  	_ =	shalt  }
0x4c: {  	_ =	shalt  }
0x4d: {  	_ =	shalt  }
0x4e: {  	_ =	shalt  }
0x4f: {  	_ =	shalt  }
0x50: {  	_ =	shalt  }
0x51: {  	_ =	shalt  }
0x52: {  	_ =	shalt  }
0x53: {  	_ =	shalt  }
0x54: {  	_ =	shalt  }
0x55: {  	_ =	shalt  }
0x56: {  	_ =	shalt  }
0x57: {  	_ =	shalt  }
0x58: {  	_ =	shalt  }
0x59: {  	_ =	shalt  }
0x5a: {  	_ =	shalt  }
0x5b: {  	_ =	shalt  }
0x5c: {  	_ =	shalt  }
0x5d: {  	_ =	shalt  }
0x5e: {  	_ =	shalt  }
0x5f: {  	_ =	shalt  }
0x60: {  	_ =	shalt  }
0x61: {  	_ =	shalt  }
0x62: {  	_ =	shalt  }
0x63: {  	_ =	shalt  }
0x64: {  	_ =	shalt  }
0x65: {  	_ =	shalt  }
0x66: {  	_ =	shalt  }
0x67: {  	_ =	shalt  }
0x68: {  	_ =	shalt  }
0x69: {  	_ =	shalt  }
0x6a: {  	_ =	shalt  }
0x6b: {  	_ =	shalt  }
0x6c: {  	_ =	shalt  }
0x6d: {  	_ =	shalt  }
0x6e: {  	_ =	shalt  }
0x6f: {  	_ =	shalt  }
0x70: {  	_ =	shalt  }
0x71: {  	_ =	shalt  }
0x72: {  	_ =	shalt  }
0x73: {  	_ =	shalt  }
0x74: {  	_ =	shalt  }
0x75: {  	_ =	shalt  }
0x76: {  	_ =	shalt  }
0x77: {  	_ =	shalt  }
0x78: {  	_ =	shalt  }
0x79: {  	_ =	shalt  }
0x7a: {  	_ =	shalt  }
0x7b: {  	_ =	shalt  }
0x7c: {  	_ =	shalt  }
0x7d: {  	_ =	shalt  }
0x7e: {  	_ =	shalt  }
0x7f: {  	_ =	shalt  }
0x80: {  	_ =	shalt  }
0x81: {  	_ =	shalt  }
0x82: {  	_ =	shalt  }
0x83: {  	_ =	shalt  }
0x84: {  	_ =	shalt  }
0x85: {  	_ =	shalt  }
0x86: {  	_ =	shalt  }
0x87: {  	_ =	shalt  }
.Lfunc_end0:
.L_simem_size_0:
called_computation.1_lowered:
.L_overlay_start_0:
0x88: {  	s2 =	sld [smem:$0x3FD9]  }
0x89: {  	s3 =	sld [smem:$0x3FFE];
	_ =	sdelay $0x1  }
0x8a: {  	s1 =	srdreg.scid  }
0x8b: {  	s0 =	sand.u32 $0x1, s1  }
0x8c: {  	s17 =	sshll.u32 s0, $0xA;
	s2 =	sadd.s32 s3, s2  }
0x8d: {  	s2 =	sadd.s32 s2, s17  }
0x8e: {  	[smem:$0x3FBE] =	sst s2  }
0x8f: {  	_ = 	snop  }
0x90: {  	s2 =	sld [smem:$0x3FD0];
	(tm) =	ssettm $0x1  }
0x91: {  	s18 =	sld [smem:$0x3FFB];
	_ =	sdelay $0x3  }
0x92: {  	_ =	strace s18  }
0x93: {  	s3 =	sld [smem:$0x3FFC];
	_ =	sdelay $0x3  }
0x94: {  	_ =	strace s3  }
0x95: {  	s3 =	sld [smem:$0x3FFD];
	_ =	sdelay $0x3  }
0x96: {  	_ =	strace s3  }
0x97: {  	_ =	strace $0x8FFFFFFF  }
0x98: {  	s19 =	sld [smem:$0x3FDB];
	_ =	sdelay $0x1  }
0x99: {  	s4 =	simm.s32 $_scs_section_size  }
0x9a: {  	s5 =	simm.s32 $_size__tile_overlayer_lowered;
	s6 =	simm.s32 $_tile_overlayer_lowered  }
0x9b: {  	s22 =	simm.s32 $0x1BFF;
	s21 =	sshll.u32 s6, $0x1;
	s3 =	sadd.s32 s4, s19  }
0x9c: {  	s7 =	simm.s32 $0x0;
	s20 =	sshll.u32 s5, $0x1;
	s5 =	sadd.s32 s21, s3  }
0x9d: {  	[timem:s7], [sflag:s22] =	dma.local [hbm:s5], s20  }
0x9e: {  	_ =	swait.ge [sflag:s22], s20  }
0x9f: {  	s4 =	ssub.s32 $0x0, s20;
	[sflag:s22] =	ssyncset.done $0x0  }
0xa0: {  	[sflag:s22] =	ssyncadd.s32 s4;
	_ =	sdelay $0x1  }
0xa1: {  	s23 =	simm.s32 $0x1B8B  }
0xa2: {  	_ =	swait.ge [sflag:s23], $0x1  }
0xa3: {  	[sflag:s23] =	ssyncset.done $0x0  }
0xa4: {  	s25 =	simm.s32 $0x1B8E;
	s24 =	sld [smem:$0x3FFE];
	[sflag:s23] =	ssyncadd.s32 $0xFFFFFFFF  }
0xa5: {  	s26 =	simm.s32 $execute0_lowered;
	[smem:$0x3FD2] =	sst s25  }
0xa6: {  	s5 =	sshll.u32 s26, $0x1;
	_ =	strace $0x80000049;
	[dreg:$0x1] =	wrdreg $0xFFFFFFFF  }
0xa7: {  	s28 =	simm.s32 $_size_execute0_lowered;
	s3 =	sadd.s32 s3, s5;
	[dreg:$0x0] =	wrdreg $0x0  }
0xa8: {  	s5 =	sshll.u32 s28, $0x1;
	[dreg:$0x2] =	wrdreg s3  }
0xa9: {  	[dreg:$0x3] =	wrdreg s5  }
0xaa: {  	[dreg:$0x4] =	wrdreg $0xC0  }
0xab: {  	_ =	task [dreg:s7], $0x5FFFF  }
0xac: {  	[dreg:$0x1] =	wrdreg $0xFFFFFFFF  }
0xad: {  	[dreg:$0x0] =	wrdreg $0x60  }
0xae: {  	[dreg:$0x2] =	wrdreg s24  }
0xaf: {  	[dreg:$0x3] =	wrdreg s2  }
0xb0: {  	[dreg:$0x4] =	wrdreg $0xD0000  }
0xb1: {  	[dreg:$0x5] =	wrdreg $0x9  }
0xb2: {  	_ =	task.clear_ibuf [dreg:s7], $0x6FFFF;
	_ =	strace $0x90000049  }
0xb3: {  	s29 =	simm.s32 $0x9;
	_ =	strace $0x8000004B  }
0xb4: {  	_ =	swait.ge [sflag:s29], $0x1  }
0xb5: {  	[sflag:s29] =	ssyncadd.s32 $0xFFFFFFFF  }
0xb6: {  	_ =	strace $0x9000004B  }
0xb7: {  	_ =	sfence  }
0xb8: {  	s30 =	sld [smem:$0x0];
	_ =	sdelay $0x2  }
0xb9: {  	s31 =	sshll.u32 s1, $0xD;
	s1 =	sshrl.u32 s1, $0x2  }
0xba: {  	s3 =	sand.u32 $0x4000, s31;
	s1 =	sadd.s32 s1, s30  }
0xbb: {  	s0 =	sor.u32 s3, s0;
	s1 =	sshll.u32 s1, $0x11  }
0xbc: {  	s0 =	sor.u32 s1, s0  }
0xbd: {  	s0 =	sadd.s32 $0x8F2B, s0  }
0xbe: {  	[sflag:s0] =	ssyncadd.remote.s32 $0x1  }
0xbf: {  	_ =	sfence.sel $0xFFFF  }
0xc0: {  	[dreg:$0x0] =	wrdreg $0xFFFFFFFF;
	(pc) =	sbr.abs _section_cstart, $3  }
0xc1: {  	[dreg:$0x1] =	wrdreg $0xFFFFFFFF  }
0xc2: {  	_ =	task.clear_ibuf [dreg:s7], $0x2FFFF;
	_ =	strace $0x9FFFFFFF  }
0xc3: {  	(tm) =	ssettm $0x7FFFFFFF  }
tec
execute0_lowered:
.L_overlay_start_1:
0x0: {  	(tag) =	ssettag $0x1  }
0x1: {  	s0 =	srdreg.scid  }
0x2: {  	s6 =	stileid.u32;
	s7 =	rddreg [dreg:$0x0]  }
0x3: {  	s3 =	sand.u32 $0x1, s0;
	s1 =	sadd.s32 $0x20A00, s7;
	s9 =	sadd.s32 $0x34A00, s7  }
0x4: {  	s5 =	smul.u32 $0x280, s6;
	s10 =	sadd.s32 $0x70A00, s7;
	s11 =	sadd.s32 $0x48A00, s7  }
0x5: {  	s0 =	sshll.u32 s3, $0x4;
	s2 =	ssub.s32 $0x2, s3;
	p0 =	seq.s32 s3, $0x0  }
0x6: {  	s13 =	smul.u32 $0xA0000, s3;
	s0 =	sor.u32 s6, s0;
	s4 =	sshrl.u32 s2, $0x1  }
0x7: {  	s23 =	sadd.s32 $0x80, s5;
	s26 =	sadd.s32 $0x100, s5;
	s8 =	smul.u32 $0x500, s0  }
0x8: {  	s17 =	sadd.s32 $0x180, s5;
	s18 =	sadd.s32 $0x200, s5;
	s0 =	smul.u32 $0xA000, s6  }
0x9: {  	s4 =	ssub.s32 s2, s4;
	s14 =	sshll.u32 s23, $0x3;
	s2 =	sshll.u32 s23, $0x6  }
0xa: {  	s15 =	sshll.u32 s26, $0x3;
	s3 =	sshll.u32 s26, $0x6;
	s5 =	sshll.u32 s17, $0x6  }
0xb: {  	s6 =	sshll.u32 s18, $0x6;
	s17 =	sshll.u32 s17, $0x3;
	s18 =	sshll.u32 s18, $0x3  }
0xc: {  	s25 =	sadd.s32 s9, s14;
	s20 =	sadd.s32 s1, s14;
	s23 =	sadd.s32 s13, s5  }
0xd: {  	s12 =	sshrl.u32 s0, $0x3;
	s16 =	sadd.s32 s0, s13;
	s22 =	smov.u32 s25  }
0xe: {  	s24 =	sadd.s32 s9, s12;
	s19 =	sadd.s32 s1, s12;
	s16 =	sshrl.u32 s16, $0x3  }
0xf: {  	s22 =	smov.u32 @p0 s20;
	s20 =	sshrl.u32 s23, $0x3;
	s21 =	smov.u32 s24  }
0x10: {  	[dreg:$0x7] =	wrdreg s22;
	s22 =	sadd.s32 s13, s3;
	s21 =	smov.u32 @p0 s19  }
0x11: {  	s19 =	sshrl.u32 s22, $0x3;
	s22 =	sadd.s32 s10, s20;
	[dreg:$0x6] =	wrdreg s21  }
0x12: {  	s28 =	sadd.s32 s13, s2;
	s21 =	sadd.s32 s10, s16;
	[dreg:$0xc] =	wrdreg s22  }
0x13: {  	s13 =	sadd.s32 s13, s6;
	s16 =	sadd.s32 s11, s16;
	[dreg:$0x8] =	wrdreg s21  }
0x14: {  	[dreg:$0x9] =	wrdreg s16;
	s16 =	sshrl.u32 s28, $0x3;
	s28 =	sadd.s32 s10, s19  }
0x15: {  	s21 =	sshrl.u32 s13, $0x3;
	s26 =	sadd.s32 s10, s16;
	[dreg:$0xb] =	wrdreg s28  }
0x16: {  	s13 =	sadd.s32 s9, s15;
	s10 =	sadd.s32 s10, s21;
	[dreg:$0xa] =	wrdreg s26  }
0x17: {  	s23 =	sadd.s32 s11, s16;
	s28 =	sadd.s32 s11, s20;
	[dreg:$0xd] =	wrdreg s10  }
0x18: {  	s16 =	smov.u32 s13;
	s20 =	sadd.s32 s9, s18;
	[dreg:$0xe] =	wrdreg s23  }
0x19: {  	s26 =	sadd.s32 s11, s19;
	[dreg:$0x10] =	wrdreg s28;
	s10 =	sadd.s32 s1, s15  }
0x1a: {  	s11 =	sadd.s32 s11, s21;
	s19 =	sadd.s32 s9, s17;
	[dreg:$0xf] =	wrdreg s26  }
0x1b: {  	s21 =	sadd.s32 $0xCA00, s7;
	s9 =	sadd.s32 s1, s18;
	[dreg:$0x11] =	wrdreg s11  }
0x1c: {  	s23 =	smov.u32 s20;
	s16 =	smov.u32 @p0 s10;
	s11 =	rddreg [dreg:$0x1]  }
0x1d: {  	s22 =	smov.u32 s19;
	s23 =	smov.u32 @p0 s9;
	s26 =	rddreg [dreg:$0x2]  }
0x1e: {  	s9 =	simm.s32 $0x80;
	s10 =	sadd.s32 s11, s8;
	s8 =	sadd.s32 s8, s7  }
0x1f: {  	s7 =	sadd.s32 s1, s17;
	s29 =	sadd.s32 s0, s26;
	s30 =	sadd.s32 s2, s26  }
0x20: {  	s31 =	sadd.s32 s3, s26;
	s0 =	sadd.s32 s6, s26;
	s6 =	smax.u32 s4, $0x1  }
0x21: {  	s11 =	simm.s32 $0x9000;
	s4 =	simm.s32 $0x0;
	[dreg:$0x12] =	wrdreg s10  }
0x22: {  	s22 =	smov.u32 @p0 s7;
	s7 =	sadd.s32 s21, s12;
	s28 =	sadd.s32 $0x2A00, s8  }
0x23: {  	s8 =	simm.s32 $0x5000;
	s10 =	simm.s32 $0x7000;
	s12 =	simm.s32 $0xB000  }
0x24: {  	s24 =	smov.u32 @p0 s7;
	s7 =	sadd.s32 s21, s14;
	s14 =	simm.s32 $0x1  }
0x25: {  	[dreg:$0x4] =	wrdreg s24;
	s24 =	simm.s32 $0x0;
	s25 =	smov.u32 @p0 s7  }
0x26: {  	s7 =	sadd.s32 s21, s15;
	s15 =	simm.s32 $0x2;
	[dreg:$0x5] =	wrdreg s25  }
0x27: {  	[smem:$0x7FF] =	sst s24;
	s13 =	smov.u32 @p0 s7;
	s7 =	sadd.s32 s21, s17  }
0x28: {  	s25 =	sadd.s32 s5, s26;
	s17 =	simm.s32 $0x3;
	s19 =	smov.u32 @p0 s7  }
0x29: {  	s7 =	sadd.s32 s21, s18;
	_ =	strace $0x8000004A;
	[dreg:$0x13] =	wrdreg s28  }
0x2a: {  	s18 =	simm.s32 $0x4;
	s20 =	smov.u32 @p0 s7;
	s7 =	simm.s32 $0x5  }
.LBB2_1:
0x2b: {  	s2 =	rddreg [dreg:$0x13]  }
0x2c: {  	[tilespmem:s24], [sflag:$0x5] =	stream.linear.gather [hbm4b:s2+s24], $0x2800, $0x38;
	[tilespmem:$0x17000] =	vst v63  }
0x2d: {  	_ =	swait.ge [sflag:s7], $0x2800  }
0x2e: {  	[sflag:s7] =	ssyncset.done $0x0  }
0x2f: {  	s3 =	simm.s32 $0x2800;
	s5 =	rddreg [dreg:$0x12];
	[sflag:s7] =	ssyncadd.s32 $0xFFFFD800  }
0x30: {  	[tilespmem:s3], [sflag:$0x5] =	stream.linear.gather [hbm4b:s5+s24], $0x2800, $0x38;
	[tilespmem:$0x17000] =	vst v63  }
0x31: {  	_ =	swait.ge [sflag:s7], $0x2800  }
0x32: {  	[sflag:s7] =	ssyncset.done $0x0  }
0x33: {  	s28 =	rddreg [dreg:$0x6];
	[sflag:s7] =	ssyncadd.s32 $0xFFFFD800  }
0x34: {  	[tilespmem:s8], [sflag:$0x5] =	stream.linear.gather [hbm4b:s28+s24], $0x2000, $0x38;
	[tilespmem:$0x17000] =	vst v63  }
0x35: {  	_ =	swait.ge [sflag:s7], $0x2000  }
0x36: {  	[sflag:s7] =	ssyncset.done $0x0  }
0x37: {  	[sflag:s7] =	ssyncadd.s32 $0xFFFFE000  }
0x38: {  	[spmem:s29] =	stream.linear.scatter [tilespmem:s8], [sflag:$0x5], $0x2000, $0x38;
	[tilespmem:$0x17000] =	vst v63  }
0x39: {  	_ =	swait.ge [sflag:s7], $0x2000  }
0x3a: {  	[sflag:s7] =	ssyncset.done $0x0  }
0x3b: {  	s3 =	rddreg [dreg:$0x7];
	[sflag:s7] =	ssyncadd.s32 $0xFFFFE000  }
0x3c: {  	[tilespmem:s8], [sflag:$0x5] =	stream.linear.gather [hbm4b:s3+s24], $0x2000, $0x38;
	[tilespmem:$0x17000] =	vst v63  }
0x3d: {  	_ =	swait.ge [sflag:s7], $0x2000  }
0x3e: {  	[sflag:s7] =	ssyncset.done $0x0  }
0x3f: {  	[sflag:s7] =	ssyncadd.s32 $0xFFFFE000  }
0x40: {  	[spmem:s30] =	stream.linear.scatter [tilespmem:s8], [sflag:$0x5], $0x2000, $0x38;
	[tilespmem:$0x17000] =	vst v63  }
0x41: {  	_ =	swait.ge [sflag:s7], $0x2000  }
0x42: {  	[sflag:s7] =	ssyncset.done $0x0  }
0x43: {  	[sflag:s7] =	ssyncadd.s32 $0xFFFFE000  }
0x44: {  	[tilespmem:s8], [sflag:$0x5] =	stream.linear.gather [hbm4b:s16+s24], $0x2000, $0x38;
	[tilespmem:$0x17000] =	vst v63  }
0x45: {  	_ =	swait.ge [sflag:s7], $0x2000  }
0x46: {  	[sflag:s7] =	ssyncset.done $0x0  }
0x47: {  	[sflag:s7] =	ssyncadd.s32 $0xFFFFE000  }
0x48: {  	[spmem:s31] =	stream.linear.scatter [tilespmem:s8], [sflag:$0x5], $0x2000, $0x38;
	[tilespmem:$0x17000] =	vst v63  }
0x49: {  	_ =	swait.ge [sflag:s7], $0x2000  }
0x4a: {  	[sflag:s7] =	ssyncset.done $0x0  }
0x4b: {  	[sflag:s7] =	ssyncadd.s32 $0xFFFFE000  }
0x4c: {  	[tilespmem:s8], [sflag:$0x5] =	stream.linear.gather [hbm4b:s22+s24], $0x2000, $0x38;
	[tilespmem:$0x17000] =	vst v63  }
0x4d: {  	_ =	swait.ge [sflag:s7], $0x2000  }
0x4e: {  	[sflag:s7] =	ssyncset.done $0x0  }
0x4f: {  	[sflag:s7] =	ssyncadd.s32 $0xFFFFE000  }
0x50: {  	[spmem:s25] =	stream.linear.scatter [tilespmem:s8], [sflag:$0x5], $0x2000, $0x38;
	[tilespmem:$0x17000] =	vst v63  }
0x51: {  	_ =	swait.ge [sflag:s7], $0x2000  }
0x52: {  	[sflag:s7] =	ssyncset.done $0x0  }
0x53: {  	[sflag:s7] =	ssyncadd.s32 $0xFFFFE000  }
0x54: {  	[tilespmem:s8], [sflag:$0x5] =	stream.linear.gather [hbm4b:s23+s24], $0x2000, $0x38;
	[tilespmem:$0x17000] =	vst v63  }
0x55: {  	_ =	swait.ge [sflag:s7], $0x2000  }
0x56: {  	[sflag:s7] =	ssyncset.done $0x0  }
0x57: {  	[sflag:s7] =	ssyncadd.s32 $0xFFFFE000  }
0x58: {  	[spmem:s0] =	stream.linear.scatter [tilespmem:s8], [sflag:$0x5], $0x2000, $0x38;
	[tilespmem:$0x17000] =	vst v63  }
0x59: {  	_ =	swait.ge [sflag:s7], $0x2000  }
0x5a: {  	[sflag:s7] =	ssyncset.done $0x0  }
0x5b: {  	[sflag:s7] =	ssyncadd.s32 $0xFFFFE000  }
0x5c: {  	s5 =	simm.s32 $0x0;
	[bflag:$0x0] =	sbarrier.arrive $0xFFFF  }
0x5d: {  	[tilespmem:s8], [sflag:$0x1] =	stream.indirect.gather [hbm4b:s1+s9], $0x40, s5, s9, $0xb8;
	[tilespmem:$0x17000] =	vst v63  }
0x5e: {  	s28 =	simm.s32 $0x80  }
0x5f: {  	[tilespmem:s10], [sflag:$0x2] =	stream.indirect.gather [hbm4b:s1+s9], $0x40, s28, s9, $0xb8;
	[tilespmem:$0x17000] =	vst v63  }
0x60: {  	s3 =	simm.s32 $0x100  }
0x61: {  	[tilespmem:s11], [sflag:$0x3] =	stream.indirect.gather [hbm4b:s1+s9], $0x40, s3, s9, $0xb8;
	[tilespmem:$0x17000] =	vst v63  }
0x62: {  	s5 =	simm.s32 $0x180  }
0x63: {  	[tilespmem:s12], [sflag:$0x4] =	stream.indirect.gather [hbm4b:s1+s9], $0x40, s5, s9, $0xb8;
	[tilespmem:$0x17000] =	vst v63  }
0x64: {  	_ =	swait.ge [sflag:s14], $0x2000  }
0x65: {  	[sflag:s14] =	ssyncset.done $0x0  }
0x66: {  	s28 =	simm.s32 $0x2800;
	[sflag:s14] =	ssyncadd.s32 $0xFFFFE000  }
0x67: {  	[spmem:s26] =	stream.indirect.scatter.add.f32 [tilespmem:s8], [sflag:$0x5], $0x40, s28, s9, $0xb8;
	[tilespmem:$0x17000] =	vst v63  }
0x68: {  	_ =	swait.ge [sflag:s7], $0x2000  }
0x69: {  	[sflag:s7] =	ssyncset.done $0x0  }
0x6a: {  	[sflag:s7] =	ssyncadd.s32 $0xFFFFE000  }
0x6b: {  	_ =	swait.ge [sflag:s15], $0x2000  }
0x6c: {  	[sflag:s15] =	ssyncset.done $0x0  }
0x6d: {  	s3 =	simm.s32 $0x2880;
	[sflag:s15] =	ssyncadd.s32 $0xFFFFE000  }
0x6e: {  	[spmem:s26] =	stream.indirect.scatter.add.f32 [tilespmem:s10], [sflag:$0x5], $0x40, s3, s9, $0xb8;
	[tilespmem:$0x17000] =	vst v63  }
0x6f: {  	_ =	swait.ge [sflag:s7], $0x2000  }
0x70: {  	[sflag:s7] =	ssyncset.done $0x0  }
0x71: {  	[sflag:s7] =	ssyncadd.s32 $0xFFFFE000  }
0x72: {  	_ =	swait.ge [sflag:s17], $0x2000  }
0x73: {  	[sflag:s17] =	ssyncset.done $0x0  }
0x74: {  	s5 =	simm.s32 $0x2900;
	[sflag:s17] =	ssyncadd.s32 $0xFFFFE000  }
0x75: {  	[spmem:s26] =	stream.indirect.scatter.add.f32 [tilespmem:s11], [sflag:$0x5], $0x40, s5, s9, $0xb8;
	[tilespmem:$0x17000] =	vst v63  }
0x76: {  	_ =	swait.ge [sflag:s7], $0x2000  }
0x77: {  	[sflag:s7] =	ssyncset.done $0x0  }
0x78: {  	[sflag:s7] =	ssyncadd.s32 $0xFFFFE000  }
0x79: {  	_ =	swait.ge [sflag:s18], $0x2000  }
0x7a: {  	[sflag:s18] =	ssyncset.done $0x0  }
0x7b: {  	s28 =	simm.s32 $0x2980;
	[sflag:s18] =	ssyncadd.s32 $0xFFFFE000  }
0x7c: {  	[spmem:s26] =	stream.indirect.scatter.add.f32 [tilespmem:s12], [sflag:$0x5], $0x40, s28, s9, $0xb8;
	[tilespmem:$0x17000] =	vst v63  }
0x7d: {  	_ =	swait.ge [sflag:s7], $0x2000  }
0x7e: {  	s2 =	simm.s32 $0x1000;
	s5 =	simm.s32 $0x800;
	[sflag:s7] =	ssyncset.done $0x0  }
.LBB2_2:
0x7f: {  	s3 =	sshra.s32 s5, $0x2  }
0x80: {  	[sflag:s7] =	ssyncadd.s32 $0xFFFFE000;
	s5 =	smov.u32 s2;
	s28 =	sadd.s32 $0x800, s2  }
0x81: {  	[tilespmem:s8], [sflag:$0x1] =	stream.indirect.gather [hbm4b:s1+s9], $0x40, s3, s9, $0xb8;
	[tilespmem:$0x17000] =	vst v63  }
0x82: {  	p0 =	sne.s32 s2, $0x9800;
	s2 =	sadd.s32 $0x80, s3  }
0x83: {  	[tilespmem:s10], [sflag:$0x2] =	stream.indirect.gather [hbm4b:s1+s9], $0x40, s2, s9, $0xb8;
	[tilespmem:$0x17000] =	vst v63  }
0x84: {  	s2 =	sadd.s32 $0x100, s3  }
0x85: {  	[tilespmem:s11], [sflag:$0x3] =	stream.indirect.gather [hbm4b:s1+s9], $0x40, s2, s9, $0xb8;
	[tilespmem:$0x17000] =	vst v63  }
0x86: {  	s2 =	sadd.s32 $0x180, s3  }
0x87: {  	[tilespmem:s12], [sflag:$0x4] =	stream.indirect.gather [hbm4b:s1+s9], $0x40, s2, s9, $0xb8;
	[tilespmem:$0x17000] =	vst v63  }
0x88: {  	_ =	swait.ge [sflag:s14], $0x2000  }
0x89: {  	[sflag:s14] =	ssyncset.done $0x0  }
0x8a: {  	s2 =	sadd.s32 $0x2800, s3;
	[sflag:s14] =	ssyncadd.s32 $0xFFFFE000  }
0x8b: {  	[spmem:s26] =	stream.indirect.scatter.add.f32 [tilespmem:s8], [sflag:$0x5], $0x40, s2, s9, $0xb8;
	[tilespmem:$0x17000] =	vst v63  }
0x8c: {  	_ =	swait.ge [sflag:s7], $0x2000  }
0x8d: {  	[sflag:s7] =	ssyncset.done $0x0  }
0x8e: {  	[sflag:s7] =	ssyncadd.s32 $0xFFFFE000  }
0x8f: {  	_ =	swait.ge [sflag:s15], $0x2000  }
0x90: {  	[sflag:s15] =	ssyncset.done $0x0  }
0x91: {  	s2 =	sadd.s32 $0x2880, s3;
	[sflag:s15] =	ssyncadd.s32 $0xFFFFE000  }
0x92: {  	[spmem:s26] =	stream.indirect.scatter.add.f32 [tilespmem:s10], [sflag:$0x5], $0x40, s2, s9, $0xb8;
	[tilespmem:$0x17000] =	vst v63  }
0x93: {  	_ =	swait.ge [sflag:s7], $0x2000  }
0x94: {  	[sflag:s7] =	ssyncset.done $0x0  }
0x95: {  	[sflag:s7] =	ssyncadd.s32 $0xFFFFE000  }
0x96: {  	_ =	swait.ge [sflag:s17], $0x2000  }
0x97: {  	[sflag:s17] =	ssyncset.done $0x0  }
0x98: {  	s2 =	sadd.s32 $0x2900, s3;
	[sflag:s17] =	ssyncadd.s32 $0xFFFFE000  }
0x99: {  	[spmem:s26] =	stream.indirect.scatter.add.f32 [tilespmem:s11], [sflag:$0x5], $0x40, s2, s9, $0xb8;
	[tilespmem:$0x17000] =	vst v63  }
0x9a: {  	_ =	swait.ge [sflag:s7], $0x2000  }
0x9b: {  	[sflag:s7] =	ssyncset.done $0x0  }
0x9c: {  	[sflag:s7] =	ssyncadd.s32 $0xFFFFE000  }
0x9d: {  	_ =	swait.ge [sflag:s18], $0x2000  }
.Ltmp0:
0x9e: {  	[sflag:s18] =	ssyncset.done $0x0;
	(pc) =	sbr.rel @p0 .LBB2_2-.Ltmp0, $4  }
0x9f: {  	s2 =	sadd.s32 $0x2980, s3;
	[sflag:s18] =	ssyncadd.s32 $0xFFFFE000  }
0xa0: {  	[spmem:s26] =	stream.indirect.scatter.add.f32 [tilespmem:s12], [sflag:$0x5], $0x40, s2, s9, $0xb8;
	[tilespmem:$0x17000] =	vst v63  }
0xa1: {  	_ =	swait.ge [sflag:s7], $0x2000  }
0xa2: {  	s2 =	smov.u32 s28;
	[sflag:s7] =	ssyncset.done $0x0  }
0xa3: {  	s2 =	sshra.s32 s5, $0x2;
	[sflag:s7] =	ssyncadd.s32 $0xFFFFE000  }
0xa4: {  	[tilespmem:s8], [sflag:$0x1] =	stream.indirect.gather [hbm4b:s1+s9], $0x40, s2, s9, $0xb8;
	[tilespmem:$0x17000] =	vst v63  }
0xa5: {  	s3 =	sadd.s32 $0x80, s2  }
0xa6: {  	[tilespmem:s10], [sflag:$0x2] =	stream.indirect.gather [hbm4b:s1+s9], $0x40, s3, s9, $0xb8;
	[tilespmem:$0x17000] =	vst v63  }
0xa7: {  	s5 =	sadd.s32 $0x100, s2  }
0xa8: {  	[tilespmem:s11], [sflag:$0x3] =	stream.indirect.gather [hbm4b:s1+s9], $0x40, s5, s9, $0xb8;
	[tilespmem:$0x17000] =	vst v63  }
0xa9: {  	s5 =	sadd.s32 $0x180, s2  }
0xaa: {  	[tilespmem:s12], [sflag:$0x4] =	stream.indirect.gather [hbm4b:s1+s9], $0x40, s5, s9, $0xb8;
	[tilespmem:$0x17000] =	vst v63  }
0xab: {  	_ =	swait.ge [sflag:s14], $0x2000  }
0xac: {  	[sflag:s14] =	ssyncset.done $0x0  }
0xad: {  	s5 =	sadd.s32 $0x2800, s2;
	[sflag:s14] =	ssyncadd.s32 $0xFFFFE000  }
0xae: {  	[spmem:s26] =	stream.indirect.scatter.add.f32 [tilespmem:s8], [sflag:$0x5], $0x40, s5, s9, $0xb8;
	[tilespmem:$0x17000] =	vst v63  }
0xaf: {  	_ =	swait.ge [sflag:s7], $0x2000  }
0xb0: {  	[sflag:s7] =	ssyncset.done $0x0  }
0xb1: {  	[sflag:s7] =	ssyncadd.s32 $0xFFFFE000  }
0xb2: {  	_ =	swait.ge [sflag:s15], $0x2000  }
0xb3: {  	[sflag:s15] =	ssyncset.done $0x0  }
0xb4: {  	s5 =	sadd.s32 $0x2880, s2;
	[sflag:s15] =	ssyncadd.s32 $0xFFFFE000  }
0xb5: {  	[spmem:s26] =	stream.indirect.scatter.add.f32 [tilespmem:s10], [sflag:$0x5], $0x40, s5, s9, $0xb8;
	[tilespmem:$0x17000] =	vst v63  }
0xb6: {  	_ =	swait.ge [sflag:s7], $0x2000  }
0xb7: {  	[sflag:s7] =	ssyncset.done $0x0  }
0xb8: {  	[sflag:s7] =	ssyncadd.s32 $0xFFFFE000  }
0xb9: {  	_ =	swait.ge [sflag:s17], $0x2000  }
0xba: {  	[sflag:s17] =	ssyncset.done $0x0  }
0xbb: {  	s5 =	sadd.s32 $0x2900, s2;
	[sflag:s17] =	ssyncadd.s32 $0xFFFFE000  }
0xbc: {  	[spmem:s26] =	stream.indirect.scatter.add.f32 [tilespmem:s11], [sflag:$0x5], $0x40, s5, s9, $0xb8;
	[tilespmem:$0x17000] =	vst v63  }
0xbd: {  	_ =	swait.ge [sflag:s7], $0x2000  }
0xbe: {  	[sflag:s7] =	ssyncset.done $0x0  }
0xbf: {  	[sflag:s7] =	ssyncadd.s32 $0xFFFFE000  }
0xc0: {  	_ =	swait.ge [sflag:s18], $0x2000  }
0xc1: {  	[sflag:s18] =	ssyncset.done $0x0  }
0xc2: {  	s2 =	sadd.s32 $0x2980, s2;
	[sflag:s18] =	ssyncadd.s32 $0xFFFFE000  }
0xc3: {  	[spmem:s26] =	stream.indirect.scatter.add.f32 [tilespmem:s12], [sflag:$0x5], $0x40, s2, s9, $0xb8;
	[tilespmem:$0x17000] =	vst v63  }
0xc4: {  	_ =	swait.ge [sflag:s7], $0x2000  }
0xc5: {  	[sflag:s7] =	ssyncset.done $0x0  }
0xc6: {  	[sflag:s7] =	ssyncadd.s32 $0xFFFFE000  }
0xc7: {  	[bflag:$0x0] =	sbarrier.arrive $0xFFFF  }
0xc8: {  	[tilespmem:s8], [sflag:$0x5] =	stream.linear.gather [spmem:s29], $0x2000, $0x38;
	[tilespmem:$0x17000] =	vst v63  }
0xc9: {  	_ =	swait.ge [sflag:s7], $0x2000  }
0xca: {  	[sflag:s7] =	ssyncset.done $0x0  }
0xcb: {  	s2 =	simm.s32 $0x0;
	s5 =	rddreg [dreg:$0x8];
	[sflag:s7] =	ssyncadd.s32 $0xFFFFE000  }
0xcc: {  	[hbm4b:s5+s2] =	stream.linear.scatter [tilespmem:s8], [sflag:$0x5], $0x2000, $0x38;
	[tilespmem:$0x17000] =	vst v63  }
0xcd: {  	_ =	swait.ge [sflag:s7], $0x2000  }
0xce: {  	[sflag:s7] =	ssyncset.done $0x0  }
0xcf: {  	[sflag:s7] =	ssyncadd.s32 $0xFFFFE000  }
0xd0: {  	[tilespmem:s8], [sflag:$0x5] =	stream.linear.gather [spmem:s30], $0x2000, $0x38;
	[tilespmem:$0x17000] =	vst v63  }
0xd1: {  	_ =	swait.ge [sflag:s7], $0x2000  }
0xd2: {  	[sflag:s7] =	ssyncset.done $0x0  }
0xd3: {  	s5 =	rddreg [dreg:$0xa];
	[sflag:s7] =	ssyncadd.s32 $0xFFFFE000  }
0xd4: {  	[hbm4b:s5+s2] =	stream.linear.scatter [tilespmem:s8], [sflag:$0x5], $0x2000, $0x38;
	[tilespmem:$0x17000] =	vst v63  }
0xd5: {  	_ =	swait.ge [sflag:s7], $0x2000  }
0xd6: {  	[sflag:s7] =	ssyncset.done $0x0  }
0xd7: {  	[sflag:s7] =	ssyncadd.s32 $0xFFFFE000  }
0xd8: {  	[tilespmem:s8], [sflag:$0x5] =	stream.linear.gather [spmem:s31], $0x2000, $0x38;
	[tilespmem:$0x17000] =	vst v63  }
0xd9: {  	_ =	swait.ge [sflag:s7], $0x2000  }
0xda: {  	[sflag:s7] =	ssyncset.done $0x0  }
0xdb: {  	s5 =	rddreg [dreg:$0xb];
	[sflag:s7] =	ssyncadd.s32 $0xFFFFE000  }
0xdc: {  	[hbm4b:s5+s2] =	stream.linear.scatter [tilespmem:s8], [sflag:$0x5], $0x2000, $0x38;
	[tilespmem:$0x17000] =	vst v63  }
0xdd: {  	_ =	swait.ge [sflag:s7], $0x2000  }
0xde: {  	[sflag:s7] =	ssyncset.done $0x0  }
0xdf: {  	[sflag:s7] =	ssyncadd.s32 $0xFFFFE000  }
0xe0: {  	[tilespmem:s8], [sflag:$0x5] =	stream.linear.gather [spmem:s25], $0x2000, $0x38;
	[tilespmem:$0x17000] =	vst v63  }
0xe1: {  	_ =	swait.ge [sflag:s7], $0x2000  }
0xe2: {  	[sflag:s7] =	ssyncset.done $0x0  }
0xe3: {  	s5 =	rddreg [dreg:$0xc];
	[sflag:s7] =	ssyncadd.s32 $0xFFFFE000  }
0xe4: {  	[hbm4b:s5+s2] =	stream.linear.scatter [tilespmem:s8], [sflag:$0x5], $0x2000, $0x38;
	[tilespmem:$0x17000] =	vst v63  }
0xe5: {  	_ =	swait.ge [sflag:s7], $0x2000  }
0xe6: {  	[sflag:s7] =	ssyncset.done $0x0  }
0xe7: {  	[sflag:s7] =	ssyncadd.s32 $0xFFFFE000  }
0xe8: {  	[tilespmem:s8], [sflag:$0x5] =	stream.linear.gather [spmem:s0], $0x2000, $0x38;
	[tilespmem:$0x17000] =	vst v63  }
0xe9: {  	_ =	swait.ge [sflag:s7], $0x2000  }
0xea: {  	[sflag:s7] =	ssyncset.done $0x0  }
0xeb: {  	s5 =	rddreg [dreg:$0xd];
	[sflag:s7] =	ssyncadd.s32 $0xFFFFE000  }
0xec: {  	[hbm4b:s5+s2] =	stream.linear.scatter [tilespmem:s8], [sflag:$0x5], $0x2000, $0x38;
	[tilespmem:$0x17000] =	vst v63  }
0xed: {  	_ =	swait.ge [sflag:s7], $0x2000  }
0xee: {  	[sflag:s7] =	ssyncset.done $0x0  }
0xef: {  	[sflag:s7] =	ssyncadd.s32 $0xFFFFE000  }
0xf0: {  	[bflag:$0x0] =	sbarrier.arrive $0xFFFF  }
0xf1: {  	s5 =	rddreg [dreg:$0x4]  }
0xf2: {  	[tilespmem:s8], [sflag:$0x5] =	stream.linear.gather [hbm4b:s5+s2], $0x2000, $0x38;
	[tilespmem:$0x17000] =	vst v63  }
0xf3: {  	_ =	swait.ge [sflag:s7], $0x2000  }
0xf4: {  	[sflag:s7] =	ssyncset.done $0x0  }
0xf5: {  	[sflag:s7] =	ssyncadd.s32 $0xFFFFE000  }
0xf6: {  	[spmem:s29] =	stream.linear.scatter [tilespmem:s8], [sflag:$0x5], $0x2000, $0x38;
	[tilespmem:$0x17000] =	vst v63  }
0xf7: {  	_ =	swait.ge [sflag:s7], $0x2000  }
0xf8: {  	[sflag:s7] =	ssyncset.done $0x0  }
0xf9: {  	s5 =	rddreg [dreg:$0x5];
	[sflag:s7] =	ssyncadd.s32 $0xFFFFE000  }
0xfa: {  	[tilespmem:s8], [sflag:$0x5] =	stream.linear.gather [hbm4b:s5+s2], $0x2000, $0x38;
	[tilespmem:$0x17000] =	vst v63  }
0xfb: {  	_ =	swait.ge [sflag:s7], $0x2000  }
0xfc: {  	[sflag:s7] =	ssyncset.done $0x0  }
0xfd: {  	[sflag:s7] =	ssyncadd.s32 $0xFFFFE000  }
0xfe: {  	[spmem:s30] =	stream.linear.scatter [tilespmem:s8], [sflag:$0x5], $0x2000, $0x38;
	[tilespmem:$0x17000] =	vst v63  }
0xff: {  	_ =	swait.ge [sflag:s7], $0x2000  }
0x100: {  	[sflag:s7] =	ssyncset.done $0x0  }
0x101: {  	[sflag:s7] =	ssyncadd.s32 $0xFFFFE000  }
0x102: {  	[tilespmem:s8], [sflag:$0x5] =	stream.linear.gather [hbm4b:s13+s2], $0x2000, $0x38;
	[tilespmem:$0x17000] =	vst v63  }
0x103: {  	_ =	swait.ge [sflag:s7], $0x2000  }
0x104: {  	[sflag:s7] =	ssyncset.done $0x0  }
0x105: {  	[sflag:s7] =	ssyncadd.s32 $0xFFFFE000  }
0x106: {  	[spmem:s31] =	stream.linear.scatter [tilespmem:s8], [sflag:$0x5], $0x2000, $0x38;
	[tilespmem:$0x17000] =	vst v63  }
0x107: {  	_ =	swait.ge [sflag:s7], $0x2000  }
0x108: {  	[sflag:s7] =	ssyncset.done $0x0  }
0x109: {  	[sflag:s7] =	ssyncadd.s32 $0xFFFFE000  }
0x10a: {  	[tilespmem:s8], [sflag:$0x5] =	stream.linear.gather [hbm4b:s19+s2], $0x2000, $0x38;
	[tilespmem:$0x17000] =	vst v63  }
0x10b: {  	_ =	swait.ge [sflag:s7], $0x2000  }
0x10c: {  	[sflag:s7] =	ssyncset.done $0x0  }
0x10d: {  	[sflag:s7] =	ssyncadd.s32 $0xFFFFE000  }
0x10e: {  	[spmem:s25] =	stream.linear.scatter [tilespmem:s8], [sflag:$0x5], $0x2000, $0x38;
	[tilespmem:$0x17000] =	vst v63  }
0x10f: {  	_ =	swait.ge [sflag:s7], $0x2000  }
0x110: {  	[sflag:s7] =	ssyncset.done $0x0  }
0x111: {  	[sflag:s7] =	ssyncadd.s32 $0xFFFFE000  }
0x112: {  	[tilespmem:s8], [sflag:$0x5] =	stream.linear.gather [hbm4b:s20+s2], $0x2000, $0x38;
	[tilespmem:$0x17000] =	vst v63  }
0x113: {  	_ =	swait.ge [sflag:s7], $0x2000  }
0x114: {  	[sflag:s7] =	ssyncset.done $0x0  }
0x115: {  	[sflag:s7] =	ssyncadd.s32 $0xFFFFE000  }
0x116: {  	[spmem:s0] =	stream.linear.scatter [tilespmem:s8], [sflag:$0x5], $0x2000, $0x38;
	[tilespmem:$0x17000] =	vst v63  }
0x117: {  	_ =	swait.ge [sflag:s7], $0x2000  }
0x118: {  	[sflag:s7] =	ssyncset.done $0x0  }
0x119: {  	[sflag:s7] =	ssyncadd.s32 $0xFFFFE000  }
0x11a: {  	s3 =	simm.s32 $0x0;
	[bflag:$0x0] =	sbarrier.arrive $0xFFFF  }
0x11b: {  	[tilespmem:s8], [sflag:$0x1] =	stream.indirect.gather [hbm4b:s21+s9], $0x40, s3, s9, $0xb8;
	[tilespmem:$0x17000] =	vst v63  }
0x11c: {  	s5 =	simm.s32 $0x80  }
0x11d: {  	[tilespmem:s10], [sflag:$0x2] =	stream.indirect.gather [hbm4b:s21+s9], $0x40, s5, s9, $0xb8;
	[tilespmem:$0x17000] =	vst v63  }
0x11e: {  	s3 =	simm.s32 $0x100  }
0x11f: {  	[tilespmem:s11], [sflag:$0x3] =	stream.indirect.gather [hbm4b:s21+s9], $0x40, s3, s9, $0xb8;
	[tilespmem:$0x17000] =	vst v63  }
0x120: {  	s5 =	simm.s32 $0x180  }
0x121: {  	[tilespmem:s12], [sflag:$0x4] =	stream.indirect.gather [hbm4b:s21+s9], $0x40, s5, s9, $0xb8;
	[tilespmem:$0x17000] =	vst v63  }
0x122: {  	_ =	swait.ge [sflag:s14], $0x2000  }
0x123: {  	[sflag:s14] =	ssyncset.done $0x0  }
0x124: {  	s3 =	simm.s32 $0x2800;
	[sflag:s14] =	ssyncadd.s32 $0xFFFFE000  }
0x125: {  	[spmem:s26] =	stream.indirect.scatter.add.f32 [tilespmem:s8], [sflag:$0x5], $0x40, s3, s9, $0xb8;
	[tilespmem:$0x17000] =	vst v63  }
0x126: {  	_ =	swait.ge [sflag:s7], $0x2000  }
0x127: {  	[sflag:s7] =	ssyncset.done $0x0  }
0x128: {  	[sflag:s7] =	ssyncadd.s32 $0xFFFFE000  }
0x129: {  	_ =	swait.ge [sflag:s15], $0x2000  }
0x12a: {  	[sflag:s15] =	ssyncset.done $0x0  }
0x12b: {  	s5 =	simm.s32 $0x2880;
	[sflag:s15] =	ssyncadd.s32 $0xFFFFE000  }
0x12c: {  	[spmem:s26] =	stream.indirect.scatter.add.f32 [tilespmem:s10], [sflag:$0x5], $0x40, s5, s9, $0xb8;
	[tilespmem:$0x17000] =	vst v63  }
0x12d: {  	_ =	swait.ge [sflag:s7], $0x2000  }
0x12e: {  	[sflag:s7] =	ssyncset.done $0x0  }
0x12f: {  	[sflag:s7] =	ssyncadd.s32 $0xFFFFE000  }
0x130: {  	_ =	swait.ge [sflag:s17], $0x2000  }
0x131: {  	[sflag:s17] =	ssyncset.done $0x0  }
0x132: {  	s3 =	simm.s32 $0x2900;
	[sflag:s17] =	ssyncadd.s32 $0xFFFFE000  }
0x133: {  	[spmem:s26] =	stream.indirect.scatter.add.f32 [tilespmem:s11], [sflag:$0x5], $0x40, s3, s9, $0xb8;
	[tilespmem:$0x17000] =	vst v63  }
0x134: {  	_ =	swait.ge [sflag:s7], $0x2000  }
0x135: {  	[sflag:s7] =	ssyncset.done $0x0  }
0x136: {  	[sflag:s7] =	ssyncadd.s32 $0xFFFFE000  }
0x137: {  	_ =	swait.ge [sflag:s18], $0x2000  }
0x138: {  	[sflag:s18] =	ssyncset.done $0x0  }
0x139: {  	s5 =	simm.s32 $0x2980;
	[sflag:s18] =	ssyncadd.s32 $0xFFFFE000  }
0x13a: {  	[spmem:s26] =	stream.indirect.scatter.add.f32 [tilespmem:s12], [sflag:$0x5], $0x40, s5, s9, $0xb8;
	[tilespmem:$0x17000] =	vst v63  }
0x13b: {  	_ =	swait.ge [sflag:s7], $0x2000  }
0x13c: {  	s28 =	simm.s32 $0x1000;
	s5 =	simm.s32 $0x800;
	[sflag:s7] =	ssyncset.done $0x0  }
.LBB2_4:
0x13d: {  	s3 =	sshra.s32 s5, $0x2  }
0x13e: {  	[sflag:s7] =	ssyncadd.s32 $0xFFFFE000;
	s5 =	smov.u32 s28;
	s2 =	sadd.s32 $0x800, s28  }
0x13f: {  	[tilespmem:s8], [sflag:$0x1] =	stream.indirect.gather [hbm4b:s21+s9], $0x40, s3, s9, $0xb8;
	[tilespmem:$0x17000] =	vst v63  }
0x140: {  	p0 =	sne.s32 s28, $0x9800;
	s28 =	sadd.s32 $0x80, s3  }
0x141: {  	[tilespmem:s10], [sflag:$0x2] =	stream.indirect.gather [hbm4b:s21+s9], $0x40, s28, s9, $0xb8;
	[tilespmem:$0x17000] =	vst v63  }
0x142: {  	s28 =	sadd.s32 $0x100, s3  }
0x143: {  	[tilespmem:s11], [sflag:$0x3] =	stream.indirect.gather [hbm4b:s21+s9], $0x40, s28, s9, $0xb8;
	[tilespmem:$0x17000] =	vst v63  }
0x144: {  	s28 =	sadd.s32 $0x180, s3  }
0x145: {  	[tilespmem:s12], [sflag:$0x4] =	stream.indirect.gather [hbm4b:s21+s9], $0x40, s28, s9, $0xb8;
	[tilespmem:$0x17000] =	vst v63  }
0x146: {  	_ =	swait.ge [sflag:s14], $0x2000  }
0x147: {  	[sflag:s14] =	ssyncset.done $0x0  }
0x148: {  	s28 =	sadd.s32 $0x2800, s3;
	[sflag:s14] =	ssyncadd.s32 $0xFFFFE000  }
0x149: {  	[spmem:s26] =	stream.indirect.scatter.add.f32 [tilespmem:s8], [sflag:$0x5], $0x40, s28, s9, $0xb8;
	[tilespmem:$0x17000] =	vst v63  }
0x14a: {  	_ =	swait.ge [sflag:s7], $0x2000  }
0x14b: {  	[sflag:s7] =	ssyncset.done $0x0  }
0x14c: {  	[sflag:s7] =	ssyncadd.s32 $0xFFFFE000  }
0x14d: {  	_ =	swait.ge [sflag:s15], $0x2000  }
0x14e: {  	[sflag:s15] =	ssyncset.done $0x0  }
0x14f: {  	s28 =	sadd.s32 $0x2880, s3;
	[sflag:s15] =	ssyncadd.s32 $0xFFFFE000  }
0x150: {  	[spmem:s26] =	stream.indirect.scatter.add.f32 [tilespmem:s10], [sflag:$0x5], $0x40, s28, s9, $0xb8;
	[tilespmem:$0x17000] =	vst v63  }
0x151: {  	_ =	swait.ge [sflag:s7], $0x2000  }
0x152: {  	[sflag:s7] =	ssyncset.done $0x0  }
0x153: {  	[sflag:s7] =	ssyncadd.s32 $0xFFFFE000  }
0x154: {  	_ =	swait.ge [sflag:s17], $0x2000  }
0x155: {  	[sflag:s17] =	ssyncset.done $0x0  }
0x156: {  	s28 =	sadd.s32 $0x2900, s3;
	[sflag:s17] =	ssyncadd.s32 $0xFFFFE000  }
0x157: {  	[spmem:s26] =	stream.indirect.scatter.add.f32 [tilespmem:s11], [sflag:$0x5], $0x40, s28, s9, $0xb8;
	[tilespmem:$0x17000] =	vst v63  }
0x158: {  	_ =	swait.ge [sflag:s7], $0x2000  }
0x159: {  	[sflag:s7] =	ssyncset.done $0x0  }
0x15a: {  	[sflag:s7] =	ssyncadd.s32 $0xFFFFE000  }
0x15b: {  	_ =	swait.ge [sflag:s18], $0x2000  }
.Ltmp1:
0x15c: {  	[sflag:s18] =	ssyncset.done $0x0;
	(pc) =	sbr.rel @p0 .LBB2_4-.Ltmp1, $4  }
0x15d: {  	s3 =	sadd.s32 $0x2980, s3;
	[sflag:s18] =	ssyncadd.s32 $0xFFFFE000  }
0x15e: {  	[spmem:s26] =	stream.indirect.scatter.add.f32 [tilespmem:s12], [sflag:$0x5], $0x40, s3, s9, $0xb8;
	[tilespmem:$0x17000] =	vst v63  }
0x15f: {  	_ =	swait.ge [sflag:s7], $0x2000  }
0x160: {  	s28 =	smov.u32 s2;
	[sflag:s7] =	ssyncset.done $0x0  }
0x161: {  	s2 =	sshra.s32 s5, $0x2;
	[sflag:s7] =	ssyncadd.s32 $0xFFFFE000  }
0x162: {  	[tilespmem:s8], [sflag:$0x1] =	stream.indirect.gather [hbm4b:s21+s9], $0x40, s2, s9, $0xb8;
	[tilespmem:$0x17000] =	vst v63  }
0x163: {  	s3 =	sadd.s32 $0x80, s2  }
0x164: {  	[tilespmem:s10], [sflag:$0x2] =	stream.indirect.gather [hbm4b:s21+s9], $0x40, s3, s9, $0xb8;
	[tilespmem:$0x17000] =	vst v63  }
0x165: {  	s28 =	sadd.s32 $0x100, s2  }
0x166: {  	[tilespmem:s11], [sflag:$0x3] =	stream.indirect.gather [hbm4b:s21+s9], $0x40, s28, s9, $0xb8;
	[tilespmem:$0x17000] =	vst v63  }
0x167: {  	s5 =	sadd.s32 $0x180, s2  }
0x168: {  	[tilespmem:s12], [sflag:$0x4] =	stream.indirect.gather [hbm4b:s21+s9], $0x40, s5, s9, $0xb8;
	[tilespmem:$0x17000] =	vst v63  }
0x169: {  	_ =	swait.ge [sflag:s14], $0x2000  }
0x16a: {  	[sflag:s14] =	ssyncset.done $0x0  }
0x16b: {  	s28 =	sadd.s32 $0x2800, s2;
	[sflag:s14] =	ssyncadd.s32 $0xFFFFE000  }
0x16c: {  	[spmem:s26] =	stream.indirect.scatter.add.f32 [tilespmem:s8], [sflag:$0x5], $0x40, s28, s9, $0xb8;
	[tilespmem:$0x17000] =	vst v63  }
0x16d: {  	_ =	swait.ge [sflag:s7], $0x2000  }
0x16e: {  	[sflag:s7] =	ssyncset.done $0x0  }
0x16f: {  	[sflag:s7] =	ssyncadd.s32 $0xFFFFE000  }
0x170: {  	_ =	swait.ge [sflag:s15], $0x2000  }
0x171: {  	[sflag:s15] =	ssyncset.done $0x0  }
0x172: {  	s5 =	sadd.s32 $0x2880, s2;
	[sflag:s15] =	ssyncadd.s32 $0xFFFFE000  }
0x173: {  	[spmem:s26] =	stream.indirect.scatter.add.f32 [tilespmem:s10], [sflag:$0x5], $0x40, s5, s9, $0xb8;
	[tilespmem:$0x17000] =	vst v63  }
0x174: {  	_ =	swait.ge [sflag:s7], $0x2000  }
0x175: {  	[sflag:s7] =	ssyncset.done $0x0  }
0x176: {  	[sflag:s7] =	ssyncadd.s32 $0xFFFFE000  }
0x177: {  	_ =	swait.ge [sflag:s17], $0x2000  }
0x178: {  	[sflag:s17] =	ssyncset.done $0x0  }
0x179: {  	s28 =	sadd.s32 $0x2900, s2;
	[sflag:s17] =	ssyncadd.s32 $0xFFFFE000  }
0x17a: {  	[spmem:s26] =	stream.indirect.scatter.add.f32 [tilespmem:s11], [sflag:$0x5], $0x40, s28, s9, $0xb8;
	[tilespmem:$0x17000] =	vst v63  }
0x17b: {  	_ =	swait.ge [sflag:s7], $0x2000  }
0x17c: {  	[sflag:s7] =	ssyncset.done $0x0  }
0x17d: {  	[sflag:s7] =	ssyncadd.s32 $0xFFFFE000  }
0x17e: {  	_ =	swait.ge [sflag:s18], $0x2000  }
0x17f: {  	[sflag:s18] =	ssyncset.done $0x0  }
0x180: {  	s2 =	sadd.s32 $0x2980, s2;
	[sflag:s18] =	ssyncadd.s32 $0xFFFFE000  }
0x181: {  	[spmem:s26] =	stream.indirect.scatter.add.f32 [tilespmem:s12], [sflag:$0x5], $0x40, s2, s9, $0xb8;
	[tilespmem:$0x17000] =	vst v63  }
0x182: {  	_ =	swait.ge [sflag:s7], $0x2000  }
0x183: {  	[sflag:s7] =	ssyncset.done $0x0  }
0x184: {  	[sflag:s7] =	ssyncadd.s32 $0xFFFFE000  }
0x185: {  	[bflag:$0x0] =	sbarrier.arrive $0xFFFF  }
0x186: {  	[tilespmem:s8], [sflag:$0x5] =	stream.linear.gather [spmem:s29], $0x2000, $0x38;
	[tilespmem:$0x17000] =	vst v63  }
0x187: {  	_ =	swait.ge [sflag:s7], $0x2000  }
0x188: {  	[sflag:s7] =	ssyncset.done $0x0  }
0x189: {  	s5 =	rddreg [dreg:$0x9];
	[sflag:s7] =	ssyncadd.s32 $0xFFFFE000  }
0x18a: {  	[hbm4b:s5+s24] =	stream.linear.scatter [tilespmem:s8], [sflag:$0x5], $0x2000, $0x38;
	[tilespmem:$0x17000] =	vst v63  }
0x18b: {  	_ =	swait.ge [sflag:s7], $0x2000  }
0x18c: {  	[sflag:s7] =	ssyncset.done $0x0  }
0x18d: {  	[sflag:s7] =	ssyncadd.s32 $0xFFFFE000  }
0x18e: {  	[tilespmem:s8], [sflag:$0x5] =	stream.linear.gather [spmem:s30], $0x2000, $0x38;
	[tilespmem:$0x17000] =	vst v63  }
0x18f: {  	_ =	swait.ge [sflag:s7], $0x2000  }
0x190: {  	[sflag:s7] =	ssyncset.done $0x0  }
0x191: {  	s28 =	rddreg [dreg:$0xe];
	[sflag:s7] =	ssyncadd.s32 $0xFFFFE000  }
0x192: {  	[hbm4b:s28+s24] =	stream.linear.scatter [tilespmem:s8], [sflag:$0x5], $0x2000, $0x38;
	[tilespmem:$0x17000] =	vst v63  }
0x193: {  	_ =	swait.ge [sflag:s7], $0x2000  }
0x194: {  	[sflag:s7] =	ssyncset.done $0x0  }
0x195: {  	[sflag:s7] =	ssyncadd.s32 $0xFFFFE000  }
0x196: {  	[tilespmem:s8], [sflag:$0x5] =	stream.linear.gather [spmem:s31], $0x2000, $0x38;
	[tilespmem:$0x17000] =	vst v63  }
0x197: {  	_ =	swait.ge [sflag:s7], $0x2000  }
0x198: {  	[sflag:s7] =	ssyncset.done $0x0  }
0x199: {  	s3 =	rddreg [dreg:$0xf];
	[sflag:s7] =	ssyncadd.s32 $0xFFFFE000  }
0x19a: {  	[hbm4b:s3+s24] =	stream.linear.scatter [tilespmem:s8], [sflag:$0x5], $0x2000, $0x38;
	[tilespmem:$0x17000] =	vst v63  }
0x19b: {  	_ =	swait.ge [sflag:s7], $0x2000  }
0x19c: {  	[sflag:s7] =	ssyncset.done $0x0  }
0x19d: {  	[sflag:s7] =	ssyncadd.s32 $0xFFFFE000  }
0x19e: {  	[tilespmem:s8], [sflag:$0x5] =	stream.linear.gather [spmem:s25], $0x2000, $0x38;
	[tilespmem:$0x17000] =	vst v63  }
0x19f: {  	_ =	swait.ge [sflag:s7], $0x2000  }
0x1a0: {  	[sflag:s7] =	ssyncset.done $0x0  }
0x1a1: {  	s5 =	rddreg [dreg:$0x10];
	[sflag:s7] =	ssyncadd.s32 $0xFFFFE000  }
0x1a2: {  	[hbm4b:s5+s24] =	stream.linear.scatter [tilespmem:s8], [sflag:$0x5], $0x2000, $0x38;
	[tilespmem:$0x17000] =	vst v63  }
0x1a3: {  	_ =	swait.ge [sflag:s7], $0x2000  }
0x1a4: {  	[sflag:s7] =	ssyncset.done $0x0  }
0x1a5: {  	[sflag:s7] =	ssyncadd.s32 $0xFFFFE000  }
0x1a6: {  	[tilespmem:s8], [sflag:$0x5] =	stream.linear.gather [spmem:s0], $0x2000, $0x38;
	[tilespmem:$0x17000] =	vst v63  }
0x1a7: {  	_ =	swait.ge [sflag:s7], $0x2000  }
0x1a8: {  	s4 =	sadd.s32 $0x1, s4;
	[sflag:s7] =	ssyncset.done $0x0  }
0x1a9: {  	p0 =	sne.s32 s4, s6;
	s28 =	rddreg [dreg:$0x11];
	[sflag:s7] =	ssyncadd.s32 $0xFFFFE000  }
0x1aa: {  	[hbm4b:s28+s24] =	stream.linear.scatter [tilespmem:s8], [sflag:$0x5], $0x2000, $0x38;
	[tilespmem:$0x17000] =	vst v63  }
.Ltmp2:
0x1ab: {  	_ =	swait.ge [sflag:s7], $0x2000;
	(pc) =	sbr.rel @p0 .LBB2_1-.Ltmp2, $3  }
0x1ac: {  	[sflag:s7] =	ssyncset.done $0x0  }
0x1ad: {  	[sflag:s7] =	ssyncadd.s32 $0xFFFFE000  }
0x1ae: {  	[bflag:$0x0] =	sbarrier.arrive $0xFFFF;
	_ =	sdelay $0x1  }
0x1af: {  	_ =	sfence.sel $0x180000  }
0x1b0: {  	[bflag:$0x0] =	sbarrier.arrive $0xFFFF  }
0x1b1: {  	_ =	strace $0x9000004A  }
0x1b2: {  	s0 =	stileid.u32;
	[bflag:$0x2] =	sbarrier.arrive $0xFFFF  }
0x1b3: {  	p0 =	sne.s32 s0, $0x0;
	s0 =	rddreg [dreg:$0x3]  }
0x1b4: {  	s0 =	sadd.s32 @!p0 $0x100000, s0  }
0x1b5: {  	[sflag:s0] =	ssyncadd.tile.s32 @!p0 $0x1;
	_ =	shalt  }
.Lfunc_end2:
_tile_overlayer_lowered:
.L_overlay_start_2:
0x1b6: {  	(tag) =	ssettag $0x2  }
0x1b7: {  	s0 =	rddreg [dreg:$0x0];
	s2 =	stileid.u32  }
0x1b8: {  	s1 =	rddreg [dreg:$0x1];
	p0 =	sne.s32 s2, $0x0  }
0x1b9: {  	s3 =	rddreg [dreg:$0x2];
	[bflag:$0x3] =	sbarrier.arrive $0xFFFF;
	s2 =	simm.s32 @!p0 $0x1C05  }
0x1ba: {  	[timem:s3], [sflag:s2] =	dma.local @!p0 [hbm:s0], s1  }
0x1bb: {  	s0 =	simm.s32 @!p0 $0x5  }
0x1bc: {  	_ =	swait.ge @!p0 [sflag:s0], s1  }
0x1bd: {  	s1 =	ssub.s32 @!p0 $0x0, s1;
	[sflag:s0] =	ssyncset.done @!p0 $0x0  }
0x1be: {  	[sflag:s0] =	ssyncadd.s32 @!p0 s1  }
0x1bf: {  	[bflag:$0x3] =	sbarrier.arrive $0xFFFF  }
0x1c0: {  	_ =	shalt  }

// kernel: kernel.14.cloned.1.call-start
scs
__scs_entry_jumppad:
0x0: {  	(pc) =	sbr.rel $0x88, $3  }
0x1: {  	(tag) =	ssettag $0x0;
	lr =	simm.s32 $0x1  }
0x2: {  	[smem:$0x3F97] =	sst lr;
	_ =	strace $0xD0000000  }
0x3: {  	_ = 	snop  }
0x4: {  	_ = 	snop  }
0x5: {  	_ = 	snop  }
0x6: {  	_ = 	snop  }
0x7: {  	_ = 	snop  }
__scs_overlays_trampoline_lowered:
0x8: {  	[smem:$0x3FA6] =	sst s0  }
0x9: {  	[smem:$0x3FA7] =	sst s1  }
0xa: {  	[smem:$0x3FA8] =	sst s2  }
0xb: {  	[smem:$0x3FA9] =	sst s3  }
0xc: {  	[smem:$0x3FAA] =	sst s4  }
0xd: {  	[smem:$0x3FAB] =	sst s5  }
0xe: {  	[smem:$0x3FAC] =	sst s6  }
0xf: {  	[smem:$0x3FAD] =	sst s7  }
0x10: {  	[smem:$0x3FAE] =	sst s8  }
0x11: {  	[smem:$0x3FAF] =	sst s9;
	s0 =	simm.s32 @!p0 $0x0  }
0x12: {  	s1 =	sld [smem:$0x3F95];
	s0 =	simm.s32 @p0 $0x1  }
0x13: {  	[smem:$0x3FB0] =	sst s0;
	s0 =	simm.s32 @!p1 $0x0  }
0x14: {  	s2 =	sld [smem:$0x3F94];
	s0 =	simm.s32 @p1 $0x1  }
0x15: {  	[smem:$0x3FB1] =	sst s0;
	s0 =	simm.s32 @!p2 $0x0  }
0x16: {  	s3 =	sld [smem:$0x3FDB];
	s0 =	simm.s32 @p2 $0x1  }
0x17: {  	s4 =	simm.s32 $0x1BF5;
	[smem:$0x3FB3] =	sst s0  }
0x18: {  	s0 =	sld [smem:$0x3F96];
	_ =	swait.ge [sflag:s4], $0x0  }
0x19: {  	s7 =	sld [smem:$0x3F97]  }
0x1a: {  	s8 =	sadd.s32 $0xFFFFE003, lr  }
0x1b: {  	s9 =	sadd.s32 $0xFFFFFEF7, lr;
	s5 =	simm.s32 $0xFFFFFFFF;
	p2 =	slt.u32 s8, $0xFFFFF086  }
0x1c: {  	p1 =	slt.u32 s9, $0xF7A;
	s5 =	simm.s32 @!p2 $0x0  }
0x1d: {  	s5 =	simm.s32 @p1 $0x1;
	p0 =	seq.s32 s7, s2  }
0x1e: {  	s7 =	smul.u32 @!p0 $0xF7A, s2;
	p2 =	seq.s32 @!p0 s5, $0x0  }
0x1f: {  	s9 =	smul.u32 $0xF7A, s1;
	s8 =	simm.s32 @!p0 $0x1BF5;
	p2 =	por !p2, p0  }
0x20: {  	[sflag:s8] =	ssyncset.s32 @!p0 $0xFFFFF086;
	s6 =	sadd.s32 @!p0 s3, s7;
	s7 =	simm.s32 @!p0 $0x108  }
0x21: {  	s3 =	sadd.s32 s3, s9;
	s6 =	sadd.s32 @!p0 $0x88, s6;
	s7 =	simm.s32 @p2 $0x1082  }
0x22: {  	[simem:s7], [sflag:s8] =	dma.local @!p0 [hbm:s6], $0xF7A  }
0x23: {  	s9 =	sor.u32 $0xD0000000, s2;
	s6 =	simm.s32 $0x108;
	_ =	swait.ge @!p0 [sflag:s8], $0x0  }
0x24: {  	s3 =	sadd.s32 $0x88, s3;
	s6 =	simm.s32 @!p1 $0x1082;
	[sflag:s4] =	ssyncset.s32 $0xFFFFF086  }
0x25: {  	[simem:s6], [sflag:s4] =	dma.local [hbm:s3], $0xF7A  }
0x26: {  	[smem:$0x3F97] =	sst s1;
	(tag) =	ssettag s2;
	_ =	strace s9  }
0x27: {  	s1 =	sld [smem:$0x3FA7]  }
0x28: {  	s2 =	sld [smem:$0x3FA8]  }
0x29: {  	s4 =	sld [smem:$0x3FAA]  }
0x2a: {  	p0 =	seq.s32 s5, $0x0;
	s5 =	sld [smem:$0x3FAB]  }
0x2b: {  	s6 =	sld [smem:$0x3FAC]  }
0x2c: {  	s7 =	sld [smem:$0x3FAD]  }
0x2d: {  	s3 =	simm.s32 $0x108;
	s8 =	sld [smem:$0x3FAE]  }
0x2e: {  	s3 =	simm.s32 @!p0 $0x1082;
	s9 =	sld [smem:$0x3FAF]  }
0x2f: {  	lr =	sadd.s32 s0, s3;
	s0 =	sld [smem:$0x3FA6]  }
0x30: {  	s3 =	sld [smem:$0x3FA9]  }
0x31: {  	[smem:$0x3FB2] =	sst s10  }
0x32: {  	s10 =	sld [smem:$0x3FB0];
	_ =	sdelay $0x3  }
0x33: {  	p0 =	seq.s32 s10, $0x1;
	s10 =	sld [smem:$0x3FB2];
	_ =	sdelay $0x3  }
0x34: {  	[smem:$0x3FB2] =	sst s10  }
0x35: {  	s10 =	sld [smem:$0x3FB1];
	_ =	sdelay $0x3  }
0x36: {  	p1 =	seq.s32 s10, $0x1;
	s10 =	sld [smem:$0x3FB2];
	_ =	sdelay $0x3  }
0x37: {  	[smem:$0x3FB2] =	sst s10  }
0x38: {  	s10 =	sld [smem:$0x3FB3]  }
0x39: {  	_ = 	snop;
	(pc) =	sbr.ind lr, $3  }
0x3a: {  	_ = 	snop  }
0x3b: {  	_ = 	snop  }
0x3c: {  	p2 =	seq.s32 s10, $0x1;
	s10 =	sld [smem:$0x3FB2]  }
0x3d: {  	_ =	shalt  }
0x3e: {  	_ =	shalt  }
0x3f: {  	_ =	shalt  }
0x40: {  	_ =	shalt  }
0x41: {  	_ =	shalt  }
0x42: {  	_ =	shalt  }
0x43: {  	_ =	shalt  }
0x44: {  	_ =	shalt  }
0x45: {  	_ =	shalt  }
0x46: {  	_ =	shalt  }
0x47: {  	_ =	shalt  }
0x48: {  	_ =	shalt  }
0x49: {  	_ =	shalt  }
0x4a: {  	_ =	shalt  }
0x4b: {  	_ =	shalt  }
0x4c: {  	_ =	shalt  }
0x4d: {  	_ =	shalt  }
0x4e: {  	_ =	shalt  }
0x4f: {  	_ =	shalt  }
0x50: {  	_ =	shalt  }
0x51: {  	_ =	shalt  }
0x52: {  	_ =	shalt  }
0x53: {  	_ =	shalt  }
0x54: {  	_ =	shalt  }
0x55: {  	_ =	shalt  }
0x56: {  	_ =	shalt  }
0x57: {  	_ =	shalt  }
0x58: {  	_ =	shalt  }
0x59: {  	_ =	shalt  }
0x5a: {  	_ =	shalt  }
0x5b: {  	_ =	shalt  }
0x5c: {  	_ =	shalt  }
0x5d: {  	_ =	shalt  }
0x5e: {  	_ =	shalt  }
0x5f: {  	_ =	shalt  }
0x60: {  	_ =	shalt  }
0x61: {  	_ =	shalt  }
0x62: {  	_ =	shalt  }
0x63: {  	_ =	shalt  }
0x64: {  	_ =	shalt  }
0x65: {  	_ =	shalt  }
0x66: {  	_ =	shalt  }
0x67: {  	_ =	shalt  }
0x68: {  	_ =	shalt  }
0x69: {  	_ =	shalt  }
0x6a: {  	_ =	shalt  }
0x6b: {  	_ =	shalt  }
0x6c: {  	_ =	shalt  }
0x6d: {  	_ =	shalt  }
0x6e: {  	_ =	shalt  }
0x6f: {  	_ =	shalt  }
0x70: {  	_ =	shalt  }
0x71: {  	_ =	shalt  }
0x72: {  	_ =	shalt  }
0x73: {  	_ =	shalt  }
0x74: {  	_ =	shalt  }
0x75: {  	_ =	shalt  }
0x76: {  	_ =	shalt  }
0x77: {  	_ =	shalt  }
0x78: {  	_ =	shalt  }
0x79: {  	_ =	shalt  }
0x7a: {  	_ =	shalt  }
0x7b: {  	_ =	shalt  }
0x7c: {  	_ =	shalt  }
0x7d: {  	_ =	shalt  }
0x7e: {  	_ =	shalt  }
0x7f: {  	_ =	shalt  }
0x80: {  	_ =	shalt  }
0x81: {  	_ =	shalt  }
0x82: {  	_ =	shalt  }
0x83: {  	_ =	shalt  }
0x84: {  	_ =	shalt  }
0x85: {  	_ =	shalt  }
0x86: {  	_ =	shalt  }
0x87: {  	_ =	shalt  }
.Lfunc_end0:
.L_simem_size_0:
called_computation.2_lowered:
.L_overlay_start_0:
0x88: {  	s2 =	sld [smem:$0x3FD9]  }
0x89: {  	s3 =	sld [smem:$0x3FFE];
	_ =	sdelay $0x1  }
0x8a: {  	s1 =	srdreg.scid  }
0x8b: {  	s0 =	sand.u32 $0x1, s1  }
0x8c: {  	s17 =	sshll.u32 s0, $0xA;
	s2 =	sadd.s32 s3, s2  }
0x8d: {  	s2 =	sadd.s32 s2, s17  }
0x8e: {  	[smem:$0x3FBE] =	sst s2  }
0x8f: {  	_ = 	snop  }
0x90: {  	s2 =	sld [smem:$0x3FD0];
	(tm) =	ssettm $0x1  }
0x91: {  	s18 =	sld [smem:$0x3FFB];
	_ =	sdelay $0x3  }
0x92: {  	_ =	strace s18  }
0x93: {  	s3 =	sld [smem:$0x3FFC];
	_ =	sdelay $0x3  }
0x94: {  	_ =	strace s3  }
0x95: {  	s3 =	sld [smem:$0x3FFD];
	_ =	sdelay $0x3  }
0x96: {  	_ =	strace s3  }
0x97: {  	_ =	strace $0x8FFFFFFF  }
0x98: {  	s19 =	sld [smem:$0x3FDB];
	_ =	sdelay $0x1  }
0x99: {  	s4 =	simm.s32 $_scs_section_size  }
0x9a: {  	s5 =	simm.s32 $_size__tile_overlayer_lowered;
	s6 =	simm.s32 $_tile_overlayer_lowered  }
0x9b: {  	s22 =	simm.s32 $0x1BFF;
	s21 =	sshll.u32 s6, $0x1;
	s3 =	sadd.s32 s4, s19  }
0x9c: {  	s7 =	simm.s32 $0x0;
	s20 =	sshll.u32 s5, $0x1;
	s5 =	sadd.s32 s21, s3  }
0x9d: {  	[timem:s7], [sflag:s22] =	dma.local [hbm:s5], s20  }
0x9e: {  	_ =	swait.ge [sflag:s22], s20  }
0x9f: {  	s4 =	ssub.s32 $0x0, s20;
	[sflag:s22] =	ssyncset.done $0x0  }
0xa0: {  	[sflag:s22] =	ssyncadd.s32 s4;
	_ =	sdelay $0x1  }
0xa1: {  	s23 =	simm.s32 $0x1B8B  }
0xa2: {  	_ =	swait.ge [sflag:s23], $0x1  }
0xa3: {  	[sflag:s23] =	ssyncset.done $0x0  }
0xa4: {  	s25 =	simm.s32 $0x1B8E;
	s24 =	sld [smem:$0x3FFE];
	[sflag:s23] =	ssyncadd.s32 $0xFFFFFFFF  }
0xa5: {  	s26 =	simm.s32 $execute0_lowered;
	[smem:$0x3FD2] =	sst s25  }
0xa6: {  	s5 =	sshll.u32 s26, $0x1;
	_ =	strace $0x8000004C;
	[dreg:$0x1] =	wrdreg $0xFFFFFFFF  }
0xa7: {  	s28 =	simm.s32 $_size_execute0_lowered;
	s3 =	sadd.s32 s3, s5;
	[dreg:$0x0] =	wrdreg $0x0  }
0xa8: {  	s5 =	sshll.u32 s28, $0x1;
	[dreg:$0x2] =	wrdreg s3  }
0xa9: {  	[dreg:$0x3] =	wrdreg s5  }
0xaa: {  	[dreg:$0x4] =	wrdreg $0xC0  }
0xab: {  	_ =	task [dreg:s7], $0x5FFFF  }
0xac: {  	[dreg:$0x1] =	wrdreg $0xFFFFFFFF  }
0xad: {  	[dreg:$0x0] =	wrdreg $0x60  }
0xae: {  	[dreg:$0x2] =	wrdreg s24  }
0xaf: {  	[dreg:$0x3] =	wrdreg s2  }
0xb0: {  	[dreg:$0x4] =	wrdreg $0xA0000  }
0xb1: {  	[dreg:$0x5] =	wrdreg $0x9  }
0xb2: {  	_ =	task.clear_ibuf [dreg:s7], $0x6FFFF;
	_ =	strace $0x9000004C  }
0xb3: {  	s29 =	simm.s32 $0x9;
	_ =	strace $0x8000004E  }
0xb4: {  	_ =	swait.ge [sflag:s29], $0x1  }
0xb5: {  	[sflag:s29] =	ssyncadd.s32 $0xFFFFFFFF  }
0xb6: {  	_ =	strace $0x9000004E  }
0xb7: {  	_ =	sfence  }
0xb8: {  	s30 =	sld [smem:$0x0];
	_ =	sdelay $0x2  }
0xb9: {  	s31 =	sshll.u32 s1, $0xD;
	s1 =	sshrl.u32 s1, $0x2  }
0xba: {  	s3 =	sand.u32 $0x4000, s31;
	s1 =	sadd.s32 s1, s30  }
0xbb: {  	s0 =	sor.u32 s3, s0;
	s1 =	sshll.u32 s1, $0x11  }
0xbc: {  	s0 =	sor.u32 s1, s0  }
0xbd: {  	s0 =	sadd.s32 $0x8F2B, s0  }
0xbe: {  	[sflag:s0] =	ssyncadd.remote.s32 $0x1  }
0xbf: {  	_ =	sfence.sel $0xFFFF  }
0xc0: {  	[dreg:$0x0] =	wrdreg $0xFFFFFFFF;
	(pc) =	sbr.abs _section_cstart, $3  }
0xc1: {  	[dreg:$0x1] =	wrdreg $0xFFFFFFFF  }
0xc2: {  	_ =	task.clear_ibuf [dreg:s7], $0x2FFFF;
	_ =	strace $0x9FFFFFFF  }
0xc3: {  	(tm) =	ssettm $0x7FFFFFFF  }
tec
execute0_lowered:
.L_overlay_start_1:
0x0: {  	(tag) =	ssettag $0x1  }
0x1: {  	s0 =	rddreg [dreg:$0x0]  }
0x2: {  	s2 =	rddreg [dreg:$0x1]  }
0x3: {  	s1 =	rddreg [dreg:$0x2];
	s3 =	srdreg.scid  }
0x4: {  	s10 =	stileid.u32;
	s28 =	simm.s32 $0x6400;
	s29 =	simm.s32 $0x7800  }
0x5: {  	s30 =	simm.s32 $0x8C00;
	s31 =	simm.s32 $0x1;
	s5 =	sand.u32 $0x1, s3  }
0x6: {  	s3 =	simm.s32 $0x0;
	s12 =	sadd.s32 $0x19200, s0;
	s4 =	sshll.u32 s5, $0x4  }
0x7: {  	s7 =	ssub.s32 $0x2, s5;
	p0 =	seq.s32 s5, $0x0;
	s5 =	smul.u32 $0x64000, s5  }
0x8: {  	[smem:$0x7FF] =	sst s3;
	s4 =	sor.u32 s10, s4;
	s10 =	smul.u32 $0x6400, s10  }
0x9: {  	_ =	strace $0x8000004D;
	s9 =	sshrl.u32 s7, $0x1;
	s6 =	smul.u32 $0x500, s4  }
0xa: {  	s4 =	sadd.s32 $0xCA00, s0;
	s13 =	ssub.s32 s7, s9;
	s26 =	sadd.s32 $0x1400, s10  }
0xb: {  	s7 =	sadd.s32 s10, s1;
	s15 =	sadd.s32 $0x2800, s10;
	s16 =	sadd.s32 $0x3C00, s10  }
0xc: {  	s17 =	sadd.s32 $0x5000, s10;
	s11 =	sadd.s32 s10, s5;
	s13 =	smax.u32 s13, $0x1  }
0xd: {  	s12 =	smov.u32 @p0 s4;
	s8 =	sadd.s32 s6, s0;
	s0 =	sadd.s32 $0x25A00, s0  }
0xe: {  	s2 =	sadd.s32 s2, s6;
	s6 =	sshrl.u32 s10, $0x3;
	s14 =	sshrl.u32 s26, $0x3  }
0xf: {  	s20 =	sshrl.u32 s15, $0x3;
	s9 =	sadd.s32 s15, s1;
	s21 =	sshrl.u32 s16, $0x3  }
0x10: {  	s10 =	sadd.s32 s16, s1;
	s22 =	sshrl.u32 s17, $0x3;
	s18 =	sshrl.u32 s11, $0x3  }
0x11: {  	s11 =	sadd.s32 s17, s1;
	[dreg:$0x7] =	wrdreg s13;
	s19 =	sadd.s32 s5, s15  }
0x12: {  	s24 =	sadd.s32 s5, s16;
	s25 =	sadd.s32 $0x2A00, s8;
	[dreg:$0x5] =	wrdreg s2  }
0x13: {  	s8 =	sadd.s32 s26, s1;
	s18 =	sadd.s32 s0, s18;
	s2 =	sadd.s32 s5, s26  }
0x14: {  	s23 =	sshrl.u32 s19, $0x3;
	s5 =	sadd.s32 s5, s17;
	s19 =	sadd.s32 s12, s14  }
0x15: {  	s20 =	sadd.s32 s12, s20;
	s21 =	sadd.s32 s12, s21;
	[dreg:$0x4] =	wrdreg s25  }
0x16: {  	s22 =	sadd.s32 s12, s22;
	[dreg:$0x6] =	wrdreg s18;
	s2 =	sshrl.u32 s2, $0x3  }
0x17: {  	s15 =	sadd.s32 s0, s23;
	s25 =	sshrl.u32 s24, $0x3;
	s26 =	sshrl.u32 s5, $0x3  }
0x18: {  	s18 =	sadd.s32 s12, s6;
	s23 =	simm.s32 $0x5;
	s24 =	simm.s32 $0x4  }
0x19: {  	s5 =	simm.s32 $0x0;
	s2 =	sadd.s32 s0, s2;
	s16 =	sadd.s32 s0, s25  }
0x1a: {  	s17 =	sadd.s32 s0, s26;
	s25 =	simm.s32 $0x5000;
	s26 =	simm.s32 $0x80  }
0x1b: {  	s0 =	simm.s32 $0x2;
	[dreg:$0x8] =	wrdreg s2;
	s2 =	simm.s32 $0x3  }
.LBB2_1:
0x1c: {  	s6 =	rddreg [dreg:$0x4]  }
0x1d: {  	[tilespmem:s3], [sflag:$0x5] =	stream.linear.gather [hbm4b:s6+s3], $0x2800, $0x38;
	[tilespmem:$0x10400] =	vst v63  }
0x1e: {  	_ =	swait.ge [sflag:s23], $0x2800  }
0x1f: {  	[sflag:s23] =	ssyncset.done $0x0  }
0x20: {  	s12 =	simm.s32 $0x2800;
	s14 =	rddreg [dreg:$0x5];
	[sflag:s23] =	ssyncadd.s32 $0xFFFFD800  }
0x21: {  	[tilespmem:s12], [sflag:$0x5] =	stream.linear.gather [hbm4b:s14+s3], $0x2800, $0x38;
	[tilespmem:$0x10400] =	vst v63  }
0x22: {  	_ =	swait.ge [sflag:s23], $0x2800  }
0x23: {  	[sflag:s23] =	ssyncset.done $0x0  }
0x24: {  	[sflag:s23] =	ssyncadd.s32 $0xFFFFD800  }
0x25: {  	[tilespmem:s25], [sflag:$0x5] =	stream.linear.gather [hbm4b:s18+s3], $0x1400, $0x38;
	[tilespmem:$0x10400] =	vst v63  }
0x26: {  	_ =	swait.ge [sflag:s23], $0x1400  }
0x27: {  	[sflag:s23] =	ssyncset.done $0x0  }
0x28: {  	[sflag:s23] =	ssyncadd.s32 $0xFFFFEC00  }
0x29: {  	[spmem:s7] =	stream.linear.scatter [tilespmem:s25], [sflag:$0x5], $0x1400, $0x38;
	[tilespmem:$0x10400] =	vst v63  }
0x2a: {  	_ =	swait.ge [sflag:s23], $0x1400  }
0x2b: {  	[sflag:s23] =	ssyncset.done $0x0  }
0x2c: {  	[sflag:s23] =	ssyncadd.s32 $0xFFFFEC00  }
0x2d: {  	[tilespmem:s25], [sflag:$0x5] =	stream.linear.gather [hbm4b:s19+s3], $0x1400, $0x38;
	[tilespmem:$0x10400] =	vst v63  }
0x2e: {  	_ =	swait.ge [sflag:s23], $0x1400  }
0x2f: {  	[sflag:s23] =	ssyncset.done $0x0  }
0x30: {  	[sflag:s23] =	ssyncadd.s32 $0xFFFFEC00  }
0x31: {  	[spmem:s8] =	stream.linear.scatter [tilespmem:s25], [sflag:$0x5], $0x1400, $0x38;
	[tilespmem:$0x10400] =	vst v63  }
0x32: {  	_ =	swait.ge [sflag:s23], $0x1400  }
0x33: {  	[sflag:s23] =	ssyncset.done $0x0  }
0x34: {  	[sflag:s23] =	ssyncadd.s32 $0xFFFFEC00  }
0x35: {  	[tilespmem:s25], [sflag:$0x5] =	stream.linear.gather [hbm4b:s20+s3], $0x1400, $0x38;
	[tilespmem:$0x10400] =	vst v63  }
0x36: {  	_ =	swait.ge [sflag:s23], $0x1400  }
0x37: {  	[sflag:s23] =	ssyncset.done $0x0  }
0x38: {  	[sflag:s23] =	ssyncadd.s32 $0xFFFFEC00  }
0x39: {  	[spmem:s9] =	stream.linear.scatter [tilespmem:s25], [sflag:$0x5], $0x1400, $0x38;
	[tilespmem:$0x10400] =	vst v63  }
0x3a: {  	_ =	swait.ge [sflag:s23], $0x1400  }
0x3b: {  	[sflag:s23] =	ssyncset.done $0x0  }
0x3c: {  	[sflag:s23] =	ssyncadd.s32 $0xFFFFEC00  }
0x3d: {  	[tilespmem:s25], [sflag:$0x5] =	stream.linear.gather [hbm4b:s21+s3], $0x1400, $0x38;
	[tilespmem:$0x10400] =	vst v63  }
0x3e: {  	_ =	swait.ge [sflag:s23], $0x1400  }
0x3f: {  	[sflag:s23] =	ssyncset.done $0x0  }
0x40: {  	[sflag:s23] =	ssyncadd.s32 $0xFFFFEC00  }
0x41: {  	[spmem:s10] =	stream.linear.scatter [tilespmem:s25], [sflag:$0x5], $0x1400, $0x38;
	[tilespmem:$0x10400] =	vst v63  }
0x42: {  	_ =	swait.ge [sflag:s23], $0x1400  }
0x43: {  	[sflag:s23] =	ssyncset.done $0x0  }
0x44: {  	[sflag:s23] =	ssyncadd.s32 $0xFFFFEC00  }
0x45: {  	[tilespmem:s25], [sflag:$0x5] =	stream.linear.gather [hbm4b:s22+s3], $0x1400, $0x38;
	[tilespmem:$0x10400] =	vst v63  }
0x46: {  	_ =	swait.ge [sflag:s23], $0x1400  }
0x47: {  	[sflag:s23] =	ssyncset.done $0x0  }
0x48: {  	[sflag:s23] =	ssyncadd.s32 $0xFFFFEC00  }
0x49: {  	[spmem:s11] =	stream.linear.scatter [tilespmem:s25], [sflag:$0x5], $0x1400, $0x38;
	[tilespmem:$0x10400] =	vst v63  }
0x4a: {  	_ =	swait.ge [sflag:s23], $0x1400  }
0x4b: {  	[sflag:s23] =	ssyncset.done $0x0  }
0x4c: {  	[sflag:s23] =	ssyncadd.s32 $0xFFFFEC00  }
0x4d: {  	s13 =	simm.s32 $0x0;
	[bflag:$0x0] =	sbarrier.arrive $0xFFFF  }
0x4e: {  	[tilespmem:s25], [sflag:$0x1] =	stream.indirect.gather [hbm4b:s4+s26], $0x28, s13, s26, $0xb8;
	[tilespmem:$0x10400] =	vst v63  }
0x4f: {  	s14 =	simm.s32 $0x80  }
0x50: {  	[tilespmem:s28], [sflag:$0x2] =	stream.indirect.gather [hbm4b:s4+s26], $0x28, s14, s26, $0xb8;
	[tilespmem:$0x10400] =	vst v63  }
0x51: {  	s12 =	simm.s32 $0x100  }
0x52: {  	[tilespmem:s29], [sflag:$0x3] =	stream.indirect.gather [hbm4b:s4+s26], $0x28, s12, s26, $0xb8;
	[tilespmem:$0x10400] =	vst v63  }
0x53: {  	s13 =	simm.s32 $0x180  }
0x54: {  	[tilespmem:s30], [sflag:$0x4] =	stream.indirect.gather [hbm4b:s4+s26], $0x28, s13, s26, $0xb8;
	[tilespmem:$0x10400] =	vst v63  }
0x55: {  	_ =	swait.ge [sflag:s31], $0x1400  }
0x56: {  	[sflag:s31] =	ssyncset.done $0x0  }
0x57: {  	s14 =	simm.s32 $0x2800;
	[sflag:s31] =	ssyncadd.s32 $0xFFFFEC00  }
0x58: {  	[spmem:s1] =	stream.indirect.scatter.add.f32 [tilespmem:s25], [sflag:$0x5], $0x28, s14, s26, $0xb8;
	[tilespmem:$0x10400] =	vst v63  }
0x59: {  	_ =	swait.ge [sflag:s23], $0x1400  }
0x5a: {  	[sflag:s23] =	ssyncset.done $0x0  }
0x5b: {  	[sflag:s23] =	ssyncadd.s32 $0xFFFFEC00  }
0x5c: {  	_ =	swait.ge [sflag:s0], $0x1400  }
0x5d: {  	[sflag:s0] =	ssyncset.done $0x0  }
0x5e: {  	s12 =	simm.s32 $0x2880;
	[sflag:s0] =	ssyncadd.s32 $0xFFFFEC00  }
0x5f: {  	[spmem:s1] =	stream.indirect.scatter.add.f32 [tilespmem:s28], [sflag:$0x5], $0x28, s12, s26, $0xb8;
	[tilespmem:$0x10400] =	vst v63  }
0x60: {  	_ =	swait.ge [sflag:s23], $0x1400  }
0x61: {  	[sflag:s23] =	ssyncset.done $0x0  }
0x62: {  	[sflag:s23] =	ssyncadd.s32 $0xFFFFEC00  }
0x63: {  	_ =	swait.ge [sflag:s2], $0x1400  }
0x64: {  	[sflag:s2] =	ssyncset.done $0x0  }
0x65: {  	s13 =	simm.s32 $0x2900;
	[sflag:s2] =	ssyncadd.s32 $0xFFFFEC00  }
0x66: {  	[spmem:s1] =	stream.indirect.scatter.add.f32 [tilespmem:s29], [sflag:$0x5], $0x28, s13, s26, $0xb8;
	[tilespmem:$0x10400] =	vst v63  }
0x67: {  	_ =	swait.ge [sflag:s23], $0x1400  }
0x68: {  	[sflag:s23] =	ssyncset.done $0x0  }
0x69: {  	[sflag:s23] =	ssyncadd.s32 $0xFFFFEC00  }
0x6a: {  	_ =	swait.ge [sflag:s24], $0x1400  }
0x6b: {  	[sflag:s24] =	ssyncset.done $0x0  }
0x6c: {  	s14 =	simm.s32 $0x2980;
	[sflag:s24] =	ssyncadd.s32 $0xFFFFEC00  }
0x6d: {  	[spmem:s1] =	stream.indirect.scatter.add.f32 [tilespmem:s30], [sflag:$0x5], $0x28, s14, s26, $0xb8;
	[tilespmem:$0x10400] =	vst v63  }
0x6e: {  	_ =	swait.ge [sflag:s23], $0x1400  }
0x6f: {  	s6 =	simm.s32 $0x800;
	s12 =	simm.s32 $0x1000;
	[sflag:s23] =	ssyncset.done $0x0  }
.LBB2_2:
0x70: {  	s13 =	sshra.s32 s6, $0x2  }
0x71: {  	[sflag:s23] =	ssyncadd.s32 $0xFFFFEC00;
	s6 =	smov.u32 s12;
	s14 =	sadd.s32 $0x800, s12  }
0x72: {  	[tilespmem:s25], [sflag:$0x1] =	stream.indirect.gather [hbm4b:s4+s26], $0x28, s13, s26, $0xb8;
	[tilespmem:$0x10400] =	vst v63  }
0x73: {  	p0 =	sne.s32 s12, $0x9800;
	s12 =	sadd.s32 $0x80, s13  }
0x74: {  	[tilespmem:s28], [sflag:$0x2] =	stream.indirect.gather [hbm4b:s4+s26], $0x28, s12, s26, $0xb8;
	[tilespmem:$0x10400] =	vst v63  }
0x75: {  	s12 =	sadd.s32 $0x100, s13  }
0x76: {  	[tilespmem:s29], [sflag:$0x3] =	stream.indirect.gather [hbm4b:s4+s26], $0x28, s12, s26, $0xb8;
	[tilespmem:$0x10400] =	vst v63  }
0x77: {  	s12 =	sadd.s32 $0x180, s13  }
0x78: {  	[tilespmem:s30], [sflag:$0x4] =	stream.indirect.gather [hbm4b:s4+s26], $0x28, s12, s26, $0xb8;
	[tilespmem:$0x10400] =	vst v63  }
0x79: {  	_ =	swait.ge [sflag:s31], $0x1400  }
0x7a: {  	[sflag:s31] =	ssyncset.done $0x0  }
0x7b: {  	s12 =	sadd.s32 $0x2800, s13;
	[sflag:s31] =	ssyncadd.s32 $0xFFFFEC00  }
0x7c: {  	[spmem:s1] =	stream.indirect.scatter.add.f32 [tilespmem:s25], [sflag:$0x5], $0x28, s12, s26, $0xb8;
	[tilespmem:$0x10400] =	vst v63  }
0x7d: {  	_ =	swait.ge [sflag:s23], $0x1400  }
0x7e: {  	[sflag:s23] =	ssyncset.done $0x0  }
0x7f: {  	[sflag:s23] =	ssyncadd.s32 $0xFFFFEC00  }
0x80: {  	_ =	swait.ge [sflag:s0], $0x1400  }
0x81: {  	[sflag:s0] =	ssyncset.done $0x0  }
0x82: {  	s12 =	sadd.s32 $0x2880, s13;
	[sflag:s0] =	ssyncadd.s32 $0xFFFFEC00  }
0x83: {  	[spmem:s1] =	stream.indirect.scatter.add.f32 [tilespmem:s28], [sflag:$0x5], $0x28, s12, s26, $0xb8;
	[tilespmem:$0x10400] =	vst v63  }
0x84: {  	_ =	swait.ge [sflag:s23], $0x1400  }
0x85: {  	[sflag:s23] =	ssyncset.done $0x0  }
0x86: {  	[sflag:s23] =	ssyncadd.s32 $0xFFFFEC00  }
0x87: {  	_ =	swait.ge [sflag:s2], $0x1400  }
0x88: {  	[sflag:s2] =	ssyncset.done $0x0  }
0x89: {  	s12 =	sadd.s32 $0x2900, s13;
	[sflag:s2] =	ssyncadd.s32 $0xFFFFEC00  }
0x8a: {  	[spmem:s1] =	stream.indirect.scatter.add.f32 [tilespmem:s29], [sflag:$0x5], $0x28, s12, s26, $0xb8;
	[tilespmem:$0x10400] =	vst v63  }
0x8b: {  	_ =	swait.ge [sflag:s23], $0x1400  }
0x8c: {  	[sflag:s23] =	ssyncset.done $0x0  }
0x8d: {  	[sflag:s23] =	ssyncadd.s32 $0xFFFFEC00  }
0x8e: {  	_ =	swait.ge [sflag:s24], $0x1400  }
.Ltmp0:
0x8f: {  	[sflag:s24] =	ssyncset.done $0x0;
	(pc) =	sbr.rel @p0 .LBB2_2-.Ltmp0, $4  }
0x90: {  	s12 =	sadd.s32 $0x2980, s13;
	[sflag:s24] =	ssyncadd.s32 $0xFFFFEC00  }
0x91: {  	[spmem:s1] =	stream.indirect.scatter.add.f32 [tilespmem:s30], [sflag:$0x5], $0x28, s12, s26, $0xb8;
	[tilespmem:$0x10400] =	vst v63  }
0x92: {  	_ =	swait.ge [sflag:s23], $0x1400  }
0x93: {  	s12 =	smov.u32 s14;
	[sflag:s23] =	ssyncset.done $0x0  }
0x94: {  	s6 =	sshra.s32 s6, $0x2;
	[sflag:s23] =	ssyncadd.s32 $0xFFFFEC00  }
0x95: {  	[tilespmem:s25], [sflag:$0x1] =	stream.indirect.gather [hbm4b:s4+s26], $0x28, s6, s26, $0xb8;
	[tilespmem:$0x10400] =	vst v63  }
0x96: {  	s12 =	sadd.s32 $0x80, s6  }
0x97: {  	[tilespmem:s28], [sflag:$0x2] =	stream.indirect.gather [hbm4b:s4+s26], $0x28, s12, s26, $0xb8;
	[tilespmem:$0x10400] =	vst v63  }
0x98: {  	s14 =	sadd.s32 $0x100, s6  }
0x99: {  	[tilespmem:s29], [sflag:$0x3] =	stream.indirect.gather [hbm4b:s4+s26], $0x28, s14, s26, $0xb8;
	[tilespmem:$0x10400] =	vst v63  }
0x9a: {  	s13 =	sadd.s32 $0x180, s6  }
0x9b: {  	[tilespmem:s30], [sflag:$0x4] =	stream.indirect.gather [hbm4b:s4+s26], $0x28, s13, s26, $0xb8;
	[tilespmem:$0x10400] =	vst v63  }
0x9c: {  	_ =	swait.ge [sflag:s31], $0x1400  }
0x9d: {  	[sflag:s31] =	ssyncset.done $0x0  }
0x9e: {  	s14 =	sadd.s32 $0x2800, s6;
	[sflag:s31] =	ssyncadd.s32 $0xFFFFEC00  }
0x9f: {  	[spmem:s1] =	stream.indirect.scatter.add.f32 [tilespmem:s25], [sflag:$0x5], $0x28, s14, s26, $0xb8;
	[tilespmem:$0x10400] =	vst v63  }
0xa0: {  	_ =	swait.ge [sflag:s23], $0x1400  }
0xa1: {  	[sflag:s23] =	ssyncset.done $0x0  }
0xa2: {  	[sflag:s23] =	ssyncadd.s32 $0xFFFFEC00  }
0xa3: {  	_ =	swait.ge [sflag:s0], $0x1400  }
0xa4: {  	[sflag:s0] =	ssyncset.done $0x0  }
0xa5: {  	s13 =	sadd.s32 $0x2880, s6;
	[sflag:s0] =	ssyncadd.s32 $0xFFFFEC00  }
0xa6: {  	[spmem:s1] =	stream.indirect.scatter.add.f32 [tilespmem:s28], [sflag:$0x5], $0x28, s13, s26, $0xb8;
	[tilespmem:$0x10400] =	vst v63  }
0xa7: {  	_ =	swait.ge [sflag:s23], $0x1400  }
0xa8: {  	[sflag:s23] =	ssyncset.done $0x0  }
0xa9: {  	[sflag:s23] =	ssyncadd.s32 $0xFFFFEC00  }
0xaa: {  	_ =	swait.ge [sflag:s2], $0x1400  }
0xab: {  	[sflag:s2] =	ssyncset.done $0x0  }
0xac: {  	s14 =	sadd.s32 $0x2900, s6;
	[sflag:s2] =	ssyncadd.s32 $0xFFFFEC00  }
0xad: {  	[spmem:s1] =	stream.indirect.scatter.add.f32 [tilespmem:s29], [sflag:$0x5], $0x28, s14, s26, $0xb8;
	[tilespmem:$0x10400] =	vst v63  }
0xae: {  	_ =	swait.ge [sflag:s23], $0x1400  }
0xaf: {  	[sflag:s23] =	ssyncset.done $0x0  }
0xb0: {  	[sflag:s23] =	ssyncadd.s32 $0xFFFFEC00  }
0xb1: {  	_ =	swait.ge [sflag:s24], $0x1400  }
0xb2: {  	[sflag:s24] =	ssyncset.done $0x0  }
0xb3: {  	s6 =	sadd.s32 $0x2980, s6;
	[sflag:s24] =	ssyncadd.s32 $0xFFFFEC00  }
0xb4: {  	[spmem:s1] =	stream.indirect.scatter.add.f32 [tilespmem:s30], [sflag:$0x5], $0x28, s6, s26, $0xb8;
	[tilespmem:$0x10400] =	vst v63  }
0xb5: {  	_ =	swait.ge [sflag:s23], $0x1400  }
0xb6: {  	[sflag:s23] =	ssyncset.done $0x0  }
0xb7: {  	[sflag:s23] =	ssyncadd.s32 $0xFFFFEC00  }
0xb8: {  	[bflag:$0x0] =	sbarrier.arrive $0xFFFF  }
0xb9: {  	[tilespmem:s25], [sflag:$0x5] =	stream.linear.gather [spmem:s7], $0x1400, $0x38;
	[tilespmem:$0x10400] =	vst v63  }
0xba: {  	_ =	swait.ge [sflag:s23], $0x1400  }
0xbb: {  	[sflag:s23] =	ssyncset.done $0x0  }
0xbc: {  	s12 =	rddreg [dreg:$0x6];
	[sflag:s23] =	ssyncadd.s32 $0xFFFFEC00  }
0xbd: {  	[hbm4b:s12+s3] =	stream.linear.scatter [tilespmem:s25], [sflag:$0x5], $0x1400, $0x38;
	[tilespmem:$0x10400] =	vst v63  }
0xbe: {  	_ =	swait.ge [sflag:s23], $0x1400  }
0xbf: {  	[sflag:s23] =	ssyncset.done $0x0  }
0xc0: {  	[sflag:s23] =	ssyncadd.s32 $0xFFFFEC00  }
0xc1: {  	[tilespmem:s25], [sflag:$0x5] =	stream.linear.gather [spmem:s8], $0x1400, $0x38;
	[tilespmem:$0x10400] =	vst v63  }
0xc2: {  	_ =	swait.ge [sflag:s23], $0x1400  }
0xc3: {  	[sflag:s23] =	ssyncset.done $0x0  }
0xc4: {  	s13 =	rddreg [dreg:$0x8];
	[sflag:s23] =	ssyncadd.s32 $0xFFFFEC00  }
0xc5: {  	[hbm4b:s13+s3] =	stream.linear.scatter [tilespmem:s25], [sflag:$0x5], $0x1400, $0x38;
	[tilespmem:$0x10400] =	vst v63  }
0xc6: {  	_ =	swait.ge [sflag:s23], $0x1400  }
0xc7: {  	[sflag:s23] =	ssyncset.done $0x0  }
0xc8: {  	[sflag:s23] =	ssyncadd.s32 $0xFFFFEC00  }
0xc9: {  	[tilespmem:s25], [sflag:$0x5] =	stream.linear.gather [spmem:s9], $0x1400, $0x38;
	[tilespmem:$0x10400] =	vst v63  }
0xca: {  	_ =	swait.ge [sflag:s23], $0x1400  }
0xcb: {  	[sflag:s23] =	ssyncset.done $0x0  }
0xcc: {  	[sflag:s23] =	ssyncadd.s32 $0xFFFFEC00  }
0xcd: {  	[hbm4b:s15+s3] =	stream.linear.scatter [tilespmem:s25], [sflag:$0x5], $0x1400, $0x38;
	[tilespmem:$0x10400] =	vst v63  }
0xce: {  	_ =	swait.ge [sflag:s23], $0x1400  }
0xcf: {  	[sflag:s23] =	ssyncset.done $0x0  }
0xd0: {  	[sflag:s23] =	ssyncadd.s32 $0xFFFFEC00  }
0xd1: {  	[tilespmem:s25], [sflag:$0x5] =	stream.linear.gather [spmem:s10], $0x1400, $0x38;
	[tilespmem:$0x10400] =	vst v63  }
0xd2: {  	_ =	swait.ge [sflag:s23], $0x1400  }
0xd3: {  	[sflag:s23] =	ssyncset.done $0x0  }
0xd4: {  	[sflag:s23] =	ssyncadd.s32 $0xFFFFEC00  }
0xd5: {  	[hbm4b:s16+s3] =	stream.linear.scatter [tilespmem:s25], [sflag:$0x5], $0x1400, $0x38;
	[tilespmem:$0x10400] =	vst v63  }
0xd6: {  	_ =	swait.ge [sflag:s23], $0x1400  }
0xd7: {  	[sflag:s23] =	ssyncset.done $0x0  }
0xd8: {  	[sflag:s23] =	ssyncadd.s32 $0xFFFFEC00  }
0xd9: {  	[tilespmem:s25], [sflag:$0x5] =	stream.linear.gather [spmem:s11], $0x1400, $0x38;
	[tilespmem:$0x10400] =	vst v63  }
0xda: {  	_ =	swait.ge [sflag:s23], $0x1400  }
0xdb: {  	[sflag:s23] =	ssyncset.done $0x0  }
0xdc: {  	[sflag:s23] =	ssyncadd.s32 $0xFFFFEC00  }
0xdd: {  	[hbm4b:s17+s3] =	stream.linear.scatter [tilespmem:s25], [sflag:$0x5], $0x1400, $0x38;
	[tilespmem:$0x10400] =	vst v63  }
0xde: {  	_ =	swait.ge [sflag:s23], $0x1400  }
0xdf: {  	s5 =	sadd.s32 $0x1, s5;
	s14 =	rddreg [dreg:$0x7]  }
0xe0: {  	p0 =	sne.s32 s5, s14  }
.Ltmp1:
0xe1: {  	_ = 	snop;
	(pc) =	sbr.rel @p0 .LBB2_1-.Ltmp1, $3  }
0xe2: {  	[sflag:s23] =	ssyncset.done $0x0  }
0xe3: {  	[sflag:s23] =	ssyncadd.s32 $0xFFFFEC00  }
0xe4: {  	[bflag:$0x0] =	sbarrier.arrive $0xFFFF;
	_ =	sdelay $0x1  }
0xe5: {  	_ =	sfence.sel $0x180000  }
0xe6: {  	[bflag:$0x0] =	sbarrier.arrive $0xFFFF  }
0xe7: {  	_ =	strace $0x9000004D  }
0xe8: {  	s0 =	stileid.u32;
	[bflag:$0x2] =	sbarrier.arrive $0xFFFF  }
0xe9: {  	p0 =	sne.s32 s0, $0x0;
	s0 =	rddreg [dreg:$0x3]  }
0xea: {  	s0 =	sadd.s32 @!p0 $0x100000, s0  }
0xeb: {  	[sflag:s0] =	ssyncadd.tile.s32 @!p0 $0x1;
	_ =	shalt  }
.Lfunc_end2:
_tile_overlayer_lowered:
.L_overlay_start_2:
0xec: {  	(tag) =	ssettag $0x2  }
0xed: {  	s0 =	rddreg [dreg:$0x0];
	s2 =	stileid.u32  }
0xee: {  	s1 =	rddreg [dreg:$0x1];
	p0 =	sne.s32 s2, $0x0  }
0xef: {  	s3 =	rddreg [dreg:$0x2];
	[bflag:$0x3] =	sbarrier.arrive $0xFFFF;
	s2 =	simm.s32 @!p0 $0x1C05  }
0xf0: {  	[timem:s3], [sflag:s2] =	dma.local @!p0 [hbm:s0], s1  }
0xf1: {  	s0 =	simm.s32 @!p0 $0x5  }
0xf2: {  	_ =	swait.ge @!p0 [sflag:s0], s1  }
0xf3: {  	s1 =	ssub.s32 @!p0 $0x0, s1;
	[sflag:s0] =	ssyncset.done @!p0 $0x0  }
0xf4: {  	[sflag:s0] =	ssyncadd.s32 @!p0 s1  }
0xf5: {  	[bflag:$0x3] =	sbarrier.arrive $0xFFFF  }
0xf6: {  	_ =	shalt  }

// kernel: kernel.8.cloned.1.call-start
scs
__scs_entry_jumppad:
0x0: {  	(pc) =	sbr.rel $0x88, $3  }
0x1: {  	(tag) =	ssettag $0x0;
	lr =	simm.s32 $0x1  }
0x2: {  	[smem:$0x3F97] =	sst lr;
	_ =	strace $0xD0000000  }
0x3: {  	_ = 	snop  }
0x4: {  	_ = 	snop  }
0x5: {  	_ = 	snop  }
0x6: {  	_ = 	snop  }
0x7: {  	_ = 	snop  }
__scs_overlays_trampoline_lowered:
0x8: {  	[smem:$0x3FA6] =	sst s0  }
0x9: {  	[smem:$0x3FA7] =	sst s1  }
0xa: {  	[smem:$0x3FA8] =	sst s2  }
0xb: {  	[smem:$0x3FA9] =	sst s3  }
0xc: {  	[smem:$0x3FAA] =	sst s4  }
0xd: {  	[smem:$0x3FAB] =	sst s5  }
0xe: {  	[smem:$0x3FAC] =	sst s6  }
0xf: {  	[smem:$0x3FAD] =	sst s7  }
0x10: {  	[smem:$0x3FAE] =	sst s8  }
0x11: {  	[smem:$0x3FAF] =	sst s9;
	s0 =	simm.s32 @!p0 $0x0  }
0x12: {  	s1 =	sld [smem:$0x3F95];
	s0 =	simm.s32 @p0 $0x1  }
0x13: {  	[smem:$0x3FB0] =	sst s0;
	s0 =	simm.s32 @!p1 $0x0  }
0x14: {  	s2 =	sld [smem:$0x3F94];
	s0 =	simm.s32 @p1 $0x1  }
0x15: {  	[smem:$0x3FB1] =	sst s0;
	s0 =	simm.s32 @!p2 $0x0  }
0x16: {  	s3 =	sld [smem:$0x3FDB];
	s0 =	simm.s32 @p2 $0x1  }
0x17: {  	s4 =	simm.s32 $0x1BF5;
	[smem:$0x3FB3] =	sst s0  }
0x18: {  	s0 =	sld [smem:$0x3F96];
	_ =	swait.ge [sflag:s4], $0x0  }
0x19: {  	s7 =	sld [smem:$0x3F97]  }
0x1a: {  	s8 =	sadd.s32 $0xFFFFE003, lr  }
0x1b: {  	s9 =	sadd.s32 $0xFFFFFEF7, lr;
	s5 =	simm.s32 $0xFFFFFFFF;
	p2 =	slt.u32 s8, $0xFFFFF086  }
0x1c: {  	p1 =	slt.u32 s9, $0xF7A;
	s5 =	simm.s32 @!p2 $0x0  }
0x1d: {  	s5 =	simm.s32 @p1 $0x1;
	p0 =	seq.s32 s7, s2  }
0x1e: {  	s7 =	smul.u32 @!p0 $0xF7A, s2;
	p2 =	seq.s32 @!p0 s5, $0x0  }
0x1f: {  	s9 =	smul.u32 $0xF7A, s1;
	s8 =	simm.s32 @!p0 $0x1BF5;
	p2 =	por !p2, p0  }
0x20: {  	[sflag:s8] =	ssyncset.s32 @!p0 $0xFFFFF086;
	s6 =	sadd.s32 @!p0 s3, s7;
	s7 =	simm.s32 @!p0 $0x108  }
0x21: {  	s3 =	sadd.s32 s3, s9;
	s6 =	sadd.s32 @!p0 $0x88, s6;
	s7 =	simm.s32 @p2 $0x1082  }
0x22: {  	[simem:s7], [sflag:s8] =	dma.local @!p0 [hbm:s6], $0xF7A  }
0x23: {  	s9 =	sor.u32 $0xD0000000, s2;
	s6 =	simm.s32 $0x108;
	_ =	swait.ge @!p0 [sflag:s8], $0x0  }
0x24: {  	s3 =	sadd.s32 $0x88, s3;
	s6 =	simm.s32 @!p1 $0x1082;
	[sflag:s4] =	ssyncset.s32 $0xFFFFF086  }
0x25: {  	[simem:s6], [sflag:s4] =	dma.local [hbm:s3], $0xF7A  }
0x26: {  	[smem:$0x3F97] =	sst s1;
	(tag) =	ssettag s2;
	_ =	strace s9  }
0x27: {  	s1 =	sld [smem:$0x3FA7]  }
0x28: {  	s2 =	sld [smem:$0x3FA8]  }
0x29: {  	s4 =	sld [smem:$0x3FAA]  }
0x2a: {  	p0 =	seq.s32 s5, $0x0;
	s5 =	sld [smem:$0x3FAB]  }
0x2b: {  	s6 =	sld [smem:$0x3FAC]  }
0x2c: {  	s7 =	sld [smem:$0x3FAD]  }
0x2d: {  	s3 =	simm.s32 $0x108;
	s8 =	sld [smem:$0x3FAE]  }
0x2e: {  	s3 =	simm.s32 @!p0 $0x1082;
	s9 =	sld [smem:$0x3FAF]  }
0x2f: {  	lr =	sadd.s32 s0, s3;
	s0 =	sld [smem:$0x3FA6]  }
0x30: {  	s3 =	sld [smem:$0x3FA9]  }
0x31: {  	[smem:$0x3FB2] =	sst s10  }
0x32: {  	s10 =	sld [smem:$0x3FB0];
	_ =	sdelay $0x3  }
0x33: {  	p0 =	seq.s32 s10, $0x1;
	s10 =	sld [smem:$0x3FB2];
	_ =	sdelay $0x3  }
0x34: {  	[smem:$0x3FB2] =	sst s10  }
0x35: {  	s10 =	sld [smem:$0x3FB1];
	_ =	sdelay $0x3  }
0x36: {  	p1 =	seq.s32 s10, $0x1;
	s10 =	sld [smem:$0x3FB2];
	_ =	sdelay $0x3  }
0x37: {  	[smem:$0x3FB2] =	sst s10  }
0x38: {  	s10 =	sld [smem:$0x3FB3]  }
0x39: {  	_ = 	snop;
	(pc) =	sbr.ind lr, $3  }
0x3a: {  	_ = 	snop  }
0x3b: {  	_ = 	snop  }
0x3c: {  	p2 =	seq.s32 s10, $0x1;
	s10 =	sld [smem:$0x3FB2]  }
0x3d: {  	_ =	shalt  }
0x3e: {  	_ =	shalt  }
0x3f: {  	_ =	shalt  }
0x40: {  	_ =	shalt  }
0x41: {  	_ =	shalt  }
0x42: {  	_ =	shalt  }
0x43: {  	_ =	shalt  }
0x44: {  	_ =	shalt  }
0x45: {  	_ =	shalt  }
0x46: {  	_ =	shalt  }
0x47: {  	_ =	shalt  }
0x48: {  	_ =	shalt  }
0x49: {  	_ =	shalt  }
0x4a: {  	_ =	shalt  }
0x4b: {  	_ =	shalt  }
0x4c: {  	_ =	shalt  }
0x4d: {  	_ =	shalt  }
0x4e: {  	_ =	shalt  }
0x4f: {  	_ =	shalt  }
0x50: {  	_ =	shalt  }
0x51: {  	_ =	shalt  }
0x52: {  	_ =	shalt  }
0x53: {  	_ =	shalt  }
0x54: {  	_ =	shalt  }
0x55: {  	_ =	shalt  }
0x56: {  	_ =	shalt  }
0x57: {  	_ =	shalt  }
0x58: {  	_ =	shalt  }
0x59: {  	_ =	shalt  }
0x5a: {  	_ =	shalt  }
0x5b: {  	_ =	shalt  }
0x5c: {  	_ =	shalt  }
0x5d: {  	_ =	shalt  }
0x5e: {  	_ =	shalt  }
0x5f: {  	_ =	shalt  }
0x60: {  	_ =	shalt  }
0x61: {  	_ =	shalt  }
0x62: {  	_ =	shalt  }
0x63: {  	_ =	shalt  }
0x64: {  	_ =	shalt  }
0x65: {  	_ =	shalt  }
0x66: {  	_ =	shalt  }
0x67: {  	_ =	shalt  }
0x68: {  	_ =	shalt  }
0x69: {  	_ =	shalt  }
0x6a: {  	_ =	shalt  }
0x6b: {  	_ =	shalt  }
0x6c: {  	_ =	shalt  }
0x6d: {  	_ =	shalt  }
0x6e: {  	_ =	shalt  }
0x6f: {  	_ =	shalt  }
0x70: {  	_ =	shalt  }
0x71: {  	_ =	shalt  }
0x72: {  	_ =	shalt  }
0x73: {  	_ =	shalt  }
0x74: {  	_ =	shalt  }
0x75: {  	_ =	shalt  }
0x76: {  	_ =	shalt  }
0x77: {  	_ =	shalt  }
0x78: {  	_ =	shalt  }
0x79: {  	_ =	shalt  }
0x7a: {  	_ =	shalt  }
0x7b: {  	_ =	shalt  }
0x7c: {  	_ =	shalt  }
0x7d: {  	_ =	shalt  }
0x7e: {  	_ =	shalt  }
0x7f: {  	_ =	shalt  }
0x80: {  	_ =	shalt  }
0x81: {  	_ =	shalt  }
0x82: {  	_ =	shalt  }
0x83: {  	_ =	shalt  }
0x84: {  	_ =	shalt  }
0x85: {  	_ =	shalt  }
0x86: {  	_ =	shalt  }
0x87: {  	_ =	shalt  }
.Lfunc_end0:
.L_simem_size_0:
called_computation_lowered:
.L_overlay_start_0:
0x88: {  	s2 =	sld [smem:$0x3FD9]  }
0x89: {  	s3 =	sld [smem:$0x3FFE];
	_ =	sdelay $0x1  }
0x8a: {  	s1 =	srdreg.scid  }
0x8b: {  	s0 =	sand.u32 $0x1, s1  }
0x8c: {  	s17 =	sshll.u32 s0, $0xA;
	s2 =	sadd.s32 s3, s2  }
0x8d: {  	s2 =	sadd.s32 s2, s17  }
0x8e: {  	[smem:$0x3FBE] =	sst s2  }
0x8f: {  	_ = 	snop  }
0x90: {  	s2 =	sld [smem:$0x3FD0];
	(tm) =	ssettm $0x1  }
0x91: {  	s18 =	sld [smem:$0x3FFB];
	_ =	sdelay $0x3  }
0x92: {  	_ =	strace s18  }
0x93: {  	s3 =	sld [smem:$0x3FFC];
	_ =	sdelay $0x3  }
0x94: {  	_ =	strace s3  }
0x95: {  	s3 =	sld [smem:$0x3FFD];
	_ =	sdelay $0x3  }
0x96: {  	_ =	strace s3  }
0x97: {  	_ =	strace $0x8FFFFFFF  }
0x98: {  	s19 =	sld [smem:$0x3FDB];
	_ =	sdelay $0x1  }
0x99: {  	s4 =	simm.s32 $_scs_section_size  }
0x9a: {  	s5 =	simm.s32 $_size__tile_overlayer_lowered;
	s6 =	simm.s32 $_tile_overlayer_lowered  }
0x9b: {  	s22 =	simm.s32 $0x1BFF;
	s21 =	sshll.u32 s6, $0x1;
	s3 =	sadd.s32 s4, s19  }
0x9c: {  	s7 =	simm.s32 $0x0;
	s20 =	sshll.u32 s5, $0x1;
	s5 =	sadd.s32 s21, s3  }
0x9d: {  	[timem:s7], [sflag:s22] =	dma.local [hbm:s5], s20  }
0x9e: {  	_ =	swait.ge [sflag:s22], s20  }
0x9f: {  	s4 =	ssub.s32 $0x0, s20;
	[sflag:s22] =	ssyncset.done $0x0  }
0xa0: {  	[sflag:s22] =	ssyncadd.s32 s4;
	_ =	sdelay $0x1  }
0xa1: {  	s23 =	simm.s32 $0x1B8B  }
0xa2: {  	_ =	swait.ge [sflag:s23], $0x1  }
0xa3: {  	[sflag:s23] =	ssyncset.done $0x0  }
0xa4: {  	s25 =	simm.s32 $0x1B8E;
	s24 =	sld [smem:$0x3FFE];
	[sflag:s23] =	ssyncadd.s32 $0xFFFFFFFF  }
0xa5: {  	s26 =	simm.s32 $execute0_lowered;
	[smem:$0x3FD2] =	sst s25  }
0xa6: {  	s5 =	sshll.u32 s26, $0x1;
	_ =	strace $0x80000046;
	[dreg:$0x1] =	wrdreg $0xFFFFFFFF  }
0xa7: {  	s28 =	simm.s32 $_size_execute0_lowered;
	s3 =	sadd.s32 s3, s5;
	[dreg:$0x0] =	wrdreg $0x0  }
0xa8: {  	s5 =	sshll.u32 s28, $0x1;
	[dreg:$0x2] =	wrdreg s3  }
0xa9: {  	[dreg:$0x3] =	wrdreg s5  }
0xaa: {  	[dreg:$0x4] =	wrdreg $0xC0  }
0xab: {  	_ =	task [dreg:s7], $0x5FFFF  }
0xac: {  	[dreg:$0x1] =	wrdreg $0xFFFFFFFF  }
0xad: {  	[dreg:$0x0] =	wrdreg $0x60  }
0xae: {  	[dreg:$0x2] =	wrdreg s2  }
0xaf: {  	[dreg:$0x3] =	wrdreg s24  }
0xb0: {  	[dreg:$0x4] =	wrdreg $0x2B000  }
0xb1: {  	[dreg:$0x5] =	wrdreg $0x9  }
0xb2: {  	_ =	task.clear_ibuf [dreg:s7], $0x6FFFF;
	_ =	strace $0x90000046  }
0xb3: {  	s29 =	simm.s32 $0x9;
	_ =	strace $0x80000048  }
0xb4: {  	_ =	swait.ge [sflag:s29], $0x1  }
0xb5: {  	[sflag:s29] =	ssyncadd.s32 $0xFFFFFFFF  }
0xb6: {  	_ =	strace $0x90000048  }
0xb7: {  	_ =	sfence  }
0xb8: {  	s30 =	sld [smem:$0x0];
	_ =	sdelay $0x2  }
0xb9: {  	s31 =	sshll.u32 s1, $0xD;
	s1 =	sshrl.u32 s1, $0x2  }
0xba: {  	s3 =	sand.u32 $0x4000, s31;
	s1 =	sadd.s32 s1, s30  }
0xbb: {  	s0 =	sor.u32 s3, s0;
	s1 =	sshll.u32 s1, $0x11  }
0xbc: {  	s0 =	sor.u32 s1, s0  }
0xbd: {  	s0 =	sadd.s32 $0x8F2B, s0  }
0xbe: {  	[sflag:s0] =	ssyncadd.remote.s32 $0x1  }
0xbf: {  	_ =	sfence.sel $0xFFFF  }
0xc0: {  	[dreg:$0x0] =	wrdreg $0xFFFFFFFF;
	(pc) =	sbr.abs _section_cstart, $3  }
0xc1: {  	[dreg:$0x1] =	wrdreg $0xFFFFFFFF  }
0xc2: {  	_ =	task.clear_ibuf [dreg:s7], $0x2FFFF;
	_ =	strace $0x9FFFFFFF  }
0xc3: {  	(tm) =	ssettm $0x7FFFFFFF  }
tec
execute0_lowered:
.L_overlay_start_1:
0x0: {  	(tag) =	ssettag $0x1  }
0x1: {  	s4 =	rddreg [dreg:$0x0]  }
0x2: {  	s5 =	rddreg [dreg:$0x1]  }
0x3: {  	s2 =	rddreg [dreg:$0x2];
	s3 =	srdreg.scid  }
0x4: {  	s1 =	stileid.u32;
	s0 =	rddreg [dreg:$0x3];
	s11 =	simm.s32 $0x2800  }
0x5: {  	s12 =	simm.s32 $0x1;
	s13 =	simm.s32 $0x2;
	s14 =	simm.s32 $0x3  }
0x6: {  	s15 =	simm.s32 $0x4;
	s6 =	sand.u32 $0x1, s3;
	s7 =	smul.u32 $0x280, s1  }
0x7: {  	s3 =	simm.s32 $0x0;
	s8 =	smul.u32 $0x2800, s6;
	s9 =	sshll.u32 s6, $0x4  }
0x8: {  	s16 =	simm.s32 $0x0;
	[smem:$0x7FF] =	sst s3;
	s9 =	sor.u32 s1, s9  }
0x9: {  	s6 =	ssub.s32 $0x2, s6;
	s8 =	sadd.s32 s7, s8;
	s9 =	smul.u32 $0x500, s9  }
0xa: {  	_ =	strace $0x80000047;
	s10 =	sshrl.u32 s6, $0x1;
	s8 =	sshrl.u32 s8, $0x3  }
0xb: {  	s10 =	ssub.s32 s6, s10;
	s8 =	sadd.s32 s8, s5;
	s4 =	sadd.s32 s4, s9  }
0xc: {  	s5 =	sadd.s32 s7, s2;
	s7 =	smax.u32 s10, $0x1;
	s9 =	simm.s32 $0x2880  }
0xd: {  	v0 =	vimm.f32 $1.000000000e+00;
	v1 =	vimm.f32 $0.0e+00;
	s10 =	simm.s32 $0x80;
	s6 =	sadd.s32 $0x2000, s8;
	s8 =	simm.s32 $0x5  }
.LBB2_1:
0xe: {  	[tilespmem:s3], [sflag:$0x5] =	stream.linear.gather [hbm4b:s4+s3], $0x2800, $0x38;
	[tilespmem:$0x2D80] =	vst v63  }
0xf: {  	_ =	swait.ge [sflag:s8], $0x2800  }
0x10: {  	[sflag:s8] =	ssyncset.done $0x0  }
0x11: {  	[sflag:s8] =	ssyncadd.s32 $0xFFFFD800  }
0x12: {  	[tilespmem:$0x2800] =	vst v0  }
0x13: {  	[tilespmem:$0x2810] =	vst v0  }
0x14: {  	[tilespmem:$0x2820] =	vst v0  }
0x15: {  	[tilespmem:$0x2830] =	vst v0  }
0x16: {  	[tilespmem:$0x2840] =	vst v0  }
0x17: {  	[tilespmem:$0x2850] =	vst v0  }
0x18: {  	[tilespmem:$0x2860] =	vst v0  }
0x19: {  	[tilespmem:$0x2870] =	vst v0  }
0x1a: {  	[tilespmem:$0x2880] =	vst v1  }
0x1b: {  	[tilespmem:$0x2890] =	vst v1  }
0x1c: {  	[tilespmem:$0x28A0] =	vst v1  }
0x1d: {  	[tilespmem:$0x28B0] =	vst v1  }
0x1e: {  	[tilespmem:$0x28C0] =	vst v1  }
0x1f: {  	[tilespmem:$0x28D0] =	vst v1  }
0x20: {  	[tilespmem:$0x28E0] =	vst v1  }
0x21: {  	[tilespmem:$0x28F0] =	vst v1  }
0x22: {  	[tilespmem:$0x2900] =	vst v1  }
0x23: {  	[tilespmem:$0x2910] =	vst v1  }
0x24: {  	[tilespmem:$0x2920] =	vst v1  }
0x25: {  	[tilespmem:$0x2930] =	vst v1  }
0x26: {  	[tilespmem:$0x2940] =	vst v1  }
0x27: {  	[tilespmem:$0x2950] =	vst v1  }
0x28: {  	[tilespmem:$0x2960] =	vst v1  }
0x29: {  	[tilespmem:$0x2970] =	vst v1  }
0x2a: {  	[tilespmem:$0x2980] =	vst v1  }
0x2b: {  	[tilespmem:$0x2990] =	vst v1  }
0x2c: {  	[tilespmem:$0x29A0] =	vst v1  }
0x2d: {  	[tilespmem:$0x29B0] =	vst v1  }
0x2e: {  	[tilespmem:$0x29C0] =	vst v1  }
0x2f: {  	[tilespmem:$0x29D0] =	vst v1  }
0x30: {  	[tilespmem:$0x29E0] =	vst v1  }
0x31: {  	[tilespmem:$0x29F0] =	vst v1  }
0x32: {  	[tilespmem:$0x2A00] =	vst v1  }
0x33: {  	[tilespmem:$0x2A10] =	vst v1  }
0x34: {  	[tilespmem:$0x2A20] =	vst v1  }
0x35: {  	[tilespmem:$0x2A30] =	vst v1  }
0x36: {  	[tilespmem:$0x2A40] =	vst v1  }
0x37: {  	[tilespmem:$0x2A50] =	vst v1  }
0x38: {  	[tilespmem:$0x2A60] =	vst v1  }
0x39: {  	[tilespmem:$0x2A70] =	vst v1  }
0x3a: {  	[tilespmem:$0x2A80] =	vst v1  }
0x3b: {  	[tilespmem:$0x2A90] =	vst v1  }
0x3c: {  	[tilespmem:$0x2AA0] =	vst v1  }
0x3d: {  	[tilespmem:$0x2AB0] =	vst v1  }
0x3e: {  	[tilespmem:$0x2AC0] =	vst v1  }
0x3f: {  	[tilespmem:$0x2AD0] =	vst v1  }
0x40: {  	[tilespmem:$0x2AE0] =	vst v1  }
0x41: {  	[tilespmem:$0x2AF0] =	vst v1  }
0x42: {  	[spmem:s5] =	stream.linear.scatter [tilespmem:s9], [sflag:$0x5], $0x280, $0x38;
	[tilespmem:$0x2D80] =	vst v63  }
0x43: {  	_ =	swait.ge [sflag:s8], $0x280  }
0x44: {  	[sflag:s8] =	ssyncset.done $0x0  }
0x45: {  	[sflag:s8] =	ssyncadd.s32 $0xFFFFFD80  }
0x46: {  	s17 =	simm.s32 $0x0;
	[bflag:$0x0] =	sbarrier.arrive $0xFFFF  }
0x47: {  	[spmem:s2] =	stream.indirect.scatter.add.f32 [tilespmem:s11], [sflag:$0x1], $0x1, s17, s10, $0xb8;
	[tilespmem:$0x2D80] =	vst v63  }
0x48: {  	s29 =	simm.s32 $0x80  }
0x49: {  	[spmem:s2] =	stream.indirect.scatter.add.f32 [tilespmem:s11], [sflag:$0x2], $0x1, s29, s10, $0xb8;
	[tilespmem:$0x2D80] =	vst v63  }
0x4a: {  	s30 =	simm.s32 $0x100  }
0x4b: {  	[spmem:s2] =	stream.indirect.scatter.add.f32 [tilespmem:s11], [sflag:$0x3], $0x1, s30, s10, $0xb8;
	[tilespmem:$0x2D80] =	vst v63  }
0x4c: {  	s31 =	simm.s32 $0x180  }
0x4d: {  	[spmem:s2] =	stream.indirect.scatter.add.f32 [tilespmem:s11], [sflag:$0x4], $0x1, s31, s10, $0xb8;
	[tilespmem:$0x2D80] =	vst v63  }
0x4e: {  	_ =	swait.ge [sflag:s12], $0x80  }
0x4f: {  	[sflag:s12] =	ssyncset.done $0x0  }
0x50: {  	[sflag:s12] =	ssyncadd.s32 $0xFFFFFF80  }
0x51: {  	_ =	swait.ge [sflag:s13], $0x80  }
0x52: {  	[sflag:s13] =	ssyncset.done $0x0  }
0x53: {  	[sflag:s13] =	ssyncadd.s32 $0xFFFFFF80  }
0x54: {  	_ =	swait.ge [sflag:s14], $0x80  }
0x55: {  	[sflag:s14] =	ssyncset.done $0x0  }
0x56: {  	[sflag:s14] =	ssyncadd.s32 $0xFFFFFF80  }
0x57: {  	_ =	swait.ge [sflag:s15], $0x80  }
0x58: {  	s18 =	simm.s32 $0x1000;
	s17 =	simm.s32 $0x800;
	[sflag:s15] =	ssyncset.done $0x0  }
.LBB2_2:
0x59: {  	s19 =	sshra.s32 s17, $0x2  }
0x5a: {  	[sflag:s15] =	ssyncadd.s32 $0xFFFFFF80;
	s17 =	smov.u32 s18;
	s20 =	sadd.s32 $0x800, s18  }
0x5b: {  	[spmem:s2] =	stream.indirect.scatter.add.f32 [tilespmem:s11], [sflag:$0x1], $0x1, s19, s10, $0xb8;
	[tilespmem:$0x2D80] =	vst v63  }
0x5c: {  	p0 =	sne.s32 s18, $0x9800;
	s18 =	sadd.s32 $0x80, s19  }
0x5d: {  	[spmem:s2] =	stream.indirect.scatter.add.f32 [tilespmem:s11], [sflag:$0x2], $0x1, s18, s10, $0xb8;
	[tilespmem:$0x2D80] =	vst v63  }
0x5e: {  	s18 =	sadd.s32 $0x100, s19  }
0x5f: {  	[spmem:s2] =	stream.indirect.scatter.add.f32 [tilespmem:s11], [sflag:$0x3], $0x1, s18, s10, $0xb8;
	[tilespmem:$0x2D80] =	vst v63  }
0x60: {  	s18 =	sadd.s32 $0x180, s19  }
0x61: {  	[spmem:s2] =	stream.indirect.scatter.add.f32 [tilespmem:s11], [sflag:$0x4], $0x1, s18, s10, $0xb8;
	[tilespmem:$0x2D80] =	vst v63  }
0x62: {  	_ =	swait.ge [sflag:s12], $0x80  }
0x63: {  	[sflag:s12] =	ssyncset.done $0x0  }
0x64: {  	[sflag:s12] =	ssyncadd.s32 $0xFFFFFF80  }
0x65: {  	_ =	swait.ge [sflag:s13], $0x80  }
0x66: {  	[sflag:s13] =	ssyncset.done $0x0  }
0x67: {  	[sflag:s13] =	ssyncadd.s32 $0xFFFFFF80  }
.Ltmp0:
0x68: {  	_ =	swait.ge [sflag:s14], $0x80;
	(pc) =	sbr.rel @p0 .LBB2_2-.Ltmp0, $4  }
0x69: {  	[sflag:s14] =	ssyncset.done $0x0  }
0x6a: {  	[sflag:s14] =	ssyncadd.s32 $0xFFFFFF80  }
0x6b: {  	_ =	swait.ge [sflag:s15], $0x80  }
0x6c: {  	s18 =	smov.u32 s20;
	[sflag:s15] =	ssyncset.done $0x0  }
0x6d: {  	s17 =	sshra.s32 s17, $0x2;
	[sflag:s15] =	ssyncadd.s32 $0xFFFFFF80  }
0x6e: {  	[spmem:s2] =	stream.indirect.scatter.add.f32 [tilespmem:s11], [sflag:$0x1], $0x1, s17, s10, $0xb8;
	[tilespmem:$0x2D80] =	vst v63  }
0x6f: {  	s18 =	sadd.s32 $0x80, s17  }
0x70: {  	[spmem:s2] =	stream.indirect.scatter.add.f32 [tilespmem:s11], [sflag:$0x2], $0x1, s18, s10, $0xb8;
	[tilespmem:$0x2D80] =	vst v63  }
0x71: {  	s31 =	sadd.s32 $0x100, s17  }
0x72: {  	[spmem:s2] =	stream.indirect.scatter.add.f32 [tilespmem:s11], [sflag:$0x3], $0x1, s31, s10, $0xb8;
	[tilespmem:$0x2D80] =	vst v63  }
0x73: {  	s17 =	sadd.s32 $0x180, s17  }
0x74: {  	[spmem:s2] =	stream.indirect.scatter.add.f32 [tilespmem:s11], [sflag:$0x4], $0x1, s17, s10, $0xb8;
	[tilespmem:$0x2D80] =	vst v63  }
0x75: {  	_ =	swait.ge [sflag:s12], $0x80  }
0x76: {  	[sflag:s12] =	ssyncset.done $0x0  }
0x77: {  	[sflag:s12] =	ssyncadd.s32 $0xFFFFFF80  }
0x78: {  	_ =	swait.ge [sflag:s13], $0x80  }
0x79: {  	[sflag:s13] =	ssyncset.done $0x0  }
0x7a: {  	[sflag:s13] =	ssyncadd.s32 $0xFFFFFF80  }
0x7b: {  	_ =	swait.ge [sflag:s14], $0x80  }
0x7c: {  	[sflag:s14] =	ssyncset.done $0x0  }
0x7d: {  	[sflag:s14] =	ssyncadd.s32 $0xFFFFFF80  }
0x7e: {  	_ =	swait.ge [sflag:s15], $0x80  }
0x7f: {  	[sflag:s15] =	ssyncset.done $0x0  }
0x80: {  	[sflag:s15] =	ssyncadd.s32 $0xFFFFFF80  }
0x81: {  	[bflag:$0x0] =	sbarrier.arrive $0xFFFF  }
0x82: {  	[tilespmem:s9], [sflag:$0x5] =	stream.linear.gather [spmem:s5], $0x280, $0x38;
	[tilespmem:$0x2D80] =	vst v63  }
0x83: {  	s16 =	sadd.s32 $0x1, s16;
	_ =	swait.ge [sflag:s8], $0x280  }
0x84: {  	p0 =	sne.s32 s16, s7;
	[sflag:s8] =	ssyncset.done $0x0  }
.Ltmp1:
0x85: {  	[sflag:s8] =	ssyncadd.s32 $0xFFFFFD80;
	(pc) =	sbr.rel @p0 .LBB2_1-.Ltmp1, $4  }
0x86: {  	[hbm4b:s6+s3] =	stream.linear.scatter [tilespmem:s9], [sflag:$0x5], $0x280, $0x38;
	[tilespmem:$0x2D80] =	vst v63  }
0x87: {  	_ =	swait.ge [sflag:s8], $0x280  }
0x88: {  	[sflag:s8] =	ssyncset.done $0x0  }
0x89: {  	[sflag:s8] =	ssyncadd.s32 $0xFFFFFD80  }
0x8a: {  	_ =	sfence.sel $0x180000  }
0x8b: {  	[bflag:$0x0] =	sbarrier.arrive $0xFFFF  }
0x8c: {  	p0 =	sne.s32 s1, $0x0;
	_ =	strace $0x90000047  }
0x8d: {  	s0 =	sadd.s32 @!p0 $0x100000, s0;
	[bflag:$0x2] =	sbarrier.arrive $0xFFFF  }
0x8e: {  	[sflag:s0] =	ssyncadd.tile.s32 @!p0 $0x1;
	_ =	shalt  }
.Lfunc_end2:
_tile_overlayer_lowered:
.L_overlay_start_2:
0x8f: {  	(tag) =	ssettag $0x2  }
0x90: {  	s0 =	rddreg [dreg:$0x0];
	s2 =	stileid.u32  }
0x91: {  	s1 =	rddreg [dreg:$0x1];
	p0 =	sne.s32 s2, $0x0  }
0x92: {  	s3 =	rddreg [dreg:$0x2];
	[bflag:$0x3] =	sbarrier.arrive $0xFFFF;
	s2 =	simm.s32 @!p0 $0x1C05  }
0x93: {  	[timem:s3], [sflag:s2] =	dma.local @!p0 [hbm:s0], s1  }
0x94: {  	s0 =	simm.s32 @!p0 $0x5  }
0x95: {  	_ =	swait.ge @!p0 [sflag:s0], s1  }
0x96: {  	s1 =	ssub.s32 @!p0 $0x0, s1;
	[sflag:s0] =	ssyncset.done @!p0 $0x0  }
0x97: {  	[sflag:s0] =	ssyncadd.s32 @!p0 s1  }
0x98: {  	[bflag:$0x3] =	sbarrier.arrive $0xFFFF  }
0x99: {  	_ =	shalt  }

</sc_bundles>
